<compile_context>
chip_gen: v7x
topology: tpu7x:2x2x1
jax: 0.10.2.dev20260603
libtpu: 0.0.44.dev20260713+nightly
codegen_flags: <defaults>
</compile_context>

<pallas_src>
import functools

import jax
import jax.numpy as jnp
from jax import lax
from jax.experimental import pallas as pl
from jax.experimental.pallas import tpu as pltpu
from jax.experimental.pallas import tpu_sc as plsc

N_NODES = 100000
N_EDGES = 3200000
D_NODE = 128
D_EDGE = 16
D_GLOBAL = 32

NC = 2
NS = 16
EDGES_PER_TILE = N_EDGES // NS
CHUNK = 800
N_CHUNKS = EDGES_PER_TILE // CHUNK
N_PAD = 100096
ROWS_PER_TILE = N_PAD // NS
ZROWS = 136
NZ = ROWS_PER_TILE // ZROWS


def _segment_sums(edge_a, edge_b, src_idx, dst_idx):
    mesh = plsc.VectorSubcoreMesh(core_axis_name="c", subcore_axis_name="s")

    @functools.partial(
        pl.kernel,
        mesh=mesh,
        out_type=jax.ShapeDtypeStruct((2, N_PAD, D_EDGE), jnp.float32),
        scratch_types=[
            pltpu.VMEM_SHARED((N_PAD, D_EDGE), jnp.float32),
            pltpu.VMEM((CHUNK, D_EDGE), jnp.float32),
            pltpu.VMEM((CHUNK, D_EDGE), jnp.float32),
            pltpu.VMEM((CHUNK,), jnp.int32),
            pltpu.VMEM((CHUNK,), jnp.int32),
            pltpu.VMEM((ZROWS, D_EDGE), jnp.float32),
            pltpu.SemaphoreType.DMA,
            pltpu.SemaphoreType.DMA,
        ],
        compiler_params=pltpu.CompilerParams(use_tc_tiling_on_sc=False),
    )
    def seg(ea_hbm, eb_hbm, src_hbm, dst_hbm, out_hbm, acc, ebuf0, ebuf1,
            ibuf0, ibuf1, zbuf, sem0, sem1):
        c = lax.axis_index("c")
        s = lax.axis_index("s")

        def zrow(i, carry):
            zbuf[i, :] = jnp.zeros((16,), jnp.float32)
            return carry

        lax.fori_loop(0, ZROWS, zrow, 0)
        row0 = s * ROWS_PER_TILE

        def zcopy(j, carry):
            pltpu.sync_copy(zbuf, acc.at[pl.ds(row0 + j * ZROWS, ZROWS), :])
            return carry

        lax.fori_loop(0, NZ, zcopy, 0)
        plsc.subcore_barrier()

        e_base = s * EDGES_PER_TILE
        ebufs = (ebuf0, ebuf1)
        ibufs = (ibuf0, ibuf1)
        sems = (sem0, sem1)

        def run_direction(idx_hbm, e_hbm, e_off):
            def start_load(k, slot):
                e0 = e_base + k * CHUNK
                pltpu.async_copy(e_hbm.at[pl.ds(e0 - e_off, CHUNK), :],
                                 ebufs[slot], sems[slot])
                pltpu.async_copy(idx_hbm.at[pl.ds(e0, CHUNK)], ibufs[slot],
                                 sems[slot])

            def wait_load(slot):
                pltpu.make_async_copy(e_hbm.at[pl.ds(0, CHUNK), :],
                                      ebufs[slot], sems[slot]).wait()
                pltpu.make_async_copy(idx_hbm.at[pl.ds(0, CHUNK)],
                                      ibufs[slot], sems[slot]).wait()

            start_load(0, 0)

            def pair_body(g, carry):
                base = g * 2
                for slot in (0, 1):
                    k = base + slot
                    wait_load(slot)
                    pltpu.sync_copy(ebufs[slot], acc.at[ibufs[slot]], add=True)
                    nxt = k + 2

                    @pl.when(nxt < N_CHUNKS)
                    def _():
                        start_load(nxt, slot)

                return carry

            start_load(1, 1)
            lax.fori_loop(0, N_CHUNKS // 2, pair_body, 0)

        half = jnp.where(s < TILES_A, 0, 1)
        for cc, idxr in ((0, dst_hbm), (1, src_hbm)):
            for hh, eref, off in ((0, ea_hbm, 0), (1, eb_hbm, N_A)):
                pl.when((c == cc) & (half == hh))(
                    lambda idxr=idxr, eref=eref, off=off: run_direction(
                        idxr, eref, off))
        plsc.subcore_barrier()

        pltpu.sync_copy(
            acc.at[pl.ds(row0, ROWS_PER_TILE), :],
            out_hbm.at[c, pl.ds(row0, ROWS_PER_TILE), :],
        )

    return seg(edge_a, edge_b, src_idx, dst_idx)


N_A = 1200000
N_B = N_EDGES - N_A
N_GROUPS = N_B // 128
GW_BASE = N_GROUPS // (NC * NS)
GW_EXTRA = N_GROUPS % (NC * NS)
G_OFF = N_A // 128
TILES_A = N_A // EDGES_PER_TILE


def _edge_rows_sc(edge_t):
    mesh = plsc.VectorSubcoreMesh(core_axis_name="c", subcore_axis_name="s")

    @functools.partial(
        pl.kernel,
        mesh=mesh,
        out_type=jax.ShapeDtypeStruct((N_B * D_EDGE,), jnp.float32),
        scratch_types=[
            pltpu.VMEM((D_EDGE, 128), jnp.float32),
            pltpu.VMEM((D_EDGE, 128), jnp.float32),
            pltpu.VMEM((128 * D_EDGE,), jnp.float32),
            pltpu.VMEM((128 * D_EDGE,), jnp.float32),
            pltpu.SemaphoreType.DMA,
            pltpu.SemaphoreType.DMA,
            pltpu.SemaphoreType.DMA,
            pltpu.SemaphoreType.DMA,
        ],
        compiler_params=pltpu.CompilerParams(needs_layout_passes=False),
    )
    def tr(et_hbm, out_hbm, slab0, slab1, pk0, pk1, si0, si1, so0, so1):
        c = lax.axis_index("c")
        s = lax.axis_index("s")
        w = s * NC + c
        g0 = w * GW_BASE + jnp.minimum(w, GW_EXTRA)
        trip = GW_BASE + jnp.where(w < GW_EXTRA, 1, 0)

        slabs = (slab0, slab1)
        pks = (pk0, pk1)
        sin = (si0, si1)
        sout = (so0, so1)
        ibase = lax.iota(jnp.int32, 16) * D_EDGE

        def start_load(k, slot):
            pltpu.async_copy(et_hbm.at[:, pl.ds((G_OFF + g0 + k) * 128, 128)],
                             slabs[slot], sin[slot])

        def wait_load(slot):
            pltpu.make_async_copy(et_hbm.at[:, pl.ds(0, 128)], slabs[slot],
                                  sin[slot]).wait()

        def pack(slot):
            slab = slabs[slot]
            pk = pks[slot]
            for j in range(D_EDGE):
                for m in range(8):
                    vals = slab[j, pl.ds(16 * m, 16)]
                    plsc.store_scatter(pk, [ibase + (256 * m + j)], vals)

        def start_store(k, slot):
            pltpu.async_copy(pks[slot], out_hbm.at[pl.ds((g0 + k) * 2048, 2048)],
                             sout[slot])

        def wait_store(slot):
            pltpu.make_async_copy(pks[slot], out_hbm.at[pl.ds(0, 2048)],
                                  sout[slot]).wait()

        start_load(0, 0)

        @pl.when(trip > 1)
        def _():
            start_load(1, 1)

        def body(k, carry):
            slot = lax.rem(k, 2)
            for sl in (0, 1):
                @pl.when(slot == sl)
                def _():
                    wait_load(sl)

                    @pl.when(k >= 2)
                    def _():
                        wait_store(sl)

                    pack(sl)
                    start_store(k, sl)

                    @pl.when(k + 2 < trip)
                    def _():
                        start_load(k + 2, sl)

            return carry

        lax.fori_loop(0, trip, body, 0)

        for sl in (0, 1):
            @pl.when(lax.rem(trip - 1, 2) == sl)
            def _():
                wait_store(sl)

            @pl.when(lax.rem(trip - 2, 2) == sl)
            def _():
                wait_store(sl)

    return tr(edge_t)


TBK = 9600


def _edge_rows_tc(edge_t):

    def tr(x_ref, o_ref):
        x = x_ref[...]
        y = jnp.swapaxes(x, 0, 1)
        y3 = y.reshape(TBK // 8, 8, 16)
        o_ref[...] = jnp.concatenate([y3[:, n, :] for n in range(8)], axis=1)

    return pl.pallas_call(
        tr,
        grid=(N_A // TBK,),
        in_specs=[pl.BlockSpec((D_EDGE, TBK), lambda i: (0, i))],
        out_specs=pl.BlockSpec((TBK // 8, 128), lambda i: (i, 0)),
        out_shape=jax.ShapeDtypeStruct((N_A // 8, 128), jnp.float32),
    )(edge_t)


def _node_update(seg, node_attributes, g_row, W_rec, W_sen, W_node, W_g, b_row):
    B = 4000
    grid = (N_NODES // B,)

    def mm(rec_ref, sen_ref, node_ref, g_ref, wr_ref, ws_ref, wn_ref, wg_ref,
           b_ref, out_ref):
        const = (
            jnp.dot(g_ref[...], wg_ref[...], preferred_element_type=jnp.float32)
            + b_ref[...]
        )
        out_ref[...] = (
            jnp.dot(node_ref[...], wn_ref[...], preferred_element_type=jnp.float32)
            + jnp.dot(rec_ref[0], wr_ref[...], preferred_element_type=jnp.float32)
            + jnp.dot(sen_ref[0], ws_ref[...], preferred_element_type=jnp.float32)
            + const
        )

    return pl.pallas_call(
        mm,
        grid=grid,
        in_specs=[
            pl.BlockSpec((1, B, D_EDGE), lambda i: (0, i, 0)),
            pl.BlockSpec((1, B, D_EDGE), lambda i: (1, i, 0)),
            pl.BlockSpec((B, D_NODE), lambda i: (i, 0)),
            pl.BlockSpec((1, D_GLOBAL), lambda i: (0, 0)),
            pl.BlockSpec((D_EDGE, D_NODE), lambda i: (0, 0)),
            pl.BlockSpec((D_EDGE, D_NODE), lambda i: (0, 0)),
            pl.BlockSpec((D_NODE, D_NODE), lambda i: (0, 0)),
            pl.BlockSpec((D_GLOBAL, D_NODE), lambda i: (0, 0)),
            pl.BlockSpec((1, D_NODE), lambda i: (0, 0)),
        ],
        out_specs=pl.BlockSpec((B, D_NODE), lambda i: (i, 0)),
        out_shape=jax.ShapeDtypeStruct((N_NODES, D_NODE), jnp.float32),
    )(seg, seg, node_attributes, g_row, W_rec, W_sen, W_node, W_g, b_row)


def kernel(node_attributes, edge_attributes, global_attributes, edge_index, W, b):
    src_idx = edge_index[0]
    dst_idx = edge_index[1]
    et = edge_attributes.T
    edge_a = _edge_rows_tc(et).reshape(N_A, D_EDGE)
    edge_b = _edge_rows_sc(et).reshape(N_B, D_EDGE)
    seg = _segment_sums(edge_a, edge_b, src_idx, dst_idx)
    W_rec = W[:D_EDGE]
    W_sen = W[D_EDGE : 2 * D_EDGE]
    W_node = W[2 * D_EDGE : 2 * D_EDGE + D_NODE]
    W_g = W[2 * D_EDGE + D_NODE :]
    g_row = global_attributes[None, :]
    b_row = b[None, :]
    return _node_update(seg, node_attributes, g_row, W_rec, W_sen, W_node, W_g, b_row)

# --- scband reference (transcript-rebuilt; emitter-appended) ---
"""Pipeline reference for scband-node-block-24807731101812 (READ-ONLY COPY).

The authoritative reference and input builder live on the scoring server;
editing this copy changes nothing except your own understanding.
"""

import jax, jax.numpy as jnp
import numpy as np

N_NODES = 100000
N_EDGES = 3200000
D_NODE = 128
D_EDGE = 16
D_GLOBAL = 32


def setup_inputs(seed: int = 0) -> dict:
    key = jax.random.key(seed)
    k1, k2, k3, k4, k5 = jax.random.split(key, 5)
    node_attributes = jax.random.normal(k1, (N_NODES, D_NODE), dtype=jnp.float32)
    edge_attributes = jax.random.normal(k2, (N_EDGES, D_EDGE), dtype=jnp.float32)
    global_attributes = jax.random.normal(k3, (D_GLOBAL,), dtype=jnp.float32)
    edge_index = jax.random.randint(k4, (2, N_EDGES), 0, N_NODES, dtype=jnp.int32)
    # learned params for the node_attribute_update_function (a linear layer over
    # concat([rec_edge_aggr, send_edge_aggr, node_attr, global_attr]))
    d_in = 2 * D_EDGE + D_NODE + D_GLOBAL
    W = jax.random.normal(k5, (d_in, D_NODE), dtype=jnp.float32) * (1.0 / np.sqrt(d_in))
    b = jnp.zeros((D_NODE,), dtype=jnp.float32)
    return {
        "node_attributes": node_attributes,
        "edge_attributes": edge_attributes,
        "global_attributes": global_attributes,
        "edge_index": edge_index,
        "W": W,
        "b": b,
    }


def reference(node_attributes, edge_attributes, global_attributes, edge_index, W, b):
    # NodeBlock.forward: per-node aggregate incoming edge attrs, outgoing edge
    # attrs, then call node_attribute_update_function with node + global attrs.
    src = edge_index[0]
    dst = edge_index[1]
    num_nodes = node_attributes.shape[0]
    # receiving_edge_aggregator: sum of edge attrs whose edge points INTO node
    rec_edge_attrs = jax.ops.segment_sum(edge_attributes, dst, num_segments=num_nodes)
    # sending_edge_aggregator: sum of edge attrs whose edge leaves node
    sen_edge_attrs = jax.ops.segment_sum(edge_attributes, src, num_segments=num_nodes)
    g = jnp.broadcast_to(global_attributes[None, :], (num_nodes, global_attributes.shape[0]))
    feats = jnp.concatenate([rec_edge_attrs, sen_edge_attrs, node_attributes, g], axis=1)
    new_node_attributes = feats @ W + b
    return new_node_attributes

if __name__ == "__main__":
    import jax
    _d = setup_inputs()
    print(jax.jit(kernel)(*tuple(_d.values())))

</pallas_src>

<mosaic_0001>
#map = affine_map<(d0, d1) -> (0, 0)>
#map1 = affine_map<(d0, d1) -> (0)>
#map2 = affine_map<(d0, d1) -> (0, 0, 0)>
module attributes {stable_mosaic.version = 14 : i64} {
  func.func @seg(%arg0: i32, %arg1: i32, %arg2: memref<1200000x16xf32, #tpu.memory_space<hbm>>, %arg3: memref<2000000x16xf32, #tpu.memory_space<hbm>>, %arg4: memref<3200000xi32, #tpu.memory_space<hbm>>, %arg5: memref<3200000xi32, #tpu.memory_space<hbm>>, %arg6: memref<2x100096x16xf32, #tpu.memory_space<hbm>>, %arg7: memref<100096x16xf32, #tpu.memory_space<vmem_shared>>, %arg8: memref<800x16xf32, #tpu.memory_space<vmem>>, %arg9: memref<800x16xf32, #tpu.memory_space<vmem>>, %arg10: memref<800xi32, #tpu.memory_space<vmem>>, %arg11: memref<800xi32, #tpu.memory_space<vmem>>, %arg12: memref<136x16xf32, #tpu.memory_space<vmem>>, %arg13: memref<!tpu.dma_semaphore, #tpu.memory_space<semaphore_mem>>, %arg14: memref<!tpu.dma_semaphore, #tpu.memory_space<semaphore_mem>>) attributes {dimension_semantics = [#tpu.dimension_semantics<core_parallel>, #tpu.dimension_semantics<subcore_parallel>], iteration_bounds = array<i64: 2, 16>, scalar_prefetch = 0 : i64, scratch_operands = 8 : i64, tpu.core_type = #tpu.core_type<sc_vector_subcore>, window_params = [{transform_indices = #map}, {transform_indices = #map}, {transform_indices = #map1}, {transform_indices = #map1}, {transform_indices = #map2}]} {
    %scan3A = arith.constant 0 : i32
    %scan3A_0 = arith.constant 0 : i32
    %scan3A_1 = arith.constant 136 : i32
    %scan3A_2 = arith.addi %scan3A_0, %scan3A_1 : i32
    %scan3A_3 = arith.constant 1 : i32
    scf.for %scan3A_45 = %scan3A_0 to %scan3A_2 step %scan3A_3  : i32 {
      %broadcast_in_dim3A = arith.constant 0.000000e+00 : f32
      %broadcast_in_dim3A_46 = vector.broadcast %broadcast_in_dim3A : f32 to vector<16xf32>
      %swap3A = arith.index_cast %scan3A_45 : i32 to index
      %swap3A_47 = arith.constant 0 : index
      %swap3A_48 = tpu.vector_load %arg12[%swap3A, %swap3A_47] {strides = array<i32>} : memref<136x16xf32, #tpu.memory_space<vmem>>, vector<1x16xf32>,
      %swap3A_49 = vector.shape_cast %swap3A_48 : vector<1x16xf32> to vector<16xf32>
      %swap3A_50 = vector.shape_cast %broadcast_in_dim3A_46 : vector<16xf32> to vector<1x16xf32>
      tpu.vector_store %arg12[%swap3A, %swap3A_47], %swap3A_50 {strides = array<i32>} : memref<136x16xf32, #tpu.memory_space<vmem>>, vector<1x16xf32>,
    }
    %scan3A_4 = arith.constant 136 : i32
    %mul3A = arith.constant 6256 : i32
    %mul3A_5 = arith.muli %arg1, %mul3A : i32
    %scan3A_6 = arith.constant 0 : i32
    %scan3A_7 = arith.constant 0 : i32
    %scan3A_8 = arith.constant 46 : i32
    %scan3A_9 = arith.addi %scan3A_7, %scan3A_8 : i32
    %scan3A_10 = arith.constant 1 : i32
    scf.for %scan3A_45 = %scan3A_7 to %scan3A_9 step %scan3A_10  : i32 {
      %mul3A_46 = arith.constant 136 : i32
      %mul3A_47 = arith.muli %scan3A_45, %mul3A_46 : i32
      %add3A = arith.addi %mul3A_5, %mul3A_47 : i32
      "tpu.region"() ({
        %run_scoped3A = tpu.sem_alloc : memref<!tpu.dma_semaphore, #tpu.memory_space<semaphore_mem>>
        %dma_start3A = arith.constant 0 : i32
        %dma_start3A_48 = tpu.memref_slice %arg7[%add3A, %dma_start3A] : memref<100096x16xf32, #tpu.memory_space<vmem_shared>> -> memref<136x16xf32, #tpu.memory_space<vmem_shared>>
        %dma_start3A_49 = arith.constant 0 : i32
        %dma_start3A_50 = tpu.memref_slice %arg7[%add3A, %dma_start3A_49] : memref<100096x16xf32, #tpu.memory_space<vmem_shared>> -> memref<136x16xf32, #tpu.memory_space<vmem_shared>>
        tpu.enqueue_dma source(%arg12 : memref<136x16xf32, #tpu.memory_space<vmem>>) target(%dma_start3A_50 : memref<136x16xf32, #tpu.memory_space<vmem_shared>>) target_semaphore(%run_scoped3A : memref<!tpu.dma_semaphore, #tpu.memory_space<semaphore_mem>>)
        %dma_wait3A = arith.constant 0 : i32
        %dma_wait3A_51 = tpu.memref_slice %arg7[%add3A, %dma_wait3A] : memref<100096x16xf32, #tpu.memory_space<vmem_shared>> -> memref<136x16xf32, #tpu.memory_space<vmem_shared>>
        %dma_wait3A_52 = arith.constant 0 : i32
        %dma_wait3A_53 = tpu.memref_slice %arg7[%add3A, %dma_wait3A_52] : memref<100096x16xf32, #tpu.memory_space<vmem_shared>> -> memref<136x16xf32, #tpu.memory_space<vmem_shared>>
        tpu.wait_dma2 semaphore(%run_scoped3A : memref<!tpu.dma_semaphore, #tpu.memory_space<semaphore_mem>>) src(%arg12 : memref<136x16xf32, #tpu.memory_space<vmem>>) dst(%dma_wait3A_53 : memref<136x16xf32, #tpu.memory_space<vmem_shared>>)
        tpu.yield
      }) : () -> ()
    }
    %scan3A_11 = arith.constant 46 : i32
    %barrier3A = arith.constant 0 : index
    tpu.barrier barrier_id(%barrier3A)
    %mul3A_12 = arith.constant 200000 : i32
    %mul3A_13 = arith.muli %arg1, %mul3A_12 : i32
    %lt3A = arith.constant 6 : i32
    %lt3A_14 = arith.cmpi slt, %arg1, %lt3A : i32
    %jit3A = arith.constant 0 : i32
    %jit3A_15 = arith.constant 1 : i32
    %select_n3A = arith.select %lt3A_14, %jit3A, %jit3A_15 : i32
    %eq3A = arith.constant 0 : i32
    %eq3A_16 = arith.cmpi eq, %arg0, %eq3A : i32
    %eq3A_17 = arith.constant 0 : i32
    %eq3A_18 = arith.cmpi eq, %select_n3A, %eq3A_17 : i32
    %and3A = arith.andi %eq3A_16, %eq3A_18 : i1
    %convert_element_type3A = arith.extui %and3A : i1 to i32
    %cond3A = arith.constant 0 : i32
    %cond3A_19 = arith.cmpi ne, %convert_element_type3A, %cond3A : i32
    scf.if %cond3A_19 {
      %add3A = arith.constant 0 : i32
      %add3A_45 = arith.addi %mul3A_13, %add3A : i32
      %sub3A = arith.constant 0 : i32
      %sub3A_46 = arith.subi %add3A_45, %sub3A : i32
      %dma_start3A = arith.constant 0 : i32
      %dma_start3A_47 = tpu.memref_slice %arg2[%sub3A_46, %dma_start3A] : memref<1200000x16xf32, #tpu.memory_space<hbm>> -> memref<800x16xf32, #tpu.memory_space<hbm>>
      %dma_start3A_48 = arith.constant 0 : i32
      %dma_start3A_49 = tpu.memref_slice %arg2[%sub3A_46, %dma_start3A_48] : memref<1200000x16xf32, #tpu.memory_space<hbm>> -> memref<800x16xf32, #tpu.memory_space<hbm>>
      tpu.enqueue_dma source(%dma_start3A_49 : memref<800x16xf32, #tpu.memory_space<hbm>>) target(%arg8 : memref<800x16xf32, #tpu.memory_space<vmem>>) target_semaphore(%arg13 : memref<!tpu.dma_semaphore, #tpu.memory_space<semaphore_mem>>)
      %dma_start3A_50 = tpu.memref_slice %arg5[%add3A_45] : memref<3200000xi32, #tpu.memory_space<hbm>> -> memref<800xi32, #tpu.memory_space<hbm>>
      %dma_start3A_51 = tpu.memref_slice %arg5[%add3A_45] : memref<3200000xi32, #tpu.memory_space<hbm>> -> memref<800xi32, #tpu.memory_space<hbm>>
      tpu.enqueue_dma source(%dma_start3A_51 : memref<800xi32, #tpu.memory_space<hbm>>) target(%arg10 : memref<800xi32, #tpu.memory_space<vmem>>) target_semaphore(%arg13 : memref<!tpu.dma_semaphore, #tpu.memory_space<semaphore_mem>>)
      %add3A_52 = arith.constant 800 : i32
      %add3A_53 = arith.addi %mul3A_13, %add3A_52 : i32
      %sub3A_54 = arith.constant 0 : i32
      %sub3A_55 = arith.subi %add3A_53, %sub3A_54 : i32
      %dma_start3A_56 = arith.constant 0 : i32
      %dma_start3A_57 = tpu.memref_slice %arg2[%sub3A_55, %dma_start3A_56] : memref<1200000x16xf32, #tpu.memory_space<hbm>> -> memref<800x16xf32, #tpu.memory_space<hbm>>
      %dma_start3A_58 = arith.constant 0 : i32
      %dma_start3A_59 = tpu.memref_slice %arg2[%sub3A_55, %dma_start3A_58] : memref<1200000x16xf32, #tpu.memory_space<hbm>> -> memref<800x16xf32, #tpu.memory_space<hbm>>
      tpu.enqueue_dma source(%dma_start3A_59 : memref<800x16xf32, #tpu.memory_space<hbm>>) target(%arg9 : memref<800x16xf32, #tpu.memory_space<vmem>>) target_semaphore(%arg14 : memref<!tpu.dma_semaphore, #tpu.memory_space<semaphore_mem>>)
      %dma_start3A_60 = tpu.memref_slice %arg5[%add3A_53] : memref<3200000xi32, #tpu.memory_space<hbm>> -> memref<800xi32, #tpu.memory_space<hbm>>
      %dma_start3A_61 = tpu.memref_slice %arg5[%add3A_53] : memref<3200000xi32, #tpu.memory_space<hbm>> -> memref<800xi32, #tpu.memory_space<hbm>>
      tpu.enqueue_dma source(%dma_start3A_61 : memref<800xi32, #tpu.memory_space<hbm>>) target(%arg11 : memref<800xi32, #tpu.memory_space<vmem>>) target_semaphore(%arg14 : memref<!tpu.dma_semaphore, #tpu.memory_space<semaphore_mem>>)
      %scan3A_62 = arith.constant 0 : i32
      %scan3A_63 = arith.constant 0 : i32
      %scan3A_64 = arith.constant 125 : i32
      %scan3A_65 = arith.addi %scan3A_63, %scan3A_64 : i32
      %scan3A_66 = arith.constant 1 : i32
      scf.for %scan3A_68 = %scan3A_63 to %scan3A_65 step %scan3A_66  : i32 {
        %mul3A_69 = arith.constant 2 : i32
        %mul3A_70 = arith.muli %scan3A_68, %mul3A_69 : i32
        %add3A_71 = arith.constant 0 : i32
        %add3A_72 = arith.addi %mul3A_70, %add3A_71 : i32
        %dma_wait3A = arith.constant 0 : i32
        %dma_wait3A_73 = arith.constant 0 : i32
        %dma_wait3A_74 = tpu.memref_slice %arg2[%dma_wait3A, %dma_wait3A_73] : memref<1200000x16xf32, #tpu.memory_space<hbm>> -> memref<800x16xf32, #tpu.memory_space<hbm>>
        %dma_wait3A_75 = arith.constant 0 : i32
        %dma_wait3A_76 = arith.constant 0 : i32
        %dma_wait3A_77 = tpu.memref_slice %arg2[%dma_wait3A_75, %dma_wait3A_76] : memref<1200000x16xf32, #tpu.memory_space<hbm>> -> memref<800x16xf32, #tpu.memory_space<hbm>>
        tpu.wait_dma2 semaphore(%arg13 : memref<!tpu.dma_semaphore, #tpu.memory_space<semaphore_mem>>) src(%dma_wait3A_77 : memref<800x16xf32, #tpu.memory_space<hbm>>) dst(%arg8 : memref<800x16xf32, #tpu.memory_space<vmem>>)
        %dma_wait3A_78 = arith.constant 0 : i32
        %dma_wait3A_79 = tpu.memref_slice %arg5[%dma_wait3A_78] : memref<3200000xi32, #tpu.memory_space<hbm>> -> memref<800xi32, #tpu.memory_space<hbm>>
        %dma_wait3A_80 = arith.constant 0 : i32
        %dma_wait3A_81 = tpu.memref_slice %arg5[%dma_wait3A_80] : memref<3200000xi32, #tpu.memory_space<hbm>> -> memref<800xi32, #tpu.memory_space<hbm>>
        tpu.wait_dma2 semaphore(%arg13 : memref<!tpu.dma_semaphore, #tpu.memory_space<semaphore_mem>>) src(%dma_wait3A_81 : memref<800xi32, #tpu.memory_space<hbm>>) dst(%arg10 : memref<800xi32, #tpu.memory_space<vmem>>)
        "tpu.region"() ({
          %run_scoped3A = tpu.sem_alloc : memref<!tpu.dma_semaphore, #tpu.memory_space<semaphore_mem>>
          %dma_start3A_108 = arith.constant 0 : i32
          %dma_start3A_109 = arith.constant 0 : i32
          %dma_start3A_110 = tpu.memref_slice %arg7[%dma_start3A_108, %dma_start3A_109] : memref<100096x16xf32, #tpu.memory_space<vmem_shared>> -> memref<100096x16xf32, #tpu.memory_space<vmem_shared>>
          tpu.enqueue_indirect_dma source(%arg8 : memref<800x16xf32, #tpu.memory_space<vmem>>) target(%dma_start3A_110 : memref<100096x16xf32, #tpu.memory_space<vmem_shared>>) offsets(%arg10 : memref<800xi32, #tpu.memory_space<vmem>>) semaphore(%run_scoped3A : memref<!tpu.dma_semaphore, #tpu.memory_space<semaphore_mem>>) {add = true}
          %dma_wait3A_111 = arith.constant 0 : i32
          %dma_wait3A_112 = arith.constant 0 : i32
          %dma_wait3A_113 = tpu.memref_slice %arg7[%dma_wait3A_111, %dma_wait3A_112] : memref<100096x16xf32, #tpu.memory_space<vmem_shared>> -> memref<100096x16xf32, #tpu.memory_space<vmem_shared>>
          tpu.wait_indirect_dma semaphore(%run_scoped3A : memref<!tpu.dma_semaphore, #tpu.memory_space<semaphore_mem>>) src(%arg8 : memref<800x16xf32, #tpu.memory_space<vmem>>) dst(%dma_wait3A_113 : memref<100096x16xf32, #tpu.memory_space<vmem_shared>>)
          tpu.yield
        }) : () -> ()
        %add3A_82 = arith.constant 2 : i32
        %add3A_83 = arith.addi %add3A_72, %add3A_82 : i32
        %lt3A_84 = arith.constant 250 : i32
        %lt3A_85 = arith.cmpi slt, %add3A_83, %lt3A_84 : i32
        %convert_element_type3A_86 = arith.extui %lt3A_85 : i1 to i32
        %cond3A_87 = arith.constant 0 : i32
        %cond3A_88 = arith.cmpi ne, %convert_element_type3A_86, %cond3A_87 : i32
        scf.if %cond3A_88 {
          %mul3A_108 = arith.constant 800 : i32
          %mul3A_109 = arith.muli %add3A_83, %mul3A_108 : i32
          %add3A_110 = arith.addi %mul3A_13, %mul3A_109 : i32
          %sub3A_111 = arith.constant 0 : i32
          %sub3A_112 = arith.subi %add3A_110, %sub3A_111 : i32
          %dma_start3A_113 = arith.constant 0 : i32
          %dma_start3A_114 = tpu.memref_slice %arg2[%sub3A_112, %dma_start3A_113] : memref<1200000x16xf32, #tpu.memory_space<hbm>> -> memref<800x16xf32, #tpu.memory_space<hbm>>
          %dma_start3A_115 = arith.constant 0 : i32
          %dma_start3A_116 = tpu.memref_slice %arg2[%sub3A_112, %dma_start3A_115] : memref<1200000x16xf32, #tpu.memory_space<hbm>> -> memref<800x16xf32, #tpu.memory_space<hbm>>
          tpu.enqueue_dma source(%dma_start3A_116 : memref<800x16xf32, #tpu.memory_space<hbm>>) target(%arg8 : memref<800x16xf32, #tpu.memory_space<vmem>>) target_semaphore(%arg13 : memref<!tpu.dma_semaphore, #tpu.memory_space<semaphore_mem>>)
          %dma_start3A_117 = tpu.memref_slice %arg5[%add3A_110] : memref<3200000xi32, #tpu.memory_space<hbm>> -> memref<800xi32, #tpu.memory_space<hbm>>
          %dma_start3A_118 = tpu.memref_slice %arg5[%add3A_110] : memref<3200000xi32, #tpu.memory_space<hbm>> -> memref<800xi32, #tpu.memory_space<hbm>>
          tpu.enqueue_dma source(%dma_start3A_118 : memref<800xi32, #tpu.memory_space<hbm>>) target(%arg10 : memref<800xi32, #tpu.memory_space<vmem>>) target_semaphore(%arg13 : memref<!tpu.dma_semaphore, #tpu.memory_space<semaphore_mem>>)
        } else {
        }
        %add3A_89 = arith.constant 1 : i32
        %add3A_90 = arith.addi %mul3A_70, %add3A_89 : i32
        %dma_wait3A_91 = arith.constant 0 : i32
        %dma_wait3A_92 = arith.constant 0 : i32
        %dma_wait3A_93 = tpu.memref_slice %arg2[%dma_wait3A_91, %dma_wait3A_92] : memref<1200000x16xf32, #tpu.memory_space<hbm>> -> memref<800x16xf32, #tpu.memory_space<hbm>>
        %dma_wait3A_94 = arith.constant 0 : i32
        %dma_wait3A_95 = arith.constant 0 : i32
        %dma_wait3A_96 = tpu.memref_slice %arg2[%dma_wait3A_94, %dma_wait3A_95] : memref<1200000x16xf32, #tpu.memory_space<hbm>> -> memref<800x16xf32, #tpu.memory_space<hbm>>
        tpu.wait_dma2 semaphore(%arg14 : memref<!tpu.dma_semaphore, #tpu.memory_space<semaphore_mem>>) src(%dma_wait3A_96 : memref<800x16xf32, #tpu.memory_space<hbm>>) dst(%arg9 : memref<800x16xf32, #tpu.memory_space<vmem>>)
        %dma_wait3A_97 = arith.constant 0 : i32
        %dma_wait3A_98 = tpu.memref_slice %arg5[%dma_wait3A_97] : memref<3200000xi32, #tpu.memory_space<hbm>> -> memref<800xi32, #tpu.memory_space<hbm>>
        %dma_wait3A_99 = arith.constant 0 : i32
        %dma_wait3A_100 = tpu.memref_slice %arg5[%dma_wait3A_99] : memref<3200000xi32, #tpu.memory_space<hbm>> -> memref<800xi32, #tpu.memory_space<hbm>>
        tpu.wait_dma2 semaphore(%arg14 : memref<!tpu.dma_semaphore, #tpu.memory_space<semaphore_mem>>) src(%dma_wait3A_100 : memref<800xi32, #tpu.memory_space<hbm>>) dst(%arg11 : memref<800xi32, #tpu.memory_space<vmem>>)
        "tpu.region"() ({
          %run_scoped3A = tpu.sem_alloc : memref<!tpu.dma_semaphore, #tpu.memory_space<semaphore_mem>>
          %dma_start3A_108 = arith.constant 0 : i32
          %dma_start3A_109 = arith.constant 0 : i32
          %dma_start3A_110 = tpu.memref_slice %arg7[%dma_start3A_108, %dma_start3A_109] : memref<100096x16xf32, #tpu.memory_space<vmem_shared>> -> memref<100096x16xf32, #tpu.memory_space<vmem_shared>>
          tpu.enqueue_indirect_dma source(%arg9 : memref<800x16xf32, #tpu.memory_space<vmem>>) target(%dma_start3A_110 : memref<100096x16xf32, #tpu.memory_space<vmem_shared>>) offsets(%arg11 : memref<800xi32, #tpu.memory_space<vmem>>) semaphore(%run_scoped3A : memref<!tpu.dma_semaphore, #tpu.memory_space<semaphore_mem>>) {add = true}
          %dma_wait3A_111 = arith.constant 0 : i32
          %dma_wait3A_112 = arith.constant 0 : i32
          %dma_wait3A_113 = tpu.memref_slice %arg7[%dma_wait3A_111, %dma_wait3A_112] : memref<100096x16xf32, #tpu.memory_space<vmem_shared>> -> memref<100096x16xf32, #tpu.memory_space<vmem_shared>>
          tpu.wait_indirect_dma semaphore(%run_scoped3A : memref<!tpu.dma_semaphore, #tpu.memory_space<semaphore_mem>>) src(%arg9 : memref<800x16xf32, #tpu.memory_space<vmem>>) dst(%dma_wait3A_113 : memref<100096x16xf32, #tpu.memory_space<vmem_shared>>)
          tpu.yield
        }) : () -> ()
        %add3A_101 = arith.constant 2 : i32
        %add3A_102 = arith.addi %add3A_90, %add3A_101 : i32
        %lt3A_103 = arith.constant 250 : i32
        %lt3A_104 = arith.cmpi slt, %add3A_102, %lt3A_103 : i32
        %convert_element_type3A_105 = arith.extui %lt3A_104 : i1 to i32
        %cond3A_106 = arith.constant 0 : i32
        %cond3A_107 = arith.cmpi ne, %convert_element_type3A_105, %cond3A_106 : i32
        scf.if %cond3A_107 {
          %mul3A_108 = arith.constant 800 : i32
          %mul3A_109 = arith.muli %add3A_102, %mul3A_108 : i32
          %add3A_110 = arith.addi %mul3A_13, %mul3A_109 : i32
          %sub3A_111 = arith.constant 0 : i32
          %sub3A_112 = arith.subi %add3A_110, %sub3A_111 : i32
          %dma_start3A_113 = arith.constant 0 : i32
          %dma_start3A_114 = tpu.memref_slice %arg2[%sub3A_112, %dma_start3A_113] : memref<1200000x16xf32, #tpu.memory_space<hbm>> -> memref<800x16xf32, #tpu.memory_space<hbm>>
          %dma_start3A_115 = arith.constant 0 : i32
          %dma_start3A_116 = tpu.memref_slice %arg2[%sub3A_112, %dma_start3A_115] : memref<1200000x16xf32, #tpu.memory_space<hbm>> -> memref<800x16xf32, #tpu.memory_space<hbm>>
          tpu.enqueue_dma source(%dma_start3A_116 : memref<800x16xf32, #tpu.memory_space<hbm>>) target(%arg9 : memref<800x16xf32, #tpu.memory_space<vmem>>) target_semaphore(%arg14 : memref<!tpu.dma_semaphore, #tpu.memory_space<semaphore_mem>>)
          %dma_start3A_117 = tpu.memref_slice %arg5[%add3A_110] : memref<3200000xi32, #tpu.memory_space<hbm>> -> memref<800xi32, #tpu.memory_space<hbm>>
          %dma_start3A_118 = tpu.memref_slice %arg5[%add3A_110] : memref<3200000xi32, #tpu.memory_space<hbm>> -> memref<800xi32, #tpu.memory_space<hbm>>
          tpu.enqueue_dma source(%dma_start3A_118 : memref<800xi32, #tpu.memory_space<hbm>>) target(%arg11 : memref<800xi32, #tpu.memory_space<vmem>>) target_semaphore(%arg14 : memref<!tpu.dma_semaphore, #tpu.memory_space<semaphore_mem>>)
        } else {
        }
      }
      %scan3A_67 = arith.constant 125 : i32
    } else {
    }
    %eq3A_20 = arith.constant 0 : i32
    %eq3A_21 = arith.cmpi eq, %arg0, %eq3A_20 : i32
    %eq3A_22 = arith.constant 1 : i32
    %eq3A_23 = arith.cmpi eq, %select_n3A, %eq3A_22 : i32
    %and3A_24 = arith.andi %eq3A_21, %eq3A_23 : i1
    %convert_element_type3A_25 = arith.extui %and3A_24 : i1 to i32
    %cond3A_26 = arith.constant 0 : i32
    %cond3A_27 = arith.cmpi ne, %convert_element_type3A_25, %cond3A_26 : i32
    scf.if %cond3A_27 {
      %add3A = arith.constant 0 : i32
      %add3A_45 = arith.addi %mul3A_13, %add3A : i32
      %sub3A = arith.constant 1200000 : i32
      %sub3A_46 = arith.subi %add3A_45, %sub3A : i32
      %dma_start3A = arith.constant 0 : i32
      %dma_start3A_47 = tpu.memref_slice %arg3[%sub3A_46, %dma_start3A] : memref<2000000x16xf32, #tpu.memory_space<hbm>> -> memref<800x16xf32, #tpu.memory_space<hbm>>
      %dma_start3A_48 = arith.constant 0 : i32
      %dma_start3A_49 = tpu.memref_slice %arg3[%sub3A_46, %dma_start3A_48] : memref<2000000x16xf32, #tpu.memory_space<hbm>> -> memref<800x16xf32, #tpu.memory_space<hbm>>
      tpu.enqueue_dma source(%dma_start3A_49 : memref<800x16xf32, #tpu.memory_space<hbm>>) target(%arg8 : memref<800x16xf32, #tpu.memory_space<vmem>>) target_semaphore(%arg13 : memref<!tpu.dma_semaphore, #tpu.memory_space<semaphore_mem>>)
      %dma_start3A_50 = tpu.memref_slice %arg5[%add3A_45] : memref<3200000xi32, #tpu.memory_space<hbm>> -> memref<800xi32, #tpu.memory_space<hbm>>
      %dma_start3A_51 = tpu.memref_slice %arg5[%add3A_45] : memref<3200000xi32, #tpu.memory_space<hbm>> -> memref<800xi32, #tpu.memory_space<hbm>>
      tpu.enqueue_dma source(%dma_start3A_51 : memref<800xi32, #tpu.memory_space<hbm>>) target(%arg10 : memref<800xi32, #tpu.memory_space<vmem>>) target_semaphore(%arg13 : memref<!tpu.dma_semaphore, #tpu.memory_space<semaphore_mem>>)
      %add3A_52 = arith.constant 800 : i32
      %add3A_53 = arith.addi %mul3A_13, %add3A_52 : i32
      %sub3A_54 = arith.constant 1200000 : i32
      %sub3A_55 = arith.subi %add3A_53, %sub3A_54 : i32
      %dma_start3A_56 = arith.constant 0 : i32
      %dma_start3A_57 = tpu.memref_slice %arg3[%sub3A_55, %dma_start3A_56] : memref<2000000x16xf32, #tpu.memory_space<hbm>> -> memref<800x16xf32, #tpu.memory_space<hbm>>
      %dma_start3A_58 = arith.constant 0 : i32
      %dma_start3A_59 = tpu.memref_slice %arg3[%sub3A_55, %dma_start3A_58] : memref<2000000x16xf32, #tpu.memory_space<hbm>> -> memref<800x16xf32, #tpu.memory_space<hbm>>
      tpu.enqueue_dma source(%dma_start3A_59 : memref<800x16xf32, #tpu.memory_space<hbm>>) target(%arg9 : memref<800x16xf32, #tpu.memory_space<vmem>>) target_semaphore(%arg14 : memref<!tpu.dma_semaphore, #tpu.memory_space<semaphore_mem>>)
      %dma_start3A_60 = tpu.memref_slice %arg5[%add3A_53] : memref<3200000xi32, #tpu.memory_space<hbm>> -> memref<800xi32, #tpu.memory_space<hbm>>
      %dma_start3A_61 = tpu.memref_slice %arg5[%add3A_53] : memref<3200000xi32, #tpu.memory_space<hbm>> -> memref<800xi32, #tpu.memory_space<hbm>>
      tpu.enqueue_dma source(%dma_start3A_61 : memref<800xi32, #tpu.memory_space<hbm>>) target(%arg11 : memref<800xi32, #tpu.memory_space<vmem>>) target_semaphore(%arg14 : memref<!tpu.dma_semaphore, #tpu.memory_space<semaphore_mem>>)
      %scan3A_62 = arith.constant 0 : i32
      %scan3A_63 = arith.constant 0 : i32
      %scan3A_64 = arith.constant 125 : i32
      %scan3A_65 = arith.addi %scan3A_63, %scan3A_64 : i32
      %scan3A_66 = arith.constant 1 : i32
      scf.for %scan3A_68 = %scan3A_63 to %scan3A_65 step %scan3A_66  : i32 {
        %mul3A_69 = arith.constant 2 : i32
        %mul3A_70 = arith.muli %scan3A_68, %mul3A_69 : i32
        %add3A_71 = arith.constant 0 : i32
        %add3A_72 = arith.addi %mul3A_70, %add3A_71 : i32
        %dma_wait3A = arith.constant 0 : i32
        %dma_wait3A_73 = arith.constant 0 : i32
        %dma_wait3A_74 = tpu.memref_slice %arg3[%dma_wait3A, %dma_wait3A_73] : memref<2000000x16xf32, #tpu.memory_space<hbm>> -> memref<800x16xf32, #tpu.memory_space<hbm>>
        %dma_wait3A_75 = arith.constant 0 : i32
        %dma_wait3A_76 = arith.constant 0 : i32
        %dma_wait3A_77 = tpu.memref_slice %arg3[%dma_wait3A_75, %dma_wait3A_76] : memref<2000000x16xf32, #tpu.memory_space<hbm>> -> memref<800x16xf32, #tpu.memory_space<hbm>>
        tpu.wait_dma2 semaphore(%arg13 : memref<!tpu.dma_semaphore, #tpu.memory_space<semaphore_mem>>) src(%dma_wait3A_77 : memref<800x16xf32, #tpu.memory_space<hbm>>) dst(%arg8 : memref<800x16xf32, #tpu.memory_space<vmem>>)
        %dma_wait3A_78 = arith.constant 0 : i32
        %dma_wait3A_79 = tpu.memref_slice %arg5[%dma_wait3A_78] : memref<3200000xi32, #tpu.memory_space<hbm>> -> memref<800xi32, #tpu.memory_space<hbm>>
        %dma_wait3A_80 = arith.constant 0 : i32
        %dma_wait3A_81 = tpu.memref_slice %arg5[%dma_wait3A_80] : memref<3200000xi32, #tpu.memory_space<hbm>> -> memref<800xi32, #tpu.memory_space<hbm>>
        tpu.wait_dma2 semaphore(%arg13 : memref<!tpu.dma_semaphore, #tpu.memory_space<semaphore_mem>>) src(%dma_wait3A_81 : memref<800xi32, #tpu.memory_space<hbm>>) dst(%arg10 : memref<800xi32, #tpu.memory_space<vmem>>)
        "tpu.region"() ({
          %run_scoped3A = tpu.sem_alloc : memref<!tpu.dma_semaphore, #tpu.memory_space<semaphore_mem>>
          %dma_start3A_108 = arith.constant 0 : i32
          %dma_start3A_109 = arith.constant 0 : i32
          %dma_start3A_110 = tpu.memref_slice %arg7[%dma_start3A_108, %dma_start3A_109] : memref<100096x16xf32, #tpu.memory_space<vmem_shared>> -> memref<100096x16xf32, #tpu.memory_space<vmem_shared>>
          tpu.enqueue_indirect_dma source(%arg8 : memref<800x16xf32, #tpu.memory_space<vmem>>) target(%dma_start3A_110 : memref<100096x16xf32, #tpu.memory_space<vmem_shared>>) offsets(%arg10 : memref<800xi32, #tpu.memory_space<vmem>>) semaphore(%run_scoped3A : memref<!tpu.dma_semaphore, #tpu.memory_space<semaphore_mem>>) {add = true}
          %dma_wait3A_111 = arith.constant 0 : i32
          %dma_wait3A_112 = arith.constant 0 : i32
          %dma_wait3A_113 = tpu.memref_slice %arg7[%dma_wait3A_111, %dma_wait3A_112] : memref<100096x16xf32, #tpu.memory_space<vmem_shared>> -> memref<100096x16xf32, #tpu.memory_space<vmem_shared>>
          tpu.wait_indirect_dma semaphore(%run_scoped3A : memref<!tpu.dma_semaphore, #tpu.memory_space<semaphore_mem>>) src(%arg8 : memref<800x16xf32, #tpu.memory_space<vmem>>) dst(%dma_wait3A_113 : memref<100096x16xf32, #tpu.memory_space<vmem_shared>>)
          tpu.yield
        }) : () -> ()
        %add3A_82 = arith.constant 2 : i32
        %add3A_83 = arith.addi %add3A_72, %add3A_82 : i32
        %lt3A_84 = arith.constant 250 : i32
        %lt3A_85 = arith.cmpi slt, %add3A_83, %lt3A_84 : i32
        %convert_element_type3A_86 = arith.extui %lt3A_85 : i1 to i32
        %cond3A_87 = arith.constant 0 : i32
        %cond3A_88 = arith.cmpi ne, %convert_element_type3A_86, %cond3A_87 : i32
        scf.if %cond3A_88 {
          %mul3A_108 = arith.constant 800 : i32
          %mul3A_109 = arith.muli %add3A_83, %mul3A_108 : i32
          %add3A_110 = arith.addi %mul3A_13, %mul3A_109 : i32
          %sub3A_111 = arith.constant 1200000 : i32
          %sub3A_112 = arith.subi %add3A_110, %sub3A_111 : i32
          %dma_start3A_113 = arith.constant 0 : i32
          %dma_start3A_114 = tpu.memref_slice %arg3[%sub3A_112, %dma_start3A_113] : memref<2000000x16xf32, #tpu.memory_space<hbm>> -> memref<800x16xf32, #tpu.memory_space<hbm>>
          %dma_start3A_115 = arith.constant 0 : i32
          %dma_start3A_116 = tpu.memref_slice %arg3[%sub3A_112, %dma_start3A_115] : memref<2000000x16xf32, #tpu.memory_space<hbm>> -> memref<800x16xf32, #tpu.memory_space<hbm>>
          tpu.enqueue_dma source(%dma_start3A_116 : memref<800x16xf32, #tpu.memory_space<hbm>>) target(%arg8 : memref<800x16xf32, #tpu.memory_space<vmem>>) target_semaphore(%arg13 : memref<!tpu.dma_semaphore, #tpu.memory_space<semaphore_mem>>)
          %dma_start3A_117 = tpu.memref_slice %arg5[%add3A_110] : memref<3200000xi32, #tpu.memory_space<hbm>> -> memref<800xi32, #tpu.memory_space<hbm>>
          %dma_start3A_118 = tpu.memref_slice %arg5[%add3A_110] : memref<3200000xi32, #tpu.memory_space<hbm>> -> memref<800xi32, #tpu.memory_space<hbm>>
          tpu.enqueue_dma source(%dma_start3A_118 : memref<800xi32, #tpu.memory_space<hbm>>) target(%arg10 : memref<800xi32, #tpu.memory_space<vmem>>) target_semaphore(%arg13 : memref<!tpu.dma_semaphore, #tpu.memory_space<semaphore_mem>>)
        } else {
        }
        %add3A_89 = arith.constant 1 : i32
        %add3A_90 = arith.addi %mul3A_70, %add3A_89 : i32
        %dma_wait3A_91 = arith.constant 0 : i32
        %dma_wait3A_92 = arith.constant 0 : i32
        %dma_wait3A_93 = tpu.memref_slice %arg3[%dma_wait3A_91, %dma_wait3A_92] : memref<2000000x16xf32, #tpu.memory_space<hbm>> -> memref<800x16xf32, #tpu.memory_space<hbm>>
        %dma_wait3A_94 = arith.constant 0 : i32
        %dma_wait3A_95 = arith.constant 0 : i32
        %dma_wait3A_96 = tpu.memref_slice %arg3[%dma_wait3A_94, %dma_wait3A_95] : memref<2000000x16xf32, #tpu.memory_space<hbm>> -> memref<800x16xf32, #tpu.memory_space<hbm>>
        tpu.wait_dma2 semaphore(%arg14 : memref<!tpu.dma_semaphore, #tpu.memory_space<semaphore_mem>>) src(%dma_wait3A_96 : memref<800x16xf32, #tpu.memory_space<hbm>>) dst(%arg9 : memref<800x16xf32, #tpu.memory_space<vmem>>)
        %dma_wait3A_97 = arith.constant 0 : i32
        %dma_wait3A_98 = tpu.memref_slice %arg5[%dma_wait3A_97] : memref<3200000xi32, #tpu.memory_space<hbm>> -> memref<800xi32, #tpu.memory_space<hbm>>
        %dma_wait3A_99 = arith.constant 0 : i32
        %dma_wait3A_100 = tpu.memref_slice %arg5[%dma_wait3A_99] : memref<3200000xi32, #tpu.memory_space<hbm>> -> memref<800xi32, #tpu.memory_space<hbm>>
        tpu.wait_dma2 semaphore(%arg14 : memref<!tpu.dma_semaphore, #tpu.memory_space<semaphore_mem>>) src(%dma_wait3A_100 : memref<800xi32, #tpu.memory_space<hbm>>) dst(%arg11 : memref<800xi32, #tpu.memory_space<vmem>>)
        "tpu.region"() ({
          %run_scoped3A = tpu.sem_alloc : memref<!tpu.dma_semaphore, #tpu.memory_space<semaphore_mem>>
          %dma_start3A_108 = arith.constant 0 : i32
          %dma_start3A_109 = arith.constant 0 : i32
          %dma_start3A_110 = tpu.memref_slice %arg7[%dma_start3A_108, %dma_start3A_109] : memref<100096x16xf32, #tpu.memory_space<vmem_shared>> -> memref<100096x16xf32, #tpu.memory_space<vmem_shared>>
          tpu.enqueue_indirect_dma source(%arg9 : memref<800x16xf32, #tpu.memory_space<vmem>>) target(%dma_start3A_110 : memref<100096x16xf32, #tpu.memory_space<vmem_shared>>) offsets(%arg11 : memref<800xi32, #tpu.memory_space<vmem>>) semaphore(%run_scoped3A : memref<!tpu.dma_semaphore, #tpu.memory_space<semaphore_mem>>) {add = true}
          %dma_wait3A_111 = arith.constant 0 : i32
          %dma_wait3A_112 = arith.constant 0 : i32
          %dma_wait3A_113 = tpu.memref_slice %arg7[%dma_wait3A_111, %dma_wait3A_112] : memref<100096x16xf32, #tpu.memory_space<vmem_shared>> -> memref<100096x16xf32, #tpu.memory_space<vmem_shared>>
          tpu.wait_indirect_dma semaphore(%run_scoped3A : memref<!tpu.dma_semaphore, #tpu.memory_space<semaphore_mem>>) src(%arg9 : memref<800x16xf32, #tpu.memory_space<vmem>>) dst(%dma_wait3A_113 : memref<100096x16xf32, #tpu.memory_space<vmem_shared>>)
          tpu.yield
        }) : () -> ()
        %add3A_101 = arith.constant 2 : i32
        %add3A_102 = arith.addi %add3A_90, %add3A_101 : i32
        %lt3A_103 = arith.constant 250 : i32
        %lt3A_104 = arith.cmpi slt, %add3A_102, %lt3A_103 : i32
        %convert_element_type3A_105 = arith.extui %lt3A_104 : i1 to i32
        %cond3A_106 = arith.constant 0 : i32
        %cond3A_107 = arith.cmpi ne, %convert_element_type3A_105, %cond3A_106 : i32
        scf.if %cond3A_107 {
          %mul3A_108 = arith.constant 800 : i32
          %mul3A_109 = arith.muli %add3A_102, %mul3A_108 : i32
          %add3A_110 = arith.addi %mul3A_13, %mul3A_109 : i32
          %sub3A_111 = arith.constant 1200000 : i32
          %sub3A_112 = arith.subi %add3A_110, %sub3A_111 : i32
          %dma_start3A_113 = arith.constant 0 : i32
          %dma_start3A_114 = tpu.memref_slice %arg3[%sub3A_112, %dma_start3A_113] : memref<2000000x16xf32, #tpu.memory_space<hbm>> -> memref<800x16xf32, #tpu.memory_space<hbm>>
          %dma_start3A_115 = arith.constant 0 : i32
          %dma_start3A_116 = tpu.memref_slice %arg3[%sub3A_112, %dma_start3A_115] : memref<2000000x16xf32, #tpu.memory_space<hbm>> -> memref<800x16xf32, #tpu.memory_space<hbm>>
          tpu.enqueue_dma source(%dma_start3A_116 : memref<800x16xf32, #tpu.memory_space<hbm>>) target(%arg9 : memref<800x16xf32, #tpu.memory_space<vmem>>) target_semaphore(%arg14 : memref<!tpu.dma_semaphore, #tpu.memory_space<semaphore_mem>>)
          %dma_start3A_117 = tpu.memref_slice %arg5[%add3A_110] : memref<3200000xi32, #tpu.memory_space<hbm>> -> memref<800xi32, #tpu.memory_space<hbm>>
          %dma_start3A_118 = tpu.memref_slice %arg5[%add3A_110] : memref<3200000xi32, #tpu.memory_space<hbm>> -> memref<800xi32, #tpu.memory_space<hbm>>
          tpu.enqueue_dma source(%dma_start3A_118 : memref<800xi32, #tpu.memory_space<hbm>>) target(%arg11 : memref<800xi32, #tpu.memory_space<vmem>>) target_semaphore(%arg14 : memref<!tpu.dma_semaphore, #tpu.memory_space<semaphore_mem>>)
        } else {
        }
      }
      %scan3A_67 = arith.constant 125 : i32
    } else {
    }
    %eq3A_28 = arith.constant 1 : i32
    %eq3A_29 = arith.cmpi eq, %arg0, %eq3A_28 : i32
    %eq3A_30 = arith.constant 0 : i32
    %eq3A_31 = arith.cmpi eq, %select_n3A, %eq3A_30 : i32
    %and3A_32 = arith.andi %eq3A_29, %eq3A_31 : i1
    %convert_element_type3A_33 = arith.extui %and3A_32 : i1 to i32
    %cond3A_34 = arith.constant 0 : i32
    %cond3A_35 = arith.cmpi ne, %convert_element_type3A_33, %cond3A_34 : i32
    scf.if %cond3A_35 {
      %add3A = arith.constant 0 : i32
      %add3A_45 = arith.addi %mul3A_13, %add3A : i32
      %sub3A = arith.constant 0 : i32
      %sub3A_46 = arith.subi %add3A_45, %sub3A : i32
      %dma_start3A = arith.constant 0 : i32
      %dma_start3A_47 = tpu.memref_slice %arg2[%sub3A_46, %dma_start3A] : memref<1200000x16xf32, #tpu.memory_space<hbm>> -> memref<800x16xf32, #tpu.memory_space<hbm>>
      %dma_start3A_48 = arith.constant 0 : i32
      %dma_start3A_49 = tpu.memref_slice %arg2[%sub3A_46, %dma_start3A_48] : memref<1200000x16xf32, #tpu.memory_space<hbm>> -> memref<800x16xf32, #tpu.memory_space<hbm>>
      tpu.enqueue_dma source(%dma_start3A_49 : memref<800x16xf32, #tpu.memory_space<hbm>>) target(%arg8 : memref<800x16xf32, #tpu.memory_space<vmem>>) target_semaphore(%arg13 : memref<!tpu.dma_semaphore, #tpu.memory_space<semaphore_mem>>)
      %dma_start3A_50 = tpu.memref_slice %arg4[%add3A_45] : memref<3200000xi32, #tpu.memory_space<hbm>> -> memref<800xi32, #tpu.memory_space<hbm>>
      %dma_start3A_51 = tpu.memref_slice %arg4[%add3A_45] : memref<3200000xi32, #tpu.memory_space<hbm>> -> memref<800xi32, #tpu.memory_space<hbm>>
      tpu.enqueue_dma source(%dma_start3A_51 : memref<800xi32, #tpu.memory_space<hbm>>) target(%arg10 : memref<800xi32, #tpu.memory_space<vmem>>) target_semaphore(%arg13 : memref<!tpu.dma_semaphore, #tpu.memory_space<semaphore_mem>>)
      %add3A_52 = arith.constant 800 : i32
      %add3A_53 = arith.addi %mul3A_13, %add3A_52 : i32
      %sub3A_54 = arith.constant 0 : i32
      %sub3A_55 = arith.subi %add3A_53, %sub3A_54 : i32
      %dma_start3A_56 = arith.constant 0 : i32
      %dma_start3A_57 = tpu.memref_slice %arg2[%sub3A_55, %dma_start3A_56] : memref<1200000x16xf32, #tpu.memory_space<hbm>> -> memref<800x16xf32, #tpu.memory_space<hbm>>
      %dma_start3A_58 = arith.constant 0 : i32
      %dma_start3A_59 = tpu.memref_slice %arg2[%sub3A_55, %dma_start3A_58] : memref<1200000x16xf32, #tpu.memory_space<hbm>> -> memref<800x16xf32, #tpu.memory_space<hbm>>
      tpu.enqueue_dma source(%dma_start3A_59 : memref<800x16xf32, #tpu.memory_space<hbm>>) target(%arg9 : memref<800x16xf32, #tpu.memory_space<vmem>>) target_semaphore(%arg14 : memref<!tpu.dma_semaphore, #tpu.memory_space<semaphore_mem>>)
      %dma_start3A_60 = tpu.memref_slice %arg4[%add3A_53] : memref<3200000xi32, #tpu.memory_space<hbm>> -> memref<800xi32, #tpu.memory_space<hbm>>
      %dma_start3A_61 = tpu.memref_slice %arg4[%add3A_53] : memref<3200000xi32, #tpu.memory_space<hbm>> -> memref<800xi32, #tpu.memory_space<hbm>>
      tpu.enqueue_dma source(%dma_start3A_61 : memref<800xi32, #tpu.memory_space<hbm>>) target(%arg11 : memref<800xi32, #tpu.memory_space<vmem>>) target_semaphore(%arg14 : memref<!tpu.dma_semaphore, #tpu.memory_space<semaphore_mem>>)
      %scan3A_62 = arith.constant 0 : i32
      %scan3A_63 = arith.constant 0 : i32
      %scan3A_64 = arith.constant 125 : i32
      %scan3A_65 = arith.addi %scan3A_63, %scan3A_64 : i32
      %scan3A_66 = arith.constant 1 : i32
      scf.for %scan3A_68 = %scan3A_63 to %scan3A_65 step %scan3A_66  : i32 {
        %mul3A_69 = arith.constant 2 : i32
        %mul3A_70 = arith.muli %scan3A_68, %mul3A_69 : i32
        %add3A_71 = arith.constant 0 : i32
        %add3A_72 = arith.addi %mul3A_70, %add3A_71 : i32
        %dma_wait3A = arith.constant 0 : i32
        %dma_wait3A_73 = arith.constant 0 : i32
        %dma_wait3A_74 = tpu.memref_slice %arg2[%dma_wait3A, %dma_wait3A_73] : memref<1200000x16xf32, #tpu.memory_space<hbm>> -> memref<800x16xf32, #tpu.memory_space<hbm>>
        %dma_wait3A_75 = arith.constant 0 : i32
        %dma_wait3A_76 = arith.constant 0 : i32
        %dma_wait3A_77 = tpu.memref_slice %arg2[%dma_wait3A_75, %dma_wait3A_76] : memref<1200000x16xf32, #tpu.memory_space<hbm>> -> memref<800x16xf32, #tpu.memory_space<hbm>>
        tpu.wait_dma2 semaphore(%arg13 : memref<!tpu.dma_semaphore, #tpu.memory_space<semaphore_mem>>) src(%dma_wait3A_77 : memref<800x16xf32, #tpu.memory_space<hbm>>) dst(%arg8 : memref<800x16xf32, #tpu.memory_space<vmem>>)
        %dma_wait3A_78 = arith.constant 0 : i32
        %dma_wait3A_79 = tpu.memref_slice %arg4[%dma_wait3A_78] : memref<3200000xi32, #tpu.memory_space<hbm>> -> memref<800xi32, #tpu.memory_space<hbm>>
        %dma_wait3A_80 = arith.constant 0 : i32
        %dma_wait3A_81 = tpu.memref_slice %arg4[%dma_wait3A_80] : memref<3200000xi32, #tpu.memory_space<hbm>> -> memref<800xi32, #tpu.memory_space<hbm>>
        tpu.wait_dma2 semaphore(%arg13 : memref<!tpu.dma_semaphore, #tpu.memory_space<semaphore_mem>>) src(%dma_wait3A_81 : memref<800xi32, #tpu.memory_space<hbm>>) dst(%arg10 : memref<800xi32, #tpu.memory_space<vmem>>)
        "tpu.region"() ({
          %run_scoped3A = tpu.sem_alloc : memref<!tpu.dma_semaphore, #tpu.memory_space<semaphore_mem>>
          %dma_start3A_108 = arith.constant 0 : i32
          %dma_start3A_109 = arith.constant 0 : i32
          %dma_start3A_110 = tpu.memref_slice %arg7[%dma_start3A_108, %dma_start3A_109] : memref<100096x16xf32, #tpu.memory_space<vmem_shared>> -> memref<100096x16xf32, #tpu.memory_space<vmem_shared>>
          tpu.enqueue_indirect_dma source(%arg8 : memref<800x16xf32, #tpu.memory_space<vmem>>) target(%dma_start3A_110 : memref<100096x16xf32, #tpu.memory_space<vmem_shared>>) offsets(%arg10 : memref<800xi32, #tpu.memory_space<vmem>>) semaphore(%run_scoped3A : memref<!tpu.dma_semaphore, #tpu.memory_space<semaphore_mem>>) {add = true}
          %dma_wait3A_111 = arith.constant 0 : i32
          %dma_wait3A_112 = arith.constant 0 : i32
          %dma_wait3A_113 = tpu.memref_slice %arg7[%dma_wait3A_111, %dma_wait3A_112] : memref<100096x16xf32, #tpu.memory_space<vmem_shared>> -> memref<100096x16xf32, #tpu.memory_space<vmem_shared>>
          tpu.wait_indirect_dma semaphore(%run_scoped3A : memref<!tpu.dma_semaphore, #tpu.memory_space<semaphore_mem>>) src(%arg8 : memref<800x16xf32, #tpu.memory_space<vmem>>) dst(%dma_wait3A_113 : memref<100096x16xf32, #tpu.memory_space<vmem_shared>>)
          tpu.yield
        }) : () -> ()
        %add3A_82 = arith.constant 2 : i32
        %add3A_83 = arith.addi %add3A_72, %add3A_82 : i32
        %lt3A_84 = arith.constant 250 : i32
        %lt3A_85 = arith.cmpi slt, %add3A_83, %lt3A_84 : i32
        %convert_element_type3A_86 = arith.extui %lt3A_85 : i1 to i32
        %cond3A_87 = arith.constant 0 : i32
        %cond3A_88 = arith.cmpi ne, %convert_element_type3A_86, %cond3A_87 : i32
        scf.if %cond3A_88 {
          %mul3A_108 = arith.constant 800 : i32
          %mul3A_109 = arith.muli %add3A_83, %mul3A_108 : i32
          %add3A_110 = arith.addi %mul3A_13, %mul3A_109 : i32
          %sub3A_111 = arith.constant 0 : i32
          %sub3A_112 = arith.subi %add3A_110, %sub3A_111 : i32
          %dma_start3A_113 = arith.constant 0 : i32
          %dma_start3A_114 = tpu.memref_slice %arg2[%sub3A_112, %dma_start3A_113] : memref<1200000x16xf32, #tpu.memory_space<hbm>> -> memref<800x16xf32, #tpu.memory_space<hbm>>
          %dma_start3A_115 = arith.constant 0 : i32
          %dma_start3A_116 = tpu.memref_slice %arg2[%sub3A_112, %dma_start3A_115] : memref<1200000x16xf32, #tpu.memory_space<hbm>> -> memref<800x16xf32, #tpu.memory_space<hbm>>
          tpu.enqueue_dma source(%dma_start3A_116 : memref<800x16xf32, #tpu.memory_space<hbm>>) target(%arg8 : memref<800x16xf32, #tpu.memory_space<vmem>>) target_semaphore(%arg13 : memref<!tpu.dma_semaphore, #tpu.memory_space<semaphore_mem>>)
          %dma_start3A_117 = tpu.memref_slice %arg4[%add3A_110] : memref<3200000xi32, #tpu.memory_space<hbm>> -> memref<800xi32, #tpu.memory_space<hbm>>
          %dma_start3A_118 = tpu.memref_slice %arg4[%add3A_110] : memref<3200000xi32, #tpu.memory_space<hbm>> -> memref<800xi32, #tpu.memory_space<hbm>>
          tpu.enqueue_dma source(%dma_start3A_118 : memref<800xi32, #tpu.memory_space<hbm>>) target(%arg10 : memref<800xi32, #tpu.memory_space<vmem>>) target_semaphore(%arg13 : memref<!tpu.dma_semaphore, #tpu.memory_space<semaphore_mem>>)
        } else {
        }
        %add3A_89 = arith.constant 1 : i32
        %add3A_90 = arith.addi %mul3A_70, %add3A_89 : i32
        %dma_wait3A_91 = arith.constant 0 : i32
        %dma_wait3A_92 = arith.constant 0 : i32
        %dma_wait3A_93 = tpu.memref_slice %arg2[%dma_wait3A_91, %dma_wait3A_92] : memref<1200000x16xf32, #tpu.memory_space<hbm>> -> memref<800x16xf32, #tpu.memory_space<hbm>>
        %dma_wait3A_94 = arith.constant 0 : i32
        %dma_wait3A_95 = arith.constant 0 : i32
        %dma_wait3A_96 = tpu.memref_slice %arg2[%dma_wait3A_94, %dma_wait3A_95] : memref<1200000x16xf32, #tpu.memory_space<hbm>> -> memref<800x16xf32, #tpu.memory_space<hbm>>
        tpu.wait_dma2 semaphore(%arg14 : memref<!tpu.dma_semaphore, #tpu.memory_space<semaphore_mem>>) src(%dma_wait3A_96 : memref<800x16xf32, #tpu.memory_space<hbm>>) dst(%arg9 : memref<800x16xf32, #tpu.memory_space<vmem>>)
        %dma_wait3A_97 = arith.constant 0 : i32
        %dma_wait3A_98 = tpu.memref_slice %arg4[%dma_wait3A_97] : memref<3200000xi32, #tpu.memory_space<hbm>> -> memref<800xi32, #tpu.memory_space<hbm>>
        %dma_wait3A_99 = arith.constant 0 : i32
        %dma_wait3A_100 = tpu.memref_slice %arg4[%dma_wait3A_99] : memref<3200000xi32, #tpu.memory_space<hbm>> -> memref<800xi32, #tpu.memory_space<hbm>>
        tpu.wait_dma2 semaphore(%arg14 : memref<!tpu.dma_semaphore, #tpu.memory_space<semaphore_mem>>) src(%dma_wait3A_100 : memref<800xi32, #tpu.memory_space<hbm>>) dst(%arg11 : memref<800xi32, #tpu.memory_space<vmem>>)
        "tpu.region"() ({
          %run_scoped3A = tpu.sem_alloc : memref<!tpu.dma_semaphore, #tpu.memory_space<semaphore_mem>>
          %dma_start3A_108 = arith.constant 0 : i32
          %dma_start3A_109 = arith.constant 0 : i32
          %dma_start3A_110 = tpu.memref_slice %arg7[%dma_start3A_108, %dma_start3A_109] : memref<100096x16xf32, #tpu.memory_space<vmem_shared>> -> memref<100096x16xf32, #tpu.memory_space<vmem_shared>>
          tpu.enqueue_indirect_dma source(%arg9 : memref<800x16xf32, #tpu.memory_space<vmem>>) target(%dma_start3A_110 : memref<100096x16xf32, #tpu.memory_space<vmem_shared>>) offsets(%arg11 : memref<800xi32, #tpu.memory_space<vmem>>) semaphore(%run_scoped3A : memref<!tpu.dma_semaphore, #tpu.memory_space<semaphore_mem>>) {add = true}
          %dma_wait3A_111 = arith.constant 0 : i32
          %dma_wait3A_112 = arith.constant 0 : i32
          %dma_wait3A_113 = tpu.memref_slice %arg7[%dma_wait3A_111, %dma_wait3A_112] : memref<100096x16xf32, #tpu.memory_space<vmem_shared>> -> memref<100096x16xf32, #tpu.memory_space<vmem_shared>>
          tpu.wait_indirect_dma semaphore(%run_scoped3A : memref<!tpu.dma_semaphore, #tpu.memory_space<semaphore_mem>>) src(%arg9 : memref<800x16xf32, #tpu.memory_space<vmem>>) dst(%dma_wait3A_113 : memref<100096x16xf32, #tpu.memory_space<vmem_shared>>)
          tpu.yield
        }) : () -> ()
        %add3A_101 = arith.constant 2 : i32
        %add3A_102 = arith.addi %add3A_90, %add3A_101 : i32
        %lt3A_103 = arith.constant 250 : i32
        %lt3A_104 = arith.cmpi slt, %add3A_102, %lt3A_103 : i32
        %convert_element_type3A_105 = arith.extui %lt3A_104 : i1 to i32
        %cond3A_106 = arith.constant 0 : i32
        %cond3A_107 = arith.cmpi ne, %convert_element_type3A_105, %cond3A_106 : i32
        scf.if %cond3A_107 {
          %mul3A_108 = arith.constant 800 : i32
          %mul3A_109 = arith.muli %add3A_102, %mul3A_108 : i32
          %add3A_110 = arith.addi %mul3A_13, %mul3A_109 : i32
          %sub3A_111 = arith.constant 0 : i32
          %sub3A_112 = arith.subi %add3A_110, %sub3A_111 : i32
          %dma_start3A_113 = arith.constant 0 : i32
          %dma_start3A_114 = tpu.memref_slice %arg2[%sub3A_112, %dma_start3A_113] : memref<1200000x16xf32, #tpu.memory_space<hbm>> -> memref<800x16xf32, #tpu.memory_space<hbm>>
          %dma_start3A_115 = arith.constant 0 : i32
          %dma_start3A_116 = tpu.memref_slice %arg2[%sub3A_112, %dma_start3A_115] : memref<1200000x16xf32, #tpu.memory_space<hbm>> -> memref<800x16xf32, #tpu.memory_space<hbm>>
          tpu.enqueue_dma source(%dma_start3A_116 : memref<800x16xf32, #tpu.memory_space<hbm>>) target(%arg9 : memref<800x16xf32, #tpu.memory_space<vmem>>) target_semaphore(%arg14 : memref<!tpu.dma_semaphore, #tpu.memory_space<semaphore_mem>>)
          %dma_start3A_117 = tpu.memref_slice %arg4[%add3A_110] : memref<3200000xi32, #tpu.memory_space<hbm>> -> memref<800xi32, #tpu.memory_space<hbm>>
          %dma_start3A_118 = tpu.memref_slice %arg4[%add3A_110] : memref<3200000xi32, #tpu.memory_space<hbm>> -> memref<800xi32, #tpu.memory_space<hbm>>
          tpu.enqueue_dma source(%dma_start3A_118 : memref<800xi32, #tpu.memory_space<hbm>>) target(%arg11 : memref<800xi32, #tpu.memory_space<vmem>>) target_semaphore(%arg14 : memref<!tpu.dma_semaphore, #tpu.memory_space<semaphore_mem>>)
        } else {
        }
      }
      %scan3A_67 = arith.constant 125 : i32
    } else {
    }
    %eq3A_36 = arith.constant 1 : i32
    %eq3A_37 = arith.cmpi eq, %arg0, %eq3A_36 : i32
    %eq3A_38 = arith.constant 1 : i32
    %eq3A_39 = arith.cmpi eq, %select_n3A, %eq3A_38 : i32
    %and3A_40 = arith.andi %eq3A_37, %eq3A_39 : i1
    %convert_element_type3A_41 = arith.extui %and3A_40 : i1 to i32
    %cond3A_42 = arith.constant 0 : i32
    %cond3A_43 = arith.cmpi ne, %convert_element_type3A_41, %cond3A_42 : i32
    scf.if %cond3A_43 {
      %add3A = arith.constant 0 : i32
      %add3A_45 = arith.addi %mul3A_13, %add3A : i32
      %sub3A = arith.constant 1200000 : i32
      %sub3A_46 = arith.subi %add3A_45, %sub3A : i32
      %dma_start3A = arith.constant 0 : i32
      %dma_start3A_47 = tpu.memref_slice %arg3[%sub3A_46, %dma_start3A] : memref<2000000x16xf32, #tpu.memory_space<hbm>> -> memref<800x16xf32, #tpu.memory_space<hbm>>
      %dma_start3A_48 = arith.constant 0 : i32
      %dma_start3A_49 = tpu.memref_slice %arg3[%sub3A_46, %dma_start3A_48] : memref<2000000x16xf32, #tpu.memory_space<hbm>> -> memref<800x16xf32, #tpu.memory_space<hbm>>
      tpu.enqueue_dma source(%dma_start3A_49 : memref<800x16xf32, #tpu.memory_space<hbm>>) target(%arg8 : memref<800x16xf32, #tpu.memory_space<vmem>>) target_semaphore(%arg13 : memref<!tpu.dma_semaphore, #tpu.memory_space<semaphore_mem>>)
      %dma_start3A_50 = tpu.memref_slice %arg4[%add3A_45] : memref<3200000xi32, #tpu.memory_space<hbm>> -> memref<800xi32, #tpu.memory_space<hbm>>
      %dma_start3A_51 = tpu.memref_slice %arg4[%add3A_45] : memref<3200000xi32, #tpu.memory_space<hbm>> -> memref<800xi32, #tpu.memory_space<hbm>>
      tpu.enqueue_dma source(%dma_start3A_51 : memref<800xi32, #tpu.memory_space<hbm>>) target(%arg10 : memref<800xi32, #tpu.memory_space<vmem>>) target_semaphore(%arg13 : memref<!tpu.dma_semaphore, #tpu.memory_space<semaphore_mem>>)
      %add3A_52 = arith.constant 800 : i32
      %add3A_53 = arith.addi %mul3A_13, %add3A_52 : i32
      %sub3A_54 = arith.constant 1200000 : i32
      %sub3A_55 = arith.subi %add3A_53, %sub3A_54 : i32
      %dma_start3A_56 = arith.constant 0 : i32
      %dma_start3A_57 = tpu.memref_slice %arg3[%sub3A_55, %dma_start3A_56] : memref<2000000x16xf32, #tpu.memory_space<hbm>> -> memref<800x16xf32, #tpu.memory_space<hbm>>
      %dma_start3A_58 = arith.constant 0 : i32
      %dma_start3A_59 = tpu.memref_slice %arg3[%sub3A_55, %dma_start3A_58] : memref<2000000x16xf32, #tpu.memory_space<hbm>> -> memref<800x16xf32, #tpu.memory_space<hbm>>
      tpu.enqueue_dma source(%dma_start3A_59 : memref<800x16xf32, #tpu.memory_space<hbm>>) target(%arg9 : memref<800x16xf32, #tpu.memory_space<vmem>>) target_semaphore(%arg14 : memref<!tpu.dma_semaphore, #tpu.memory_space<semaphore_mem>>)
      %dma_start3A_60 = tpu.memref_slice %arg4[%add3A_53] : memref<3200000xi32, #tpu.memory_space<hbm>> -> memref<800xi32, #tpu.memory_space<hbm>>
      %dma_start3A_61 = tpu.memref_slice %arg4[%add3A_53] : memref<3200000xi32, #tpu.memory_space<hbm>> -> memref<800xi32, #tpu.memory_space<hbm>>
      tpu.enqueue_dma source(%dma_start3A_61 : memref<800xi32, #tpu.memory_space<hbm>>) target(%arg11 : memref<800xi32, #tpu.memory_space<vmem>>) target_semaphore(%arg14 : memref<!tpu.dma_semaphore, #tpu.memory_space<semaphore_mem>>)
      %scan3A_62 = arith.constant 0 : i32
      %scan3A_63 = arith.constant 0 : i32
      %scan3A_64 = arith.constant 125 : i32
      %scan3A_65 = arith.addi %scan3A_63, %scan3A_64 : i32
      %scan3A_66 = arith.constant 1 : i32
      scf.for %scan3A_68 = %scan3A_63 to %scan3A_65 step %scan3A_66  : i32 {
        %mul3A_69 = arith.constant 2 : i32
        %mul3A_70 = arith.muli %scan3A_68, %mul3A_69 : i32
        %add3A_71 = arith.constant 0 : i32
        %add3A_72 = arith.addi %mul3A_70, %add3A_71 : i32
        %dma_wait3A = arith.constant 0 : i32
        %dma_wait3A_73 = arith.constant 0 : i32
        %dma_wait3A_74 = tpu.memref_slice %arg3[%dma_wait3A, %dma_wait3A_73] : memref<2000000x16xf32, #tpu.memory_space<hbm>> -> memref<800x16xf32, #tpu.memory_space<hbm>>
        %dma_wait3A_75 = arith.constant 0 : i32
        %dma_wait3A_76 = arith.constant 0 : i32
        %dma_wait3A_77 = tpu.memref_slice %arg3[%dma_wait3A_75, %dma_wait3A_76] : memref<2000000x16xf32, #tpu.memory_space<hbm>> -> memref<800x16xf32, #tpu.memory_space<hbm>>
        tpu.wait_dma2 semaphore(%arg13 : memref<!tpu.dma_semaphore, #tpu.memory_space<semaphore_mem>>) src(%dma_wait3A_77 : memref<800x16xf32, #tpu.memory_space<hbm>>) dst(%arg8 : memref<800x16xf32, #tpu.memory_space<vmem>>)
        %dma_wait3A_78 = arith.constant 0 : i32
        %dma_wait3A_79 = tpu.memref_slice %arg4[%dma_wait3A_78] : memref<3200000xi32, #tpu.memory_space<hbm>> -> memref<800xi32, #tpu.memory_space<hbm>>
        %dma_wait3A_80 = arith.constant 0 : i32
        %dma_wait3A_81 = tpu.memref_slice %arg4[%dma_wait3A_80] : memref<3200000xi32, #tpu.memory_space<hbm>> -> memref<800xi32, #tpu.memory_space<hbm>>
        tpu.wait_dma2 semaphore(%arg13 : memref<!tpu.dma_semaphore, #tpu.memory_space<semaphore_mem>>) src(%dma_wait3A_81 : memref<800xi32, #tpu.memory_space<hbm>>) dst(%arg10 : memref<800xi32, #tpu.memory_space<vmem>>)
        "tpu.region"() ({
          %run_scoped3A = tpu.sem_alloc : memref<!tpu.dma_semaphore, #tpu.memory_space<semaphore_mem>>
          %dma_start3A_108 = arith.constant 0 : i32
          %dma_start3A_109 = arith.constant 0 : i32
          %dma_start3A_110 = tpu.memref_slice %arg7[%dma_start3A_108, %dma_start3A_109] : memref<100096x16xf32, #tpu.memory_space<vmem_shared>> -> memref<100096x16xf32, #tpu.memory_space<vmem_shared>>
          tpu.enqueue_indirect_dma source(%arg8 : memref<800x16xf32, #tpu.memory_space<vmem>>) target(%dma_start3A_110 : memref<100096x16xf32, #tpu.memory_space<vmem_shared>>) offsets(%arg10 : memref<800xi32, #tpu.memory_space<vmem>>) semaphore(%run_scoped3A : memref<!tpu.dma_semaphore, #tpu.memory_space<semaphore_mem>>) {add = true}
          %dma_wait3A_111 = arith.constant 0 : i32
          %dma_wait3A_112 = arith.constant 0 : i32
          %dma_wait3A_113 = tpu.memref_slice %arg7[%dma_wait3A_111, %dma_wait3A_112] : memref<100096x16xf32, #tpu.memory_space<vmem_shared>> -> memref<100096x16xf32, #tpu.memory_space<vmem_shared>>
          tpu.wait_indirect_dma semaphore(%run_scoped3A : memref<!tpu.dma_semaphore, #tpu.memory_space<semaphore_mem>>) src(%arg8 : memref<800x16xf32, #tpu.memory_space<vmem>>) dst(%dma_wait3A_113 : memref<100096x16xf32, #tpu.memory_space<vmem_shared>>)
          tpu.yield
        }) : () -> ()
        %add3A_82 = arith.constant 2 : i32
        %add3A_83 = arith.addi %add3A_72, %add3A_82 : i32
        %lt3A_84 = arith.constant 250 : i32
        %lt3A_85 = arith.cmpi slt, %add3A_83, %lt3A_84 : i32
        %convert_element_type3A_86 = arith.extui %lt3A_85 : i1 to i32
        %cond3A_87 = arith.constant 0 : i32
        %cond3A_88 = arith.cmpi ne, %convert_element_type3A_86, %cond3A_87 : i32
        scf.if %cond3A_88 {
          %mul3A_108 = arith.constant 800 : i32
          %mul3A_109 = arith.muli %add3A_83, %mul3A_108 : i32
          %add3A_110 = arith.addi %mul3A_13, %mul3A_109 : i32
          %sub3A_111 = arith.constant 1200000 : i32
          %sub3A_112 = arith.subi %add3A_110, %sub3A_111 : i32
          %dma_start3A_113 = arith.constant 0 : i32
          %dma_start3A_114 = tpu.memref_slice %arg3[%sub3A_112, %dma_start3A_113] : memref<2000000x16xf32, #tpu.memory_space<hbm>> -> memref<800x16xf32, #tpu.memory_space<hbm>>
          %dma_start3A_115 = arith.constant 0 : i32
          %dma_start3A_116 = tpu.memref_slice %arg3[%sub3A_112, %dma_start3A_115] : memref<2000000x16xf32, #tpu.memory_space<hbm>> -> memref<800x16xf32, #tpu.memory_space<hbm>>
          tpu.enqueue_dma source(%dma_start3A_116 : memref<800x16xf32, #tpu.memory_space<hbm>>) target(%arg8 : memref<800x16xf32, #tpu.memory_space<vmem>>) target_semaphore(%arg13 : memref<!tpu.dma_semaphore, #tpu.memory_space<semaphore_mem>>)
          %dma_start3A_117 = tpu.memref_slice %arg4[%add3A_110] : memref<3200000xi32, #tpu.memory_space<hbm>> -> memref<800xi32, #tpu.memory_space<hbm>>
          %dma_start3A_118 = tpu.memref_slice %arg4[%add3A_110] : memref<3200000xi32, #tpu.memory_space<hbm>> -> memref<800xi32, #tpu.memory_space<hbm>>
          tpu.enqueue_dma source(%dma_start3A_118 : memref<800xi32, #tpu.memory_space<hbm>>) target(%arg10 : memref<800xi32, #tpu.memory_space<vmem>>) target_semaphore(%arg13 : memref<!tpu.dma_semaphore, #tpu.memory_space<semaphore_mem>>)
        } else {
        }
        %add3A_89 = arith.constant 1 : i32
        %add3A_90 = arith.addi %mul3A_70, %add3A_89 : i32
        %dma_wait3A_91 = arith.constant 0 : i32
        %dma_wait3A_92 = arith.constant 0 : i32
        %dma_wait3A_93 = tpu.memref_slice %arg3[%dma_wait3A_91, %dma_wait3A_92] : memref<2000000x16xf32, #tpu.memory_space<hbm>> -> memref<800x16xf32, #tpu.memory_space<hbm>>
        %dma_wait3A_94 = arith.constant 0 : i32
        %dma_wait3A_95 = arith.constant 0 : i32
        %dma_wait3A_96 = tpu.memref_slice %arg3[%dma_wait3A_94, %dma_wait3A_95] : memref<2000000x16xf32, #tpu.memory_space<hbm>> -> memref<800x16xf32, #tpu.memory_space<hbm>>
        tpu.wait_dma2 semaphore(%arg14 : memref<!tpu.dma_semaphore, #tpu.memory_space<semaphore_mem>>) src(%dma_wait3A_96 : memref<800x16xf32, #tpu.memory_space<hbm>>) dst(%arg9 : memref<800x16xf32, #tpu.memory_space<vmem>>)
        %dma_wait3A_97 = arith.constant 0 : i32
        %dma_wait3A_98 = tpu.memref_slice %arg4[%dma_wait3A_97] : memref<3200000xi32, #tpu.memory_space<hbm>> -> memref<800xi32, #tpu.memory_space<hbm>>
        %dma_wait3A_99 = arith.constant 0 : i32
        %dma_wait3A_100 = tpu.memref_slice %arg4[%dma_wait3A_99] : memref<3200000xi32, #tpu.memory_space<hbm>> -> memref<800xi32, #tpu.memory_space<hbm>>
        tpu.wait_dma2 semaphore(%arg14 : memref<!tpu.dma_semaphore, #tpu.memory_space<semaphore_mem>>) src(%dma_wait3A_100 : memref<800xi32, #tpu.memory_space<hbm>>) dst(%arg11 : memref<800xi32, #tpu.memory_space<vmem>>)
        "tpu.region"() ({
          %run_scoped3A = tpu.sem_alloc : memref<!tpu.dma_semaphore, #tpu.memory_space<semaphore_mem>>
          %dma_start3A_108 = arith.constant 0 : i32
          %dma_start3A_109 = arith.constant 0 : i32
          %dma_start3A_110 = tpu.memref_slice %arg7[%dma_start3A_108, %dma_start3A_109] : memref<100096x16xf32, #tpu.memory_space<vmem_shared>> -> memref<100096x16xf32, #tpu.memory_space<vmem_shared>>
          tpu.enqueue_indirect_dma source(%arg9 : memref<800x16xf32, #tpu.memory_space<vmem>>) target(%dma_start3A_110 : memref<100096x16xf32, #tpu.memory_space<vmem_shared>>) offsets(%arg11 : memref<800xi32, #tpu.memory_space<vmem>>) semaphore(%run_scoped3A : memref<!tpu.dma_semaphore, #tpu.memory_space<semaphore_mem>>) {add = true}
          %dma_wait3A_111 = arith.constant 0 : i32
          %dma_wait3A_112 = arith.constant 0 : i32
          %dma_wait3A_113 = tpu.memref_slice %arg7[%dma_wait3A_111, %dma_wait3A_112] : memref<100096x16xf32, #tpu.memory_space<vmem_shared>> -> memref<100096x16xf32, #tpu.memory_space<vmem_shared>>
          tpu.wait_indirect_dma semaphore(%run_scoped3A : memref<!tpu.dma_semaphore, #tpu.memory_space<semaphore_mem>>) src(%arg9 : memref<800x16xf32, #tpu.memory_space<vmem>>) dst(%dma_wait3A_113 : memref<100096x16xf32, #tpu.memory_space<vmem_shared>>)
          tpu.yield
        }) : () -> ()
        %add3A_101 = arith.constant 2 : i32
        %add3A_102 = arith.addi %add3A_90, %add3A_101 : i32
        %lt3A_103 = arith.constant 250 : i32
        %lt3A_104 = arith.cmpi slt, %add3A_102, %lt3A_103 : i32
        %convert_element_type3A_105 = arith.extui %lt3A_104 : i1 to i32
        %cond3A_106 = arith.constant 0 : i32
        %cond3A_107 = arith.cmpi ne, %convert_element_type3A_105, %cond3A_106 : i32
        scf.if %cond3A_107 {
          %mul3A_108 = arith.constant 800 : i32
          %mul3A_109 = arith.muli %add3A_102, %mul3A_108 : i32
          %add3A_110 = arith.addi %mul3A_13, %mul3A_109 : i32
          %sub3A_111 = arith.constant 1200000 : i32
          %sub3A_112 = arith.subi %add3A_110, %sub3A_111 : i32
          %dma_start3A_113 = arith.constant 0 : i32
          %dma_start3A_114 = tpu.memref_slice %arg3[%sub3A_112, %dma_start3A_113] : memref<2000000x16xf32, #tpu.memory_space<hbm>> -> memref<800x16xf32, #tpu.memory_space<hbm>>
          %dma_start3A_115 = arith.constant 0 : i32
          %dma_start3A_116 = tpu.memref_slice %arg3[%sub3A_112, %dma_start3A_115] : memref<2000000x16xf32, #tpu.memory_space<hbm>> -> memref<800x16xf32, #tpu.memory_space<hbm>>
          tpu.enqueue_dma source(%dma_start3A_116 : memref<800x16xf32, #tpu.memory_space<hbm>>) target(%arg9 : memref<800x16xf32, #tpu.memory_space<vmem>>) target_semaphore(%arg14 : memref<!tpu.dma_semaphore, #tpu.memory_space<semaphore_mem>>)
          %dma_start3A_117 = tpu.memref_slice %arg4[%add3A_110] : memref<3200000xi32, #tpu.memory_space<hbm>> -> memref<800xi32, #tpu.memory_space<hbm>>
          %dma_start3A_118 = tpu.memref_slice %arg4[%add3A_110] : memref<3200000xi32, #tpu.memory_space<hbm>> -> memref<800xi32, #tpu.memory_space<hbm>>
          tpu.enqueue_dma source(%dma_start3A_118 : memref<800xi32, #tpu.memory_space<hbm>>) target(%arg11 : memref<800xi32, #tpu.memory_space<vmem>>) target_semaphore(%arg14 : memref<!tpu.dma_semaphore, #tpu.memory_space<semaphore_mem>>)
        } else {
        }
      }
      %scan3A_67 = arith.constant 125 : i32
    } else {
    }
    %barrier3A_44 = arith.constant 0 : index
    tpu.barrier barrier_id(%barrier3A_44)
    "tpu.region"() ({
      %run_scoped3A = tpu.sem_alloc : memref<!tpu.dma_semaphore, #tpu.memory_space<semaphore_mem>>
      %dma_start3A = arith.constant 0 : i32
      %dma_start3A_45 = tpu.memref_slice %arg6[%arg0, %mul3A_5, %dma_start3A] : memref<2x100096x16xf32, #tpu.memory_space<hbm>> -> memref<1x6256x16xf32, #tpu.memory_space<hbm>>
      %dma_start3A_46 = tpu.memref_squeeze %dma_start3A_45 : memref<1x6256x16xf32, #tpu.memory_space<hbm>> -> memref<6256x16xf32, #tpu.memory_space<hbm>>
      %dma_start3A_47 = arith.constant 0 : i32
      %dma_start3A_48 = tpu.memref_slice %arg7[%mul3A_5, %dma_start3A_47] : memref<100096x16xf32, #tpu.memory_space<vmem_shared>> -> memref<6256x16xf32, #tpu.memory_space<vmem_shared>>
      tpu.enqueue_dma source(%dma_start3A_48 : memref<6256x16xf32, #tpu.memory_space<vmem_shared>>) target(%dma_start3A_46 : memref<6256x16xf32, #tpu.memory_space<hbm>>) target_semaphore(%run_scoped3A : memref<!tpu.dma_semaphore, #tpu.memory_space<semaphore_mem>>)
      %dma_wait3A = arith.constant 0 : i32
      %dma_wait3A_49 = tpu.memref_slice %arg6[%arg0, %mul3A_5, %dma_wait3A] : memref<2x100096x16xf32, #tpu.memory_space<hbm>> -> memref<1x6256x16xf32, #tpu.memory_space<hbm>>
      %dma_wait3A_50 = tpu.memref_squeeze %dma_wait3A_49 : memref<1x6256x16xf32, #tpu.memory_space<hbm>> -> memref<6256x16xf32, #tpu.memory_space<hbm>>
      %dma_wait3A_51 = arith.constant 0 : i32
      %dma_wait3A_52 = tpu.memref_slice %arg7[%mul3A_5, %dma_wait3A_51] : memref<100096x16xf32, #tpu.memory_space<vmem_shared>> -> memref<6256x16xf32, #tpu.memory_space<vmem_shared>>
      tpu.wait_dma2 semaphore(%run_scoped3A : memref<!tpu.dma_semaphore, #tpu.memory_space<semaphore_mem>>) src(%dma_wait3A_52 : memref<6256x16xf32, #tpu.memory_space<vmem_shared>>) dst(%dma_wait3A_50 : memref<6256x16xf32, #tpu.memory_space<hbm>>)
      tpu.yield
    }) : () -> ()
    return
  }
}

#map = affine_map<(d0, d1) -> (0, 0)>
#map1 = affine_map<(d0, d1) -> (0)>
module attributes {stable_mosaic.version = 14 : i64} {
  func.func @tr(%arg0: i32, %arg1: i32, %arg2: memref<16x3200000xf32, #tpu.memory_space<hbm>>, %arg3: memref<32000000xf32, #tpu.memory_space<hbm>>, %arg4: memref<16x128xf32, #tpu.memory_space<vmem>>, %arg5: memref<16x128xf32, #tpu.memory_space<vmem>>, %arg6: memref<2048xf32, #tpu.memory_space<vmem>>, %arg7: memref<2048xf32, #tpu.memory_space<vmem>>, %arg8: memref<!tpu.dma_semaphore, #tpu.memory_space<semaphore_mem>>, %arg9: memref<!tpu.dma_semaphore, #tpu.memory_space<semaphore_mem>>, %arg10: memref<!tpu.dma_semaphore, #tpu.memory_space<semaphore_mem>>, %arg11: memref<!tpu.dma_semaphore, #tpu.memory_space<semaphore_mem>>) attributes {dimension_semantics = [#tpu.dimension_semantics<core_parallel>, #tpu.dimension_semantics<subcore_parallel>], iteration_bounds = array<i64: 2, 16>, scalar_prefetch = 0 : i64, scratch_operands = 8 : i64, tpu.core_type = #tpu.core_type<sc_vector_subcore>, window_params = [{transform_indices = #map}, {transform_indices = #map1}]} {
    %mul3A = arith.constant 2 : i32
    %mul3A_0 = arith.muli %arg1, %mul3A : i32
    %add3A = arith.addi %mul3A_0, %arg0 : i32
    %mul3A_1 = arith.constant 488 : i32
    %mul3A_2 = arith.muli %add3A, %mul3A_1 : i32
    %min3A = arith.constant 9 : i32
    %min3A_3 = arith.minsi %add3A, %min3A : i32
    %add3A_4 = arith.addi %mul3A_2, %min3A_3 : i32
    %lt3A = arith.constant 9 : i32
    %lt3A_5 = arith.cmpi slt, %add3A, %lt3A : i32
    %jit3A = arith.constant 1 : i32
    %jit3A_6 = arith.constant 0 : i32
    %select_n3A = arith.select %lt3A_5, %jit3A, %jit3A_6 : i32
    %add3A_7 = arith.constant 488 : i32
    %add3A_8 = arith.addi %add3A_7, %select_n3A : i32
    %iota3A = tpu.iota {dimensions = array<i32: 0>} : vector<16xi32>
    %mul3A_9 = arith.constant 16 : i32
    %mul3A_10 = vector.broadcast %mul3A_9 : i32 to vector<16xi32>
    %mul3A_11 = arith.muli %iota3A, %mul3A_10 : vector<16xi32>
    %add3A_12 = arith.constant 9375 : i32
    %add3A_13 = arith.addi %add3A_12, %add3A_4 : i32
    %add3A_14 = arith.constant 0 : i32
    %add3A_15 = arith.addi %add3A_13, %add3A_14 : i32
    %mul3A_16 = arith.constant 128 : i32
    %mul3A_17 = arith.muli %add3A_15, %mul3A_16 : i32
    %dma_start3A = arith.constant 0 : i32
    %dma_start3A_18 = tpu.memref_slice %arg2[%dma_start3A, %mul3A_17] : memref<16x3200000xf32, #tpu.memory_space<hbm>> -> memref<16x128xf32, #tpu.memory_space<hbm>>
    %dma_start3A_19 = arith.constant 0 : i32
    %dma_start3A_20 = tpu.memref_slice %arg2[%dma_start3A_19, %mul3A_17] : memref<16x3200000xf32, #tpu.memory_space<hbm>> -> memref<16x128xf32, #tpu.memory_space<hbm>>
    tpu.enqueue_dma source(%dma_start3A_20 : memref<16x128xf32, #tpu.memory_space<hbm>>) target(%arg4 : memref<16x128xf32, #tpu.memory_space<vmem>>) target_semaphore(%arg8 : memref<!tpu.dma_semaphore, #tpu.memory_space<semaphore_mem>>)
    %gt3A = arith.constant 1 : i32
    %gt3A_21 = arith.cmpi sgt, %add3A_8, %gt3A : i32
    %convert_element_type3A = arith.extui %gt3A_21 : i1 to i32
    %cond3A = arith.constant 0 : i32
    %cond3A_22 = arith.cmpi ne, %convert_element_type3A, %cond3A : i32
    scf.if %cond3A_22 {
      %add3A_65 = arith.constant 9375 : i32
      %add3A_66 = arith.addi %add3A_65, %add3A_4 : i32
      %add3A_67 = arith.constant 1 : i32
      %add3A_68 = arith.addi %add3A_66, %add3A_67 : i32
      %mul3A_69 = arith.constant 128 : i32
      %mul3A_70 = arith.muli %add3A_68, %mul3A_69 : i32
      %dma_start3A_71 = arith.constant 0 : i32
      %dma_start3A_72 = tpu.memref_slice %arg2[%dma_start3A_71, %mul3A_70] : memref<16x3200000xf32, #tpu.memory_space<hbm>> -> memref<16x128xf32, #tpu.memory_space<hbm>>
      %dma_start3A_73 = arith.constant 0 : i32
      %dma_start3A_74 = tpu.memref_slice %arg2[%dma_start3A_73, %mul3A_70] : memref<16x3200000xf32, #tpu.memory_space<hbm>> -> memref<16x128xf32, #tpu.memory_space<hbm>>
      tpu.enqueue_dma source(%dma_start3A_74 : memref<16x128xf32, #tpu.memory_space<hbm>>) target(%arg5 : memref<16x128xf32, #tpu.memory_space<vmem>>) target_semaphore(%arg9 : memref<!tpu.dma_semaphore, #tpu.memory_space<semaphore_mem>>)
    } else {
    }
    %while3A = arith.constant 0 : i32
    %while3A_23 = arith.constant 0 : i32
    %while3A_24 = arith.subi %add3A_8, %while3A_23 : i32
    %while3A_25 = arith.addi %while3A_23, %while3A_24 : i32
    %while3A_26 = arith.constant 1 : i32
    %while3A_27 = arith.divsi %while3A_24, %while3A_26 : i32
    %while3A_28 = arith.muli %while3A_27, %while3A_26 : i32
    %while3A_29 = arith.addi %while3A_23, %while3A_28 : i32
    %while3A_30 = arith.constant 1 : i32
    scf.for %while3A_65 = %while3A_23 to %while3A_29 step %while3A_30  : i32 {
      %rem3A_66 = arith.constant 2 : i32
      %rem3A_67 = arith.remsi %while3A_65, %rem3A_66 : i32
      %eq3A_68 = arith.constant 0 : i32
      %eq3A_69 = arith.cmpi eq, %rem3A_67, %eq3A_68 : i32
      %convert_element_type3A_70 = arith.extui %eq3A_69 : i1 to i32
      %cond3A_71 = arith.constant 0 : i32
      %cond3A_72 = arith.cmpi ne, %convert_element_type3A_70, %cond3A_71 : i32
      scf.if %cond3A_72 {
        %dma_wait3A = arith.constant 0 : i32
        %dma_wait3A_78 = arith.constant 0 : i32
        %dma_wait3A_79 = tpu.memref_slice %arg2[%dma_wait3A, %dma_wait3A_78] : memref<16x3200000xf32, #tpu.memory_space<hbm>> -> memref<16x128xf32, #tpu.memory_space<hbm>>
        %dma_wait3A_80 = arith.constant 0 : i32
        %dma_wait3A_81 = arith.constant 0 : i32
        %dma_wait3A_82 = tpu.memref_slice %arg2[%dma_wait3A_80, %dma_wait3A_81] : memref<16x3200000xf32, #tpu.memory_space<hbm>> -> memref<16x128xf32, #tpu.memory_space<hbm>>
        tpu.wait_dma2 semaphore(%arg8 : memref<!tpu.dma_semaphore, #tpu.memory_space<semaphore_mem>>) src(%dma_wait3A_82 : memref<16x128xf32, #tpu.memory_space<hbm>>) dst(%arg4 : memref<16x128xf32, #tpu.memory_space<vmem>>)
        %ge3A = arith.constant 2 : i32
        %ge3A_83 = arith.cmpi sge, %while3A_65, %ge3A : i32
        %convert_element_type3A_84 = arith.extui %ge3A_83 : i1 to i32
        %cond3A_85 = arith.constant 0 : i32
        %cond3A_86 = arith.cmpi ne, %convert_element_type3A_84, %cond3A_85 : i32
        scf.if %cond3A_86 {
          %dma_wait3A_993 = arith.constant 0 : i32
          %dma_wait3A_994 = tpu.memref_slice %arg3[%dma_wait3A_993] : memref<32000000xf32, #tpu.memory_space<hbm>> -> memref<2048xf32, #tpu.memory_space<hbm>>
          %dma_wait3A_995 = arith.constant 0 : i32
          %dma_wait3A_996 = tpu.memref_slice %arg3[%dma_wait3A_995] : memref<32000000xf32, #tpu.memory_space<hbm>> -> memref<2048xf32, #tpu.memory_space<hbm>>
          tpu.wait_dma2 semaphore(%arg10 : memref<!tpu.dma_semaphore, #tpu.memory_space<semaphore_mem>>) src(%arg6 : memref<2048xf32, #tpu.memory_space<vmem>>) dst(%dma_wait3A_996 : memref<2048xf32, #tpu.memory_space<hbm>>)
        } else {
        }
        %get3A = arith.constant 0 : i32
        %get3A_87 = arith.index_cast %get3A : i32 to index
        %get3A_88 = arith.constant 0 : index
        %get3A_89 = tpu.vector_load %arg4[%get3A_87, %get3A_88] {strides = array<i32>} : memref<16x128xf32, #tpu.memory_space<vmem>>, vector<16xf32>,
        %add3A_90 = arith.constant 0 : i32
        %add3A_91 = vector.broadcast %add3A_90 : i32 to vector<16xi32>
        %add3A_92 = arith.addi %mul3A_11, %add3A_91 : vector<16xi32>
        tpu.vector_store_idx %arg6[%add3A_92], %get3A_89 : memref<2048xf32, #tpu.memory_space<vmem>>[vector<16xi32>], vector<16xf32>,
        %get3A_93 = arith.constant 0 : i32
        %get3A_94 = arith.index_cast %get3A_93 : i32 to index
        %get3A_95 = arith.constant 16 : index
        %get3A_96 = tpu.vector_load %arg4[%get3A_94, %get3A_95] {strides = array<i32>} : memref<16x128xf32, #tpu.memory_space<vmem>>, vector<16xf32>,
        %add3A_97 = arith.constant 256 : i32
        %add3A_98 = vector.broadcast %add3A_97 : i32 to vector<16xi32>
        %add3A_99 = arith.addi %mul3A_11, %add3A_98 : vector<16xi32>
        tpu.vector_store_idx %arg6[%add3A_99], %get3A_96 : memref<2048xf32, #tpu.memory_space<vmem>>[vector<16xi32>], vector<16xf32>,
        %get3A_100 = arith.constant 0 : i32
        %get3A_101 = arith.index_cast %get3A_100 : i32 to index
        %get3A_102 = arith.constant 32 : index
        %get3A_103 = tpu.vector_load %arg4[%get3A_101, %get3A_102] {strides = array<i32>} : memref<16x128xf32, #tpu.memory_space<vmem>>, vector<16xf32>,
        %add3A_104 = arith.constant 512 : i32
        %add3A_105 = vector.broadcast %add3A_104 : i32 to vector<16xi32>
        %add3A_106 = arith.addi %mul3A_11, %add3A_105 : vector<16xi32>
        tpu.vector_store_idx %arg6[%add3A_106], %get3A_103 : memref<2048xf32, #tpu.memory_space<vmem>>[vector<16xi32>], vector<16xf32>,
        %get3A_107 = arith.constant 0 : i32
        %get3A_108 = arith.index_cast %get3A_107 : i32 to index
        %get3A_109 = arith.constant 48 : index
        %get3A_110 = tpu.vector_load %arg4[%get3A_108, %get3A_109] {strides = array<i32>} : memref<16x128xf32, #tpu.memory_space<vmem>>, vector<16xf32>,
        %add3A_111 = arith.constant 768 : i32
        %add3A_112 = vector.broadcast %add3A_111 : i32 to vector<16xi32>
        %add3A_113 = arith.addi %mul3A_11, %add3A_112 : vector<16xi32>
        tpu.vector_store_idx %arg6[%add3A_113], %get3A_110 : memref<2048xf32, #tpu.memory_space<vmem>>[vector<16xi32>], vector<16xf32>,
        %get3A_114 = arith.constant 0 : i32
        %get3A_115 = arith.index_cast %get3A_114 : i32 to index
        %get3A_116 = arith.constant 64 : index
        %get3A_117 = tpu.vector_load %arg4[%get3A_115, %get3A_116] {strides = array<i32>} : memref<16x128xf32, #tpu.memory_space<vmem>>, vector<16xf32>,
        %add3A_118 = arith.constant 1024 : i32
        %add3A_119 = vector.broadcast %add3A_118 : i32 to vector<16xi32>
        %add3A_120 = arith.addi %mul3A_11, %add3A_119 : vector<16xi32>
        tpu.vector_store_idx %arg6[%add3A_120], %get3A_117 : memref<2048xf32, #tpu.memory_space<vmem>>[vector<16xi32>], vector<16xf32>,
        %get3A_121 = arith.constant 0 : i32
        %get3A_122 = arith.index_cast %get3A_121 : i32 to index
        %get3A_123 = arith.constant 80 : index
        %get3A_124 = tpu.vector_load %arg4[%get3A_122, %get3A_123] {strides = array<i32>} : memref<16x128xf32, #tpu.memory_space<vmem>>, vector<16xf32>,
        %add3A_125 = arith.constant 1280 : i32
        %add3A_126 = vector.broadcast %add3A_125 : i32 to vector<16xi32>
        %add3A_127 = arith.addi %mul3A_11, %add3A_126 : vector<16xi32>
        tpu.vector_store_idx %arg6[%add3A_127], %get3A_124 : memref<2048xf32, #tpu.memory_space<vmem>>[vector<16xi32>], vector<16xf32>,
        %get3A_128 = arith.constant 0 : i32
        %get3A_129 = arith.index_cast %get3A_128 : i32 to index
        %get3A_130 = arith.constant 96 : index
        %get3A_131 = tpu.vector_load %arg4[%get3A_129, %get3A_130] {strides = array<i32>} : memref<16x128xf32, #tpu.memory_space<vmem>>, vector<16xf32>,
        %add3A_132 = arith.constant 1536 : i32
        %add3A_133 = vector.broadcast %add3A_132 : i32 to vector<16xi32>
        %add3A_134 = arith.addi %mul3A_11, %add3A_133 : vector<16xi32>
        tpu.vector_store_idx %arg6[%add3A_134], %get3A_131 : memref<2048xf32, #tpu.memory_space<vmem>>[vector<16xi32>], vector<16xf32>,
        %get3A_135 = arith.constant 0 : i32
        %get3A_136 = arith.index_cast %get3A_135 : i32 to index
        %get3A_137 = arith.constant 112 : index
        %get3A_138 = tpu.vector_load %arg4[%get3A_136, %get3A_137] {strides = array<i32>} : memref<16x128xf32, #tpu.memory_space<vmem>>, vector<16xf32>,
        %add3A_139 = arith.constant 1792 : i32
        %add3A_140 = vector.broadcast %add3A_139 : i32 to vector<16xi32>
        %add3A_141 = arith.addi %mul3A_11, %add3A_140 : vector<16xi32>
        tpu.vector_store_idx %arg6[%add3A_141], %get3A_138 : memref<2048xf32, #tpu.memory_space<vmem>>[vector<16xi32>], vector<16xf32>,
        %get3A_142 = arith.constant 1 : i32
        %get3A_143 = arith.index_cast %get3A_142 : i32 to index
        %get3A_144 = arith.constant 0 : index
        %get3A_145 = tpu.vector_load %arg4[%get3A_143, %get3A_144] {strides = array<i32>} : memref<16x128xf32, #tpu.memory_space<vmem>>, vector<16xf32>,
        %add3A_146 = arith.constant 1 : i32
        %add3A_147 = vector.broadcast %add3A_146 : i32 to vector<16xi32>
        %add3A_148 = arith.addi %mul3A_11, %add3A_147 : vector<16xi32>
        tpu.vector_store_idx %arg6[%add3A_148], %get3A_145 : memref<2048xf32, #tpu.memory_space<vmem>>[vector<16xi32>], vector<16xf32>,
        %get3A_149 = arith.constant 1 : i32
        %get3A_150 = arith.index_cast %get3A_149 : i32 to index
        %get3A_151 = arith.constant 16 : index
        %get3A_152 = tpu.vector_load %arg4[%get3A_150, %get3A_151] {strides = array<i32>} : memref<16x128xf32, #tpu.memory_space<vmem>>, vector<16xf32>,
        %add3A_153 = arith.constant 257 : i32
        %add3A_154 = vector.broadcast %add3A_153 : i32 to vector<16xi32>
        %add3A_155 = arith.addi %mul3A_11, %add3A_154 : vector<16xi32>
        tpu.vector_store_idx %arg6[%add3A_155], %get3A_152 : memref<2048xf32, #tpu.memory_space<vmem>>[vector<16xi32>], vector<16xf32>,
        %get3A_156 = arith.constant 1 : i32
        %get3A_157 = arith.index_cast %get3A_156 : i32 to index
        %get3A_158 = arith.constant 32 : index
        %get3A_159 = tpu.vector_load %arg4[%get3A_157, %get3A_158] {strides = array<i32>} : memref<16x128xf32, #tpu.memory_space<vmem>>, vector<16xf32>,
        %add3A_160 = arith.constant 513 : i32
        %add3A_161 = vector.broadcast %add3A_160 : i32 to vector<16xi32>
        %add3A_162 = arith.addi %mul3A_11, %add3A_161 : vector<16xi32>
        tpu.vector_store_idx %arg6[%add3A_162], %get3A_159 : memref<2048xf32, #tpu.memory_space<vmem>>[vector<16xi32>], vector<16xf32>,
        %get3A_163 = arith.constant 1 : i32
        %get3A_164 = arith.index_cast %get3A_163 : i32 to index
        %get3A_165 = arith.constant 48 : index
        %get3A_166 = tpu.vector_load %arg4[%get3A_164, %get3A_165] {strides = array<i32>} : memref<16x128xf32, #tpu.memory_space<vmem>>, vector<16xf32>,
        %add3A_167 = arith.constant 769 : i32
        %add3A_168 = vector.broadcast %add3A_167 : i32 to vector<16xi32>
        %add3A_169 = arith.addi %mul3A_11, %add3A_168 : vector<16xi32>
        tpu.vector_store_idx %arg6[%add3A_169], %get3A_166 : memref<2048xf32, #tpu.memory_space<vmem>>[vector<16xi32>], vector<16xf32>,
        %get3A_170 = arith.constant 1 : i32
        %get3A_171 = arith.index_cast %get3A_170 : i32 to index
        %get3A_172 = arith.constant 64 : index
        %get3A_173 = tpu.vector_load %arg4[%get3A_171, %get3A_172] {strides = array<i32>} : memref<16x128xf32, #tpu.memory_space<vmem>>, vector<16xf32>,
        %add3A_174 = arith.constant 1025 : i32
        %add3A_175 = vector.broadcast %add3A_174 : i32 to vector<16xi32>
        %add3A_176 = arith.addi %mul3A_11, %add3A_175 : vector<16xi32>
        tpu.vector_store_idx %arg6[%add3A_176], %get3A_173 : memref<2048xf32, #tpu.memory_space<vmem>>[vector<16xi32>], vector<16xf32>,
        %get3A_177 = arith.constant 1 : i32
        %get3A_178 = arith.index_cast %get3A_177 : i32 to index
        %get3A_179 = arith.constant 80 : index
        %get3A_180 = tpu.vector_load %arg4[%get3A_178, %get3A_179] {strides = array<i32>} : memref<16x128xf32, #tpu.memory_space<vmem>>, vector<16xf32>,
        %add3A_181 = arith.constant 1281 : i32
        %add3A_182 = vector.broadcast %add3A_181 : i32 to vector<16xi32>
        %add3A_183 = arith.addi %mul3A_11, %add3A_182 : vector<16xi32>
        tpu.vector_store_idx %arg6[%add3A_183], %get3A_180 : memref<2048xf32, #tpu.memory_space<vmem>>[vector<16xi32>], vector<16xf32>,
        %get3A_184 = arith.constant 1 : i32
        %get3A_185 = arith.index_cast %get3A_184 : i32 to index
        %get3A_186 = arith.constant 96 : index
        %get3A_187 = tpu.vector_load %arg4[%get3A_185, %get3A_186] {strides = array<i32>} : memref<16x128xf32, #tpu.memory_space<vmem>>, vector<16xf32>,
        %add3A_188 = arith.constant 1537 : i32
        %add3A_189 = vector.broadcast %add3A_188 : i32 to vector<16xi32>
        %add3A_190 = arith.addi %mul3A_11, %add3A_189 : vector<16xi32>
        tpu.vector_store_idx %arg6[%add3A_190], %get3A_187 : memref<2048xf32, #tpu.memory_space<vmem>>[vector<16xi32>], vector<16xf32>,
        %get3A_191 = arith.constant 1 : i32
        %get3A_192 = arith.index_cast %get3A_191 : i32 to index
        %get3A_193 = arith.constant 112 : index
        %get3A_194 = tpu.vector_load %arg4[%get3A_192, %get3A_193] {strides = array<i32>} : memref<16x128xf32, #tpu.memory_space<vmem>>, vector<16xf32>,
        %add3A_195 = arith.constant 1793 : i32
        %add3A_196 = vector.broadcast %add3A_195 : i32 to vector<16xi32>
        %add3A_197 = arith.addi %mul3A_11, %add3A_196 : vector<16xi32>
        tpu.vector_store_idx %arg6[%add3A_197], %get3A_194 : memref<2048xf32, #tpu.memory_space<vmem>>[vector<16xi32>], vector<16xf32>,
        %get3A_198 = arith.constant 2 : i32
        %get3A_199 = arith.index_cast %get3A_198 : i32 to index
        %get3A_200 = arith.constant 0 : index
        %get3A_201 = tpu.vector_load %arg4[%get3A_199, %get3A_200] {strides = array<i32>} : memref<16x128xf32, #tpu.memory_space<vmem>>, vector<16xf32>,
        %add3A_202 = arith.constant 2 : i32
        %add3A_203 = vector.broadcast %add3A_202 : i32 to vector<16xi32>
        %add3A_204 = arith.addi %mul3A_11, %add3A_203 : vector<16xi32>
        tpu.vector_store_idx %arg6[%add3A_204], %get3A_201 : memref<2048xf32, #tpu.memory_space<vmem>>[vector<16xi32>], vector<16xf32>,
        %get3A_205 = arith.constant 2 : i32
        %get3A_206 = arith.index_cast %get3A_205 : i32 to index
        %get3A_207 = arith.constant 16 : index
        %get3A_208 = tpu.vector_load %arg4[%get3A_206, %get3A_207] {strides = array<i32>} : memref<16x128xf32, #tpu.memory_space<vmem>>, vector<16xf32>,
        %add3A_209 = arith.constant 258 : i32
        %add3A_210 = vector.broadcast %add3A_209 : i32 to vector<16xi32>
        %add3A_211 = arith.addi %mul3A_11, %add3A_210 : vector<16xi32>
        tpu.vector_store_idx %arg6[%add3A_211], %get3A_208 : memref<2048xf32, #tpu.memory_space<vmem>>[vector<16xi32>], vector<16xf32>,
        %get3A_212 = arith.constant 2 : i32
        %get3A_213 = arith.index_cast %get3A_212 : i32 to index
        %get3A_214 = arith.constant 32 : index
        %get3A_215 = tpu.vector_load %arg4[%get3A_213, %get3A_214] {strides = array<i32>} : memref<16x128xf32, #tpu.memory_space<vmem>>, vector<16xf32>,
        %add3A_216 = arith.constant 514 : i32
        %add3A_217 = vector.broadcast %add3A_216 : i32 to vector<16xi32>
        %add3A_218 = arith.addi %mul3A_11, %add3A_217 : vector<16xi32>
        tpu.vector_store_idx %arg6[%add3A_218], %get3A_215 : memref<2048xf32, #tpu.memory_space<vmem>>[vector<16xi32>], vector<16xf32>,
        %get3A_219 = arith.constant 2 : i32
        %get3A_220 = arith.index_cast %get3A_219 : i32 to index
        %get3A_221 = arith.constant 48 : index
        %get3A_222 = tpu.vector_load %arg4[%get3A_220, %get3A_221] {strides = array<i32>} : memref<16x128xf32, #tpu.memory_space<vmem>>, vector<16xf32>,
        %add3A_223 = arith.constant 770 : i32
        %add3A_224 = vector.broadcast %add3A_223 : i32 to vector<16xi32>
        %add3A_225 = arith.addi %mul3A_11, %add3A_224 : vector<16xi32>
        tpu.vector_store_idx %arg6[%add3A_225], %get3A_222 : memref<2048xf32, #tpu.memory_space<vmem>>[vector<16xi32>], vector<16xf32>,
        %get3A_226 = arith.constant 2 : i32
        %get3A_227 = arith.index_cast %get3A_226 : i32 to index
        %get3A_228 = arith.constant 64 : index
        %get3A_229 = tpu.vector_load %arg4[%get3A_227, %get3A_228] {strides = array<i32>} : memref<16x128xf32, #tpu.memory_space<vmem>>, vector<16xf32>,
        %add3A_230 = arith.constant 1026 : i32
        %add3A_231 = vector.broadcast %add3A_230 : i32 to vector<16xi32>
        %add3A_232 = arith.addi %mul3A_11, %add3A_231 : vector<16xi32>
        tpu.vector_store_idx %arg6[%add3A_232], %get3A_229 : memref<2048xf32, #tpu.memory_space<vmem>>[vector<16xi32>], vector<16xf32>,
        %get3A_233 = arith.constant 2 : i32
        %get3A_234 = arith.index_cast %get3A_233 : i32 to index
        %get3A_235 = arith.constant 80 : index
        %get3A_236 = tpu.vector_load %arg4[%get3A_234, %get3A_235] {strides = array<i32>} : memref<16x128xf32, #tpu.memory_space<vmem>>, vector<16xf32>,
        %add3A_237 = arith.constant 1282 : i32
        %add3A_238 = vector.broadcast %add3A_237 : i32 to vector<16xi32>
        %add3A_239 = arith.addi %mul3A_11, %add3A_238 : vector<16xi32>
        tpu.vector_store_idx %arg6[%add3A_239], %get3A_236 : memref<2048xf32, #tpu.memory_space<vmem>>[vector<16xi32>], vector<16xf32>,
        %get3A_240 = arith.constant 2 : i32
        %get3A_241 = arith.index_cast %get3A_240 : i32 to index
        %get3A_242 = arith.constant 96 : index
        %get3A_243 = tpu.vector_load %arg4[%get3A_241, %get3A_242] {strides = array<i32>} : memref<16x128xf32, #tpu.memory_space<vmem>>, vector<16xf32>,
        %add3A_244 = arith.constant 1538 : i32
        %add3A_245 = vector.broadcast %add3A_244 : i32 to vector<16xi32>
        %add3A_246 = arith.addi %mul3A_11, %add3A_245 : vector<16xi32>
        tpu.vector_store_idx %arg6[%add3A_246], %get3A_243 : memref<2048xf32, #tpu.memory_space<vmem>>[vector<16xi32>], vector<16xf32>,
        %get3A_247 = arith.constant 2 : i32
        %get3A_248 = arith.index_cast %get3A_247 : i32 to index
        %get3A_249 = arith.constant 112 : index
        %get3A_250 = tpu.vector_load %arg4[%get3A_248, %get3A_249] {strides = array<i32>} : memref<16x128xf32, #tpu.memory_space<vmem>>, vector<16xf32>,
        %add3A_251 = arith.constant 1794 : i32
        %add3A_252 = vector.broadcast %add3A_251 : i32 to vector<16xi32>
        %add3A_253 = arith.addi %mul3A_11, %add3A_252 : vector<16xi32>
        tpu.vector_store_idx %arg6[%add3A_253], %get3A_250 : memref<2048xf32, #tpu.memory_space<vmem>>[vector<16xi32>], vector<16xf32>,
        %get3A_254 = arith.constant 3 : i32
        %get3A_255 = arith.index_cast %get3A_254 : i32 to index
        %get3A_256 = arith.constant 0 : index
        %get3A_257 = tpu.vector_load %arg4[%get3A_255, %get3A_256] {strides = array<i32>} : memref<16x128xf32, #tpu.memory_space<vmem>>, vector<16xf32>,
        %add3A_258 = arith.constant 3 : i32
        %add3A_259 = vector.broadcast %add3A_258 : i32 to vector<16xi32>
        %add3A_260 = arith.addi %mul3A_11, %add3A_259 : vector<16xi32>
        tpu.vector_store_idx %arg6[%add3A_260], %get3A_257 : memref<2048xf32, #tpu.memory_space<vmem>>[vector<16xi32>], vector<16xf32>,
        %get3A_261 = arith.constant 3 : i32
        %get3A_262 = arith.index_cast %get3A_261 : i32 to index
        %get3A_263 = arith.constant 16 : index
        %get3A_264 = tpu.vector_load %arg4[%get3A_262, %get3A_263] {strides = array<i32>} : memref<16x128xf32, #tpu.memory_space<vmem>>, vector<16xf32>,
        %add3A_265 = arith.constant 259 : i32
        %add3A_266 = vector.broadcast %add3A_265 : i32 to vector<16xi32>
        %add3A_267 = arith.addi %mul3A_11, %add3A_266 : vector<16xi32>
        tpu.vector_store_idx %arg6[%add3A_267], %get3A_264 : memref<2048xf32, #tpu.memory_space<vmem>>[vector<16xi32>], vector<16xf32>,
        %get3A_268 = arith.constant 3 : i32
        %get3A_269 = arith.index_cast %get3A_268 : i32 to index
        %get3A_270 = arith.constant 32 : index
        %get3A_271 = tpu.vector_load %arg4[%get3A_269, %get3A_270] {strides = array<i32>} : memref<16x128xf32, #tpu.memory_space<vmem>>, vector<16xf32>,
        %add3A_272 = arith.constant 515 : i32
        %add3A_273 = vector.broadcast %add3A_272 : i32 to vector<16xi32>
        %add3A_274 = arith.addi %mul3A_11, %add3A_273 : vector<16xi32>
        tpu.vector_store_idx %arg6[%add3A_274], %get3A_271 : memref<2048xf32, #tpu.memory_space<vmem>>[vector<16xi32>], vector<16xf32>,
        %get3A_275 = arith.constant 3 : i32
        %get3A_276 = arith.index_cast %get3A_275 : i32 to index
        %get3A_277 = arith.constant 48 : index
        %get3A_278 = tpu.vector_load %arg4[%get3A_276, %get3A_277] {strides = array<i32>} : memref<16x128xf32, #tpu.memory_space<vmem>>, vector<16xf32>,
        %add3A_279 = arith.constant 771 : i32
        %add3A_280 = vector.broadcast %add3A_279 : i32 to vector<16xi32>
        %add3A_281 = arith.addi %mul3A_11, %add3A_280 : vector<16xi32>
        tpu.vector_store_idx %arg6[%add3A_281], %get3A_278 : memref<2048xf32, #tpu.memory_space<vmem>>[vector<16xi32>], vector<16xf32>,
        %get3A_282 = arith.constant 3 : i32
        %get3A_283 = arith.index_cast %get3A_282 : i32 to index
        %get3A_284 = arith.constant 64 : index
        %get3A_285 = tpu.vector_load %arg4[%get3A_283, %get3A_284] {strides = array<i32>} : memref<16x128xf32, #tpu.memory_space<vmem>>, vector<16xf32>,
        %add3A_286 = arith.constant 1027 : i32
        %add3A_287 = vector.broadcast %add3A_286 : i32 to vector<16xi32>
        %add3A_288 = arith.addi %mul3A_11, %add3A_287 : vector<16xi32>
        tpu.vector_store_idx %arg6[%add3A_288], %get3A_285 : memref<2048xf32, #tpu.memory_space<vmem>>[vector<16xi32>], vector<16xf32>,
        %get3A_289 = arith.constant 3 : i32
        %get3A_290 = arith.index_cast %get3A_289 : i32 to index
        %get3A_291 = arith.constant 80 : index
        %get3A_292 = tpu.vector_load %arg4[%get3A_290, %get3A_291] {strides = array<i32>} : memref<16x128xf32, #tpu.memory_space<vmem>>, vector<16xf32>,
        %add3A_293 = arith.constant 1283 : i32
        %add3A_294 = vector.broadcast %add3A_293 : i32 to vector<16xi32>
        %add3A_295 = arith.addi %mul3A_11, %add3A_294 : vector<16xi32>
        tpu.vector_store_idx %arg6[%add3A_295], %get3A_292 : memref<2048xf32, #tpu.memory_space<vmem>>[vector<16xi32>], vector<16xf32>,
        %get3A_296 = arith.constant 3 : i32
        %get3A_297 = arith.index_cast %get3A_296 : i32 to index
        %get3A_298 = arith.constant 96 : index
        %get3A_299 = tpu.vector_load %arg4[%get3A_297, %get3A_298] {strides = array<i32>} : memref<16x128xf32, #tpu.memory_space<vmem>>, vector<16xf32>,
        %add3A_300 = arith.constant 1539 : i32
        %add3A_301 = vector.broadcast %add3A_300 : i32 to vector<16xi32>
        %add3A_302 = arith.addi %mul3A_11, %add3A_301 : vector<16xi32>
        tpu.vector_store_idx %arg6[%add3A_302], %get3A_299 : memref<2048xf32, #tpu.memory_space<vmem>>[vector<16xi32>], vector<16xf32>,
        %get3A_303 = arith.constant 3 : i32
        %get3A_304 = arith.index_cast %get3A_303 : i32 to index
        %get3A_305 = arith.constant 112 : index
        %get3A_306 = tpu.vector_load %arg4[%get3A_304, %get3A_305] {strides = array<i32>} : memref<16x128xf32, #tpu.memory_space<vmem>>, vector<16xf32>,
        %add3A_307 = arith.constant 1795 : i32
        %add3A_308 = vector.broadcast %add3A_307 : i32 to vector<16xi32>
        %add3A_309 = arith.addi %mul3A_11, %add3A_308 : vector<16xi32>
        tpu.vector_store_idx %arg6[%add3A_309], %get3A_306 : memref<2048xf32, #tpu.memory_space<vmem>>[vector<16xi32>], vector<16xf32>,
        %get3A_310 = arith.constant 4 : i32
        %get3A_311 = arith.index_cast %get3A_310 : i32 to index
        %get3A_312 = arith.constant 0 : index
        %get3A_313 = tpu.vector_load %arg4[%get3A_311, %get3A_312] {strides = array<i32>} : memref<16x128xf32, #tpu.memory_space<vmem>>, vector<16xf32>,
        %add3A_314 = arith.constant 4 : i32
        %add3A_315 = vector.broadcast %add3A_314 : i32 to vector<16xi32>
        %add3A_316 = arith.addi %mul3A_11, %add3A_315 : vector<16xi32>
        tpu.vector_store_idx %arg6[%add3A_316], %get3A_313 : memref<2048xf32, #tpu.memory_space<vmem>>[vector<16xi32>], vector<16xf32>,
        %get3A_317 = arith.constant 4 : i32
        %get3A_318 = arith.index_cast %get3A_317 : i32 to index
        %get3A_319 = arith.constant 16 : index
        %get3A_320 = tpu.vector_load %arg4[%get3A_318, %get3A_319] {strides = array<i32>} : memref<16x128xf32, #tpu.memory_space<vmem>>, vector<16xf32>,
        %add3A_321 = arith.constant 260 : i32
        %add3A_322 = vector.broadcast %add3A_321 : i32 to vector<16xi32>
        %add3A_323 = arith.addi %mul3A_11, %add3A_322 : vector<16xi32>
        tpu.vector_store_idx %arg6[%add3A_323], %get3A_320 : memref<2048xf32, #tpu.memory_space<vmem>>[vector<16xi32>], vector<16xf32>,
        %get3A_324 = arith.constant 4 : i32
        %get3A_325 = arith.index_cast %get3A_324 : i32 to index
        %get3A_326 = arith.constant 32 : index
        %get3A_327 = tpu.vector_load %arg4[%get3A_325, %get3A_326] {strides = array<i32>} : memref<16x128xf32, #tpu.memory_space<vmem>>, vector<16xf32>,
        %add3A_328 = arith.constant 516 : i32
        %add3A_329 = vector.broadcast %add3A_328 : i32 to vector<16xi32>
        %add3A_330 = arith.addi %mul3A_11, %add3A_329 : vector<16xi32>
        tpu.vector_store_idx %arg6[%add3A_330], %get3A_327 : memref<2048xf32, #tpu.memory_space<vmem>>[vector<16xi32>], vector<16xf32>,
        %get3A_331 = arith.constant 4 : i32
        %get3A_332 = arith.index_cast %get3A_331 : i32 to index
        %get3A_333 = arith.constant 48 : index
        %get3A_334 = tpu.vector_load %arg4[%get3A_332, %get3A_333] {strides = array<i32>} : memref<16x128xf32, #tpu.memory_space<vmem>>, vector<16xf32>,
        %add3A_335 = arith.constant 772 : i32
        %add3A_336 = vector.broadcast %add3A_335 : i32 to vector<16xi32>
        %add3A_337 = arith.addi %mul3A_11, %add3A_336 : vector<16xi32>
        tpu.vector_store_idx %arg6[%add3A_337], %get3A_334 : memref<2048xf32, #tpu.memory_space<vmem>>[vector<16xi32>], vector<16xf32>,
        %get3A_338 = arith.constant 4 : i32
        %get3A_339 = arith.index_cast %get3A_338 : i32 to index
        %get3A_340 = arith.constant 64 : index
        %get3A_341 = tpu.vector_load %arg4[%get3A_339, %get3A_340] {strides = array<i32>} : memref<16x128xf32, #tpu.memory_space<vmem>>, vector<16xf32>,
        %add3A_342 = arith.constant 1028 : i32
        %add3A_343 = vector.broadcast %add3A_342 : i32 to vector<16xi32>
        %add3A_344 = arith.addi %mul3A_11, %add3A_343 : vector<16xi32>
        tpu.vector_store_idx %arg6[%add3A_344], %get3A_341 : memref<2048xf32, #tpu.memory_space<vmem>>[vector<16xi32>], vector<16xf32>,
        %get3A_345 = arith.constant 4 : i32
        %get3A_346 = arith.index_cast %get3A_345 : i32 to index
        %get3A_347 = arith.constant 80 : index
        %get3A_348 = tpu.vector_load %arg4[%get3A_346, %get3A_347] {strides = array<i32>} : memref<16x128xf32, #tpu.memory_space<vmem>>, vector<16xf32>,
        %add3A_349 = arith.constant 1284 : i32
        %add3A_350 = vector.broadcast %add3A_349 : i32 to vector<16xi32>
        %add3A_351 = arith.addi %mul3A_11, %add3A_350 : vector<16xi32>
        tpu.vector_store_idx %arg6[%add3A_351], %get3A_348 : memref<2048xf32, #tpu.memory_space<vmem>>[vector<16xi32>], vector<16xf32>,
        %get3A_352 = arith.constant 4 : i32
        %get3A_353 = arith.index_cast %get3A_352 : i32 to index
        %get3A_354 = arith.constant 96 : index
        %get3A_355 = tpu.vector_load %arg4[%get3A_353, %get3A_354] {strides = array<i32>} : memref<16x128xf32, #tpu.memory_space<vmem>>, vector<16xf32>,
        %add3A_356 = arith.constant 1540 : i32
        %add3A_357 = vector.broadcast %add3A_356 : i32 to vector<16xi32>
        %add3A_358 = arith.addi %mul3A_11, %add3A_357 : vector<16xi32>
        tpu.vector_store_idx %arg6[%add3A_358], %get3A_355 : memref<2048xf32, #tpu.memory_space<vmem>>[vector<16xi32>], vector<16xf32>,
        %get3A_359 = arith.constant 4 : i32
        %get3A_360 = arith.index_cast %get3A_359 : i32 to index
        %get3A_361 = arith.constant 112 : index
        %get3A_362 = tpu.vector_load %arg4[%get3A_360, %get3A_361] {strides = array<i32>} : memref<16x128xf32, #tpu.memory_space<vmem>>, vector<16xf32>,
        %add3A_363 = arith.constant 1796 : i32
        %add3A_364 = vector.broadcast %add3A_363 : i32 to vector<16xi32>
        %add3A_365 = arith.addi %mul3A_11, %add3A_364 : vector<16xi32>
        tpu.vector_store_idx %arg6[%add3A_365], %get3A_362 : memref<2048xf32, #tpu.memory_space<vmem>>[vector<16xi32>], vector<16xf32>,
        %get3A_366 = arith.constant 5 : i32
        %get3A_367 = arith.index_cast %get3A_366 : i32 to index
        %get3A_368 = arith.constant 0 : index
        %get3A_369 = tpu.vector_load %arg4[%get3A_367, %get3A_368] {strides = array<i32>} : memref<16x128xf32, #tpu.memory_space<vmem>>, vector<16xf32>,
        %add3A_370 = arith.constant 5 : i32
        %add3A_371 = vector.broadcast %add3A_370 : i32 to vector<16xi32>
        %add3A_372 = arith.addi %mul3A_11, %add3A_371 : vector<16xi32>
        tpu.vector_store_idx %arg6[%add3A_372], %get3A_369 : memref<2048xf32, #tpu.memory_space<vmem>>[vector<16xi32>], vector<16xf32>,
        %get3A_373 = arith.constant 5 : i32
        %get3A_374 = arith.index_cast %get3A_373 : i32 to index
        %get3A_375 = arith.constant 16 : index
        %get3A_376 = tpu.vector_load %arg4[%get3A_374, %get3A_375] {strides = array<i32>} : memref<16x128xf32, #tpu.memory_space<vmem>>, vector<16xf32>,
        %add3A_377 = arith.constant 261 : i32
        %add3A_378 = vector.broadcast %add3A_377 : i32 to vector<16xi32>
        %add3A_379 = arith.addi %mul3A_11, %add3A_378 : vector<16xi32>
        tpu.vector_store_idx %arg6[%add3A_379], %get3A_376 : memref<2048xf32, #tpu.memory_space<vmem>>[vector<16xi32>], vector<16xf32>,
        %get3A_380 = arith.constant 5 : i32
        %get3A_381 = arith.index_cast %get3A_380 : i32 to index
        %get3A_382 = arith.constant 32 : index
        %get3A_383 = tpu.vector_load %arg4[%get3A_381, %get3A_382] {strides = array<i32>} : memref<16x128xf32, #tpu.memory_space<vmem>>, vector<16xf32>,
        %add3A_384 = arith.constant 517 : i32
        %add3A_385 = vector.broadcast %add3A_384 : i32 to vector<16xi32>
        %add3A_386 = arith.addi %mul3A_11, %add3A_385 : vector<16xi32>
        tpu.vector_store_idx %arg6[%add3A_386], %get3A_383 : memref<2048xf32, #tpu.memory_space<vmem>>[vector<16xi32>], vector<16xf32>,
        %get3A_387 = arith.constant 5 : i32
        %get3A_388 = arith.index_cast %get3A_387 : i32 to index
        %get3A_389 = arith.constant 48 : index
        %get3A_390 = tpu.vector_load %arg4[%get3A_388, %get3A_389] {strides = array<i32>} : memref<16x128xf32, #tpu.memory_space<vmem>>, vector<16xf32>,
        %add3A_391 = arith.constant 773 : i32
        %add3A_392 = vector.broadcast %add3A_391 : i32 to vector<16xi32>
        %add3A_393 = arith.addi %mul3A_11, %add3A_392 : vector<16xi32>
        tpu.vector_store_idx %arg6[%add3A_393], %get3A_390 : memref<2048xf32, #tpu.memory_space<vmem>>[vector<16xi32>], vector<16xf32>,
        %get3A_394 = arith.constant 5 : i32
        %get3A_395 = arith.index_cast %get3A_394 : i32 to index
        %get3A_396 = arith.constant 64 : index
        %get3A_397 = tpu.vector_load %arg4[%get3A_395, %get3A_396] {strides = array<i32>} : memref<16x128xf32, #tpu.memory_space<vmem>>, vector<16xf32>,
        %add3A_398 = arith.constant 1029 : i32
        %add3A_399 = vector.broadcast %add3A_398 : i32 to vector<16xi32>
        %add3A_400 = arith.addi %mul3A_11, %add3A_399 : vector<16xi32>
        tpu.vector_store_idx %arg6[%add3A_400], %get3A_397 : memref<2048xf32, #tpu.memory_space<vmem>>[vector<16xi32>], vector<16xf32>,
        %get3A_401 = arith.constant 5 : i32
        %get3A_402 = arith.index_cast %get3A_401 : i32 to index
        %get3A_403 = arith.constant 80 : index
        %get3A_404 = tpu.vector_load %arg4[%get3A_402, %get3A_403] {strides = array<i32>} : memref<16x128xf32, #tpu.memory_space<vmem>>, vector<16xf32>,
        %add3A_405 = arith.constant 1285 : i32
        %add3A_406 = vector.broadcast %add3A_405 : i32 to vector<16xi32>
        %add3A_407 = arith.addi %mul3A_11, %add3A_406 : vector<16xi32>
        tpu.vector_store_idx %arg6[%add3A_407], %get3A_404 : memref<2048xf32, #tpu.memory_space<vmem>>[vector<16xi32>], vector<16xf32>,
        %get3A_408 = arith.constant 5 : i32
        %get3A_409 = arith.index_cast %get3A_408 : i32 to index
        %get3A_410 = arith.constant 96 : index
        %get3A_411 = tpu.vector_load %arg4[%get3A_409, %get3A_410] {strides = array<i32>} : memref<16x128xf32, #tpu.memory_space<vmem>>, vector<16xf32>,
        %add3A_412 = arith.constant 1541 : i32
        %add3A_413 = vector.broadcast %add3A_412 : i32 to vector<16xi32>
        %add3A_414 = arith.addi %mul3A_11, %add3A_413 : vector<16xi32>
        tpu.vector_store_idx %arg6[%add3A_414], %get3A_411 : memref<2048xf32, #tpu.memory_space<vmem>>[vector<16xi32>], vector<16xf32>,
        %get3A_415 = arith.constant 5 : i32
        %get3A_416 = arith.index_cast %get3A_415 : i32 to index
        %get3A_417 = arith.constant 112 : index
        %get3A_418 = tpu.vector_load %arg4[%get3A_416, %get3A_417] {strides = array<i32>} : memref<16x128xf32, #tpu.memory_space<vmem>>, vector<16xf32>,
        %add3A_419 = arith.constant 1797 : i32
        %add3A_420 = vector.broadcast %add3A_419 : i32 to vector<16xi32>
        %add3A_421 = arith.addi %mul3A_11, %add3A_420 : vector<16xi32>
        tpu.vector_store_idx %arg6[%add3A_421], %get3A_418 : memref<2048xf32, #tpu.memory_space<vmem>>[vector<16xi32>], vector<16xf32>,
        %get3A_422 = arith.constant 6 : i32
        %get3A_423 = arith.index_cast %get3A_422 : i32 to index
        %get3A_424 = arith.constant 0 : index
        %get3A_425 = tpu.vector_load %arg4[%get3A_423, %get3A_424] {strides = array<i32>} : memref<16x128xf32, #tpu.memory_space<vmem>>, vector<16xf32>,
        %add3A_426 = arith.constant 6 : i32
        %add3A_427 = vector.broadcast %add3A_426 : i32 to vector<16xi32>
        %add3A_428 = arith.addi %mul3A_11, %add3A_427 : vector<16xi32>
        tpu.vector_store_idx %arg6[%add3A_428], %get3A_425 : memref<2048xf32, #tpu.memory_space<vmem>>[vector<16xi32>], vector<16xf32>,
        %get3A_429 = arith.constant 6 : i32
        %get3A_430 = arith.index_cast %get3A_429 : i32 to index
        %get3A_431 = arith.constant 16 : index
        %get3A_432 = tpu.vector_load %arg4[%get3A_430, %get3A_431] {strides = array<i32>} : memref<16x128xf32, #tpu.memory_space<vmem>>, vector<16xf32>,
        %add3A_433 = arith.constant 262 : i32
        %add3A_434 = vector.broadcast %add3A_433 : i32 to vector<16xi32>
        %add3A_435 = arith.addi %mul3A_11, %add3A_434 : vector<16xi32>
        tpu.vector_store_idx %arg6[%add3A_435], %get3A_432 : memref<2048xf32, #tpu.memory_space<vmem>>[vector<16xi32>], vector<16xf32>,
        %get3A_436 = arith.constant 6 : i32
        %get3A_437 = arith.index_cast %get3A_436 : i32 to index
        %get3A_438 = arith.constant 32 : index
        %get3A_439 = tpu.vector_load %arg4[%get3A_437, %get3A_438] {strides = array<i32>} : memref<16x128xf32, #tpu.memory_space<vmem>>, vector<16xf32>,
        %add3A_440 = arith.constant 518 : i32
        %add3A_441 = vector.broadcast %add3A_440 : i32 to vector<16xi32>
        %add3A_442 = arith.addi %mul3A_11, %add3A_441 : vector<16xi32>
        tpu.vector_store_idx %arg6[%add3A_442], %get3A_439 : memref<2048xf32, #tpu.memory_space<vmem>>[vector<16xi32>], vector<16xf32>,
        %get3A_443 = arith.constant 6 : i32
        %get3A_444 = arith.index_cast %get3A_443 : i32 to index
        %get3A_445 = arith.constant 48 : index
        %get3A_446 = tpu.vector_load %arg4[%get3A_444, %get3A_445] {strides = array<i32>} : memref<16x128xf32, #tpu.memory_space<vmem>>, vector<16xf32>,
        %add3A_447 = arith.constant 774 : i32
        %add3A_448 = vector.broadcast %add3A_447 : i32 to vector<16xi32>
        %add3A_449 = arith.addi %mul3A_11, %add3A_448 : vector<16xi32>
        tpu.vector_store_idx %arg6[%add3A_449], %get3A_446 : memref<2048xf32, #tpu.memory_space<vmem>>[vector<16xi32>], vector<16xf32>,
        %get3A_450 = arith.constant 6 : i32
        %get3A_451 = arith.index_cast %get3A_450 : i32 to index
        %get3A_452 = arith.constant 64 : index
        %get3A_453 = tpu.vector_load %arg4[%get3A_451, %get3A_452] {strides = array<i32>} : memref<16x128xf32, #tpu.memory_space<vmem>>, vector<16xf32>,
        %add3A_454 = arith.constant 1030 : i32
        %add3A_455 = vector.broadcast %add3A_454 : i32 to vector<16xi32>
        %add3A_456 = arith.addi %mul3A_11, %add3A_455 : vector<16xi32>
        tpu.vector_store_idx %arg6[%add3A_456], %get3A_453 : memref<2048xf32, #tpu.memory_space<vmem>>[vector<16xi32>], vector<16xf32>,
        %get3A_457 = arith.constant 6 : i32
        %get3A_458 = arith.index_cast %get3A_457 : i32 to index
        %get3A_459 = arith.constant 80 : index
        %get3A_460 = tpu.vector_load %arg4[%get3A_458, %get3A_459] {strides = array<i32>} : memref<16x128xf32, #tpu.memory_space<vmem>>, vector<16xf32>,
        %add3A_461 = arith.constant 1286 : i32
        %add3A_462 = vector.broadcast %add3A_461 : i32 to vector<16xi32>
        %add3A_463 = arith.addi %mul3A_11, %add3A_462 : vector<16xi32>
        tpu.vector_store_idx %arg6[%add3A_463], %get3A_460 : memref<2048xf32, #tpu.memory_space<vmem>>[vector<16xi32>], vector<16xf32>,
        %get3A_464 = arith.constant 6 : i32
        %get3A_465 = arith.index_cast %get3A_464 : i32 to index
        %get3A_466 = arith.constant 96 : index
        %get3A_467 = tpu.vector_load %arg4[%get3A_465, %get3A_466] {strides = array<i32>} : memref<16x128xf32, #tpu.memory_space<vmem>>, vector<16xf32>,
        %add3A_468 = arith.constant 1542 : i32
        %add3A_469 = vector.broadcast %add3A_468 : i32 to vector<16xi32>
        %add3A_470 = arith.addi %mul3A_11, %add3A_469 : vector<16xi32>
        tpu.vector_store_idx %arg6[%add3A_470], %get3A_467 : memref<2048xf32, #tpu.memory_space<vmem>>[vector<16xi32>], vector<16xf32>,
        %get3A_471 = arith.constant 6 : i32
        %get3A_472 = arith.index_cast %get3A_471 : i32 to index
        %get3A_473 = arith.constant 112 : index
        %get3A_474 = tpu.vector_load %arg4[%get3A_472, %get3A_473] {strides = array<i32>} : memref<16x128xf32, #tpu.memory_space<vmem>>, vector<16xf32>,
        %add3A_475 = arith.constant 1798 : i32
        %add3A_476 = vector.broadcast %add3A_475 : i32 to vector<16xi32>
        %add3A_477 = arith.addi %mul3A_11, %add3A_476 : vector<16xi32>
        tpu.vector_store_idx %arg6[%add3A_477], %get3A_474 : memref<2048xf32, #tpu.memory_space<vmem>>[vector<16xi32>], vector<16xf32>,
        %get3A_478 = arith.constant 7 : i32
        %get3A_479 = arith.index_cast %get3A_478 : i32 to index
        %get3A_480 = arith.constant 0 : index
        %get3A_481 = tpu.vector_load %arg4[%get3A_479, %get3A_480] {strides = array<i32>} : memref<16x128xf32, #tpu.memory_space<vmem>>, vector<16xf32>,
        %add3A_482 = arith.constant 7 : i32
        %add3A_483 = vector.broadcast %add3A_482 : i32 to vector<16xi32>
        %add3A_484 = arith.addi %mul3A_11, %add3A_483 : vector<16xi32>
        tpu.vector_store_idx %arg6[%add3A_484], %get3A_481 : memref<2048xf32, #tpu.memory_space<vmem>>[vector<16xi32>], vector<16xf32>,
        %get3A_485 = arith.constant 7 : i32
        %get3A_486 = arith.index_cast %get3A_485 : i32 to index
        %get3A_487 = arith.constant 16 : index
        %get3A_488 = tpu.vector_load %arg4[%get3A_486, %get3A_487] {strides = array<i32>} : memref<16x128xf32, #tpu.memory_space<vmem>>, vector<16xf32>,
        %add3A_489 = arith.constant 263 : i32
        %add3A_490 = vector.broadcast %add3A_489 : i32 to vector<16xi32>
        %add3A_491 = arith.addi %mul3A_11, %add3A_490 : vector<16xi32>
        tpu.vector_store_idx %arg6[%add3A_491], %get3A_488 : memref<2048xf32, #tpu.memory_space<vmem>>[vector<16xi32>], vector<16xf32>,
        %get3A_492 = arith.constant 7 : i32
        %get3A_493 = arith.index_cast %get3A_492 : i32 to index
        %get3A_494 = arith.constant 32 : index
        %get3A_495 = tpu.vector_load %arg4[%get3A_493, %get3A_494] {strides = array<i32>} : memref<16x128xf32, #tpu.memory_space<vmem>>, vector<16xf32>,
        %add3A_496 = arith.constant 519 : i32
        %add3A_497 = vector.broadcast %add3A_496 : i32 to vector<16xi32>
        %add3A_498 = arith.addi %mul3A_11, %add3A_497 : vector<16xi32>
        tpu.vector_store_idx %arg6[%add3A_498], %get3A_495 : memref<2048xf32, #tpu.memory_space<vmem>>[vector<16xi32>], vector<16xf32>,
        %get3A_499 = arith.constant 7 : i32
        %get3A_500 = arith.index_cast %get3A_499 : i32 to index
        %get3A_501 = arith.constant 48 : index
        %get3A_502 = tpu.vector_load %arg4[%get3A_500, %get3A_501] {strides = array<i32>} : memref<16x128xf32, #tpu.memory_space<vmem>>, vector<16xf32>,
        %add3A_503 = arith.constant 775 : i32
        %add3A_504 = vector.broadcast %add3A_503 : i32 to vector<16xi32>
        %add3A_505 = arith.addi %mul3A_11, %add3A_504 : vector<16xi32>
        tpu.vector_store_idx %arg6[%add3A_505], %get3A_502 : memref<2048xf32, #tpu.memory_space<vmem>>[vector<16xi32>], vector<16xf32>,
        %get3A_506 = arith.constant 7 : i32
        %get3A_507 = arith.index_cast %get3A_506 : i32 to index
        %get3A_508 = arith.constant 64 : index
        %get3A_509 = tpu.vector_load %arg4[%get3A_507, %get3A_508] {strides = array<i32>} : memref<16x128xf32, #tpu.memory_space<vmem>>, vector<16xf32>,
        %add3A_510 = arith.constant 1031 : i32
        %add3A_511 = vector.broadcast %add3A_510 : i32 to vector<16xi32>
        %add3A_512 = arith.addi %mul3A_11, %add3A_511 : vector<16xi32>
        tpu.vector_store_idx %arg6[%add3A_512], %get3A_509 : memref<2048xf32, #tpu.memory_space<vmem>>[vector<16xi32>], vector<16xf32>,
        %get3A_513 = arith.constant 7 : i32
        %get3A_514 = arith.index_cast %get3A_513 : i32 to index
        %get3A_515 = arith.constant 80 : index
        %get3A_516 = tpu.vector_load %arg4[%get3A_514, %get3A_515] {strides = array<i32>} : memref<16x128xf32, #tpu.memory_space<vmem>>, vector<16xf32>,
        %add3A_517 = arith.constant 1287 : i32
        %add3A_518 = vector.broadcast %add3A_517 : i32 to vector<16xi32>
        %add3A_519 = arith.addi %mul3A_11, %add3A_518 : vector<16xi32>
        tpu.vector_store_idx %arg6[%add3A_519], %get3A_516 : memref<2048xf32, #tpu.memory_space<vmem>>[vector<16xi32>], vector<16xf32>,
        %get3A_520 = arith.constant 7 : i32
        %get3A_521 = arith.index_cast %get3A_520 : i32 to index
        %get3A_522 = arith.constant 96 : index
        %get3A_523 = tpu.vector_load %arg4[%get3A_521, %get3A_522] {strides = array<i32>} : memref<16x128xf32, #tpu.memory_space<vmem>>, vector<16xf32>,
        %add3A_524 = arith.constant 1543 : i32
        %add3A_525 = vector.broadcast %add3A_524 : i32 to vector<16xi32>
        %add3A_526 = arith.addi %mul3A_11, %add3A_525 : vector<16xi32>
        tpu.vector_store_idx %arg6[%add3A_526], %get3A_523 : memref<2048xf32, #tpu.memory_space<vmem>>[vector<16xi32>], vector<16xf32>,
        %get3A_527 = arith.constant 7 : i32
        %get3A_528 = arith.index_cast %get3A_527 : i32 to index
        %get3A_529 = arith.constant 112 : index
        %get3A_530 = tpu.vector_load %arg4[%get3A_528, %get3A_529] {strides = array<i32>} : memref<16x128xf32, #tpu.memory_space<vmem>>, vector<16xf32>,
        %add3A_531 = arith.constant 1799 : i32
        %add3A_532 = vector.broadcast %add3A_531 : i32 to vector<16xi32>
        %add3A_533 = arith.addi %mul3A_11, %add3A_532 : vector<16xi32>
        tpu.vector_store_idx %arg6[%add3A_533], %get3A_530 : memref<2048xf32, #tpu.memory_space<vmem>>[vector<16xi32>], vector<16xf32>,
        %get3A_534 = arith.constant 8 : i32
        %get3A_535 = arith.index_cast %get3A_534 : i32 to index
        %get3A_536 = arith.constant 0 : index
        %get3A_537 = tpu.vector_load %arg4[%get3A_535, %get3A_536] {strides = array<i32>} : memref<16x128xf32, #tpu.memory_space<vmem>>, vector<16xf32>,
        %add3A_538 = arith.constant 8 : i32
        %add3A_539 = vector.broadcast %add3A_538 : i32 to vector<16xi32>
        %add3A_540 = arith.addi %mul3A_11, %add3A_539 : vector<16xi32>
        tpu.vector_store_idx %arg6[%add3A_540], %get3A_537 : memref<2048xf32, #tpu.memory_space<vmem>>[vector<16xi32>], vector<16xf32>,
        %get3A_541 = arith.constant 8 : i32
        %get3A_542 = arith.index_cast %get3A_541 : i32 to index
        %get3A_543 = arith.constant 16 : index
        %get3A_544 = tpu.vector_load %arg4[%get3A_542, %get3A_543] {strides = array<i32>} : memref<16x128xf32, #tpu.memory_space<vmem>>, vector<16xf32>,
        %add3A_545 = arith.constant 264 : i32
        %add3A_546 = vector.broadcast %add3A_545 : i32 to vector<16xi32>
        %add3A_547 = arith.addi %mul3A_11, %add3A_546 : vector<16xi32>
        tpu.vector_store_idx %arg6[%add3A_547], %get3A_544 : memref<2048xf32, #tpu.memory_space<vmem>>[vector<16xi32>], vector<16xf32>,
        %get3A_548 = arith.constant 8 : i32
        %get3A_549 = arith.index_cast %get3A_548 : i32 to index
        %get3A_550 = arith.constant 32 : index
        %get3A_551 = tpu.vector_load %arg4[%get3A_549, %get3A_550] {strides = array<i32>} : memref<16x128xf32, #tpu.memory_space<vmem>>, vector<16xf32>,
        %add3A_552 = arith.constant 520 : i32
        %add3A_553 = vector.broadcast %add3A_552 : i32 to vector<16xi32>
        %add3A_554 = arith.addi %mul3A_11, %add3A_553 : vector<16xi32>
        tpu.vector_store_idx %arg6[%add3A_554], %get3A_551 : memref<2048xf32, #tpu.memory_space<vmem>>[vector<16xi32>], vector<16xf32>,
        %get3A_555 = arith.constant 8 : i32
        %get3A_556 = arith.index_cast %get3A_555 : i32 to index
        %get3A_557 = arith.constant 48 : index
        %get3A_558 = tpu.vector_load %arg4[%get3A_556, %get3A_557] {strides = array<i32>} : memref<16x128xf32, #tpu.memory_space<vmem>>, vector<16xf32>,
        %add3A_559 = arith.constant 776 : i32
        %add3A_560 = vector.broadcast %add3A_559 : i32 to vector<16xi32>
        %add3A_561 = arith.addi %mul3A_11, %add3A_560 : vector<16xi32>
        tpu.vector_store_idx %arg6[%add3A_561], %get3A_558 : memref<2048xf32, #tpu.memory_space<vmem>>[vector<16xi32>], vector<16xf32>,
        %get3A_562 = arith.constant 8 : i32
        %get3A_563 = arith.index_cast %get3A_562 : i32 to index
        %get3A_564 = arith.constant 64 : index
        %get3A_565 = tpu.vector_load %arg4[%get3A_563, %get3A_564] {strides = array<i32>} : memref<16x128xf32, #tpu.memory_space<vmem>>, vector<16xf32>,
        %add3A_566 = arith.constant 1032 : i32
        %add3A_567 = vector.broadcast %add3A_566 : i32 to vector<16xi32>
        %add3A_568 = arith.addi %mul3A_11, %add3A_567 : vector<16xi32>
        tpu.vector_store_idx %arg6[%add3A_568], %get3A_565 : memref<2048xf32, #tpu.memory_space<vmem>>[vector<16xi32>], vector<16xf32>,
        %get3A_569 = arith.constant 8 : i32
        %get3A_570 = arith.index_cast %get3A_569 : i32 to index
        %get3A_571 = arith.constant 80 : index
        %get3A_572 = tpu.vector_load %arg4[%get3A_570, %get3A_571] {strides = array<i32>} : memref<16x128xf32, #tpu.memory_space<vmem>>, vector<16xf32>,
        %add3A_573 = arith.constant 1288 : i32
        %add3A_574 = vector.broadcast %add3A_573 : i32 to vector<16xi32>
        %add3A_575 = arith.addi %mul3A_11, %add3A_574 : vector<16xi32>
        tpu.vector_store_idx %arg6[%add3A_575], %get3A_572 : memref<2048xf32, #tpu.memory_space<vmem>>[vector<16xi32>], vector<16xf32>,
        %get3A_576 = arith.constant 8 : i32
        %get3A_577 = arith.index_cast %get3A_576 : i32 to index
        %get3A_578 = arith.constant 96 : index
        %get3A_579 = tpu.vector_load %arg4[%get3A_577, %get3A_578] {strides = array<i32>} : memref<16x128xf32, #tpu.memory_space<vmem>>, vector<16xf32>,
        %add3A_580 = arith.constant 1544 : i32
        %add3A_581 = vector.broadcast %add3A_580 : i32 to vector<16xi32>
        %add3A_582 = arith.addi %mul3A_11, %add3A_581 : vector<16xi32>
        tpu.vector_store_idx %arg6[%add3A_582], %get3A_579 : memref<2048xf32, #tpu.memory_space<vmem>>[vector<16xi32>], vector<16xf32>,
        %get3A_583 = arith.constant 8 : i32
        %get3A_584 = arith.index_cast %get3A_583 : i32 to index
        %get3A_585 = arith.constant 112 : index
        %get3A_586 = tpu.vector_load %arg4[%get3A_584, %get3A_585] {strides = array<i32>} : memref<16x128xf32, #tpu.memory_space<vmem>>, vector<16xf32>,
        %add3A_587 = arith.constant 1800 : i32
        %add3A_588 = vector.broadcast %add3A_587 : i32 to vector<16xi32>
        %add3A_589 = arith.addi %mul3A_11, %add3A_588 : vector<16xi32>
        tpu.vector_store_idx %arg6[%add3A_589], %get3A_586 : memref<2048xf32, #tpu.memory_space<vmem>>[vector<16xi32>], vector<16xf32>,
        %get3A_590 = arith.constant 9 : i32
        %get3A_591 = arith.index_cast %get3A_590 : i32 to index
        %get3A_592 = arith.constant 0 : index
        %get3A_593 = tpu.vector_load %arg4[%get3A_591, %get3A_592] {strides = array<i32>} : memref<16x128xf32, #tpu.memory_space<vmem>>, vector<16xf32>,
        %add3A_594 = arith.constant 9 : i32
        %add3A_595 = vector.broadcast %add3A_594 : i32 to vector<16xi32>
        %add3A_596 = arith.addi %mul3A_11, %add3A_595 : vector<16xi32>
        tpu.vector_store_idx %arg6[%add3A_596], %get3A_593 : memref<2048xf32, #tpu.memory_space<vmem>>[vector<16xi32>], vector<16xf32>,
        %get3A_597 = arith.constant 9 : i32
        %get3A_598 = arith.index_cast %get3A_597 : i32 to index
        %get3A_599 = arith.constant 16 : index
        %get3A_600 = tpu.vector_load %arg4[%get3A_598, %get3A_599] {strides = array<i32>} : memref<16x128xf32, #tpu.memory_space<vmem>>, vector<16xf32>,
        %add3A_601 = arith.constant 265 : i32
        %add3A_602 = vector.broadcast %add3A_601 : i32 to vector<16xi32>
        %add3A_603 = arith.addi %mul3A_11, %add3A_602 : vector<16xi32>
        tpu.vector_store_idx %arg6[%add3A_603], %get3A_600 : memref<2048xf32, #tpu.memory_space<vmem>>[vector<16xi32>], vector<16xf32>,
        %get3A_604 = arith.constant 9 : i32
        %get3A_605 = arith.index_cast %get3A_604 : i32 to index
        %get3A_606 = arith.constant 32 : index
        %get3A_607 = tpu.vector_load %arg4[%get3A_605, %get3A_606] {strides = array<i32>} : memref<16x128xf32, #tpu.memory_space<vmem>>, vector<16xf32>,
        %add3A_608 = arith.constant 521 : i32
        %add3A_609 = vector.broadcast %add3A_608 : i32 to vector<16xi32>
        %add3A_610 = arith.addi %mul3A_11, %add3A_609 : vector<16xi32>
        tpu.vector_store_idx %arg6[%add3A_610], %get3A_607 : memref<2048xf32, #tpu.memory_space<vmem>>[vector<16xi32>], vector<16xf32>,
        %get3A_611 = arith.constant 9 : i32
        %get3A_612 = arith.index_cast %get3A_611 : i32 to index
        %get3A_613 = arith.constant 48 : index
        %get3A_614 = tpu.vector_load %arg4[%get3A_612, %get3A_613] {strides = array<i32>} : memref<16x128xf32, #tpu.memory_space<vmem>>, vector<16xf32>,
        %add3A_615 = arith.constant 777 : i32
        %add3A_616 = vector.broadcast %add3A_615 : i32 to vector<16xi32>
        %add3A_617 = arith.addi %mul3A_11, %add3A_616 : vector<16xi32>
        tpu.vector_store_idx %arg6[%add3A_617], %get3A_614 : memref<2048xf32, #tpu.memory_space<vmem>>[vector<16xi32>], vector<16xf32>,
        %get3A_618 = arith.constant 9 : i32
        %get3A_619 = arith.index_cast %get3A_618 : i32 to index
        %get3A_620 = arith.constant 64 : index
        %get3A_621 = tpu.vector_load %arg4[%get3A_619, %get3A_620] {strides = array<i32>} : memref<16x128xf32, #tpu.memory_space<vmem>>, vector<16xf32>,
        %add3A_622 = arith.constant 1033 : i32
        %add3A_623 = vector.broadcast %add3A_622 : i32 to vector<16xi32>
        %add3A_624 = arith.addi %mul3A_11, %add3A_623 : vector<16xi32>
        tpu.vector_store_idx %arg6[%add3A_624], %get3A_621 : memref<2048xf32, #tpu.memory_space<vmem>>[vector<16xi32>], vector<16xf32>,
        %get3A_625 = arith.constant 9 : i32
        %get3A_626 = arith.index_cast %get3A_625 : i32 to index
        %get3A_627 = arith.constant 80 : index
        %get3A_628 = tpu.vector_load %arg4[%get3A_626, %get3A_627] {strides = array<i32>} : memref<16x128xf32, #tpu.memory_space<vmem>>, vector<16xf32>,
        %add3A_629 = arith.constant 1289 : i32
        %add3A_630 = vector.broadcast %add3A_629 : i32 to vector<16xi32>
        %add3A_631 = arith.addi %mul3A_11, %add3A_630 : vector<16xi32>
        tpu.vector_store_idx %arg6[%add3A_631], %get3A_628 : memref<2048xf32, #tpu.memory_space<vmem>>[vector<16xi32>], vector<16xf32>,
        %get3A_632 = arith.constant 9 : i32
        %get3A_633 = arith.index_cast %get3A_632 : i32 to index
        %get3A_634 = arith.constant 96 : index
        %get3A_635 = tpu.vector_load %arg4[%get3A_633, %get3A_634] {strides = array<i32>} : memref<16x128xf32, #tpu.memory_space<vmem>>, vector<16xf32>,
        %add3A_636 = arith.constant 1545 : i32
        %add3A_637 = vector.broadcast %add3A_636 : i32 to vector<16xi32>
        %add3A_638 = arith.addi %mul3A_11, %add3A_637 : vector<16xi32>
        tpu.vector_store_idx %arg6[%add3A_638], %get3A_635 : memref<2048xf32, #tpu.memory_space<vmem>>[vector<16xi32>], vector<16xf32>,
        %get3A_639 = arith.constant 9 : i32
        %get3A_640 = arith.index_cast %get3A_639 : i32 to index
        %get3A_641 = arith.constant 112 : index
        %get3A_642 = tpu.vector_load %arg4[%get3A_640, %get3A_641] {strides = array<i32>} : memref<16x128xf32, #tpu.memory_space<vmem>>, vector<16xf32>,
        %add3A_643 = arith.constant 1801 : i32
        %add3A_644 = vector.broadcast %add3A_643 : i32 to vector<16xi32>
        %add3A_645 = arith.addi %mul3A_11, %add3A_644 : vector<16xi32>
        tpu.vector_store_idx %arg6[%add3A_645], %get3A_642 : memref<2048xf32, #tpu.memory_space<vmem>>[vector<16xi32>], vector<16xf32>,
        %get3A_646 = arith.constant 10 : i32
        %get3A_647 = arith.index_cast %get3A_646 : i32 to index
        %get3A_648 = arith.constant 0 : index
        %get3A_649 = tpu.vector_load %arg4[%get3A_647, %get3A_648] {strides = array<i32>} : memref<16x128xf32, #tpu.memory_space<vmem>>, vector<16xf32>,
        %add3A_650 = arith.constant 10 : i32
        %add3A_651 = vector.broadcast %add3A_650 : i32 to vector<16xi32>
        %add3A_652 = arith.addi %mul3A_11, %add3A_651 : vector<16xi32>
        tpu.vector_store_idx %arg6[%add3A_652], %get3A_649 : memref<2048xf32, #tpu.memory_space<vmem>>[vector<16xi32>], vector<16xf32>,
        %get3A_653 = arith.constant 10 : i32
        %get3A_654 = arith.index_cast %get3A_653 : i32 to index
        %get3A_655 = arith.constant 16 : index
        %get3A_656 = tpu.vector_load %arg4[%get3A_654, %get3A_655] {strides = array<i32>} : memref<16x128xf32, #tpu.memory_space<vmem>>, vector<16xf32>,
        %add3A_657 = arith.constant 266 : i32
        %add3A_658 = vector.broadcast %add3A_657 : i32 to vector<16xi32>
        %add3A_659 = arith.addi %mul3A_11, %add3A_658 : vector<16xi32>
        tpu.vector_store_idx %arg6[%add3A_659], %get3A_656 : memref<2048xf32, #tpu.memory_space<vmem>>[vector<16xi32>], vector<16xf32>,
        %get3A_660 = arith.constant 10 : i32
        %get3A_661 = arith.index_cast %get3A_660 : i32 to index
        %get3A_662 = arith.constant 32 : index
        %get3A_663 = tpu.vector_load %arg4[%get3A_661, %get3A_662] {strides = array<i32>} : memref<16x128xf32, #tpu.memory_space<vmem>>, vector<16xf32>,
        %add3A_664 = arith.constant 522 : i32
        %add3A_665 = vector.broadcast %add3A_664 : i32 to vector<16xi32>
        %add3A_666 = arith.addi %mul3A_11, %add3A_665 : vector<16xi32>
        tpu.vector_store_idx %arg6[%add3A_666], %get3A_663 : memref<2048xf32, #tpu.memory_space<vmem>>[vector<16xi32>], vector<16xf32>,
        %get3A_667 = arith.constant 10 : i32
        %get3A_668 = arith.index_cast %get3A_667 : i32 to index
        %get3A_669 = arith.constant 48 : index
        %get3A_670 = tpu.vector_load %arg4[%get3A_668, %get3A_669] {strides = array<i32>} : memref<16x128xf32, #tpu.memory_space<vmem>>, vector<16xf32>,
        %add3A_671 = arith.constant 778 : i32
        %add3A_672 = vector.broadcast %add3A_671 : i32 to vector<16xi32>
        %add3A_673 = arith.addi %mul3A_11, %add3A_672 : vector<16xi32>
        tpu.vector_store_idx %arg6[%add3A_673], %get3A_670 : memref<2048xf32, #tpu.memory_space<vmem>>[vector<16xi32>], vector<16xf32>,
        %get3A_674 = arith.constant 10 : i32
        %get3A_675 = arith.index_cast %get3A_674 : i32 to index
        %get3A_676 = arith.constant 64 : index
        %get3A_677 = tpu.vector_load %arg4[%get3A_675, %get3A_676] {strides = array<i32>} : memref<16x128xf32, #tpu.memory_space<vmem>>, vector<16xf32>,
        %add3A_678 = arith.constant 1034 : i32
        %add3A_679 = vector.broadcast %add3A_678 : i32 to vector<16xi32>
        %add3A_680 = arith.addi %mul3A_11, %add3A_679 : vector<16xi32>
        tpu.vector_store_idx %arg6[%add3A_680], %get3A_677 : memref<2048xf32, #tpu.memory_space<vmem>>[vector<16xi32>], vector<16xf32>,
        %get3A_681 = arith.constant 10 : i32
        %get3A_682 = arith.index_cast %get3A_681 : i32 to index
        %get3A_683 = arith.constant 80 : index
        %get3A_684 = tpu.vector_load %arg4[%get3A_682, %get3A_683] {strides = array<i32>} : memref<16x128xf32, #tpu.memory_space<vmem>>, vector<16xf32>,
        %add3A_685 = arith.constant 1290 : i32
        %add3A_686 = vector.broadcast %add3A_685 : i32 to vector<16xi32>
        %add3A_687 = arith.addi %mul3A_11, %add3A_686 : vector<16xi32>
        tpu.vector_store_idx %arg6[%add3A_687], %get3A_684 : memref<2048xf32, #tpu.memory_space<vmem>>[vector<16xi32>], vector<16xf32>,
        %get3A_688 = arith.constant 10 : i32
        %get3A_689 = arith.index_cast %get3A_688 : i32 to index
        %get3A_690 = arith.constant 96 : index
        %get3A_691 = tpu.vector_load %arg4[%get3A_689, %get3A_690] {strides = array<i32>} : memref<16x128xf32, #tpu.memory_space<vmem>>, vector<16xf32>,
        %add3A_692 = arith.constant 1546 : i32
        %add3A_693 = vector.broadcast %add3A_692 : i32 to vector<16xi32>
        %add3A_694 = arith.addi %mul3A_11, %add3A_693 : vector<16xi32>
        tpu.vector_store_idx %arg6[%add3A_694], %get3A_691 : memref<2048xf32, #tpu.memory_space<vmem>>[vector<16xi32>], vector<16xf32>,
        %get3A_695 = arith.constant 10 : i32
        %get3A_696 = arith.index_cast %get3A_695 : i32 to index
        %get3A_697 = arith.constant 112 : index
        %get3A_698 = tpu.vector_load %arg4[%get3A_696, %get3A_697] {strides = array<i32>} : memref<16x128xf32, #tpu.memory_space<vmem>>, vector<16xf32>,
        %add3A_699 = arith.constant 1802 : i32
        %add3A_700 = vector.broadcast %add3A_699 : i32 to vector<16xi32>
        %add3A_701 = arith.addi %mul3A_11, %add3A_700 : vector<16xi32>
        tpu.vector_store_idx %arg6[%add3A_701], %get3A_698 : memref<2048xf32, #tpu.memory_space<vmem>>[vector<16xi32>], vector<16xf32>,
        %get3A_702 = arith.constant 11 : i32
        %get3A_703 = arith.index_cast %get3A_702 : i32 to index
        %get3A_704 = arith.constant 0 : index
        %get3A_705 = tpu.vector_load %arg4[%get3A_703, %get3A_704] {strides = array<i32>} : memref<16x128xf32, #tpu.memory_space<vmem>>, vector<16xf32>,
        %add3A_706 = arith.constant 11 : i32
        %add3A_707 = vector.broadcast %add3A_706 : i32 to vector<16xi32>
        %add3A_708 = arith.addi %mul3A_11, %add3A_707 : vector<16xi32>
        tpu.vector_store_idx %arg6[%add3A_708], %get3A_705 : memref<2048xf32, #tpu.memory_space<vmem>>[vector<16xi32>], vector<16xf32>,
        %get3A_709 = arith.constant 11 : i32
        %get3A_710 = arith.index_cast %get3A_709 : i32 to index
        %get3A_711 = arith.constant 16 : index
        %get3A_712 = tpu.vector_load %arg4[%get3A_710, %get3A_711] {strides = array<i32>} : memref<16x128xf32, #tpu.memory_space<vmem>>, vector<16xf32>,
        %add3A_713 = arith.constant 267 : i32
        %add3A_714 = vector.broadcast %add3A_713 : i32 to vector<16xi32>
        %add3A_715 = arith.addi %mul3A_11, %add3A_714 : vector<16xi32>
        tpu.vector_store_idx %arg6[%add3A_715], %get3A_712 : memref<2048xf32, #tpu.memory_space<vmem>>[vector<16xi32>], vector<16xf32>,
        %get3A_716 = arith.constant 11 : i32
        %get3A_717 = arith.index_cast %get3A_716 : i32 to index
        %get3A_718 = arith.constant 32 : index
        %get3A_719 = tpu.vector_load %arg4[%get3A_717, %get3A_718] {strides = array<i32>} : memref<16x128xf32, #tpu.memory_space<vmem>>, vector<16xf32>,
        %add3A_720 = arith.constant 523 : i32
        %add3A_721 = vector.broadcast %add3A_720 : i32 to vector<16xi32>
        %add3A_722 = arith.addi %mul3A_11, %add3A_721 : vector<16xi32>
        tpu.vector_store_idx %arg6[%add3A_722], %get3A_719 : memref<2048xf32, #tpu.memory_space<vmem>>[vector<16xi32>], vector<16xf32>,
        %get3A_723 = arith.constant 11 : i32
        %get3A_724 = arith.index_cast %get3A_723 : i32 to index
        %get3A_725 = arith.constant 48 : index
        %get3A_726 = tpu.vector_load %arg4[%get3A_724, %get3A_725] {strides = array<i32>} : memref<16x128xf32, #tpu.memory_space<vmem>>, vector<16xf32>,
        %add3A_727 = arith.constant 779 : i32
        %add3A_728 = vector.broadcast %add3A_727 : i32 to vector<16xi32>
        %add3A_729 = arith.addi %mul3A_11, %add3A_728 : vector<16xi32>
        tpu.vector_store_idx %arg6[%add3A_729], %get3A_726 : memref<2048xf32, #tpu.memory_space<vmem>>[vector<16xi32>], vector<16xf32>,
        %get3A_730 = arith.constant 11 : i32
        %get3A_731 = arith.index_cast %get3A_730 : i32 to index
        %get3A_732 = arith.constant 64 : index
        %get3A_733 = tpu.vector_load %arg4[%get3A_731, %get3A_732] {strides = array<i32>} : memref<16x128xf32, #tpu.memory_space<vmem>>, vector<16xf32>,
        %add3A_734 = arith.constant 1035 : i32
        %add3A_735 = vector.broadcast %add3A_734 : i32 to vector<16xi32>
        %add3A_736 = arith.addi %mul3A_11, %add3A_735 : vector<16xi32>
        tpu.vector_store_idx %arg6[%add3A_736], %get3A_733 : memref<2048xf32, #tpu.memory_space<vmem>>[vector<16xi32>], vector<16xf32>,
        %get3A_737 = arith.constant 11 : i32
        %get3A_738 = arith.index_cast %get3A_737 : i32 to index
        %get3A_739 = arith.constant 80 : index
        %get3A_740 = tpu.vector_load %arg4[%get3A_738, %get3A_739] {strides = array<i32>} : memref<16x128xf32, #tpu.memory_space<vmem>>, vector<16xf32>,
        %add3A_741 = arith.constant 1291 : i32
        %add3A_742 = vector.broadcast %add3A_741 : i32 to vector<16xi32>
        %add3A_743 = arith.addi %mul3A_11, %add3A_742 : vector<16xi32>
        tpu.vector_store_idx %arg6[%add3A_743], %get3A_740 : memref<2048xf32, #tpu.memory_space<vmem>>[vector<16xi32>], vector<16xf32>,
        %get3A_744 = arith.constant 11 : i32
        %get3A_745 = arith.index_cast %get3A_744 : i32 to index
        %get3A_746 = arith.constant 96 : index
        %get3A_747 = tpu.vector_load %arg4[%get3A_745, %get3A_746] {strides = array<i32>} : memref<16x128xf32, #tpu.memory_space<vmem>>, vector<16xf32>,
        %add3A_748 = arith.constant 1547 : i32
        %add3A_749 = vector.broadcast %add3A_748 : i32 to vector<16xi32>
        %add3A_750 = arith.addi %mul3A_11, %add3A_749 : vector<16xi32>
        tpu.vector_store_idx %arg6[%add3A_750], %get3A_747 : memref<2048xf32, #tpu.memory_space<vmem>>[vector<16xi32>], vector<16xf32>,
        %get3A_751 = arith.constant 11 : i32
        %get3A_752 = arith.index_cast %get3A_751 : i32 to index
        %get3A_753 = arith.constant 112 : index
        %get3A_754 = tpu.vector_load %arg4[%get3A_752, %get3A_753] {strides = array<i32>} : memref<16x128xf32, #tpu.memory_space<vmem>>, vector<16xf32>,
        %add3A_755 = arith.constant 1803 : i32
        %add3A_756 = vector.broadcast %add3A_755 : i32 to vector<16xi32>
        %add3A_757 = arith.addi %mul3A_11, %add3A_756 : vector<16xi32>
        tpu.vector_store_idx %arg6[%add3A_757], %get3A_754 : memref<2048xf32, #tpu.memory_space<vmem>>[vector<16xi32>], vector<16xf32>,
        %get3A_758 = arith.constant 12 : i32
        %get3A_759 = arith.index_cast %get3A_758 : i32 to index
        %get3A_760 = arith.constant 0 : index
        %get3A_761 = tpu.vector_load %arg4[%get3A_759, %get3A_760] {strides = array<i32>} : memref<16x128xf32, #tpu.memory_space<vmem>>, vector<16xf32>,
        %add3A_762 = arith.constant 12 : i32
        %add3A_763 = vector.broadcast %add3A_762 : i32 to vector<16xi32>
        %add3A_764 = arith.addi %mul3A_11, %add3A_763 : vector<16xi32>
        tpu.vector_store_idx %arg6[%add3A_764], %get3A_761 : memref<2048xf32, #tpu.memory_space<vmem>>[vector<16xi32>], vector<16xf32>,
        %get3A_765 = arith.constant 12 : i32
        %get3A_766 = arith.index_cast %get3A_765 : i32 to index
        %get3A_767 = arith.constant 16 : index
        %get3A_768 = tpu.vector_load %arg4[%get3A_766, %get3A_767] {strides = array<i32>} : memref<16x128xf32, #tpu.memory_space<vmem>>, vector<16xf32>,
        %add3A_769 = arith.constant 268 : i32
        %add3A_770 = vector.broadcast %add3A_769 : i32 to vector<16xi32>
        %add3A_771 = arith.addi %mul3A_11, %add3A_770 : vector<16xi32>
        tpu.vector_store_idx %arg6[%add3A_771], %get3A_768 : memref<2048xf32, #tpu.memory_space<vmem>>[vector<16xi32>], vector<16xf32>,
        %get3A_772 = arith.constant 12 : i32
        %get3A_773 = arith.index_cast %get3A_772 : i32 to index
        %get3A_774 = arith.constant 32 : index
        %get3A_775 = tpu.vector_load %arg4[%get3A_773, %get3A_774] {strides = array<i32>} : memref<16x128xf32, #tpu.memory_space<vmem>>, vector<16xf32>,
        %add3A_776 = arith.constant 524 : i32
        %add3A_777 = vector.broadcast %add3A_776 : i32 to vector<16xi32>
        %add3A_778 = arith.addi %mul3A_11, %add3A_777 : vector<16xi32>
        tpu.vector_store_idx %arg6[%add3A_778], %get3A_775 : memref<2048xf32, #tpu.memory_space<vmem>>[vector<16xi32>], vector<16xf32>,
        %get3A_779 = arith.constant 12 : i32
        %get3A_780 = arith.index_cast %get3A_779 : i32 to index
        %get3A_781 = arith.constant 48 : index
        %get3A_782 = tpu.vector_load %arg4[%get3A_780, %get3A_781] {strides = array<i32>} : memref<16x128xf32, #tpu.memory_space<vmem>>, vector<16xf32>,
        %add3A_783 = arith.constant 780 : i32
        %add3A_784 = vector.broadcast %add3A_783 : i32 to vector<16xi32>
        %add3A_785 = arith.addi %mul3A_11, %add3A_784 : vector<16xi32>
        tpu.vector_store_idx %arg6[%add3A_785], %get3A_782 : memref<2048xf32, #tpu.memory_space<vmem>>[vector<16xi32>], vector<16xf32>,
        %get3A_786 = arith.constant 12 : i32
        %get3A_787 = arith.index_cast %get3A_786 : i32 to index
        %get3A_788 = arith.constant 64 : index
        %get3A_789 = tpu.vector_load %arg4[%get3A_787, %get3A_788] {strides = array<i32>} : memref<16x128xf32, #tpu.memory_space<vmem>>, vector<16xf32>,
        %add3A_790 = arith.constant 1036 : i32
        %add3A_791 = vector.broadcast %add3A_790 : i32 to vector<16xi32>
        %add3A_792 = arith.addi %mul3A_11, %add3A_791 : vector<16xi32>
        tpu.vector_store_idx %arg6[%add3A_792], %get3A_789 : memref<2048xf32, #tpu.memory_space<vmem>>[vector<16xi32>], vector<16xf32>,
        %get3A_793 = arith.constant 12 : i32
        %get3A_794 = arith.index_cast %get3A_793 : i32 to index
        %get3A_795 = arith.constant 80 : index
        %get3A_796 = tpu.vector_load %arg4[%get3A_794, %get3A_795] {strides = array<i32>} : memref<16x128xf32, #tpu.memory_space<vmem>>, vector<16xf32>,
        %add3A_797 = arith.constant 1292 : i32
        %add3A_798 = vector.broadcast %add3A_797 : i32 to vector<16xi32>
        %add3A_799 = arith.addi %mul3A_11, %add3A_798 : vector<16xi32>
        tpu.vector_store_idx %arg6[%add3A_799], %get3A_796 : memref<2048xf32, #tpu.memory_space<vmem>>[vector<16xi32>], vector<16xf32>,
        %get3A_800 = arith.constant 12 : i32
        %get3A_801 = arith.index_cast %get3A_800 : i32 to index
        %get3A_802 = arith.constant 96 : index
        %get3A_803 = tpu.vector_load %arg4[%get3A_801, %get3A_802] {strides = array<i32>} : memref<16x128xf32, #tpu.memory_space<vmem>>, vector<16xf32>,
        %add3A_804 = arith.constant 1548 : i32
        %add3A_805 = vector.broadcast %add3A_804 : i32 to vector<16xi32>
        %add3A_806 = arith.addi %mul3A_11, %add3A_805 : vector<16xi32>
        tpu.vector_store_idx %arg6[%add3A_806], %get3A_803 : memref<2048xf32, #tpu.memory_space<vmem>>[vector<16xi32>], vector<16xf32>,
        %get3A_807 = arith.constant 12 : i32
        %get3A_808 = arith.index_cast %get3A_807 : i32 to index
        %get3A_809 = arith.constant 112 : index
        %get3A_810 = tpu.vector_load %arg4[%get3A_808, %get3A_809] {strides = array<i32>} : memref<16x128xf32, #tpu.memory_space<vmem>>, vector<16xf32>,
        %add3A_811 = arith.constant 1804 : i32
        %add3A_812 = vector.broadcast %add3A_811 : i32 to vector<16xi32>
        %add3A_813 = arith.addi %mul3A_11, %add3A_812 : vector<16xi32>
        tpu.vector_store_idx %arg6[%add3A_813], %get3A_810 : memref<2048xf32, #tpu.memory_space<vmem>>[vector<16xi32>], vector<16xf32>,
        %get3A_814 = arith.constant 13 : i32
        %get3A_815 = arith.index_cast %get3A_814 : i32 to index
        %get3A_816 = arith.constant 0 : index
        %get3A_817 = tpu.vector_load %arg4[%get3A_815, %get3A_816] {strides = array<i32>} : memref<16x128xf32, #tpu.memory_space<vmem>>, vector<16xf32>,
        %add3A_818 = arith.constant 13 : i32
        %add3A_819 = vector.broadcast %add3A_818 : i32 to vector<16xi32>
        %add3A_820 = arith.addi %mul3A_11, %add3A_819 : vector<16xi32>
        tpu.vector_store_idx %arg6[%add3A_820], %get3A_817 : memref<2048xf32, #tpu.memory_space<vmem>>[vector<16xi32>], vector<16xf32>,
        %get3A_821 = arith.constant 13 : i32
        %get3A_822 = arith.index_cast %get3A_821 : i32 to index
        %get3A_823 = arith.constant 16 : index
        %get3A_824 = tpu.vector_load %arg4[%get3A_822, %get3A_823] {strides = array<i32>} : memref<16x128xf32, #tpu.memory_space<vmem>>, vector<16xf32>,
        %add3A_825 = arith.constant 269 : i32
        %add3A_826 = vector.broadcast %add3A_825 : i32 to vector<16xi32>
        %add3A_827 = arith.addi %mul3A_11, %add3A_826 : vector<16xi32>
        tpu.vector_store_idx %arg6[%add3A_827], %get3A_824 : memref<2048xf32, #tpu.memory_space<vmem>>[vector<16xi32>], vector<16xf32>,
        %get3A_828 = arith.constant 13 : i32
        %get3A_829 = arith.index_cast %get3A_828 : i32 to index
        %get3A_830 = arith.constant 32 : index
        %get3A_831 = tpu.vector_load %arg4[%get3A_829, %get3A_830] {strides = array<i32>} : memref<16x128xf32, #tpu.memory_space<vmem>>, vector<16xf32>,
        %add3A_832 = arith.constant 525 : i32
        %add3A_833 = vector.broadcast %add3A_832 : i32 to vector<16xi32>
        %add3A_834 = arith.addi %mul3A_11, %add3A_833 : vector<16xi32>
        tpu.vector_store_idx %arg6[%add3A_834], %get3A_831 : memref<2048xf32, #tpu.memory_space<vmem>>[vector<16xi32>], vector<16xf32>,
        %get3A_835 = arith.constant 13 : i32
        %get3A_836 = arith.index_cast %get3A_835 : i32 to index
        %get3A_837 = arith.constant 48 : index
        %get3A_838 = tpu.vector_load %arg4[%get3A_836, %get3A_837] {strides = array<i32>} : memref<16x128xf32, #tpu.memory_space<vmem>>, vector<16xf32>,
        %add3A_839 = arith.constant 781 : i32
        %add3A_840 = vector.broadcast %add3A_839 : i32 to vector<16xi32>
        %add3A_841 = arith.addi %mul3A_11, %add3A_840 : vector<16xi32>
        tpu.vector_store_idx %arg6[%add3A_841], %get3A_838 : memref<2048xf32, #tpu.memory_space<vmem>>[vector<16xi32>], vector<16xf32>,
        %get3A_842 = arith.constant 13 : i32
        %get3A_843 = arith.index_cast %get3A_842 : i32 to index
        %get3A_844 = arith.constant 64 : index
        %get3A_845 = tpu.vector_load %arg4[%get3A_843, %get3A_844] {strides = array<i32>} : memref<16x128xf32, #tpu.memory_space<vmem>>, vector<16xf32>,
        %add3A_846 = arith.constant 1037 : i32
        %add3A_847 = vector.broadcast %add3A_846 : i32 to vector<16xi32>
        %add3A_848 = arith.addi %mul3A_11, %add3A_847 : vector<16xi32>
        tpu.vector_store_idx %arg6[%add3A_848], %get3A_845 : memref<2048xf32, #tpu.memory_space<vmem>>[vector<16xi32>], vector<16xf32>,
        %get3A_849 = arith.constant 13 : i32
        %get3A_850 = arith.index_cast %get3A_849 : i32 to index
        %get3A_851 = arith.constant 80 : index
        %get3A_852 = tpu.vector_load %arg4[%get3A_850, %get3A_851] {strides = array<i32>} : memref<16x128xf32, #tpu.memory_space<vmem>>, vector<16xf32>,
        %add3A_853 = arith.constant 1293 : i32
        %add3A_854 = vector.broadcast %add3A_853 : i32 to vector<16xi32>
        %add3A_855 = arith.addi %mul3A_11, %add3A_854 : vector<16xi32>
        tpu.vector_store_idx %arg6[%add3A_855], %get3A_852 : memref<2048xf32, #tpu.memory_space<vmem>>[vector<16xi32>], vector<16xf32>,
        %get3A_856 = arith.constant 13 : i32
        %get3A_857 = arith.index_cast %get3A_856 : i32 to index
        %get3A_858 = arith.constant 96 : index
        %get3A_859 = tpu.vector_load %arg4[%get3A_857, %get3A_858] {strides = array<i32>} : memref<16x128xf32, #tpu.memory_space<vmem>>, vector<16xf32>,
        %add3A_860 = arith.constant 1549 : i32
        %add3A_861 = vector.broadcast %add3A_860 : i32 to vector<16xi32>
        %add3A_862 = arith.addi %mul3A_11, %add3A_861 : vector<16xi32>
        tpu.vector_store_idx %arg6[%add3A_862], %get3A_859 : memref<2048xf32, #tpu.memory_space<vmem>>[vector<16xi32>], vector<16xf32>,
        %get3A_863 = arith.constant 13 : i32
        %get3A_864 = arith.index_cast %get3A_863 : i32 to index
        %get3A_865 = arith.constant 112 : index
        %get3A_866 = tpu.vector_load %arg4[%get3A_864, %get3A_865] {strides = array<i32>} : memref<16x128xf32, #tpu.memory_space<vmem>>, vector<16xf32>,
        %add3A_867 = arith.constant 1805 : i32
        %add3A_868 = vector.broadcast %add3A_867 : i32 to vector<16xi32>
        %add3A_869 = arith.addi %mul3A_11, %add3A_868 : vector<16xi32>
        tpu.vector_store_idx %arg6[%add3A_869], %get3A_866 : memref<2048xf32, #tpu.memory_space<vmem>>[vector<16xi32>], vector<16xf32>,
        %get3A_870 = arith.constant 14 : i32
        %get3A_871 = arith.index_cast %get3A_870 : i32 to index
        %get3A_872 = arith.constant 0 : index
        %get3A_873 = tpu.vector_load %arg4[%get3A_871, %get3A_872] {strides = array<i32>} : memref<16x128xf32, #tpu.memory_space<vmem>>, vector<16xf32>,
        %add3A_874 = arith.constant 14 : i32
        %add3A_875 = vector.broadcast %add3A_874 : i32 to vector<16xi32>
        %add3A_876 = arith.addi %mul3A_11, %add3A_875 : vector<16xi32>
        tpu.vector_store_idx %arg6[%add3A_876], %get3A_873 : memref<2048xf32, #tpu.memory_space<vmem>>[vector<16xi32>], vector<16xf32>,
        %get3A_877 = arith.constant 14 : i32
        %get3A_878 = arith.index_cast %get3A_877 : i32 to index
        %get3A_879 = arith.constant 16 : index
        %get3A_880 = tpu.vector_load %arg4[%get3A_878, %get3A_879] {strides = array<i32>} : memref<16x128xf32, #tpu.memory_space<vmem>>, vector<16xf32>,
        %add3A_881 = arith.constant 270 : i32
        %add3A_882 = vector.broadcast %add3A_881 : i32 to vector<16xi32>
        %add3A_883 = arith.addi %mul3A_11, %add3A_882 : vector<16xi32>
        tpu.vector_store_idx %arg6[%add3A_883], %get3A_880 : memref<2048xf32, #tpu.memory_space<vmem>>[vector<16xi32>], vector<16xf32>,
        %get3A_884 = arith.constant 14 : i32
        %get3A_885 = arith.index_cast %get3A_884 : i32 to index
        %get3A_886 = arith.constant 32 : index
        %get3A_887 = tpu.vector_load %arg4[%get3A_885, %get3A_886] {strides = array<i32>} : memref<16x128xf32, #tpu.memory_space<vmem>>, vector<16xf32>,
        %add3A_888 = arith.constant 526 : i32
        %add3A_889 = vector.broadcast %add3A_888 : i32 to vector<16xi32>
        %add3A_890 = arith.addi %mul3A_11, %add3A_889 : vector<16xi32>
        tpu.vector_store_idx %arg6[%add3A_890], %get3A_887 : memref<2048xf32, #tpu.memory_space<vmem>>[vector<16xi32>], vector<16xf32>,
        %get3A_891 = arith.constant 14 : i32
        %get3A_892 = arith.index_cast %get3A_891 : i32 to index
        %get3A_893 = arith.constant 48 : index
        %get3A_894 = tpu.vector_load %arg4[%get3A_892, %get3A_893] {strides = array<i32>} : memref<16x128xf32, #tpu.memory_space<vmem>>, vector<16xf32>,
        %add3A_895 = arith.constant 782 : i32
        %add3A_896 = vector.broadcast %add3A_895 : i32 to vector<16xi32>
        %add3A_897 = arith.addi %mul3A_11, %add3A_896 : vector<16xi32>
        tpu.vector_store_idx %arg6[%add3A_897], %get3A_894 : memref<2048xf32, #tpu.memory_space<vmem>>[vector<16xi32>], vector<16xf32>,
        %get3A_898 = arith.constant 14 : i32
        %get3A_899 = arith.index_cast %get3A_898 : i32 to index
        %get3A_900 = arith.constant 64 : index
        %get3A_901 = tpu.vector_load %arg4[%get3A_899, %get3A_900] {strides = array<i32>} : memref<16x128xf32, #tpu.memory_space<vmem>>, vector<16xf32>,
        %add3A_902 = arith.constant 1038 : i32
        %add3A_903 = vector.broadcast %add3A_902 : i32 to vector<16xi32>
        %add3A_904 = arith.addi %mul3A_11, %add3A_903 : vector<16xi32>
        tpu.vector_store_idx %arg6[%add3A_904], %get3A_901 : memref<2048xf32, #tpu.memory_space<vmem>>[vector<16xi32>], vector<16xf32>,
        %get3A_905 = arith.constant 14 : i32
        %get3A_906 = arith.index_cast %get3A_905 : i32 to index
        %get3A_907 = arith.constant 80 : index
        %get3A_908 = tpu.vector_load %arg4[%get3A_906, %get3A_907] {strides = array<i32>} : memref<16x128xf32, #tpu.memory_space<vmem>>, vector<16xf32>,
        %add3A_909 = arith.constant 1294 : i32
        %add3A_910 = vector.broadcast %add3A_909 : i32 to vector<16xi32>
        %add3A_911 = arith.addi %mul3A_11, %add3A_910 : vector<16xi32>
        tpu.vector_store_idx %arg6[%add3A_911], %get3A_908 : memref<2048xf32, #tpu.memory_space<vmem>>[vector<16xi32>], vector<16xf32>,
        %get3A_912 = arith.constant 14 : i32
        %get3A_913 = arith.index_cast %get3A_912 : i32 to index
        %get3A_914 = arith.constant 96 : index
        %get3A_915 = tpu.vector_load %arg4[%get3A_913, %get3A_914] {strides = array<i32>} : memref<16x128xf32, #tpu.memory_space<vmem>>, vector<16xf32>,
        %add3A_916 = arith.constant 1550 : i32
        %add3A_917 = vector.broadcast %add3A_916 : i32 to vector<16xi32>
        %add3A_918 = arith.addi %mul3A_11, %add3A_917 : vector<16xi32>
        tpu.vector_store_idx %arg6[%add3A_918], %get3A_915 : memref<2048xf32, #tpu.memory_space<vmem>>[vector<16xi32>], vector<16xf32>,
        %get3A_919 = arith.constant 14 : i32
        %get3A_920 = arith.index_cast %get3A_919 : i32 to index
        %get3A_921 = arith.constant 112 : index
        %get3A_922 = tpu.vector_load %arg4[%get3A_920, %get3A_921] {strides = array<i32>} : memref<16x128xf32, #tpu.memory_space<vmem>>, vector<16xf32>,
        %add3A_923 = arith.constant 1806 : i32
        %add3A_924 = vector.broadcast %add3A_923 : i32 to vector<16xi32>
        %add3A_925 = arith.addi %mul3A_11, %add3A_924 : vector<16xi32>
        tpu.vector_store_idx %arg6[%add3A_925], %get3A_922 : memref<2048xf32, #tpu.memory_space<vmem>>[vector<16xi32>], vector<16xf32>,
        %get3A_926 = arith.constant 15 : i32
        %get3A_927 = arith.index_cast %get3A_926 : i32 to index
        %get3A_928 = arith.constant 0 : index
        %get3A_929 = tpu.vector_load %arg4[%get3A_927, %get3A_928] {strides = array<i32>} : memref<16x128xf32, #tpu.memory_space<vmem>>, vector<16xf32>,
        %add3A_930 = arith.constant 15 : i32
        %add3A_931 = vector.broadcast %add3A_930 : i32 to vector<16xi32>
        %add3A_932 = arith.addi %mul3A_11, %add3A_931 : vector<16xi32>
        tpu.vector_store_idx %arg6[%add3A_932], %get3A_929 : memref<2048xf32, #tpu.memory_space<vmem>>[vector<16xi32>], vector<16xf32>,
        %get3A_933 = arith.constant 15 : i32
        %get3A_934 = arith.index_cast %get3A_933 : i32 to index
        %get3A_935 = arith.constant 16 : index
        %get3A_936 = tpu.vector_load %arg4[%get3A_934, %get3A_935] {strides = array<i32>} : memref<16x128xf32, #tpu.memory_space<vmem>>, vector<16xf32>,
        %add3A_937 = arith.constant 271 : i32
        %add3A_938 = vector.broadcast %add3A_937 : i32 to vector<16xi32>
        %add3A_939 = arith.addi %mul3A_11, %add3A_938 : vector<16xi32>
        tpu.vector_store_idx %arg6[%add3A_939], %get3A_936 : memref<2048xf32, #tpu.memory_space<vmem>>[vector<16xi32>], vector<16xf32>,
        %get3A_940 = arith.constant 15 : i32
        %get3A_941 = arith.index_cast %get3A_940 : i32 to index
        %get3A_942 = arith.constant 32 : index
        %get3A_943 = tpu.vector_load %arg4[%get3A_941, %get3A_942] {strides = array<i32>} : memref<16x128xf32, #tpu.memory_space<vmem>>, vector<16xf32>,
        %add3A_944 = arith.constant 527 : i32
        %add3A_945 = vector.broadcast %add3A_944 : i32 to vector<16xi32>
        %add3A_946 = arith.addi %mul3A_11, %add3A_945 : vector<16xi32>
        tpu.vector_store_idx %arg6[%add3A_946], %get3A_943 : memref<2048xf32, #tpu.memory_space<vmem>>[vector<16xi32>], vector<16xf32>,
        %get3A_947 = arith.constant 15 : i32
        %get3A_948 = arith.index_cast %get3A_947 : i32 to index
        %get3A_949 = arith.constant 48 : index
        %get3A_950 = tpu.vector_load %arg4[%get3A_948, %get3A_949] {strides = array<i32>} : memref<16x128xf32, #tpu.memory_space<vmem>>, vector<16xf32>,
        %add3A_951 = arith.constant 783 : i32
        %add3A_952 = vector.broadcast %add3A_951 : i32 to vector<16xi32>
        %add3A_953 = arith.addi %mul3A_11, %add3A_952 : vector<16xi32>
        tpu.vector_store_idx %arg6[%add3A_953], %get3A_950 : memref<2048xf32, #tpu.memory_space<vmem>>[vector<16xi32>], vector<16xf32>,
        %get3A_954 = arith.constant 15 : i32
        %get3A_955 = arith.index_cast %get3A_954 : i32 to index
        %get3A_956 = arith.constant 64 : index
        %get3A_957 = tpu.vector_load %arg4[%get3A_955, %get3A_956] {strides = array<i32>} : memref<16x128xf32, #tpu.memory_space<vmem>>, vector<16xf32>,
        %add3A_958 = arith.constant 1039 : i32
        %add3A_959 = vector.broadcast %add3A_958 : i32 to vector<16xi32>
        %add3A_960 = arith.addi %mul3A_11, %add3A_959 : vector<16xi32>
        tpu.vector_store_idx %arg6[%add3A_960], %get3A_957 : memref<2048xf32, #tpu.memory_space<vmem>>[vector<16xi32>], vector<16xf32>,
        %get3A_961 = arith.constant 15 : i32
        %get3A_962 = arith.index_cast %get3A_961 : i32 to index
        %get3A_963 = arith.constant 80 : index
        %get3A_964 = tpu.vector_load %arg4[%get3A_962, %get3A_963] {strides = array<i32>} : memref<16x128xf32, #tpu.memory_space<vmem>>, vector<16xf32>,
        %add3A_965 = arith.constant 1295 : i32
        %add3A_966 = vector.broadcast %add3A_965 : i32 to vector<16xi32>
        %add3A_967 = arith.addi %mul3A_11, %add3A_966 : vector<16xi32>
        tpu.vector_store_idx %arg6[%add3A_967], %get3A_964 : memref<2048xf32, #tpu.memory_space<vmem>>[vector<16xi32>], vector<16xf32>,
        %get3A_968 = arith.constant 15 : i32
        %get3A_969 = arith.index_cast %get3A_968 : i32 to index
        %get3A_970 = arith.constant 96 : index
        %get3A_971 = tpu.vector_load %arg4[%get3A_969, %get3A_970] {strides = array<i32>} : memref<16x128xf32, #tpu.memory_space<vmem>>, vector<16xf32>,
        %add3A_972 = arith.constant 1551 : i32
        %add3A_973 = vector.broadcast %add3A_972 : i32 to vector<16xi32>
        %add3A_974 = arith.addi %mul3A_11, %add3A_973 : vector<16xi32>
        tpu.vector_store_idx %arg6[%add3A_974], %get3A_971 : memref<2048xf32, #tpu.memory_space<vmem>>[vector<16xi32>], vector<16xf32>,
        %get3A_975 = arith.constant 15 : i32
        %get3A_976 = arith.index_cast %get3A_975 : i32 to index
        %get3A_977 = arith.constant 112 : index
        %get3A_978 = tpu.vector_load %arg4[%get3A_976, %get3A_977] {strides = array<i32>} : memref<16x128xf32, #tpu.memory_space<vmem>>, vector<16xf32>,
        %add3A_979 = arith.constant 1807 : i32
        %add3A_980 = vector.broadcast %add3A_979 : i32 to vector<16xi32>
        %add3A_981 = arith.addi %mul3A_11, %add3A_980 : vector<16xi32>
        tpu.vector_store_idx %arg6[%add3A_981], %get3A_978 : memref<2048xf32, #tpu.memory_space<vmem>>[vector<16xi32>], vector<16xf32>,
        %add3A_982 = arith.addi %add3A_4, %while3A_65 : i32
        %mul3A_983 = arith.constant 2048 : i32
        %mul3A_984 = arith.muli %add3A_982, %mul3A_983 : i32
        %dma_start3A_985 = tpu.memref_slice %arg3[%mul3A_984] : memref<32000000xf32, #tpu.memory_space<hbm>> -> memref<2048xf32, #tpu.memory_space<hbm>>
        %dma_start3A_986 = tpu.memref_slice %arg3[%mul3A_984] : memref<32000000xf32, #tpu.memory_space<hbm>> -> memref<2048xf32, #tpu.memory_space<hbm>>
        tpu.enqueue_dma source(%arg6 : memref<2048xf32, #tpu.memory_space<vmem>>) target(%dma_start3A_986 : memref<2048xf32, #tpu.memory_space<hbm>>) target_semaphore(%arg10 : memref<!tpu.dma_semaphore, #tpu.memory_space<semaphore_mem>>)
        %add3A_987 = arith.constant 2 : i32
        %add3A_988 = arith.addi %while3A_65, %add3A_987 : i32
        %lt3A_989 = arith.cmpi slt, %add3A_988, %add3A_8 : i32
        %convert_element_type3A_990 = arith.extui %lt3A_989 : i1 to i32
        %cond3A_991 = arith.constant 0 : i32
        %cond3A_992 = arith.cmpi ne, %convert_element_type3A_990, %cond3A_991 : i32
        scf.if %cond3A_992 {
          %add3A_993 = arith.constant 2 : i32
          %add3A_994 = arith.addi %while3A_65, %add3A_993 : i32
          %add3A_995 = arith.constant 9375 : i32
          %add3A_996 = arith.addi %add3A_995, %add3A_4 : i32
          %add3A_997 = arith.addi %add3A_996, %add3A_994 : i32
          %mul3A_998 = arith.constant 128 : i32
          %mul3A_999 = arith.muli %add3A_997, %mul3A_998 : i32
          %dma_start3A_1000 = arith.constant 0 : i32
          %dma_start3A_1001 = tpu.memref_slice %arg2[%dma_start3A_1000, %mul3A_999] : memref<16x3200000xf32, #tpu.memory_space<hbm>> -> memref<16x128xf32, #tpu.memory_space<hbm>>
          %dma_start3A_1002 = arith.constant 0 : i32
          %dma_start3A_1003 = tpu.memref_slice %arg2[%dma_start3A_1002, %mul3A_999] : memref<16x3200000xf32, #tpu.memory_space<hbm>> -> memref<16x128xf32, #tpu.memory_space<hbm>>
          tpu.enqueue_dma source(%dma_start3A_1003 : memref<16x128xf32, #tpu.memory_space<hbm>>) target(%arg4 : memref<16x128xf32, #tpu.memory_space<vmem>>) target_semaphore(%arg8 : memref<!tpu.dma_semaphore, #tpu.memory_space<semaphore_mem>>)
        } else {
        }
      } else {
      }
      %eq3A_73 = arith.constant 1 : i32
      %eq3A_74 = arith.cmpi eq, %rem3A_67, %eq3A_73 : i32
      %convert_element_type3A_75 = arith.extui %eq3A_74 : i1 to i32
      %cond3A_76 = arith.constant 0 : i32
      %cond3A_77 = arith.cmpi ne, %convert_element_type3A_75, %cond3A_76 : i32
      scf.if %cond3A_77 {
        %dma_wait3A = arith.constant 0 : i32
        %dma_wait3A_78 = arith.constant 0 : i32
        %dma_wait3A_79 = tpu.memref_slice %arg2[%dma_wait3A, %dma_wait3A_78] : memref<16x3200000xf32, #tpu.memory_space<hbm>> -> memref<16x128xf32, #tpu.memory_space<hbm>>
        %dma_wait3A_80 = arith.constant 0 : i32
        %dma_wait3A_81 = arith.constant 0 : i32
        %dma_wait3A_82 = tpu.memref_slice %arg2[%dma_wait3A_80, %dma_wait3A_81] : memref<16x3200000xf32, #tpu.memory_space<hbm>> -> memref<16x128xf32, #tpu.memory_space<hbm>>
        tpu.wait_dma2 semaphore(%arg9 : memref<!tpu.dma_semaphore, #tpu.memory_space<semaphore_mem>>) src(%dma_wait3A_82 : memref<16x128xf32, #tpu.memory_space<hbm>>) dst(%arg5 : memref<16x128xf32, #tpu.memory_space<vmem>>)
        %ge3A = arith.constant 2 : i32
        %ge3A_83 = arith.cmpi sge, %while3A_65, %ge3A : i32
        %convert_element_type3A_84 = arith.extui %ge3A_83 : i1 to i32
        %cond3A_85 = arith.constant 0 : i32
        %cond3A_86 = arith.cmpi ne, %convert_element_type3A_84, %cond3A_85 : i32
        scf.if %cond3A_86 {
          %dma_wait3A_993 = arith.constant 0 : i32
          %dma_wait3A_994 = tpu.memref_slice %arg3[%dma_wait3A_993] : memref<32000000xf32, #tpu.memory_space<hbm>> -> memref<2048xf32, #tpu.memory_space<hbm>>
          %dma_wait3A_995 = arith.constant 0 : i32
          %dma_wait3A_996 = tpu.memref_slice %arg3[%dma_wait3A_995] : memref<32000000xf32, #tpu.memory_space<hbm>> -> memref<2048xf32, #tpu.memory_space<hbm>>
          tpu.wait_dma2 semaphore(%arg11 : memref<!tpu.dma_semaphore, #tpu.memory_space<semaphore_mem>>) src(%arg7 : memref<2048xf32, #tpu.memory_space<vmem>>) dst(%dma_wait3A_996 : memref<2048xf32, #tpu.memory_space<hbm>>)
        } else {
        }
        %get3A = arith.constant 0 : i32
        %get3A_87 = arith.index_cast %get3A : i32 to index
        %get3A_88 = arith.constant 0 : index
        %get3A_89 = tpu.vector_load %arg5[%get3A_87, %get3A_88] {strides = array<i32>} : memref<16x128xf32, #tpu.memory_space<vmem>>, vector<16xf32>,
        %add3A_90 = arith.constant 0 : i32
        %add3A_91 = vector.broadcast %add3A_90 : i32 to vector<16xi32>
        %add3A_92 = arith.addi %mul3A_11, %add3A_91 : vector<16xi32>
        tpu.vector_store_idx %arg7[%add3A_92], %get3A_89 : memref<2048xf32, #tpu.memory_space<vmem>>[vector<16xi32>], vector<16xf32>,
        %get3A_93 = arith.constant 0 : i32
        %get3A_94 = arith.index_cast %get3A_93 : i32 to index
        %get3A_95 = arith.constant 16 : index
        %get3A_96 = tpu.vector_load %arg5[%get3A_94, %get3A_95] {strides = array<i32>} : memref<16x128xf32, #tpu.memory_space<vmem>>, vector<16xf32>,
        %add3A_97 = arith.constant 256 : i32
        %add3A_98 = vector.broadcast %add3A_97 : i32 to vector<16xi32>
        %add3A_99 = arith.addi %mul3A_11, %add3A_98 : vector<16xi32>
        tpu.vector_store_idx %arg7[%add3A_99], %get3A_96 : memref<2048xf32, #tpu.memory_space<vmem>>[vector<16xi32>], vector<16xf32>,
        %get3A_100 = arith.constant 0 : i32
        %get3A_101 = arith.index_cast %get3A_100 : i32 to index
        %get3A_102 = arith.constant 32 : index
        %get3A_103 = tpu.vector_load %arg5[%get3A_101, %get3A_102] {strides = array<i32>} : memref<16x128xf32, #tpu.memory_space<vmem>>, vector<16xf32>,
        %add3A_104 = arith.constant 512 : i32
        %add3A_105 = vector.broadcast %add3A_104 : i32 to vector<16xi32>
        %add3A_106 = arith.addi %mul3A_11, %add3A_105 : vector<16xi32>
        tpu.vector_store_idx %arg7[%add3A_106], %get3A_103 : memref<2048xf32, #tpu.memory_space<vmem>>[vector<16xi32>], vector<16xf32>,
        %get3A_107 = arith.constant 0 : i32
        %get3A_108 = arith.index_cast %get3A_107 : i32 to index
        %get3A_109 = arith.constant 48 : index
        %get3A_110 = tpu.vector_load %arg5[%get3A_108, %get3A_109] {strides = array<i32>} : memref<16x128xf32, #tpu.memory_space<vmem>>, vector<16xf32>,
        %add3A_111 = arith.constant 768 : i32
        %add3A_112 = vector.broadcast %add3A_111 : i32 to vector<16xi32>
        %add3A_113 = arith.addi %mul3A_11, %add3A_112 : vector<16xi32>
        tpu.vector_store_idx %arg7[%add3A_113], %get3A_110 : memref<2048xf32, #tpu.memory_space<vmem>>[vector<16xi32>], vector<16xf32>,
        %get3A_114 = arith.constant 0 : i32
        %get3A_115 = arith.index_cast %get3A_114 : i32 to index
        %get3A_116 = arith.constant 64 : index
        %get3A_117 = tpu.vector_load %arg5[%get3A_115, %get3A_116] {strides = array<i32>} : memref<16x128xf32, #tpu.memory_space<vmem>>, vector<16xf32>,
        %add3A_118 = arith.constant 1024 : i32
        %add3A_119 = vector.broadcast %add3A_118 : i32 to vector<16xi32>
        %add3A_120 = arith.addi %mul3A_11, %add3A_119 : vector<16xi32>
        tpu.vector_store_idx %arg7[%add3A_120], %get3A_117 : memref<2048xf32, #tpu.memory_space<vmem>>[vector<16xi32>], vector<16xf32>,
        %get3A_121 = arith.constant 0 : i32
        %get3A_122 = arith.index_cast %get3A_121 : i32 to index
        %get3A_123 = arith.constant 80 : index
        %get3A_124 = tpu.vector_load %arg5[%get3A_122, %get3A_123] {strides = array<i32>} : memref<16x128xf32, #tpu.memory_space<vmem>>, vector<16xf32>,
        %add3A_125 = arith.constant 1280 : i32
        %add3A_126 = vector.broadcast %add3A_125 : i32 to vector<16xi32>
        %add3A_127 = arith.addi %mul3A_11, %add3A_126 : vector<16xi32>
        tpu.vector_store_idx %arg7[%add3A_127], %get3A_124 : memref<2048xf32, #tpu.memory_space<vmem>>[vector<16xi32>], vector<16xf32>,
        %get3A_128 = arith.constant 0 : i32
        %get3A_129 = arith.index_cast %get3A_128 : i32 to index
        %get3A_130 = arith.constant 96 : index
        %get3A_131 = tpu.vector_load %arg5[%get3A_129, %get3A_130] {strides = array<i32>} : memref<16x128xf32, #tpu.memory_space<vmem>>, vector<16xf32>,
        %add3A_132 = arith.constant 1536 : i32
        %add3A_133 = vector.broadcast %add3A_132 : i32 to vector<16xi32>
        %add3A_134 = arith.addi %mul3A_11, %add3A_133 : vector<16xi32>
        tpu.vector_store_idx %arg7[%add3A_134], %get3A_131 : memref<2048xf32, #tpu.memory_space<vmem>>[vector<16xi32>], vector<16xf32>,
        %get3A_135 = arith.constant 0 : i32
        %get3A_136 = arith.index_cast %get3A_135 : i32 to index
        %get3A_137 = arith.constant 112 : index
        %get3A_138 = tpu.vector_load %arg5[%get3A_136, %get3A_137] {strides = array<i32>} : memref<16x128xf32, #tpu.memory_space<vmem>>, vector<16xf32>,
        %add3A_139 = arith.constant 1792 : i32
        %add3A_140 = vector.broadcast %add3A_139 : i32 to vector<16xi32>
        %add3A_141 = arith.addi %mul3A_11, %add3A_140 : vector<16xi32>
        tpu.vector_store_idx %arg7[%add3A_141], %get3A_138 : memref<2048xf32, #tpu.memory_space<vmem>>[vector<16xi32>], vector<16xf32>,
        %get3A_142 = arith.constant 1 : i32
        %get3A_143 = arith.index_cast %get3A_142 : i32 to index
        %get3A_144 = arith.constant 0 : index
        %get3A_145 = tpu.vector_load %arg5[%get3A_143, %get3A_144] {strides = array<i32>} : memref<16x128xf32, #tpu.memory_space<vmem>>, vector<16xf32>,
        %add3A_146 = arith.constant 1 : i32
        %add3A_147 = vector.broadcast %add3A_146 : i32 to vector<16xi32>
        %add3A_148 = arith.addi %mul3A_11, %add3A_147 : vector<16xi32>
        tpu.vector_store_idx %arg7[%add3A_148], %get3A_145 : memref<2048xf32, #tpu.memory_space<vmem>>[vector<16xi32>], vector<16xf32>,
        %get3A_149 = arith.constant 1 : i32
        %get3A_150 = arith.index_cast %get3A_149 : i32 to index
        %get3A_151 = arith.constant 16 : index
        %get3A_152 = tpu.vector_load %arg5[%get3A_150, %get3A_151] {strides = array<i32>} : memref<16x128xf32, #tpu.memory_space<vmem>>, vector<16xf32>,
        %add3A_153 = arith.constant 257 : i32
        %add3A_154 = vector.broadcast %add3A_153 : i32 to vector<16xi32>
        %add3A_155 = arith.addi %mul3A_11, %add3A_154 : vector<16xi32>
        tpu.vector_store_idx %arg7[%add3A_155], %get3A_152 : memref<2048xf32, #tpu.memory_space<vmem>>[vector<16xi32>], vector<16xf32>,
        %get3A_156 = arith.constant 1 : i32
        %get3A_157 = arith.index_cast %get3A_156 : i32 to index
        %get3A_158 = arith.constant 32 : index
        %get3A_159 = tpu.vector_load %arg5[%get3A_157, %get3A_158] {strides = array<i32>} : memref<16x128xf32, #tpu.memory_space<vmem>>, vector<16xf32>,
        %add3A_160 = arith.constant 513 : i32
        %add3A_161 = vector.broadcast %add3A_160 : i32 to vector<16xi32>
        %add3A_162 = arith.addi %mul3A_11, %add3A_161 : vector<16xi32>
        tpu.vector_store_idx %arg7[%add3A_162], %get3A_159 : memref<2048xf32, #tpu.memory_space<vmem>>[vector<16xi32>], vector<16xf32>,
        %get3A_163 = arith.constant 1 : i32
        %get3A_164 = arith.index_cast %get3A_163 : i32 to index
        %get3A_165 = arith.constant 48 : index
        %get3A_166 = tpu.vector_load %arg5[%get3A_164, %get3A_165] {strides = array<i32>} : memref<16x128xf32, #tpu.memory_space<vmem>>, vector<16xf32>,
        %add3A_167 = arith.constant 769 : i32
        %add3A_168 = vector.broadcast %add3A_167 : i32 to vector<16xi32>
        %add3A_169 = arith.addi %mul3A_11, %add3A_168 : vector<16xi32>
        tpu.vector_store_idx %arg7[%add3A_169], %get3A_166 : memref<2048xf32, #tpu.memory_space<vmem>>[vector<16xi32>], vector<16xf32>,
        %get3A_170 = arith.constant 1 : i32
        %get3A_171 = arith.index_cast %get3A_170 : i32 to index
        %get3A_172 = arith.constant 64 : index
        %get3A_173 = tpu.vector_load %arg5[%get3A_171, %get3A_172] {strides = array<i32>} : memref<16x128xf32, #tpu.memory_space<vmem>>, vector<16xf32>,
        %add3A_174 = arith.constant 1025 : i32
        %add3A_175 = vector.broadcast %add3A_174 : i32 to vector<16xi32>
        %add3A_176 = arith.addi %mul3A_11, %add3A_175 : vector<16xi32>
        tpu.vector_store_idx %arg7[%add3A_176], %get3A_173 : memref<2048xf32, #tpu.memory_space<vmem>>[vector<16xi32>], vector<16xf32>,
        %get3A_177 = arith.constant 1 : i32
        %get3A_178 = arith.index_cast %get3A_177 : i32 to index
        %get3A_179 = arith.constant 80 : index
        %get3A_180 = tpu.vector_load %arg5[%get3A_178, %get3A_179] {strides = array<i32>} : memref<16x128xf32, #tpu.memory_space<vmem>>, vector<16xf32>,
        %add3A_181 = arith.constant 1281 : i32
        %add3A_182 = vector.broadcast %add3A_181 : i32 to vector<16xi32>
        %add3A_183 = arith.addi %mul3A_11, %add3A_182 : vector<16xi32>
        tpu.vector_store_idx %arg7[%add3A_183], %get3A_180 : memref<2048xf32, #tpu.memory_space<vmem>>[vector<16xi32>], vector<16xf32>,
        %get3A_184 = arith.constant 1 : i32
        %get3A_185 = arith.index_cast %get3A_184 : i32 to index
        %get3A_186 = arith.constant 96 : index
        %get3A_187 = tpu.vector_load %arg5[%get3A_185, %get3A_186] {strides = array<i32>} : memref<16x128xf32, #tpu.memory_space<vmem>>, vector<16xf32>,
        %add3A_188 = arith.constant 1537 : i32
        %add3A_189 = vector.broadcast %add3A_188 : i32 to vector<16xi32>
        %add3A_190 = arith.addi %mul3A_11, %add3A_189 : vector<16xi32>
        tpu.vector_store_idx %arg7[%add3A_190], %get3A_187 : memref<2048xf32, #tpu.memory_space<vmem>>[vector<16xi32>], vector<16xf32>,
        %get3A_191 = arith.constant 1 : i32
        %get3A_192 = arith.index_cast %get3A_191 : i32 to index
        %get3A_193 = arith.constant 112 : index
        %get3A_194 = tpu.vector_load %arg5[%get3A_192, %get3A_193] {strides = array<i32>} : memref<16x128xf32, #tpu.memory_space<vmem>>, vector<16xf32>,
        %add3A_195 = arith.constant 1793 : i32
        %add3A_196 = vector.broadcast %add3A_195 : i32 to vector<16xi32>
        %add3A_197 = arith.addi %mul3A_11, %add3A_196 : vector<16xi32>
        tpu.vector_store_idx %arg7[%add3A_197], %get3A_194 : memref<2048xf32, #tpu.memory_space<vmem>>[vector<16xi32>], vector<16xf32>,
        %get3A_198 = arith.constant 2 : i32
        %get3A_199 = arith.index_cast %get3A_198 : i32 to index
        %get3A_200 = arith.constant 0 : index
        %get3A_201 = tpu.vector_load %arg5[%get3A_199, %get3A_200] {strides = array<i32>} : memref<16x128xf32, #tpu.memory_space<vmem>>, vector<16xf32>,
        %add3A_202 = arith.constant 2 : i32
        %add3A_203 = vector.broadcast %add3A_202 : i32 to vector<16xi32>
        %add3A_204 = arith.addi %mul3A_11, %add3A_203 : vector<16xi32>
        tpu.vector_store_idx %arg7[%add3A_204], %get3A_201 : memref<2048xf32, #tpu.memory_space<vmem>>[vector<16xi32>], vector<16xf32>,
        %get3A_205 = arith.constant 2 : i32
        %get3A_206 = arith.index_cast %get3A_205 : i32 to index
        %get3A_207 = arith.constant 16 : index
        %get3A_208 = tpu.vector_load %arg5[%get3A_206, %get3A_207] {strides = array<i32>} : memref<16x128xf32, #tpu.memory_space<vmem>>, vector<16xf32>,
        %add3A_209 = arith.constant 258 : i32
        %add3A_210 = vector.broadcast %add3A_209 : i32 to vector<16xi32>
        %add3A_211 = arith.addi %mul3A_11, %add3A_210 : vector<16xi32>
        tpu.vector_store_idx %arg7[%add3A_211], %get3A_208 : memref<2048xf32, #tpu.memory_space<vmem>>[vector<16xi32>], vector<16xf32>,
        %get3A_212 = arith.constant 2 : i32
        %get3A_213 = arith.index_cast %get3A_212 : i32 to index
        %get3A_214 = arith.constant 32 : index
        %get3A_215 = tpu.vector_load %arg5[%get3A_213, %get3A_214] {strides = array<i32>} : memref<16x128xf32, #tpu.memory_space<vmem>>, vector<16xf32>,
        %add3A_216 = arith.constant 514 : i32
        %add3A_217 = vector.broadcast %add3A_216 : i32 to vector<16xi32>
        %add3A_218 = arith.addi %mul3A_11, %add3A_217 : vector<16xi32>
        tpu.vector_store_idx %arg7[%add3A_218], %get3A_215 : memref<2048xf32, #tpu.memory_space<vmem>>[vector<16xi32>], vector<16xf32>,
        %get3A_219 = arith.constant 2 : i32
        %get3A_220 = arith.index_cast %get3A_219 : i32 to index
        %get3A_221 = arith.constant 48 : index
        %get3A_222 = tpu.vector_load %arg5[%get3A_220, %get3A_221] {strides = array<i32>} : memref<16x128xf32, #tpu.memory_space<vmem>>, vector<16xf32>,
        %add3A_223 = arith.constant 770 : i32
        %add3A_224 = vector.broadcast %add3A_223 : i32 to vector<16xi32>
        %add3A_225 = arith.addi %mul3A_11, %add3A_224 : vector<16xi32>
        tpu.vector_store_idx %arg7[%add3A_225], %get3A_222 : memref<2048xf32, #tpu.memory_space<vmem>>[vector<16xi32>], vector<16xf32>,
        %get3A_226 = arith.constant 2 : i32
        %get3A_227 = arith.index_cast %get3A_226 : i32 to index
        %get3A_228 = arith.constant 64 : index
        %get3A_229 = tpu.vector_load %arg5[%get3A_227, %get3A_228] {strides = array<i32>} : memref<16x128xf32, #tpu.memory_space<vmem>>, vector<16xf32>,
        %add3A_230 = arith.constant 1026 : i32
        %add3A_231 = vector.broadcast %add3A_230 : i32 to vector<16xi32>
        %add3A_232 = arith.addi %mul3A_11, %add3A_231 : vector<16xi32>
        tpu.vector_store_idx %arg7[%add3A_232], %get3A_229 : memref<2048xf32, #tpu.memory_space<vmem>>[vector<16xi32>], vector<16xf32>,
        %get3A_233 = arith.constant 2 : i32
        %get3A_234 = arith.index_cast %get3A_233 : i32 to index
        %get3A_235 = arith.constant 80 : index
        %get3A_236 = tpu.vector_load %arg5[%get3A_234, %get3A_235] {strides = array<i32>} : memref<16x128xf32, #tpu.memory_space<vmem>>, vector<16xf32>,
        %add3A_237 = arith.constant 1282 : i32
        %add3A_238 = vector.broadcast %add3A_237 : i32 to vector<16xi32>
        %add3A_239 = arith.addi %mul3A_11, %add3A_238 : vector<16xi32>
        tpu.vector_store_idx %arg7[%add3A_239], %get3A_236 : memref<2048xf32, #tpu.memory_space<vmem>>[vector<16xi32>], vector<16xf32>,
        %get3A_240 = arith.constant 2 : i32
        %get3A_241 = arith.index_cast %get3A_240 : i32 to index
        %get3A_242 = arith.constant 96 : index
        %get3A_243 = tpu.vector_load %arg5[%get3A_241, %get3A_242] {strides = array<i32>} : memref<16x128xf32, #tpu.memory_space<vmem>>, vector<16xf32>,
        %add3A_244 = arith.constant 1538 : i32
        %add3A_245 = vector.broadcast %add3A_244 : i32 to vector<16xi32>
        %add3A_246 = arith.addi %mul3A_11, %add3A_245 : vector<16xi32>
        tpu.vector_store_idx %arg7[%add3A_246], %get3A_243 : memref<2048xf32, #tpu.memory_space<vmem>>[vector<16xi32>], vector<16xf32>,
        %get3A_247 = arith.constant 2 : i32
        %get3A_248 = arith.index_cast %get3A_247 : i32 to index
        %get3A_249 = arith.constant 112 : index
        %get3A_250 = tpu.vector_load %arg5[%get3A_248, %get3A_249] {strides = array<i32>} : memref<16x128xf32, #tpu.memory_space<vmem>>, vector<16xf32>,
        %add3A_251 = arith.constant 1794 : i32
        %add3A_252 = vector.broadcast %add3A_251 : i32 to vector<16xi32>
        %add3A_253 = arith.addi %mul3A_11, %add3A_252 : vector<16xi32>
        tpu.vector_store_idx %arg7[%add3A_253], %get3A_250 : memref<2048xf32, #tpu.memory_space<vmem>>[vector<16xi32>], vector<16xf32>,
        %get3A_254 = arith.constant 3 : i32
        %get3A_255 = arith.index_cast %get3A_254 : i32 to index
        %get3A_256 = arith.constant 0 : index
        %get3A_257 = tpu.vector_load %arg5[%get3A_255, %get3A_256] {strides = array<i32>} : memref<16x128xf32, #tpu.memory_space<vmem>>, vector<16xf32>,
        %add3A_258 = arith.constant 3 : i32
        %add3A_259 = vector.broadcast %add3A_258 : i32 to vector<16xi32>
        %add3A_260 = arith.addi %mul3A_11, %add3A_259 : vector<16xi32>
        tpu.vector_store_idx %arg7[%add3A_260], %get3A_257 : memref<2048xf32, #tpu.memory_space<vmem>>[vector<16xi32>], vector<16xf32>,
        %get3A_261 = arith.constant 3 : i32
        %get3A_262 = arith.index_cast %get3A_261 : i32 to index
        %get3A_263 = arith.constant 16 : index
        %get3A_264 = tpu.vector_load %arg5[%get3A_262, %get3A_263] {strides = array<i32>} : memref<16x128xf32, #tpu.memory_space<vmem>>, vector<16xf32>,
        %add3A_265 = arith.constant 259 : i32
        %add3A_266 = vector.broadcast %add3A_265 : i32 to vector<16xi32>
        %add3A_267 = arith.addi %mul3A_11, %add3A_266 : vector<16xi32>
        tpu.vector_store_idx %arg7[%add3A_267], %get3A_264 : memref<2048xf32, #tpu.memory_space<vmem>>[vector<16xi32>], vector<16xf32>,
        %get3A_268 = arith.constant 3 : i32
        %get3A_269 = arith.index_cast %get3A_268 : i32 to index
        %get3A_270 = arith.constant 32 : index
        %get3A_271 = tpu.vector_load %arg5[%get3A_269, %get3A_270] {strides = array<i32>} : memref<16x128xf32, #tpu.memory_space<vmem>>, vector<16xf32>,
        %add3A_272 = arith.constant 515 : i32
        %add3A_273 = vector.broadcast %add3A_272 : i32 to vector<16xi32>
        %add3A_274 = arith.addi %mul3A_11, %add3A_273 : vector<16xi32>
        tpu.vector_store_idx %arg7[%add3A_274], %get3A_271 : memref<2048xf32, #tpu.memory_space<vmem>>[vector<16xi32>], vector<16xf32>,
        %get3A_275 = arith.constant 3 : i32
        %get3A_276 = arith.index_cast %get3A_275 : i32 to index
        %get3A_277 = arith.constant 48 : index
        %get3A_278 = tpu.vector_load %arg5[%get3A_276, %get3A_277] {strides = array<i32>} : memref<16x128xf32, #tpu.memory_space<vmem>>, vector<16xf32>,
        %add3A_279 = arith.constant 771 : i32
        %add3A_280 = vector.broadcast %add3A_279 : i32 to vector<16xi32>
        %add3A_281 = arith.addi %mul3A_11, %add3A_280 : vector<16xi32>
        tpu.vector_store_idx %arg7[%add3A_281], %get3A_278 : memref<2048xf32, #tpu.memory_space<vmem>>[vector<16xi32>], vector<16xf32>,
        %get3A_282 = arith.constant 3 : i32
        %get3A_283 = arith.index_cast %get3A_282 : i32 to index
        %get3A_284 = arith.constant 64 : index
        %get3A_285 = tpu.vector_load %arg5[%get3A_283, %get3A_284] {strides = array<i32>} : memref<16x128xf32, #tpu.memory_space<vmem>>, vector<16xf32>,
        %add3A_286 = arith.constant 1027 : i32
        %add3A_287 = vector.broadcast %add3A_286 : i32 to vector<16xi32>
        %add3A_288 = arith.addi %mul3A_11, %add3A_287 : vector<16xi32>
        tpu.vector_store_idx %arg7[%add3A_288], %get3A_285 : memref<2048xf32, #tpu.memory_space<vmem>>[vector<16xi32>], vector<16xf32>,
        %get3A_289 = arith.constant 3 : i32
        %get3A_290 = arith.index_cast %get3A_289 : i32 to index
        %get3A_291 = arith.constant 80 : index
        %get3A_292 = tpu.vector_load %arg5[%get3A_290, %get3A_291] {strides = array<i32>} : memref<16x128xf32, #tpu.memory_space<vmem>>, vector<16xf32>,
        %add3A_293 = arith.constant 1283 : i32
        %add3A_294 = vector.broadcast %add3A_293 : i32 to vector<16xi32>
        %add3A_295 = arith.addi %mul3A_11, %add3A_294 : vector<16xi32>
        tpu.vector_store_idx %arg7[%add3A_295], %get3A_292 : memref<2048xf32, #tpu.memory_space<vmem>>[vector<16xi32>], vector<16xf32>,
        %get3A_296 = arith.constant 3 : i32
        %get3A_297 = arith.index_cast %get3A_296 : i32 to index
        %get3A_298 = arith.constant 96 : index
        %get3A_299 = tpu.vector_load %arg5[%get3A_297, %get3A_298] {strides = array<i32>} : memref<16x128xf32, #tpu.memory_space<vmem>>, vector<16xf32>,
        %add3A_300 = arith.constant 1539 : i32
        %add3A_301 = vector.broadcast %add3A_300 : i32 to vector<16xi32>
        %add3A_302 = arith.addi %mul3A_11, %add3A_301 : vector<16xi32>
        tpu.vector_store_idx %arg7[%add3A_302], %get3A_299 : memref<2048xf32, #tpu.memory_space<vmem>>[vector<16xi32>], vector<16xf32>,
        %get3A_303 = arith.constant 3 : i32
        %get3A_304 = arith.index_cast %get3A_303 : i32 to index
        %get3A_305 = arith.constant 112 : index
        %get3A_306 = tpu.vector_load %arg5[%get3A_304, %get3A_305] {strides = array<i32>} : memref<16x128xf32, #tpu.memory_space<vmem>>, vector<16xf32>,
        %add3A_307 = arith.constant 1795 : i32
        %add3A_308 = vector.broadcast %add3A_307 : i32 to vector<16xi32>
        %add3A_309 = arith.addi %mul3A_11, %add3A_308 : vector<16xi32>
        tpu.vector_store_idx %arg7[%add3A_309], %get3A_306 : memref<2048xf32, #tpu.memory_space<vmem>>[vector<16xi32>], vector<16xf32>,
        %get3A_310 = arith.constant 4 : i32
        %get3A_311 = arith.index_cast %get3A_310 : i32 to index
        %get3A_312 = arith.constant 0 : index
        %get3A_313 = tpu.vector_load %arg5[%get3A_311, %get3A_312] {strides = array<i32>} : memref<16x128xf32, #tpu.memory_space<vmem>>, vector<16xf32>,
        %add3A_314 = arith.constant 4 : i32
        %add3A_315 = vector.broadcast %add3A_314 : i32 to vector<16xi32>
        %add3A_316 = arith.addi %mul3A_11, %add3A_315 : vector<16xi32>
        tpu.vector_store_idx %arg7[%add3A_316], %get3A_313 : memref<2048xf32, #tpu.memory_space<vmem>>[vector<16xi32>], vector<16xf32>,
        %get3A_317 = arith.constant 4 : i32
        %get3A_318 = arith.index_cast %get3A_317 : i32 to index
        %get3A_319 = arith.constant 16 : index
        %get3A_320 = tpu.vector_load %arg5[%get3A_318, %get3A_319] {strides = array<i32>} : memref<16x128xf32, #tpu.memory_space<vmem>>, vector<16xf32>,
        %add3A_321 = arith.constant 260 : i32
        %add3A_322 = vector.broadcast %add3A_321 : i32 to vector<16xi32>
        %add3A_323 = arith.addi %mul3A_11, %add3A_322 : vector<16xi32>
        tpu.vector_store_idx %arg7[%add3A_323], %get3A_320 : memref<2048xf32, #tpu.memory_space<vmem>>[vector<16xi32>], vector<16xf32>,
        %get3A_324 = arith.constant 4 : i32
        %get3A_325 = arith.index_cast %get3A_324 : i32 to index
        %get3A_326 = arith.constant 32 : index
        %get3A_327 = tpu.vector_load %arg5[%get3A_325, %get3A_326] {strides = array<i32>} : memref<16x128xf32, #tpu.memory_space<vmem>>, vector<16xf32>,
        %add3A_328 = arith.constant 516 : i32
        %add3A_329 = vector.broadcast %add3A_328 : i32 to vector<16xi32>
        %add3A_330 = arith.addi %mul3A_11, %add3A_329 : vector<16xi32>
        tpu.vector_store_idx %arg7[%add3A_330], %get3A_327 : memref<2048xf32, #tpu.memory_space<vmem>>[vector<16xi32>], vector<16xf32>,
        %get3A_331 = arith.constant 4 : i32
        %get3A_332 = arith.index_cast %get3A_331 : i32 to index
        %get3A_333 = arith.constant 48 : index
        %get3A_334 = tpu.vector_load %arg5[%get3A_332, %get3A_333] {strides = array<i32>} : memref<16x128xf32, #tpu.memory_space<vmem>>, vector<16xf32>,
        %add3A_335 = arith.constant 772 : i32
        %add3A_336 = vector.broadcast %add3A_335 : i32 to vector<16xi32>
        %add3A_337 = arith.addi %mul3A_11, %add3A_336 : vector<16xi32>
        tpu.vector_store_idx %arg7[%add3A_337], %get3A_334 : memref<2048xf32, #tpu.memory_space<vmem>>[vector<16xi32>], vector<16xf32>,
        %get3A_338 = arith.constant 4 : i32
        %get3A_339 = arith.index_cast %get3A_338 : i32 to index
        %get3A_340 = arith.constant 64 : index
        %get3A_341 = tpu.vector_load %arg5[%get3A_339, %get3A_340] {strides = array<i32>} : memref<16x128xf32, #tpu.memory_space<vmem>>, vector<16xf32>,
        %add3A_342 = arith.constant 1028 : i32
        %add3A_343 = vector.broadcast %add3A_342 : i32 to vector<16xi32>
        %add3A_344 = arith.addi %mul3A_11, %add3A_343 : vector<16xi32>
        tpu.vector_store_idx %arg7[%add3A_344], %get3A_341 : memref<2048xf32, #tpu.memory_space<vmem>>[vector<16xi32>], vector<16xf32>,
        %get3A_345 = arith.constant 4 : i32
        %get3A_346 = arith.index_cast %get3A_345 : i32 to index
        %get3A_347 = arith.constant 80 : index
        %get3A_348 = tpu.vector_load %arg5[%get3A_346, %get3A_347] {strides = array<i32>} : memref<16x128xf32, #tpu.memory_space<vmem>>, vector<16xf32>,
        %add3A_349 = arith.constant 1284 : i32
        %add3A_350 = vector.broadcast %add3A_349 : i32 to vector<16xi32>
        %add3A_351 = arith.addi %mul3A_11, %add3A_350 : vector<16xi32>
        tpu.vector_store_idx %arg7[%add3A_351], %get3A_348 : memref<2048xf32, #tpu.memory_space<vmem>>[vector<16xi32>], vector<16xf32>,
        %get3A_352 = arith.constant 4 : i32
        %get3A_353 = arith.index_cast %get3A_352 : i32 to index
        %get3A_354 = arith.constant 96 : index
        %get3A_355 = tpu.vector_load %arg5[%get3A_353, %get3A_354] {strides = array<i32>} : memref<16x128xf32, #tpu.memory_space<vmem>>, vector<16xf32>,
        %add3A_356 = arith.constant 1540 : i32
        %add3A_357 = vector.broadcast %add3A_356 : i32 to vector<16xi32>
        %add3A_358 = arith.addi %mul3A_11, %add3A_357 : vector<16xi32>
        tpu.vector_store_idx %arg7[%add3A_358], %get3A_355 : memref<2048xf32, #tpu.memory_space<vmem>>[vector<16xi32>], vector<16xf32>,
        %get3A_359 = arith.constant 4 : i32
        %get3A_360 = arith.index_cast %get3A_359 : i32 to index
        %get3A_361 = arith.constant 112 : index
        %get3A_362 = tpu.vector_load %arg5[%get3A_360, %get3A_361] {strides = array<i32>} : memref<16x128xf32, #tpu.memory_space<vmem>>, vector<16xf32>,
        %add3A_363 = arith.constant 1796 : i32
        %add3A_364 = vector.broadcast %add3A_363 : i32 to vector<16xi32>
        %add3A_365 = arith.addi %mul3A_11, %add3A_364 : vector<16xi32>
        tpu.vector_store_idx %arg7[%add3A_365], %get3A_362 : memref<2048xf32, #tpu.memory_space<vmem>>[vector<16xi32>], vector<16xf32>,
        %get3A_366 = arith.constant 5 : i32
        %get3A_367 = arith.index_cast %get3A_366 : i32 to index
        %get3A_368 = arith.constant 0 : index
        %get3A_369 = tpu.vector_load %arg5[%get3A_367, %get3A_368] {strides = array<i32>} : memref<16x128xf32, #tpu.memory_space<vmem>>, vector<16xf32>,
        %add3A_370 = arith.constant 5 : i32
        %add3A_371 = vector.broadcast %add3A_370 : i32 to vector<16xi32>
        %add3A_372 = arith.addi %mul3A_11, %add3A_371 : vector<16xi32>
        tpu.vector_store_idx %arg7[%add3A_372], %get3A_369 : memref<2048xf32, #tpu.memory_space<vmem>>[vector<16xi32>], vector<16xf32>,
        %get3A_373 = arith.constant 5 : i32
        %get3A_374 = arith.index_cast %get3A_373 : i32 to index
        %get3A_375 = arith.constant 16 : index
        %get3A_376 = tpu.vector_load %arg5[%get3A_374, %get3A_375] {strides = array<i32>} : memref<16x128xf32, #tpu.memory_space<vmem>>, vector<16xf32>,
        %add3A_377 = arith.constant 261 : i32
        %add3A_378 = vector.broadcast %add3A_377 : i32 to vector<16xi32>
        %add3A_379 = arith.addi %mul3A_11, %add3A_378 : vector<16xi32>
        tpu.vector_store_idx %arg7[%add3A_379], %get3A_376 : memref<2048xf32, #tpu.memory_space<vmem>>[vector<16xi32>], vector<16xf32>,
        %get3A_380 = arith.constant 5 : i32
        %get3A_381 = arith.index_cast %get3A_380 : i32 to index
        %get3A_382 = arith.constant 32 : index
        %get3A_383 = tpu.vector_load %arg5[%get3A_381, %get3A_382] {strides = array<i32>} : memref<16x128xf32, #tpu.memory_space<vmem>>, vector<16xf32>,
        %add3A_384 = arith.constant 517 : i32
        %add3A_385 = vector.broadcast %add3A_384 : i32 to vector<16xi32>
        %add3A_386 = arith.addi %mul3A_11, %add3A_385 : vector<16xi32>
        tpu.vector_store_idx %arg7[%add3A_386], %get3A_383 : memref<2048xf32, #tpu.memory_space<vmem>>[vector<16xi32>], vector<16xf32>,
        %get3A_387 = arith.constant 5 : i32
        %get3A_388 = arith.index_cast %get3A_387 : i32 to index
        %get3A_389 = arith.constant 48 : index
        %get3A_390 = tpu.vector_load %arg5[%get3A_388, %get3A_389] {strides = array<i32>} : memref<16x128xf32, #tpu.memory_space<vmem>>, vector<16xf32>,
        %add3A_391 = arith.constant 773 : i32
        %add3A_392 = vector.broadcast %add3A_391 : i32 to vector<16xi32>
        %add3A_393 = arith.addi %mul3A_11, %add3A_392 : vector<16xi32>
        tpu.vector_store_idx %arg7[%add3A_393], %get3A_390 : memref<2048xf32, #tpu.memory_space<vmem>>[vector<16xi32>], vector<16xf32>,
        %get3A_394 = arith.constant 5 : i32
        %get3A_395 = arith.index_cast %get3A_394 : i32 to index
        %get3A_396 = arith.constant 64 : index
        %get3A_397 = tpu.vector_load %arg5[%get3A_395, %get3A_396] {strides = array<i32>} : memref<16x128xf32, #tpu.memory_space<vmem>>, vector<16xf32>,
        %add3A_398 = arith.constant 1029 : i32
        %add3A_399 = vector.broadcast %add3A_398 : i32 to vector<16xi32>
        %add3A_400 = arith.addi %mul3A_11, %add3A_399 : vector<16xi32>
        tpu.vector_store_idx %arg7[%add3A_400], %get3A_397 : memref<2048xf32, #tpu.memory_space<vmem>>[vector<16xi32>], vector<16xf32>,
        %get3A_401 = arith.constant 5 : i32
        %get3A_402 = arith.index_cast %get3A_401 : i32 to index
        %get3A_403 = arith.constant 80 : index
        %get3A_404 = tpu.vector_load %arg5[%get3A_402, %get3A_403] {strides = array<i32>} : memref<16x128xf32, #tpu.memory_space<vmem>>, vector<16xf32>,
        %add3A_405 = arith.constant 1285 : i32
        %add3A_406 = vector.broadcast %add3A_405 : i32 to vector<16xi32>
        %add3A_407 = arith.addi %mul3A_11, %add3A_406 : vector<16xi32>
        tpu.vector_store_idx %arg7[%add3A_407], %get3A_404 : memref<2048xf32, #tpu.memory_space<vmem>>[vector<16xi32>], vector<16xf32>,
        %get3A_408 = arith.constant 5 : i32
        %get3A_409 = arith.index_cast %get3A_408 : i32 to index
        %get3A_410 = arith.constant 96 : index
        %get3A_411 = tpu.vector_load %arg5[%get3A_409, %get3A_410] {strides = array<i32>} : memref<16x128xf32, #tpu.memory_space<vmem>>, vector<16xf32>,
        %add3A_412 = arith.constant 1541 : i32
        %add3A_413 = vector.broadcast %add3A_412 : i32 to vector<16xi32>
        %add3A_414 = arith.addi %mul3A_11, %add3A_413 : vector<16xi32>
        tpu.vector_store_idx %arg7[%add3A_414], %get3A_411 : memref<2048xf32, #tpu.memory_space<vmem>>[vector<16xi32>], vector<16xf32>,
        %get3A_415 = arith.constant 5 : i32
        %get3A_416 = arith.index_cast %get3A_415 : i32 to index
        %get3A_417 = arith.constant 112 : index
        %get3A_418 = tpu.vector_load %arg5[%get3A_416, %get3A_417] {strides = array<i32>} : memref<16x128xf32, #tpu.memory_space<vmem>>, vector<16xf32>,
        %add3A_419 = arith.constant 1797 : i32
        %add3A_420 = vector.broadcast %add3A_419 : i32 to vector<16xi32>
        %add3A_421 = arith.addi %mul3A_11, %add3A_420 : vector<16xi32>
        tpu.vector_store_idx %arg7[%add3A_421], %get3A_418 : memref<2048xf32, #tpu.memory_space<vmem>>[vector<16xi32>], vector<16xf32>,
        %get3A_422 = arith.constant 6 : i32
        %get3A_423 = arith.index_cast %get3A_422 : i32 to index
        %get3A_424 = arith.constant 0 : index
        %get3A_425 = tpu.vector_load %arg5[%get3A_423, %get3A_424] {strides = array<i32>} : memref<16x128xf32, #tpu.memory_space<vmem>>, vector<16xf32>,
        %add3A_426 = arith.constant 6 : i32
        %add3A_427 = vector.broadcast %add3A_426 : i32 to vector<16xi32>
        %add3A_428 = arith.addi %mul3A_11, %add3A_427 : vector<16xi32>
        tpu.vector_store_idx %arg7[%add3A_428], %get3A_425 : memref<2048xf32, #tpu.memory_space<vmem>>[vector<16xi32>], vector<16xf32>,
        %get3A_429 = arith.constant 6 : i32
        %get3A_430 = arith.index_cast %get3A_429 : i32 to index
        %get3A_431 = arith.constant 16 : index
        %get3A_432 = tpu.vector_load %arg5[%get3A_430, %get3A_431] {strides = array<i32>} : memref<16x128xf32, #tpu.memory_space<vmem>>, vector<16xf32>,
        %add3A_433 = arith.constant 262 : i32
        %add3A_434 = vector.broadcast %add3A_433 : i32 to vector<16xi32>
        %add3A_435 = arith.addi %mul3A_11, %add3A_434 : vector<16xi32>
        tpu.vector_store_idx %arg7[%add3A_435], %get3A_432 : memref<2048xf32, #tpu.memory_space<vmem>>[vector<16xi32>], vector<16xf32>,
        %get3A_436 = arith.constant 6 : i32
        %get3A_437 = arith.index_cast %get3A_436 : i32 to index
        %get3A_438 = arith.constant 32 : index
        %get3A_439 = tpu.vector_load %arg5[%get3A_437, %get3A_438] {strides = array<i32>} : memref<16x128xf32, #tpu.memory_space<vmem>>, vector<16xf32>,
        %add3A_440 = arith.constant 518 : i32
        %add3A_441 = vector.broadcast %add3A_440 : i32 to vector<16xi32>
        %add3A_442 = arith.addi %mul3A_11, %add3A_441 : vector<16xi32>
        tpu.vector_store_idx %arg7[%add3A_442], %get3A_439 : memref<2048xf32, #tpu.memory_space<vmem>>[vector<16xi32>], vector<16xf32>,
        %get3A_443 = arith.constant 6 : i32
        %get3A_444 = arith.index_cast %get3A_443 : i32 to index
        %get3A_445 = arith.constant 48 : index
        %get3A_446 = tpu.vector_load %arg5[%get3A_444, %get3A_445] {strides = array<i32>} : memref<16x128xf32, #tpu.memory_space<vmem>>, vector<16xf32>,
        %add3A_447 = arith.constant 774 : i32
        %add3A_448 = vector.broadcast %add3A_447 : i32 to vector<16xi32>
        %add3A_449 = arith.addi %mul3A_11, %add3A_448 : vector<16xi32>
        tpu.vector_store_idx %arg7[%add3A_449], %get3A_446 : memref<2048xf32, #tpu.memory_space<vmem>>[vector<16xi32>], vector<16xf32>,
        %get3A_450 = arith.constant 6 : i32
        %get3A_451 = arith.index_cast %get3A_450 : i32 to index
        %get3A_452 = arith.constant 64 : index
        %get3A_453 = tpu.vector_load %arg5[%get3A_451, %get3A_452] {strides = array<i32>} : memref<16x128xf32, #tpu.memory_space<vmem>>, vector<16xf32>,
        %add3A_454 = arith.constant 1030 : i32
        %add3A_455 = vector.broadcast %add3A_454 : i32 to vector<16xi32>
        %add3A_456 = arith.addi %mul3A_11, %add3A_455 : vector<16xi32>
        tpu.vector_store_idx %arg7[%add3A_456], %get3A_453 : memref<2048xf32, #tpu.memory_space<vmem>>[vector<16xi32>], vector<16xf32>,
        %get3A_457 = arith.constant 6 : i32
        %get3A_458 = arith.index_cast %get3A_457 : i32 to index
        %get3A_459 = arith.constant 80 : index
        %get3A_460 = tpu.vector_load %arg5[%get3A_458, %get3A_459] {strides = array<i32>} : memref<16x128xf32, #tpu.memory_space<vmem>>, vector<16xf32>,
        %add3A_461 = arith.constant 1286 : i32
        %add3A_462 = vector.broadcast %add3A_461 : i32 to vector<16xi32>
        %add3A_463 = arith.addi %mul3A_11, %add3A_462 : vector<16xi32>
        tpu.vector_store_idx %arg7[%add3A_463], %get3A_460 : memref<2048xf32, #tpu.memory_space<vmem>>[vector<16xi32>], vector<16xf32>,
        %get3A_464 = arith.constant 6 : i32
        %get3A_465 = arith.index_cast %get3A_464 : i32 to index
        %get3A_466 = arith.constant 96 : index
        %get3A_467 = tpu.vector_load %arg5[%get3A_465, %get3A_466] {strides = array<i32>} : memref<16x128xf32, #tpu.memory_space<vmem>>, vector<16xf32>,
        %add3A_468 = arith.constant 1542 : i32
        %add3A_469 = vector.broadcast %add3A_468 : i32 to vector<16xi32>
        %add3A_470 = arith.addi %mul3A_11, %add3A_469 : vector<16xi32>
        tpu.vector_store_idx %arg7[%add3A_470], %get3A_467 : memref<2048xf32, #tpu.memory_space<vmem>>[vector<16xi32>], vector<16xf32>,
        %get3A_471 = arith.constant 6 : i32
        %get3A_472 = arith.index_cast %get3A_471 : i32 to index
        %get3A_473 = arith.constant 112 : index
        %get3A_474 = tpu.vector_load %arg5[%get3A_472, %get3A_473] {strides = array<i32>} : memref<16x128xf32, #tpu.memory_space<vmem>>, vector<16xf32>,
        %add3A_475 = arith.constant 1798 : i32
        %add3A_476 = vector.broadcast %add3A_475 : i32 to vector<16xi32>
        %add3A_477 = arith.addi %mul3A_11, %add3A_476 : vector<16xi32>
        tpu.vector_store_idx %arg7[%add3A_477], %get3A_474 : memref<2048xf32, #tpu.memory_space<vmem>>[vector<16xi32>], vector<16xf32>,
        %get3A_478 = arith.constant 7 : i32
        %get3A_479 = arith.index_cast %get3A_478 : i32 to index
        %get3A_480 = arith.constant 0 : index
        %get3A_481 = tpu.vector_load %arg5[%get3A_479, %get3A_480] {strides = array<i32>} : memref<16x128xf32, #tpu.memory_space<vmem>>, vector<16xf32>,
        %add3A_482 = arith.constant 7 : i32
        %add3A_483 = vector.broadcast %add3A_482 : i32 to vector<16xi32>
        %add3A_484 = arith.addi %mul3A_11, %add3A_483 : vector<16xi32>
        tpu.vector_store_idx %arg7[%add3A_484], %get3A_481 : memref<2048xf32, #tpu.memory_space<vmem>>[vector<16xi32>], vector<16xf32>,
        %get3A_485 = arith.constant 7 : i32
        %get3A_486 = arith.index_cast %get3A_485 : i32 to index
        %get3A_487 = arith.constant 16 : index
        %get3A_488 = tpu.vector_load %arg5[%get3A_486, %get3A_487] {strides = array<i32>} : memref<16x128xf32, #tpu.memory_space<vmem>>, vector<16xf32>,
        %add3A_489 = arith.constant 263 : i32
        %add3A_490 = vector.broadcast %add3A_489 : i32 to vector<16xi32>
        %add3A_491 = arith.addi %mul3A_11, %add3A_490 : vector<16xi32>
        tpu.vector_store_idx %arg7[%add3A_491], %get3A_488 : memref<2048xf32, #tpu.memory_space<vmem>>[vector<16xi32>], vector<16xf32>,
        %get3A_492 = arith.constant 7 : i32
        %get3A_493 = arith.index_cast %get3A_492 : i32 to index
        %get3A_494 = arith.constant 32 : index
        %get3A_495 = tpu.vector_load %arg5[%get3A_493, %get3A_494] {strides = array<i32>} : memref<16x128xf32, #tpu.memory_space<vmem>>, vector<16xf32>,
        %add3A_496 = arith.constant 519 : i32
        %add3A_497 = vector.broadcast %add3A_496 : i32 to vector<16xi32>
        %add3A_498 = arith.addi %mul3A_11, %add3A_497 : vector<16xi32>
        tpu.vector_store_idx %arg7[%add3A_498], %get3A_495 : memref<2048xf32, #tpu.memory_space<vmem>>[vector<16xi32>], vector<16xf32>,
        %get3A_499 = arith.constant 7 : i32
        %get3A_500 = arith.index_cast %get3A_499 : i32 to index
        %get3A_501 = arith.constant 48 : index
        %get3A_502 = tpu.vector_load %arg5[%get3A_500, %get3A_501] {strides = array<i32>} : memref<16x128xf32, #tpu.memory_space<vmem>>, vector<16xf32>,
        %add3A_503 = arith.constant 775 : i32
        %add3A_504 = vector.broadcast %add3A_503 : i32 to vector<16xi32>
        %add3A_505 = arith.addi %mul3A_11, %add3A_504 : vector<16xi32>
        tpu.vector_store_idx %arg7[%add3A_505], %get3A_502 : memref<2048xf32, #tpu.memory_space<vmem>>[vector<16xi32>], vector<16xf32>,
        %get3A_506 = arith.constant 7 : i32
        %get3A_507 = arith.index_cast %get3A_506 : i32 to index
        %get3A_508 = arith.constant 64 : index
        %get3A_509 = tpu.vector_load %arg5[%get3A_507, %get3A_508] {strides = array<i32>} : memref<16x128xf32, #tpu.memory_space<vmem>>, vector<16xf32>,
        %add3A_510 = arith.constant 1031 : i32
        %add3A_511 = vector.broadcast %add3A_510 : i32 to vector<16xi32>
        %add3A_512 = arith.addi %mul3A_11, %add3A_511 : vector<16xi32>
        tpu.vector_store_idx %arg7[%add3A_512], %get3A_509 : memref<2048xf32, #tpu.memory_space<vmem>>[vector<16xi32>], vector<16xf32>,
        %get3A_513 = arith.constant 7 : i32
        %get3A_514 = arith.index_cast %get3A_513 : i32 to index
        %get3A_515 = arith.constant 80 : index
        %get3A_516 = tpu.vector_load %arg5[%get3A_514, %get3A_515] {strides = array<i32>} : memref<16x128xf32, #tpu.memory_space<vmem>>, vector<16xf32>,
        %add3A_517 = arith.constant 1287 : i32
        %add3A_518 = vector.broadcast %add3A_517 : i32 to vector<16xi32>
        %add3A_519 = arith.addi %mul3A_11, %add3A_518 : vector<16xi32>
        tpu.vector_store_idx %arg7[%add3A_519], %get3A_516 : memref<2048xf32, #tpu.memory_space<vmem>>[vector<16xi32>], vector<16xf32>,
        %get3A_520 = arith.constant 7 : i32
        %get3A_521 = arith.index_cast %get3A_520 : i32 to index
        %get3A_522 = arith.constant 96 : index
        %get3A_523 = tpu.vector_load %arg5[%get3A_521, %get3A_522] {strides = array<i32>} : memref<16x128xf32, #tpu.memory_space<vmem>>, vector<16xf32>,
        %add3A_524 = arith.constant 1543 : i32
        %add3A_525 = vector.broadcast %add3A_524 : i32 to vector<16xi32>
        %add3A_526 = arith.addi %mul3A_11, %add3A_525 : vector<16xi32>
        tpu.vector_store_idx %arg7[%add3A_526], %get3A_523 : memref<2048xf32, #tpu.memory_space<vmem>>[vector<16xi32>], vector<16xf32>,
        %get3A_527 = arith.constant 7 : i32
        %get3A_528 = arith.index_cast %get3A_527 : i32 to index
        %get3A_529 = arith.constant 112 : index
        %get3A_530 = tpu.vector_load %arg5[%get3A_528, %get3A_529] {strides = array<i32>} : memref<16x128xf32, #tpu.memory_space<vmem>>, vector<16xf32>,
        %add3A_531 = arith.constant 1799 : i32
        %add3A_532 = vector.broadcast %add3A_531 : i32 to vector<16xi32>
        %add3A_533 = arith.addi %mul3A_11, %add3A_532 : vector<16xi32>
        tpu.vector_store_idx %arg7[%add3A_533], %get3A_530 : memref<2048xf32, #tpu.memory_space<vmem>>[vector<16xi32>], vector<16xf32>,
        %get3A_534 = arith.constant 8 : i32
        %get3A_535 = arith.index_cast %get3A_534 : i32 to index
        %get3A_536 = arith.constant 0 : index
        %get3A_537 = tpu.vector_load %arg5[%get3A_535, %get3A_536] {strides = array<i32>} : memref<16x128xf32, #tpu.memory_space<vmem>>, vector<16xf32>,
        %add3A_538 = arith.constant 8 : i32
        %add3A_539 = vector.broadcast %add3A_538 : i32 to vector<16xi32>
        %add3A_540 = arith.addi %mul3A_11, %add3A_539 : vector<16xi32>
        tpu.vector_store_idx %arg7[%add3A_540], %get3A_537 : memref<2048xf32, #tpu.memory_space<vmem>>[vector<16xi32>], vector<16xf32>,
        %get3A_541 = arith.constant 8 : i32
        %get3A_542 = arith.index_cast %get3A_541 : i32 to index
        %get3A_543 = arith.constant 16 : index
        %get3A_544 = tpu.vector_load %arg5[%get3A_542, %get3A_543] {strides = array<i32>} : memref<16x128xf32, #tpu.memory_space<vmem>>, vector<16xf32>,
        %add3A_545 = arith.constant 264 : i32
        %add3A_546 = vector.broadcast %add3A_545 : i32 to vector<16xi32>
        %add3A_547 = arith.addi %mul3A_11, %add3A_546 : vector<16xi32>
        tpu.vector_store_idx %arg7[%add3A_547], %get3A_544 : memref<2048xf32, #tpu.memory_space<vmem>>[vector<16xi32>], vector<16xf32>,
        %get3A_548 = arith.constant 8 : i32
        %get3A_549 = arith.index_cast %get3A_548 : i32 to index
        %get3A_550 = arith.constant 32 : index
        %get3A_551 = tpu.vector_load %arg5[%get3A_549, %get3A_550] {strides = array<i32>} : memref<16x128xf32, #tpu.memory_space<vmem>>, vector<16xf32>,
        %add3A_552 = arith.constant 520 : i32
        %add3A_553 = vector.broadcast %add3A_552 : i32 to vector<16xi32>
        %add3A_554 = arith.addi %mul3A_11, %add3A_553 : vector<16xi32>
        tpu.vector_store_idx %arg7[%add3A_554], %get3A_551 : memref<2048xf32, #tpu.memory_space<vmem>>[vector<16xi32>], vector<16xf32>,
        %get3A_555 = arith.constant 8 : i32
        %get3A_556 = arith.index_cast %get3A_555 : i32 to index
        %get3A_557 = arith.constant 48 : index
        %get3A_558 = tpu.vector_load %arg5[%get3A_556, %get3A_557] {strides = array<i32>} : memref<16x128xf32, #tpu.memory_space<vmem>>, vector<16xf32>,
        %add3A_559 = arith.constant 776 : i32
        %add3A_560 = vector.broadcast %add3A_559 : i32 to vector<16xi32>
        %add3A_561 = arith.addi %mul3A_11, %add3A_560 : vector<16xi32>
        tpu.vector_store_idx %arg7[%add3A_561], %get3A_558 : memref<2048xf32, #tpu.memory_space<vmem>>[vector<16xi32>], vector<16xf32>,
        %get3A_562 = arith.constant 8 : i32
        %get3A_563 = arith.index_cast %get3A_562 : i32 to index
        %get3A_564 = arith.constant 64 : index
        %get3A_565 = tpu.vector_load %arg5[%get3A_563, %get3A_564] {strides = array<i32>} : memref<16x128xf32, #tpu.memory_space<vmem>>, vector<16xf32>,
        %add3A_566 = arith.constant 1032 : i32
        %add3A_567 = vector.broadcast %add3A_566 : i32 to vector<16xi32>
        %add3A_568 = arith.addi %mul3A_11, %add3A_567 : vector<16xi32>
        tpu.vector_store_idx %arg7[%add3A_568], %get3A_565 : memref<2048xf32, #tpu.memory_space<vmem>>[vector<16xi32>], vector<16xf32>,
        %get3A_569 = arith.constant 8 : i32
        %get3A_570 = arith.index_cast %get3A_569 : i32 to index
        %get3A_571 = arith.constant 80 : index
        %get3A_572 = tpu.vector_load %arg5[%get3A_570, %get3A_571] {strides = array<i32>} : memref<16x128xf32, #tpu.memory_space<vmem>>, vector<16xf32>,
        %add3A_573 = arith.constant 1288 : i32
        %add3A_574 = vector.broadcast %add3A_573 : i32 to vector<16xi32>
        %add3A_575 = arith.addi %mul3A_11, %add3A_574 : vector<16xi32>
        tpu.vector_store_idx %arg7[%add3A_575], %get3A_572 : memref<2048xf32, #tpu.memory_space<vmem>>[vector<16xi32>], vector<16xf32>,
        %get3A_576 = arith.constant 8 : i32
        %get3A_577 = arith.index_cast %get3A_576 : i32 to index
        %get3A_578 = arith.constant 96 : index
        %get3A_579 = tpu.vector_load %arg5[%get3A_577, %get3A_578] {strides = array<i32>} : memref<16x128xf32, #tpu.memory_space<vmem>>, vector<16xf32>,
        %add3A_580 = arith.constant 1544 : i32
        %add3A_581 = vector.broadcast %add3A_580 : i32 to vector<16xi32>
        %add3A_582 = arith.addi %mul3A_11, %add3A_581 : vector<16xi32>
        tpu.vector_store_idx %arg7[%add3A_582], %get3A_579 : memref<2048xf32, #tpu.memory_space<vmem>>[vector<16xi32>], vector<16xf32>,
        %get3A_583 = arith.constant 8 : i32
        %get3A_584 = arith.index_cast %get3A_583 : i32 to index
        %get3A_585 = arith.constant 112 : index
        %get3A_586 = tpu.vector_load %arg5[%get3A_584, %get3A_585] {strides = array<i32>} : memref<16x128xf32, #tpu.memory_space<vmem>>, vector<16xf32>,
        %add3A_587 = arith.constant 1800 : i32
        %add3A_588 = vector.broadcast %add3A_587 : i32 to vector<16xi32>
        %add3A_589 = arith.addi %mul3A_11, %add3A_588 : vector<16xi32>
        tpu.vector_store_idx %arg7[%add3A_589], %get3A_586 : memref<2048xf32, #tpu.memory_space<vmem>>[vector<16xi32>], vector<16xf32>,
        %get3A_590 = arith.constant 9 : i32
        %get3A_591 = arith.index_cast %get3A_590 : i32 to index
        %get3A_592 = arith.constant 0 : index
        %get3A_593 = tpu.vector_load %arg5[%get3A_591, %get3A_592] {strides = array<i32>} : memref<16x128xf32, #tpu.memory_space<vmem>>, vector<16xf32>,
        %add3A_594 = arith.constant 9 : i32
        %add3A_595 = vector.broadcast %add3A_594 : i32 to vector<16xi32>
        %add3A_596 = arith.addi %mul3A_11, %add3A_595 : vector<16xi32>
        tpu.vector_store_idx %arg7[%add3A_596], %get3A_593 : memref<2048xf32, #tpu.memory_space<vmem>>[vector<16xi32>], vector<16xf32>,
        %get3A_597 = arith.constant 9 : i32
        %get3A_598 = arith.index_cast %get3A_597 : i32 to index
        %get3A_599 = arith.constant 16 : index
        %get3A_600 = tpu.vector_load %arg5[%get3A_598, %get3A_599] {strides = array<i32>} : memref<16x128xf32, #tpu.memory_space<vmem>>, vector<16xf32>,
        %add3A_601 = arith.constant 265 : i32
        %add3A_602 = vector.broadcast %add3A_601 : i32 to vector<16xi32>
        %add3A_603 = arith.addi %mul3A_11, %add3A_602 : vector<16xi32>
        tpu.vector_store_idx %arg7[%add3A_603], %get3A_600 : memref<2048xf32, #tpu.memory_space<vmem>>[vector<16xi32>], vector<16xf32>,
        %get3A_604 = arith.constant 9 : i32
        %get3A_605 = arith.index_cast %get3A_604 : i32 to index
        %get3A_606 = arith.constant 32 : index
        %get3A_607 = tpu.vector_load %arg5[%get3A_605, %get3A_606] {strides = array<i32>} : memref<16x128xf32, #tpu.memory_space<vmem>>, vector<16xf32>,
        %add3A_608 = arith.constant 521 : i32
        %add3A_609 = vector.broadcast %add3A_608 : i32 to vector<16xi32>
        %add3A_610 = arith.addi %mul3A_11, %add3A_609 : vector<16xi32>
        tpu.vector_store_idx %arg7[%add3A_610], %get3A_607 : memref<2048xf32, #tpu.memory_space<vmem>>[vector<16xi32>], vector<16xf32>,
        %get3A_611 = arith.constant 9 : i32
        %get3A_612 = arith.index_cast %get3A_611 : i32 to index
        %get3A_613 = arith.constant 48 : index
        %get3A_614 = tpu.vector_load %arg5[%get3A_612, %get3A_613] {strides = array<i32>} : memref<16x128xf32, #tpu.memory_space<vmem>>, vector<16xf32>,
        %add3A_615 = arith.constant 777 : i32
        %add3A_616 = vector.broadcast %add3A_615 : i32 to vector<16xi32>
        %add3A_617 = arith.addi %mul3A_11, %add3A_616 : vector<16xi32>
        tpu.vector_store_idx %arg7[%add3A_617], %get3A_614 : memref<2048xf32, #tpu.memory_space<vmem>>[vector<16xi32>], vector<16xf32>,
        %get3A_618 = arith.constant 9 : i32
        %get3A_619 = arith.index_cast %get3A_618 : i32 to index
        %get3A_620 = arith.constant 64 : index
        %get3A_621 = tpu.vector_load %arg5[%get3A_619, %get3A_620] {strides = array<i32>} : memref<16x128xf32, #tpu.memory_space<vmem>>, vector<16xf32>,
        %add3A_622 = arith.constant 1033 : i32
        %add3A_623 = vector.broadcast %add3A_622 : i32 to vector<16xi32>
        %add3A_624 = arith.addi %mul3A_11, %add3A_623 : vector<16xi32>
        tpu.vector_store_idx %arg7[%add3A_624], %get3A_621 : memref<2048xf32, #tpu.memory_space<vmem>>[vector<16xi32>], vector<16xf32>,
        %get3A_625 = arith.constant 9 : i32
        %get3A_626 = arith.index_cast %get3A_625 : i32 to index
        %get3A_627 = arith.constant 80 : index
        %get3A_628 = tpu.vector_load %arg5[%get3A_626, %get3A_627] {strides = array<i32>} : memref<16x128xf32, #tpu.memory_space<vmem>>, vector<16xf32>,
        %add3A_629 = arith.constant 1289 : i32
        %add3A_630 = vector.broadcast %add3A_629 : i32 to vector<16xi32>
        %add3A_631 = arith.addi %mul3A_11, %add3A_630 : vector<16xi32>
        tpu.vector_store_idx %arg7[%add3A_631], %get3A_628 : memref<2048xf32, #tpu.memory_space<vmem>>[vector<16xi32>], vector<16xf32>,
        %get3A_632 = arith.constant 9 : i32
        %get3A_633 = arith.index_cast %get3A_632 : i32 to index
        %get3A_634 = arith.constant 96 : index
        %get3A_635 = tpu.vector_load %arg5[%get3A_633, %get3A_634] {strides = array<i32>} : memref<16x128xf32, #tpu.memory_space<vmem>>, vector<16xf32>,
        %add3A_636 = arith.constant 1545 : i32
        %add3A_637 = vector.broadcast %add3A_636 : i32 to vector<16xi32>
        %add3A_638 = arith.addi %mul3A_11, %add3A_637 : vector<16xi32>
        tpu.vector_store_idx %arg7[%add3A_638], %get3A_635 : memref<2048xf32, #tpu.memory_space<vmem>>[vector<16xi32>], vector<16xf32>,
        %get3A_639 = arith.constant 9 : i32
        %get3A_640 = arith.index_cast %get3A_639 : i32 to index
        %get3A_641 = arith.constant 112 : index
        %get3A_642 = tpu.vector_load %arg5[%get3A_640, %get3A_641] {strides = array<i32>} : memref<16x128xf32, #tpu.memory_space<vmem>>, vector<16xf32>,
        %add3A_643 = arith.constant 1801 : i32
        %add3A_644 = vector.broadcast %add3A_643 : i32 to vector<16xi32>
        %add3A_645 = arith.addi %mul3A_11, %add3A_644 : vector<16xi32>
        tpu.vector_store_idx %arg7[%add3A_645], %get3A_642 : memref<2048xf32, #tpu.memory_space<vmem>>[vector<16xi32>], vector<16xf32>,
        %get3A_646 = arith.constant 10 : i32
        %get3A_647 = arith.index_cast %get3A_646 : i32 to index
        %get3A_648 = arith.constant 0 : index
        %get3A_649 = tpu.vector_load %arg5[%get3A_647, %get3A_648] {strides = array<i32>} : memref<16x128xf32, #tpu.memory_space<vmem>>, vector<16xf32>,
        %add3A_650 = arith.constant 10 : i32
        %add3A_651 = vector.broadcast %add3A_650 : i32 to vector<16xi32>
        %add3A_652 = arith.addi %mul3A_11, %add3A_651 : vector<16xi32>
        tpu.vector_store_idx %arg7[%add3A_652], %get3A_649 : memref<2048xf32, #tpu.memory_space<vmem>>[vector<16xi32>], vector<16xf32>,
        %get3A_653 = arith.constant 10 : i32
        %get3A_654 = arith.index_cast %get3A_653 : i32 to index
        %get3A_655 = arith.constant 16 : index
        %get3A_656 = tpu.vector_load %arg5[%get3A_654, %get3A_655] {strides = array<i32>} : memref<16x128xf32, #tpu.memory_space<vmem>>, vector<16xf32>,
        %add3A_657 = arith.constant 266 : i32
        %add3A_658 = vector.broadcast %add3A_657 : i32 to vector<16xi32>
        %add3A_659 = arith.addi %mul3A_11, %add3A_658 : vector<16xi32>
        tpu.vector_store_idx %arg7[%add3A_659], %get3A_656 : memref<2048xf32, #tpu.memory_space<vmem>>[vector<16xi32>], vector<16xf32>,
        %get3A_660 = arith.constant 10 : i32
        %get3A_661 = arith.index_cast %get3A_660 : i32 to index
        %get3A_662 = arith.constant 32 : index
        %get3A_663 = tpu.vector_load %arg5[%get3A_661, %get3A_662] {strides = array<i32>} : memref<16x128xf32, #tpu.memory_space<vmem>>, vector<16xf32>,
        %add3A_664 = arith.constant 522 : i32
        %add3A_665 = vector.broadcast %add3A_664 : i32 to vector<16xi32>
        %add3A_666 = arith.addi %mul3A_11, %add3A_665 : vector<16xi32>
        tpu.vector_store_idx %arg7[%add3A_666], %get3A_663 : memref<2048xf32, #tpu.memory_space<vmem>>[vector<16xi32>], vector<16xf32>,
        %get3A_667 = arith.constant 10 : i32
        %get3A_668 = arith.index_cast %get3A_667 : i32 to index
        %get3A_669 = arith.constant 48 : index
        %get3A_670 = tpu.vector_load %arg5[%get3A_668, %get3A_669] {strides = array<i32>} : memref<16x128xf32, #tpu.memory_space<vmem>>, vector<16xf32>,
        %add3A_671 = arith.constant 778 : i32
        %add3A_672 = vector.broadcast %add3A_671 : i32 to vector<16xi32>
        %add3A_673 = arith.addi %mul3A_11, %add3A_672 : vector<16xi32>
        tpu.vector_store_idx %arg7[%add3A_673], %get3A_670 : memref<2048xf32, #tpu.memory_space<vmem>>[vector<16xi32>], vector<16xf32>,
        %get3A_674 = arith.constant 10 : i32
        %get3A_675 = arith.index_cast %get3A_674 : i32 to index
        %get3A_676 = arith.constant 64 : index
        %get3A_677 = tpu.vector_load %arg5[%get3A_675, %get3A_676] {strides = array<i32>} : memref<16x128xf32, #tpu.memory_space<vmem>>, vector<16xf32>,
        %add3A_678 = arith.constant 1034 : i32
        %add3A_679 = vector.broadcast %add3A_678 : i32 to vector<16xi32>
        %add3A_680 = arith.addi %mul3A_11, %add3A_679 : vector<16xi32>
        tpu.vector_store_idx %arg7[%add3A_680], %get3A_677 : memref<2048xf32, #tpu.memory_space<vmem>>[vector<16xi32>], vector<16xf32>,
        %get3A_681 = arith.constant 10 : i32
        %get3A_682 = arith.index_cast %get3A_681 : i32 to index
        %get3A_683 = arith.constant 80 : index
        %get3A_684 = tpu.vector_load %arg5[%get3A_682, %get3A_683] {strides = array<i32>} : memref<16x128xf32, #tpu.memory_space<vmem>>, vector<16xf32>,
        %add3A_685 = arith.constant 1290 : i32
        %add3A_686 = vector.broadcast %add3A_685 : i32 to vector<16xi32>
        %add3A_687 = arith.addi %mul3A_11, %add3A_686 : vector<16xi32>
        tpu.vector_store_idx %arg7[%add3A_687], %get3A_684 : memref<2048xf32, #tpu.memory_space<vmem>>[vector<16xi32>], vector<16xf32>,
        %get3A_688 = arith.constant 10 : i32
        %get3A_689 = arith.index_cast %get3A_688 : i32 to index
        %get3A_690 = arith.constant 96 : index
        %get3A_691 = tpu.vector_load %arg5[%get3A_689, %get3A_690] {strides = array<i32>} : memref<16x128xf32, #tpu.memory_space<vmem>>, vector<16xf32>,
        %add3A_692 = arith.constant 1546 : i32
        %add3A_693 = vector.broadcast %add3A_692 : i32 to vector<16xi32>
        %add3A_694 = arith.addi %mul3A_11, %add3A_693 : vector<16xi32>
        tpu.vector_store_idx %arg7[%add3A_694], %get3A_691 : memref<2048xf32, #tpu.memory_space<vmem>>[vector<16xi32>], vector<16xf32>,
        %get3A_695 = arith.constant 10 : i32
        %get3A_696 = arith.index_cast %get3A_695 : i32 to index
        %get3A_697 = arith.constant 112 : index
        %get3A_698 = tpu.vector_load %arg5[%get3A_696, %get3A_697] {strides = array<i32>} : memref<16x128xf32, #tpu.memory_space<vmem>>, vector<16xf32>,
        %add3A_699 = arith.constant 1802 : i32
        %add3A_700 = vector.broadcast %add3A_699 : i32 to vector<16xi32>
        %add3A_701 = arith.addi %mul3A_11, %add3A_700 : vector<16xi32>
        tpu.vector_store_idx %arg7[%add3A_701], %get3A_698 : memref<2048xf32, #tpu.memory_space<vmem>>[vector<16xi32>], vector<16xf32>,
        %get3A_702 = arith.constant 11 : i32
        %get3A_703 = arith.index_cast %get3A_702 : i32 to index
        %get3A_704 = arith.constant 0 : index
        %get3A_705 = tpu.vector_load %arg5[%get3A_703, %get3A_704] {strides = array<i32>} : memref<16x128xf32, #tpu.memory_space<vmem>>, vector<16xf32>,
        %add3A_706 = arith.constant 11 : i32
        %add3A_707 = vector.broadcast %add3A_706 : i32 to vector<16xi32>
        %add3A_708 = arith.addi %mul3A_11, %add3A_707 : vector<16xi32>
        tpu.vector_store_idx %arg7[%add3A_708], %get3A_705 : memref<2048xf32, #tpu.memory_space<vmem>>[vector<16xi32>], vector<16xf32>,
        %get3A_709 = arith.constant 11 : i32
        %get3A_710 = arith.index_cast %get3A_709 : i32 to index
        %get3A_711 = arith.constant 16 : index
        %get3A_712 = tpu.vector_load %arg5[%get3A_710, %get3A_711] {strides = array<i32>} : memref<16x128xf32, #tpu.memory_space<vmem>>, vector<16xf32>,
        %add3A_713 = arith.constant 267 : i32
        %add3A_714 = vector.broadcast %add3A_713 : i32 to vector<16xi32>
        %add3A_715 = arith.addi %mul3A_11, %add3A_714 : vector<16xi32>
        tpu.vector_store_idx %arg7[%add3A_715], %get3A_712 : memref<2048xf32, #tpu.memory_space<vmem>>[vector<16xi32>], vector<16xf32>,
        %get3A_716 = arith.constant 11 : i32
        %get3A_717 = arith.index_cast %get3A_716 : i32 to index
        %get3A_718 = arith.constant 32 : index
        %get3A_719 = tpu.vector_load %arg5[%get3A_717, %get3A_718] {strides = array<i32>} : memref<16x128xf32, #tpu.memory_space<vmem>>, vector<16xf32>,
        %add3A_720 = arith.constant 523 : i32
        %add3A_721 = vector.broadcast %add3A_720 : i32 to vector<16xi32>
        %add3A_722 = arith.addi %mul3A_11, %add3A_721 : vector<16xi32>
        tpu.vector_store_idx %arg7[%add3A_722], %get3A_719 : memref<2048xf32, #tpu.memory_space<vmem>>[vector<16xi32>], vector<16xf32>,
        %get3A_723 = arith.constant 11 : i32
        %get3A_724 = arith.index_cast %get3A_723 : i32 to index
        %get3A_725 = arith.constant 48 : index
        %get3A_726 = tpu.vector_load %arg5[%get3A_724, %get3A_725] {strides = array<i32>} : memref<16x128xf32, #tpu.memory_space<vmem>>, vector<16xf32>,
        %add3A_727 = arith.constant 779 : i32
        %add3A_728 = vector.broadcast %add3A_727 : i32 to vector<16xi32>
        %add3A_729 = arith.addi %mul3A_11, %add3A_728 : vector<16xi32>
        tpu.vector_store_idx %arg7[%add3A_729], %get3A_726 : memref<2048xf32, #tpu.memory_space<vmem>>[vector<16xi32>], vector<16xf32>,
        %get3A_730 = arith.constant 11 : i32
        %get3A_731 = arith.index_cast %get3A_730 : i32 to index
        %get3A_732 = arith.constant 64 : index
        %get3A_733 = tpu.vector_load %arg5[%get3A_731, %get3A_732] {strides = array<i32>} : memref<16x128xf32, #tpu.memory_space<vmem>>, vector<16xf32>,
        %add3A_734 = arith.constant 1035 : i32
        %add3A_735 = vector.broadcast %add3A_734 : i32 to vector<16xi32>
        %add3A_736 = arith.addi %mul3A_11, %add3A_735 : vector<16xi32>
        tpu.vector_store_idx %arg7[%add3A_736], %get3A_733 : memref<2048xf32, #tpu.memory_space<vmem>>[vector<16xi32>], vector<16xf32>,
        %get3A_737 = arith.constant 11 : i32
        %get3A_738 = arith.index_cast %get3A_737 : i32 to index
        %get3A_739 = arith.constant 80 : index
        %get3A_740 = tpu.vector_load %arg5[%get3A_738, %get3A_739] {strides = array<i32>} : memref<16x128xf32, #tpu.memory_space<vmem>>, vector<16xf32>,
        %add3A_741 = arith.constant 1291 : i32
        %add3A_742 = vector.broadcast %add3A_741 : i32 to vector<16xi32>
        %add3A_743 = arith.addi %mul3A_11, %add3A_742 : vector<16xi32>
        tpu.vector_store_idx %arg7[%add3A_743], %get3A_740 : memref<2048xf32, #tpu.memory_space<vmem>>[vector<16xi32>], vector<16xf32>,
        %get3A_744 = arith.constant 11 : i32
        %get3A_745 = arith.index_cast %get3A_744 : i32 to index
        %get3A_746 = arith.constant 96 : index
        %get3A_747 = tpu.vector_load %arg5[%get3A_745, %get3A_746] {strides = array<i32>} : memref<16x128xf32, #tpu.memory_space<vmem>>, vector<16xf32>,
        %add3A_748 = arith.constant 1547 : i32
        %add3A_749 = vector.broadcast %add3A_748 : i32 to vector<16xi32>
        %add3A_750 = arith.addi %mul3A_11, %add3A_749 : vector<16xi32>
        tpu.vector_store_idx %arg7[%add3A_750], %get3A_747 : memref<2048xf32, #tpu.memory_space<vmem>>[vector<16xi32>], vector<16xf32>,
        %get3A_751 = arith.constant 11 : i32
        %get3A_752 = arith.index_cast %get3A_751 : i32 to index
        %get3A_753 = arith.constant 112 : index
        %get3A_754 = tpu.vector_load %arg5[%get3A_752, %get3A_753] {strides = array<i32>} : memref<16x128xf32, #tpu.memory_space<vmem>>, vector<16xf32>,
        %add3A_755 = arith.constant 1803 : i32
        %add3A_756 = vector.broadcast %add3A_755 : i32 to vector<16xi32>
        %add3A_757 = arith.addi %mul3A_11, %add3A_756 : vector<16xi32>
        tpu.vector_store_idx %arg7[%add3A_757], %get3A_754 : memref<2048xf32, #tpu.memory_space<vmem>>[vector<16xi32>], vector<16xf32>,
        %get3A_758 = arith.constant 12 : i32
        %get3A_759 = arith.index_cast %get3A_758 : i32 to index
        %get3A_760 = arith.constant 0 : index
        %get3A_761 = tpu.vector_load %arg5[%get3A_759, %get3A_760] {strides = array<i32>} : memref<16x128xf32, #tpu.memory_space<vmem>>, vector<16xf32>,
        %add3A_762 = arith.constant 12 : i32
        %add3A_763 = vector.broadcast %add3A_762 : i32 to vector<16xi32>
        %add3A_764 = arith.addi %mul3A_11, %add3A_763 : vector<16xi32>
        tpu.vector_store_idx %arg7[%add3A_764], %get3A_761 : memref<2048xf32, #tpu.memory_space<vmem>>[vector<16xi32>], vector<16xf32>,
        %get3A_765 = arith.constant 12 : i32
        %get3A_766 = arith.index_cast %get3A_765 : i32 to index
        %get3A_767 = arith.constant 16 : index
        %get3A_768 = tpu.vector_load %arg5[%get3A_766, %get3A_767] {strides = array<i32>} : memref<16x128xf32, #tpu.memory_space<vmem>>, vector<16xf32>,
        %add3A_769 = arith.constant 268 : i32
        %add3A_770 = vector.broadcast %add3A_769 : i32 to vector<16xi32>
        %add3A_771 = arith.addi %mul3A_11, %add3A_770 : vector<16xi32>
        tpu.vector_store_idx %arg7[%add3A_771], %get3A_768 : memref<2048xf32, #tpu.memory_space<vmem>>[vector<16xi32>], vector<16xf32>,
        %get3A_772 = arith.constant 12 : i32
        %get3A_773 = arith.index_cast %get3A_772 : i32 to index
        %get3A_774 = arith.constant 32 : index
        %get3A_775 = tpu.vector_load %arg5[%get3A_773, %get3A_774] {strides = array<i32>} : memref<16x128xf32, #tpu.memory_space<vmem>>, vector<16xf32>,
        %add3A_776 = arith.constant 524 : i32
        %add3A_777 = vector.broadcast %add3A_776 : i32 to vector<16xi32>
        %add3A_778 = arith.addi %mul3A_11, %add3A_777 : vector<16xi32>
        tpu.vector_store_idx %arg7[%add3A_778], %get3A_775 : memref<2048xf32, #tpu.memory_space<vmem>>[vector<16xi32>], vector<16xf32>,
        %get3A_779 = arith.constant 12 : i32
        %get3A_780 = arith.index_cast %get3A_779 : i32 to index
        %get3A_781 = arith.constant 48 : index
        %get3A_782 = tpu.vector_load %arg5[%get3A_780, %get3A_781] {strides = array<i32>} : memref<16x128xf32, #tpu.memory_space<vmem>>, vector<16xf32>,
        %add3A_783 = arith.constant 780 : i32
        %add3A_784 = vector.broadcast %add3A_783 : i32 to vector<16xi32>
        %add3A_785 = arith.addi %mul3A_11, %add3A_784 : vector<16xi32>
        tpu.vector_store_idx %arg7[%add3A_785], %get3A_782 : memref<2048xf32, #tpu.memory_space<vmem>>[vector<16xi32>], vector<16xf32>,
        %get3A_786 = arith.constant 12 : i32
        %get3A_787 = arith.index_cast %get3A_786 : i32 to index
        %get3A_788 = arith.constant 64 : index
        %get3A_789 = tpu.vector_load %arg5[%get3A_787, %get3A_788] {strides = array<i32>} : memref<16x128xf32, #tpu.memory_space<vmem>>, vector<16xf32>,
        %add3A_790 = arith.constant 1036 : i32
        %add3A_791 = vector.broadcast %add3A_790 : i32 to vector<16xi32>
        %add3A_792 = arith.addi %mul3A_11, %add3A_791 : vector<16xi32>
        tpu.vector_store_idx %arg7[%add3A_792], %get3A_789 : memref<2048xf32, #tpu.memory_space<vmem>>[vector<16xi32>], vector<16xf32>,
        %get3A_793 = arith.constant 12 : i32
        %get3A_794 = arith.index_cast %get3A_793 : i32 to index
        %get3A_795 = arith.constant 80 : index
        %get3A_796 = tpu.vector_load %arg5[%get3A_794, %get3A_795] {strides = array<i32>} : memref<16x128xf32, #tpu.memory_space<vmem>>, vector<16xf32>,
        %add3A_797 = arith.constant 1292 : i32
        %add3A_798 = vector.broadcast %add3A_797 : i32 to vector<16xi32>
        %add3A_799 = arith.addi %mul3A_11, %add3A_798 : vector<16xi32>
        tpu.vector_store_idx %arg7[%add3A_799], %get3A_796 : memref<2048xf32, #tpu.memory_space<vmem>>[vector<16xi32>], vector<16xf32>,
        %get3A_800 = arith.constant 12 : i32
        %get3A_801 = arith.index_cast %get3A_800 : i32 to index
        %get3A_802 = arith.constant 96 : index
        %get3A_803 = tpu.vector_load %arg5[%get3A_801, %get3A_802] {strides = array<i32>} : memref<16x128xf32, #tpu.memory_space<vmem>>, vector<16xf32>,
        %add3A_804 = arith.constant 1548 : i32
        %add3A_805 = vector.broadcast %add3A_804 : i32 to vector<16xi32>
        %add3A_806 = arith.addi %mul3A_11, %add3A_805 : vector<16xi32>
        tpu.vector_store_idx %arg7[%add3A_806], %get3A_803 : memref<2048xf32, #tpu.memory_space<vmem>>[vector<16xi32>], vector<16xf32>,
        %get3A_807 = arith.constant 12 : i32
        %get3A_808 = arith.index_cast %get3A_807 : i32 to index
        %get3A_809 = arith.constant 112 : index
        %get3A_810 = tpu.vector_load %arg5[%get3A_808, %get3A_809] {strides = array<i32>} : memref<16x128xf32, #tpu.memory_space<vmem>>, vector<16xf32>,
        %add3A_811 = arith.constant 1804 : i32
        %add3A_812 = vector.broadcast %add3A_811 : i32 to vector<16xi32>
        %add3A_813 = arith.addi %mul3A_11, %add3A_812 : vector<16xi32>
        tpu.vector_store_idx %arg7[%add3A_813], %get3A_810 : memref<2048xf32, #tpu.memory_space<vmem>>[vector<16xi32>], vector<16xf32>,
        %get3A_814 = arith.constant 13 : i32
        %get3A_815 = arith.index_cast %get3A_814 : i32 to index
        %get3A_816 = arith.constant 0 : index
        %get3A_817 = tpu.vector_load %arg5[%get3A_815, %get3A_816] {strides = array<i32>} : memref<16x128xf32, #tpu.memory_space<vmem>>, vector<16xf32>,
        %add3A_818 = arith.constant 13 : i32
        %add3A_819 = vector.broadcast %add3A_818 : i32 to vector<16xi32>
        %add3A_820 = arith.addi %mul3A_11, %add3A_819 : vector<16xi32>
        tpu.vector_store_idx %arg7[%add3A_820], %get3A_817 : memref<2048xf32, #tpu.memory_space<vmem>>[vector<16xi32>], vector<16xf32>,
        %get3A_821 = arith.constant 13 : i32
        %get3A_822 = arith.index_cast %get3A_821 : i32 to index
        %get3A_823 = arith.constant 16 : index
        %get3A_824 = tpu.vector_load %arg5[%get3A_822, %get3A_823] {strides = array<i32>} : memref<16x128xf32, #tpu.memory_space<vmem>>, vector<16xf32>,
        %add3A_825 = arith.constant 269 : i32
        %add3A_826 = vector.broadcast %add3A_825 : i32 to vector<16xi32>
        %add3A_827 = arith.addi %mul3A_11, %add3A_826 : vector<16xi32>
        tpu.vector_store_idx %arg7[%add3A_827], %get3A_824 : memref<2048xf32, #tpu.memory_space<vmem>>[vector<16xi32>], vector<16xf32>,
        %get3A_828 = arith.constant 13 : i32
        %get3A_829 = arith.index_cast %get3A_828 : i32 to index
        %get3A_830 = arith.constant 32 : index
        %get3A_831 = tpu.vector_load %arg5[%get3A_829, %get3A_830] {strides = array<i32>} : memref<16x128xf32, #tpu.memory_space<vmem>>, vector<16xf32>,
        %add3A_832 = arith.constant 525 : i32
        %add3A_833 = vector.broadcast %add3A_832 : i32 to vector<16xi32>
        %add3A_834 = arith.addi %mul3A_11, %add3A_833 : vector<16xi32>
        tpu.vector_store_idx %arg7[%add3A_834], %get3A_831 : memref<2048xf32, #tpu.memory_space<vmem>>[vector<16xi32>], vector<16xf32>,
        %get3A_835 = arith.constant 13 : i32
        %get3A_836 = arith.index_cast %get3A_835 : i32 to index
        %get3A_837 = arith.constant 48 : index
        %get3A_838 = tpu.vector_load %arg5[%get3A_836, %get3A_837] {strides = array<i32>} : memref<16x128xf32, #tpu.memory_space<vmem>>, vector<16xf32>,
        %add3A_839 = arith.constant 781 : i32
        %add3A_840 = vector.broadcast %add3A_839 : i32 to vector<16xi32>
        %add3A_841 = arith.addi %mul3A_11, %add3A_840 : vector<16xi32>
        tpu.vector_store_idx %arg7[%add3A_841], %get3A_838 : memref<2048xf32, #tpu.memory_space<vmem>>[vector<16xi32>], vector<16xf32>,
        %get3A_842 = arith.constant 13 : i32
        %get3A_843 = arith.index_cast %get3A_842 : i32 to index
        %get3A_844 = arith.constant 64 : index
        %get3A_845 = tpu.vector_load %arg5[%get3A_843, %get3A_844] {strides = array<i32>} : memref<16x128xf32, #tpu.memory_space<vmem>>, vector<16xf32>,
        %add3A_846 = arith.constant 1037 : i32
        %add3A_847 = vector.broadcast %add3A_846 : i32 to vector<16xi32>
        %add3A_848 = arith.addi %mul3A_11, %add3A_847 : vector<16xi32>
        tpu.vector_store_idx %arg7[%add3A_848], %get3A_845 : memref<2048xf32, #tpu.memory_space<vmem>>[vector<16xi32>], vector<16xf32>,
        %get3A_849 = arith.constant 13 : i32
        %get3A_850 = arith.index_cast %get3A_849 : i32 to index
        %get3A_851 = arith.constant 80 : index
        %get3A_852 = tpu.vector_load %arg5[%get3A_850, %get3A_851] {strides = array<i32>} : memref<16x128xf32, #tpu.memory_space<vmem>>, vector<16xf32>,
        %add3A_853 = arith.constant 1293 : i32
        %add3A_854 = vector.broadcast %add3A_853 : i32 to vector<16xi32>
        %add3A_855 = arith.addi %mul3A_11, %add3A_854 : vector<16xi32>
        tpu.vector_store_idx %arg7[%add3A_855], %get3A_852 : memref<2048xf32, #tpu.memory_space<vmem>>[vector<16xi32>], vector<16xf32>,
        %get3A_856 = arith.constant 13 : i32
        %get3A_857 = arith.index_cast %get3A_856 : i32 to index
        %get3A_858 = arith.constant 96 : index
        %get3A_859 = tpu.vector_load %arg5[%get3A_857, %get3A_858] {strides = array<i32>} : memref<16x128xf32, #tpu.memory_space<vmem>>, vector<16xf32>,
        %add3A_860 = arith.constant 1549 : i32
        %add3A_861 = vector.broadcast %add3A_860 : i32 to vector<16xi32>
        %add3A_862 = arith.addi %mul3A_11, %add3A_861 : vector<16xi32>
        tpu.vector_store_idx %arg7[%add3A_862], %get3A_859 : memref<2048xf32, #tpu.memory_space<vmem>>[vector<16xi32>], vector<16xf32>,
        %get3A_863 = arith.constant 13 : i32
        %get3A_864 = arith.index_cast %get3A_863 : i32 to index
        %get3A_865 = arith.constant 112 : index
        %get3A_866 = tpu.vector_load %arg5[%get3A_864, %get3A_865] {strides = array<i32>} : memref<16x128xf32, #tpu.memory_space<vmem>>, vector<16xf32>,
        %add3A_867 = arith.constant 1805 : i32
        %add3A_868 = vector.broadcast %add3A_867 : i32 to vector<16xi32>
        %add3A_869 = arith.addi %mul3A_11, %add3A_868 : vector<16xi32>
        tpu.vector_store_idx %arg7[%add3A_869], %get3A_866 : memref<2048xf32, #tpu.memory_space<vmem>>[vector<16xi32>], vector<16xf32>,
        %get3A_870 = arith.constant 14 : i32
        %get3A_871 = arith.index_cast %get3A_870 : i32 to index
        %get3A_872 = arith.constant 0 : index
        %get3A_873 = tpu.vector_load %arg5[%get3A_871, %get3A_872] {strides = array<i32>} : memref<16x128xf32, #tpu.memory_space<vmem>>, vector<16xf32>,
        %add3A_874 = arith.constant 14 : i32
        %add3A_875 = vector.broadcast %add3A_874 : i32 to vector<16xi32>
        %add3A_876 = arith.addi %mul3A_11, %add3A_875 : vector<16xi32>
        tpu.vector_store_idx %arg7[%add3A_876], %get3A_873 : memref<2048xf32, #tpu.memory_space<vmem>>[vector<16xi32>], vector<16xf32>,
        %get3A_877 = arith.constant 14 : i32
        %get3A_878 = arith.index_cast %get3A_877 : i32 to index
        %get3A_879 = arith.constant 16 : index
        %get3A_880 = tpu.vector_load %arg5[%get3A_878, %get3A_879] {strides = array<i32>} : memref<16x128xf32, #tpu.memory_space<vmem>>, vector<16xf32>,
        %add3A_881 = arith.constant 270 : i32
        %add3A_882 = vector.broadcast %add3A_881 : i32 to vector<16xi32>
        %add3A_883 = arith.addi %mul3A_11, %add3A_882 : vector<16xi32>
        tpu.vector_store_idx %arg7[%add3A_883], %get3A_880 : memref<2048xf32, #tpu.memory_space<vmem>>[vector<16xi32>], vector<16xf32>,
        %get3A_884 = arith.constant 14 : i32
        %get3A_885 = arith.index_cast %get3A_884 : i32 to index
        %get3A_886 = arith.constant 32 : index
        %get3A_887 = tpu.vector_load %arg5[%get3A_885, %get3A_886] {strides = array<i32>} : memref<16x128xf32, #tpu.memory_space<vmem>>, vector<16xf32>,
        %add3A_888 = arith.constant 526 : i32
        %add3A_889 = vector.broadcast %add3A_888 : i32 to vector<16xi32>
        %add3A_890 = arith.addi %mul3A_11, %add3A_889 : vector<16xi32>
        tpu.vector_store_idx %arg7[%add3A_890], %get3A_887 : memref<2048xf32, #tpu.memory_space<vmem>>[vector<16xi32>], vector<16xf32>,
        %get3A_891 = arith.constant 14 : i32
        %get3A_892 = arith.index_cast %get3A_891 : i32 to index
        %get3A_893 = arith.constant 48 : index
        %get3A_894 = tpu.vector_load %arg5[%get3A_892, %get3A_893] {strides = array<i32>} : memref<16x128xf32, #tpu.memory_space<vmem>>, vector<16xf32>,
        %add3A_895 = arith.constant 782 : i32
        %add3A_896 = vector.broadcast %add3A_895 : i32 to vector<16xi32>
        %add3A_897 = arith.addi %mul3A_11, %add3A_896 : vector<16xi32>
        tpu.vector_store_idx %arg7[%add3A_897], %get3A_894 : memref<2048xf32, #tpu.memory_space<vmem>>[vector<16xi32>], vector<16xf32>,
        %get3A_898 = arith.constant 14 : i32
        %get3A_899 = arith.index_cast %get3A_898 : i32 to index
        %get3A_900 = arith.constant 64 : index
        %get3A_901 = tpu.vector_load %arg5[%get3A_899, %get3A_900] {strides = array<i32>} : memref<16x128xf32, #tpu.memory_space<vmem>>, vector<16xf32>,
        %add3A_902 = arith.constant 1038 : i32
        %add3A_903 = vector.broadcast %add3A_902 : i32 to vector<16xi32>
        %add3A_904 = arith.addi %mul3A_11, %add3A_903 : vector<16xi32>
        tpu.vector_store_idx %arg7[%add3A_904], %get3A_901 : memref<2048xf32, #tpu.memory_space<vmem>>[vector<16xi32>], vector<16xf32>,
        %get3A_905 = arith.constant 14 : i32
        %get3A_906 = arith.index_cast %get3A_905 : i32 to index
        %get3A_907 = arith.constant 80 : index
        %get3A_908 = tpu.vector_load %arg5[%get3A_906, %get3A_907] {strides = array<i32>} : memref<16x128xf32, #tpu.memory_space<vmem>>, vector<16xf32>,
        %add3A_909 = arith.constant 1294 : i32
        %add3A_910 = vector.broadcast %add3A_909 : i32 to vector<16xi32>
        %add3A_911 = arith.addi %mul3A_11, %add3A_910 : vector<16xi32>
        tpu.vector_store_idx %arg7[%add3A_911], %get3A_908 : memref<2048xf32, #tpu.memory_space<vmem>>[vector<16xi32>], vector<16xf32>,
        %get3A_912 = arith.constant 14 : i32
        %get3A_913 = arith.index_cast %get3A_912 : i32 to index
        %get3A_914 = arith.constant 96 : index
        %get3A_915 = tpu.vector_load %arg5[%get3A_913, %get3A_914] {strides = array<i32>} : memref<16x128xf32, #tpu.memory_space<vmem>>, vector<16xf32>,
        %add3A_916 = arith.constant 1550 : i32
        %add3A_917 = vector.broadcast %add3A_916 : i32 to vector<16xi32>
        %add3A_918 = arith.addi %mul3A_11, %add3A_917 : vector<16xi32>
        tpu.vector_store_idx %arg7[%add3A_918], %get3A_915 : memref<2048xf32, #tpu.memory_space<vmem>>[vector<16xi32>], vector<16xf32>,
        %get3A_919 = arith.constant 14 : i32
        %get3A_920 = arith.index_cast %get3A_919 : i32 to index
        %get3A_921 = arith.constant 112 : index
        %get3A_922 = tpu.vector_load %arg5[%get3A_920, %get3A_921] {strides = array<i32>} : memref<16x128xf32, #tpu.memory_space<vmem>>, vector<16xf32>,
        %add3A_923 = arith.constant 1806 : i32
        %add3A_924 = vector.broadcast %add3A_923 : i32 to vector<16xi32>
        %add3A_925 = arith.addi %mul3A_11, %add3A_924 : vector<16xi32>
        tpu.vector_store_idx %arg7[%add3A_925], %get3A_922 : memref<2048xf32, #tpu.memory_space<vmem>>[vector<16xi32>], vector<16xf32>,
        %get3A_926 = arith.constant 15 : i32
        %get3A_927 = arith.index_cast %get3A_926 : i32 to index
        %get3A_928 = arith.constant 0 : index
        %get3A_929 = tpu.vector_load %arg5[%get3A_927, %get3A_928] {strides = array<i32>} : memref<16x128xf32, #tpu.memory_space<vmem>>, vector<16xf32>,
        %add3A_930 = arith.constant 15 : i32
        %add3A_931 = vector.broadcast %add3A_930 : i32 to vector<16xi32>
        %add3A_932 = arith.addi %mul3A_11, %add3A_931 : vector<16xi32>
        tpu.vector_store_idx %arg7[%add3A_932], %get3A_929 : memref<2048xf32, #tpu.memory_space<vmem>>[vector<16xi32>], vector<16xf32>,
        %get3A_933 = arith.constant 15 : i32
        %get3A_934 = arith.index_cast %get3A_933 : i32 to index
        %get3A_935 = arith.constant 16 : index
        %get3A_936 = tpu.vector_load %arg5[%get3A_934, %get3A_935] {strides = array<i32>} : memref<16x128xf32, #tpu.memory_space<vmem>>, vector<16xf32>,
        %add3A_937 = arith.constant 271 : i32
        %add3A_938 = vector.broadcast %add3A_937 : i32 to vector<16xi32>
        %add3A_939 = arith.addi %mul3A_11, %add3A_938 : vector<16xi32>
        tpu.vector_store_idx %arg7[%add3A_939], %get3A_936 : memref<2048xf32, #tpu.memory_space<vmem>>[vector<16xi32>], vector<16xf32>,
        %get3A_940 = arith.constant 15 : i32
        %get3A_941 = arith.index_cast %get3A_940 : i32 to index
        %get3A_942 = arith.constant 32 : index
        %get3A_943 = tpu.vector_load %arg5[%get3A_941, %get3A_942] {strides = array<i32>} : memref<16x128xf32, #tpu.memory_space<vmem>>, vector<16xf32>,
        %add3A_944 = arith.constant 527 : i32
        %add3A_945 = vector.broadcast %add3A_944 : i32 to vector<16xi32>
        %add3A_946 = arith.addi %mul3A_11, %add3A_945 : vector<16xi32>
        tpu.vector_store_idx %arg7[%add3A_946], %get3A_943 : memref<2048xf32, #tpu.memory_space<vmem>>[vector<16xi32>], vector<16xf32>,
        %get3A_947 = arith.constant 15 : i32
        %get3A_948 = arith.index_cast %get3A_947 : i32 to index
        %get3A_949 = arith.constant 48 : index
        %get3A_950 = tpu.vector_load %arg5[%get3A_948, %get3A_949] {strides = array<i32>} : memref<16x128xf32, #tpu.memory_space<vmem>>, vector<16xf32>,
        %add3A_951 = arith.constant 783 : i32
        %add3A_952 = vector.broadcast %add3A_951 : i32 to vector<16xi32>
        %add3A_953 = arith.addi %mul3A_11, %add3A_952 : vector<16xi32>
        tpu.vector_store_idx %arg7[%add3A_953], %get3A_950 : memref<2048xf32, #tpu.memory_space<vmem>>[vector<16xi32>], vector<16xf32>,
        %get3A_954 = arith.constant 15 : i32
        %get3A_955 = arith.index_cast %get3A_954 : i32 to index
        %get3A_956 = arith.constant 64 : index
        %get3A_957 = tpu.vector_load %arg5[%get3A_955, %get3A_956] {strides = array<i32>} : memref<16x128xf32, #tpu.memory_space<vmem>>, vector<16xf32>,
        %add3A_958 = arith.constant 1039 : i32
        %add3A_959 = vector.broadcast %add3A_958 : i32 to vector<16xi32>
        %add3A_960 = arith.addi %mul3A_11, %add3A_959 : vector<16xi32>
        tpu.vector_store_idx %arg7[%add3A_960], %get3A_957 : memref<2048xf32, #tpu.memory_space<vmem>>[vector<16xi32>], vector<16xf32>,
        %get3A_961 = arith.constant 15 : i32
        %get3A_962 = arith.index_cast %get3A_961 : i32 to index
        %get3A_963 = arith.constant 80 : index
        %get3A_964 = tpu.vector_load %arg5[%get3A_962, %get3A_963] {strides = array<i32>} : memref<16x128xf32, #tpu.memory_space<vmem>>, vector<16xf32>,
        %add3A_965 = arith.constant 1295 : i32
        %add3A_966 = vector.broadcast %add3A_965 : i32 to vector<16xi32>
        %add3A_967 = arith.addi %mul3A_11, %add3A_966 : vector<16xi32>
        tpu.vector_store_idx %arg7[%add3A_967], %get3A_964 : memref<2048xf32, #tpu.memory_space<vmem>>[vector<16xi32>], vector<16xf32>,
        %get3A_968 = arith.constant 15 : i32
        %get3A_969 = arith.index_cast %get3A_968 : i32 to index
        %get3A_970 = arith.constant 96 : index
        %get3A_971 = tpu.vector_load %arg5[%get3A_969, %get3A_970] {strides = array<i32>} : memref<16x128xf32, #tpu.memory_space<vmem>>, vector<16xf32>,
        %add3A_972 = arith.constant 1551 : i32
        %add3A_973 = vector.broadcast %add3A_972 : i32 to vector<16xi32>
        %add3A_974 = arith.addi %mul3A_11, %add3A_973 : vector<16xi32>
        tpu.vector_store_idx %arg7[%add3A_974], %get3A_971 : memref<2048xf32, #tpu.memory_space<vmem>>[vector<16xi32>], vector<16xf32>,
        %get3A_975 = arith.constant 15 : i32
        %get3A_976 = arith.index_cast %get3A_975 : i32 to index
        %get3A_977 = arith.constant 112 : index
        %get3A_978 = tpu.vector_load %arg5[%get3A_976, %get3A_977] {strides = array<i32>} : memref<16x128xf32, #tpu.memory_space<vmem>>, vector<16xf32>,
        %add3A_979 = arith.constant 1807 : i32
        %add3A_980 = vector.broadcast %add3A_979 : i32 to vector<16xi32>
        %add3A_981 = arith.addi %mul3A_11, %add3A_980 : vector<16xi32>
        tpu.vector_store_idx %arg7[%add3A_981], %get3A_978 : memref<2048xf32, #tpu.memory_space<vmem>>[vector<16xi32>], vector<16xf32>,
        %add3A_982 = arith.addi %add3A_4, %while3A_65 : i32
        %mul3A_983 = arith.constant 2048 : i32
        %mul3A_984 = arith.muli %add3A_982, %mul3A_983 : i32
        %dma_start3A_985 = tpu.memref_slice %arg3[%mul3A_984] : memref<32000000xf32, #tpu.memory_space<hbm>> -> memref<2048xf32, #tpu.memory_space<hbm>>
        %dma_start3A_986 = tpu.memref_slice %arg3[%mul3A_984] : memref<32000000xf32, #tpu.memory_space<hbm>> -> memref<2048xf32, #tpu.memory_space<hbm>>
        tpu.enqueue_dma source(%arg7 : memref<2048xf32, #tpu.memory_space<vmem>>) target(%dma_start3A_986 : memref<2048xf32, #tpu.memory_space<hbm>>) target_semaphore(%arg11 : memref<!tpu.dma_semaphore, #tpu.memory_space<semaphore_mem>>)
        %add3A_987 = arith.constant 2 : i32
        %add3A_988 = arith.addi %while3A_65, %add3A_987 : i32
        %lt3A_989 = arith.cmpi slt, %add3A_988, %add3A_8 : i32
        %convert_element_type3A_990 = arith.extui %lt3A_989 : i1 to i32
        %cond3A_991 = arith.constant 0 : i32
        %cond3A_992 = arith.cmpi ne, %convert_element_type3A_990, %cond3A_991 : i32
        scf.if %cond3A_992 {
          %add3A_993 = arith.constant 2 : i32
          %add3A_994 = arith.addi %while3A_65, %add3A_993 : i32
          %add3A_995 = arith.constant 9375 : i32
          %add3A_996 = arith.addi %add3A_995, %add3A_4 : i32
          %add3A_997 = arith.addi %add3A_996, %add3A_994 : i32
          %mul3A_998 = arith.constant 128 : i32
          %mul3A_999 = arith.muli %add3A_997, %mul3A_998 : i32
          %dma_start3A_1000 = arith.constant 0 : i32
          %dma_start3A_1001 = tpu.memref_slice %arg2[%dma_start3A_1000, %mul3A_999] : memref<16x3200000xf32, #tpu.memory_space<hbm>> -> memref<16x128xf32, #tpu.memory_space<hbm>>
          %dma_start3A_1002 = arith.constant 0 : i32
          %dma_start3A_1003 = tpu.memref_slice %arg2[%dma_start3A_1002, %mul3A_999] : memref<16x3200000xf32, #tpu.memory_space<hbm>> -> memref<16x128xf32, #tpu.memory_space<hbm>>
          tpu.enqueue_dma source(%dma_start3A_1003 : memref<16x128xf32, #tpu.memory_space<hbm>>) target(%arg5 : memref<16x128xf32, #tpu.memory_space<vmem>>) target_semaphore(%arg9 : memref<!tpu.dma_semaphore, #tpu.memory_space<semaphore_mem>>)
        } else {
        }
      } else {
      }
    }
    %while3A_31 = arith.constant 1 : i32
    scf.for %while3A_65 = %while3A_29 to %while3A_25 step %while3A_31  : i32 {
      %rem3A_66 = arith.constant 2 : i32
      %rem3A_67 = arith.remsi %while3A_65, %rem3A_66 : i32
      %eq3A_68 = arith.constant 0 : i32
      %eq3A_69 = arith.cmpi eq, %rem3A_67, %eq3A_68 : i32
      %convert_element_type3A_70 = arith.extui %eq3A_69 : i1 to i32
      %cond3A_71 = arith.constant 0 : i32
      %cond3A_72 = arith.cmpi ne, %convert_element_type3A_70, %cond3A_71 : i32
      scf.if %cond3A_72 {
        %dma_wait3A = arith.constant 0 : i32
        %dma_wait3A_78 = arith.constant 0 : i32
        %dma_wait3A_79 = tpu.memref_slice %arg2[%dma_wait3A, %dma_wait3A_78] : memref<16x3200000xf32, #tpu.memory_space<hbm>> -> memref<16x128xf32, #tpu.memory_space<hbm>>
        %dma_wait3A_80 = arith.constant 0 : i32
        %dma_wait3A_81 = arith.constant 0 : i32
        %dma_wait3A_82 = tpu.memref_slice %arg2[%dma_wait3A_80, %dma_wait3A_81] : memref<16x3200000xf32, #tpu.memory_space<hbm>> -> memref<16x128xf32, #tpu.memory_space<hbm>>
        tpu.wait_dma2 semaphore(%arg8 : memref<!tpu.dma_semaphore, #tpu.memory_space<semaphore_mem>>) src(%dma_wait3A_82 : memref<16x128xf32, #tpu.memory_space<hbm>>) dst(%arg4 : memref<16x128xf32, #tpu.memory_space<vmem>>)
        %ge3A = arith.constant 2 : i32
        %ge3A_83 = arith.cmpi sge, %while3A_65, %ge3A : i32
        %convert_element_type3A_84 = arith.extui %ge3A_83 : i1 to i32
        %cond3A_85 = arith.constant 0 : i32
        %cond3A_86 = arith.cmpi ne, %convert_element_type3A_84, %cond3A_85 : i32
        scf.if %cond3A_86 {
          %dma_wait3A_993 = arith.constant 0 : i32
          %dma_wait3A_994 = tpu.memref_slice %arg3[%dma_wait3A_993] : memref<32000000xf32, #tpu.memory_space<hbm>> -> memref<2048xf32, #tpu.memory_space<hbm>>
          %dma_wait3A_995 = arith.constant 0 : i32
          %dma_wait3A_996 = tpu.memref_slice %arg3[%dma_wait3A_995] : memref<32000000xf32, #tpu.memory_space<hbm>> -> memref<2048xf32, #tpu.memory_space<hbm>>
          tpu.wait_dma2 semaphore(%arg10 : memref<!tpu.dma_semaphore, #tpu.memory_space<semaphore_mem>>) src(%arg6 : memref<2048xf32, #tpu.memory_space<vmem>>) dst(%dma_wait3A_996 : memref<2048xf32, #tpu.memory_space<hbm>>)
        } else {
        }
        %get3A = arith.constant 0 : i32
        %get3A_87 = arith.index_cast %get3A : i32 to index
        %get3A_88 = arith.constant 0 : index
        %get3A_89 = tpu.vector_load %arg4[%get3A_87, %get3A_88] {strides = array<i32>} : memref<16x128xf32, #tpu.memory_space<vmem>>, vector<16xf32>,
        %add3A_90 = arith.constant 0 : i32
        %add3A_91 = vector.broadcast %add3A_90 : i32 to vector<16xi32>
        %add3A_92 = arith.addi %mul3A_11, %add3A_91 : vector<16xi32>
        tpu.vector_store_idx %arg6[%add3A_92], %get3A_89 : memref<2048xf32, #tpu.memory_space<vmem>>[vector<16xi32>], vector<16xf32>,
        %get3A_93 = arith.constant 0 : i32
        %get3A_94 = arith.index_cast %get3A_93 : i32 to index
        %get3A_95 = arith.constant 16 : index
        %get3A_96 = tpu.vector_load %arg4[%get3A_94, %get3A_95] {strides = array<i32>} : memref<16x128xf32, #tpu.memory_space<vmem>>, vector<16xf32>,
        %add3A_97 = arith.constant 256 : i32
        %add3A_98 = vector.broadcast %add3A_97 : i32 to vector<16xi32>
        %add3A_99 = arith.addi %mul3A_11, %add3A_98 : vector<16xi32>
        tpu.vector_store_idx %arg6[%add3A_99], %get3A_96 : memref<2048xf32, #tpu.memory_space<vmem>>[vector<16xi32>], vector<16xf32>,
        %get3A_100 = arith.constant 0 : i32
        %get3A_101 = arith.index_cast %get3A_100 : i32 to index
        %get3A_102 = arith.constant 32 : index
        %get3A_103 = tpu.vector_load %arg4[%get3A_101, %get3A_102] {strides = array<i32>} : memref<16x128xf32, #tpu.memory_space<vmem>>, vector<16xf32>,
        %add3A_104 = arith.constant 512 : i32
        %add3A_105 = vector.broadcast %add3A_104 : i32 to vector<16xi32>
        %add3A_106 = arith.addi %mul3A_11, %add3A_105 : vector<16xi32>
        tpu.vector_store_idx %arg6[%add3A_106], %get3A_103 : memref<2048xf32, #tpu.memory_space<vmem>>[vector<16xi32>], vector<16xf32>,
        %get3A_107 = arith.constant 0 : i32
        %get3A_108 = arith.index_cast %get3A_107 : i32 to index
        %get3A_109 = arith.constant 48 : index
        %get3A_110 = tpu.vector_load %arg4[%get3A_108, %get3A_109] {strides = array<i32>} : memref<16x128xf32, #tpu.memory_space<vmem>>, vector<16xf32>,
        %add3A_111 = arith.constant 768 : i32
        %add3A_112 = vector.broadcast %add3A_111 : i32 to vector<16xi32>
        %add3A_113 = arith.addi %mul3A_11, %add3A_112 : vector<16xi32>
        tpu.vector_store_idx %arg6[%add3A_113], %get3A_110 : memref<2048xf32, #tpu.memory_space<vmem>>[vector<16xi32>], vector<16xf32>,
        %get3A_114 = arith.constant 0 : i32
        %get3A_115 = arith.index_cast %get3A_114 : i32 to index
        %get3A_116 = arith.constant 64 : index
        %get3A_117 = tpu.vector_load %arg4[%get3A_115, %get3A_116] {strides = array<i32>} : memref<16x128xf32, #tpu.memory_space<vmem>>, vector<16xf32>,
        %add3A_118 = arith.constant 1024 : i32
        %add3A_119 = vector.broadcast %add3A_118 : i32 to vector<16xi32>
        %add3A_120 = arith.addi %mul3A_11, %add3A_119 : vector<16xi32>
        tpu.vector_store_idx %arg6[%add3A_120], %get3A_117 : memref<2048xf32, #tpu.memory_space<vmem>>[vector<16xi32>], vector<16xf32>,
        %get3A_121 = arith.constant 0 : i32
        %get3A_122 = arith.index_cast %get3A_121 : i32 to index
        %get3A_123 = arith.constant 80 : index
        %get3A_124 = tpu.vector_load %arg4[%get3A_122, %get3A_123] {strides = array<i32>} : memref<16x128xf32, #tpu.memory_space<vmem>>, vector<16xf32>,
        %add3A_125 = arith.constant 1280 : i32
        %add3A_126 = vector.broadcast %add3A_125 : i32 to vector<16xi32>
        %add3A_127 = arith.addi %mul3A_11, %add3A_126 : vector<16xi32>
        tpu.vector_store_idx %arg6[%add3A_127], %get3A_124 : memref<2048xf32, #tpu.memory_space<vmem>>[vector<16xi32>], vector<16xf32>,
        %get3A_128 = arith.constant 0 : i32
        %get3A_129 = arith.index_cast %get3A_128 : i32 to index
        %get3A_130 = arith.constant 96 : index
        %get3A_131 = tpu.vector_load %arg4[%get3A_129, %get3A_130] {strides = array<i32>} : memref<16x128xf32, #tpu.memory_space<vmem>>, vector<16xf32>,
        %add3A_132 = arith.constant 1536 : i32
        %add3A_133 = vector.broadcast %add3A_132 : i32 to vector<16xi32>
        %add3A_134 = arith.addi %mul3A_11, %add3A_133 : vector<16xi32>
        tpu.vector_store_idx %arg6[%add3A_134], %get3A_131 : memref<2048xf32, #tpu.memory_space<vmem>>[vector<16xi32>], vector<16xf32>,
        %get3A_135 = arith.constant 0 : i32
        %get3A_136 = arith.index_cast %get3A_135 : i32 to index
        %get3A_137 = arith.constant 112 : index
        %get3A_138 = tpu.vector_load %arg4[%get3A_136, %get3A_137] {strides = array<i32>} : memref<16x128xf32, #tpu.memory_space<vmem>>, vector<16xf32>,
        %add3A_139 = arith.constant 1792 : i32
        %add3A_140 = vector.broadcast %add3A_139 : i32 to vector<16xi32>
        %add3A_141 = arith.addi %mul3A_11, %add3A_140 : vector<16xi32>
        tpu.vector_store_idx %arg6[%add3A_141], %get3A_138 : memref<2048xf32, #tpu.memory_space<vmem>>[vector<16xi32>], vector<16xf32>,
        %get3A_142 = arith.constant 1 : i32
        %get3A_143 = arith.index_cast %get3A_142 : i32 to index
        %get3A_144 = arith.constant 0 : index
        %get3A_145 = tpu.vector_load %arg4[%get3A_143, %get3A_144] {strides = array<i32>} : memref<16x128xf32, #tpu.memory_space<vmem>>, vector<16xf32>,
        %add3A_146 = arith.constant 1 : i32
        %add3A_147 = vector.broadcast %add3A_146 : i32 to vector<16xi32>
        %add3A_148 = arith.addi %mul3A_11, %add3A_147 : vector<16xi32>
        tpu.vector_store_idx %arg6[%add3A_148], %get3A_145 : memref<2048xf32, #tpu.memory_space<vmem>>[vector<16xi32>], vector<16xf32>,
        %get3A_149 = arith.constant 1 : i32
        %get3A_150 = arith.index_cast %get3A_149 : i32 to index
        %get3A_151 = arith.constant 16 : index
        %get3A_152 = tpu.vector_load %arg4[%get3A_150, %get3A_151] {strides = array<i32>} : memref<16x128xf32, #tpu.memory_space<vmem>>, vector<16xf32>,
        %add3A_153 = arith.constant 257 : i32
        %add3A_154 = vector.broadcast %add3A_153 : i32 to vector<16xi32>
        %add3A_155 = arith.addi %mul3A_11, %add3A_154 : vector<16xi32>
        tpu.vector_store_idx %arg6[%add3A_155], %get3A_152 : memref<2048xf32, #tpu.memory_space<vmem>>[vector<16xi32>], vector<16xf32>,
        %get3A_156 = arith.constant 1 : i32
        %get3A_157 = arith.index_cast %get3A_156 : i32 to index
        %get3A_158 = arith.constant 32 : index
        %get3A_159 = tpu.vector_load %arg4[%get3A_157, %get3A_158] {strides = array<i32>} : memref<16x128xf32, #tpu.memory_space<vmem>>, vector<16xf32>,
        %add3A_160 = arith.constant 513 : i32
        %add3A_161 = vector.broadcast %add3A_160 : i32 to vector<16xi32>
        %add3A_162 = arith.addi %mul3A_11, %add3A_161 : vector<16xi32>
        tpu.vector_store_idx %arg6[%add3A_162], %get3A_159 : memref<2048xf32, #tpu.memory_space<vmem>>[vector<16xi32>], vector<16xf32>,
        %get3A_163 = arith.constant 1 : i32
        %get3A_164 = arith.index_cast %get3A_163 : i32 to index
        %get3A_165 = arith.constant 48 : index
        %get3A_166 = tpu.vector_load %arg4[%get3A_164, %get3A_165] {strides = array<i32>} : memref<16x128xf32, #tpu.memory_space<vmem>>, vector<16xf32>,
        %add3A_167 = arith.constant 769 : i32
        %add3A_168 = vector.broadcast %add3A_167 : i32 to vector<16xi32>
        %add3A_169 = arith.addi %mul3A_11, %add3A_168 : vector<16xi32>
        tpu.vector_store_idx %arg6[%add3A_169], %get3A_166 : memref<2048xf32, #tpu.memory_space<vmem>>[vector<16xi32>], vector<16xf32>,
        %get3A_170 = arith.constant 1 : i32
        %get3A_171 = arith.index_cast %get3A_170 : i32 to index
        %get3A_172 = arith.constant 64 : index
        %get3A_173 = tpu.vector_load %arg4[%get3A_171, %get3A_172] {strides = array<i32>} : memref<16x128xf32, #tpu.memory_space<vmem>>, vector<16xf32>,
        %add3A_174 = arith.constant 1025 : i32
        %add3A_175 = vector.broadcast %add3A_174 : i32 to vector<16xi32>
        %add3A_176 = arith.addi %mul3A_11, %add3A_175 : vector<16xi32>
        tpu.vector_store_idx %arg6[%add3A_176], %get3A_173 : memref<2048xf32, #tpu.memory_space<vmem>>[vector<16xi32>], vector<16xf32>,
        %get3A_177 = arith.constant 1 : i32
        %get3A_178 = arith.index_cast %get3A_177 : i32 to index
        %get3A_179 = arith.constant 80 : index
        %get3A_180 = tpu.vector_load %arg4[%get3A_178, %get3A_179] {strides = array<i32>} : memref<16x128xf32, #tpu.memory_space<vmem>>, vector<16xf32>,
        %add3A_181 = arith.constant 1281 : i32
        %add3A_182 = vector.broadcast %add3A_181 : i32 to vector<16xi32>
        %add3A_183 = arith.addi %mul3A_11, %add3A_182 : vector<16xi32>
        tpu.vector_store_idx %arg6[%add3A_183], %get3A_180 : memref<2048xf32, #tpu.memory_space<vmem>>[vector<16xi32>], vector<16xf32>,
        %get3A_184 = arith.constant 1 : i32
        %get3A_185 = arith.index_cast %get3A_184 : i32 to index
        %get3A_186 = arith.constant 96 : index
        %get3A_187 = tpu.vector_load %arg4[%get3A_185, %get3A_186] {strides = array<i32>} : memref<16x128xf32, #tpu.memory_space<vmem>>, vector<16xf32>,
        %add3A_188 = arith.constant 1537 : i32
        %add3A_189 = vector.broadcast %add3A_188 : i32 to vector<16xi32>
        %add3A_190 = arith.addi %mul3A_11, %add3A_189 : vector<16xi32>
        tpu.vector_store_idx %arg6[%add3A_190], %get3A_187 : memref<2048xf32, #tpu.memory_space<vmem>>[vector<16xi32>], vector<16xf32>,
        %get3A_191 = arith.constant 1 : i32
        %get3A_192 = arith.index_cast %get3A_191 : i32 to index
        %get3A_193 = arith.constant 112 : index
        %get3A_194 = tpu.vector_load %arg4[%get3A_192, %get3A_193] {strides = array<i32>} : memref<16x128xf32, #tpu.memory_space<vmem>>, vector<16xf32>,
        %add3A_195 = arith.constant 1793 : i32
        %add3A_196 = vector.broadcast %add3A_195 : i32 to vector<16xi32>
        %add3A_197 = arith.addi %mul3A_11, %add3A_196 : vector<16xi32>
        tpu.vector_store_idx %arg6[%add3A_197], %get3A_194 : memref<2048xf32, #tpu.memory_space<vmem>>[vector<16xi32>], vector<16xf32>,
        %get3A_198 = arith.constant 2 : i32
        %get3A_199 = arith.index_cast %get3A_198 : i32 to index
        %get3A_200 = arith.constant 0 : index
        %get3A_201 = tpu.vector_load %arg4[%get3A_199, %get3A_200] {strides = array<i32>} : memref<16x128xf32, #tpu.memory_space<vmem>>, vector<16xf32>,
        %add3A_202 = arith.constant 2 : i32
        %add3A_203 = vector.broadcast %add3A_202 : i32 to vector<16xi32>
        %add3A_204 = arith.addi %mul3A_11, %add3A_203 : vector<16xi32>
        tpu.vector_store_idx %arg6[%add3A_204], %get3A_201 : memref<2048xf32, #tpu.memory_space<vmem>>[vector<16xi32>], vector<16xf32>,
        %get3A_205 = arith.constant 2 : i32
        %get3A_206 = arith.index_cast %get3A_205 : i32 to index
        %get3A_207 = arith.constant 16 : index
        %get3A_208 = tpu.vector_load %arg4[%get3A_206, %get3A_207] {strides = array<i32>} : memref<16x128xf32, #tpu.memory_space<vmem>>, vector<16xf32>,
        %add3A_209 = arith.constant 258 : i32
        %add3A_210 = vector.broadcast %add3A_209 : i32 to vector<16xi32>
        %add3A_211 = arith.addi %mul3A_11, %add3A_210 : vector<16xi32>
        tpu.vector_store_idx %arg6[%add3A_211], %get3A_208 : memref<2048xf32, #tpu.memory_space<vmem>>[vector<16xi32>], vector<16xf32>,
        %get3A_212 = arith.constant 2 : i32
        %get3A_213 = arith.index_cast %get3A_212 : i32 to index
        %get3A_214 = arith.constant 32 : index
        %get3A_215 = tpu.vector_load %arg4[%get3A_213, %get3A_214] {strides = array<i32>} : memref<16x128xf32, #tpu.memory_space<vmem>>, vector<16xf32>,
        %add3A_216 = arith.constant 514 : i32
        %add3A_217 = vector.broadcast %add3A_216 : i32 to vector<16xi32>
        %add3A_218 = arith.addi %mul3A_11, %add3A_217 : vector<16xi32>
        tpu.vector_store_idx %arg6[%add3A_218], %get3A_215 : memref<2048xf32, #tpu.memory_space<vmem>>[vector<16xi32>], vector<16xf32>,
        %get3A_219 = arith.constant 2 : i32
        %get3A_220 = arith.index_cast %get3A_219 : i32 to index
        %get3A_221 = arith.constant 48 : index
        %get3A_222 = tpu.vector_load %arg4[%get3A_220, %get3A_221] {strides = array<i32>} : memref<16x128xf32, #tpu.memory_space<vmem>>, vector<16xf32>,
        %add3A_223 = arith.constant 770 : i32
        %add3A_224 = vector.broadcast %add3A_223 : i32 to vector<16xi32>
        %add3A_225 = arith.addi %mul3A_11, %add3A_224 : vector<16xi32>
        tpu.vector_store_idx %arg6[%add3A_225], %get3A_222 : memref<2048xf32, #tpu.memory_space<vmem>>[vector<16xi32>], vector<16xf32>,
        %get3A_226 = arith.constant 2 : i32
        %get3A_227 = arith.index_cast %get3A_226 : i32 to index
        %get3A_228 = arith.constant 64 : index
        %get3A_229 = tpu.vector_load %arg4[%get3A_227, %get3A_228] {strides = array<i32>} : memref<16x128xf32, #tpu.memory_space<vmem>>, vector<16xf32>,
        %add3A_230 = arith.constant 1026 : i32
        %add3A_231 = vector.broadcast %add3A_230 : i32 to vector<16xi32>
        %add3A_232 = arith.addi %mul3A_11, %add3A_231 : vector<16xi32>
        tpu.vector_store_idx %arg6[%add3A_232], %get3A_229 : memref<2048xf32, #tpu.memory_space<vmem>>[vector<16xi32>], vector<16xf32>,
        %get3A_233 = arith.constant 2 : i32
        %get3A_234 = arith.index_cast %get3A_233 : i32 to index
        %get3A_235 = arith.constant 80 : index
        %get3A_236 = tpu.vector_load %arg4[%get3A_234, %get3A_235] {strides = array<i32>} : memref<16x128xf32, #tpu.memory_space<vmem>>, vector<16xf32>,
        %add3A_237 = arith.constant 1282 : i32
        %add3A_238 = vector.broadcast %add3A_237 : i32 to vector<16xi32>
        %add3A_239 = arith.addi %mul3A_11, %add3A_238 : vector<16xi32>
        tpu.vector_store_idx %arg6[%add3A_239], %get3A_236 : memref<2048xf32, #tpu.memory_space<vmem>>[vector<16xi32>], vector<16xf32>,
        %get3A_240 = arith.constant 2 : i32
        %get3A_241 = arith.index_cast %get3A_240 : i32 to index
        %get3A_242 = arith.constant 96 : index
        %get3A_243 = tpu.vector_load %arg4[%get3A_241, %get3A_242] {strides = array<i32>} : memref<16x128xf32, #tpu.memory_space<vmem>>, vector<16xf32>,
        %add3A_244 = arith.constant 1538 : i32
        %add3A_245 = vector.broadcast %add3A_244 : i32 to vector<16xi32>
        %add3A_246 = arith.addi %mul3A_11, %add3A_245 : vector<16xi32>
        tpu.vector_store_idx %arg6[%add3A_246], %get3A_243 : memref<2048xf32, #tpu.memory_space<vmem>>[vector<16xi32>], vector<16xf32>,
        %get3A_247 = arith.constant 2 : i32
        %get3A_248 = arith.index_cast %get3A_247 : i32 to index
        %get3A_249 = arith.constant 112 : index
        %get3A_250 = tpu.vector_load %arg4[%get3A_248, %get3A_249] {strides = array<i32>} : memref<16x128xf32, #tpu.memory_space<vmem>>, vector<16xf32>,
        %add3A_251 = arith.constant 1794 : i32
        %add3A_252 = vector.broadcast %add3A_251 : i32 to vector<16xi32>
        %add3A_253 = arith.addi %mul3A_11, %add3A_252 : vector<16xi32>
        tpu.vector_store_idx %arg6[%add3A_253], %get3A_250 : memref<2048xf32, #tpu.memory_space<vmem>>[vector<16xi32>], vector<16xf32>,
        %get3A_254 = arith.constant 3 : i32
        %get3A_255 = arith.index_cast %get3A_254 : i32 to index
        %get3A_256 = arith.constant 0 : index
        %get3A_257 = tpu.vector_load %arg4[%get3A_255, %get3A_256] {strides = array<i32>} : memref<16x128xf32, #tpu.memory_space<vmem>>, vector<16xf32>,
        %add3A_258 = arith.constant 3 : i32
        %add3A_259 = vector.broadcast %add3A_258 : i32 to vector<16xi32>
        %add3A_260 = arith.addi %mul3A_11, %add3A_259 : vector<16xi32>
        tpu.vector_store_idx %arg6[%add3A_260], %get3A_257 : memref<2048xf32, #tpu.memory_space<vmem>>[vector<16xi32>], vector<16xf32>,
        %get3A_261 = arith.constant 3 : i32
        %get3A_262 = arith.index_cast %get3A_261 : i32 to index
        %get3A_263 = arith.constant 16 : index
        %get3A_264 = tpu.vector_load %arg4[%get3A_262, %get3A_263] {strides = array<i32>} : memref<16x128xf32, #tpu.memory_space<vmem>>, vector<16xf32>,
        %add3A_265 = arith.constant 259 : i32
        %add3A_266 = vector.broadcast %add3A_265 : i32 to vector<16xi32>
        %add3A_267 = arith.addi %mul3A_11, %add3A_266 : vector<16xi32>
        tpu.vector_store_idx %arg6[%add3A_267], %get3A_264 : memref<2048xf32, #tpu.memory_space<vmem>>[vector<16xi32>], vector<16xf32>,
        %get3A_268 = arith.constant 3 : i32
        %get3A_269 = arith.index_cast %get3A_268 : i32 to index
        %get3A_270 = arith.constant 32 : index
        %get3A_271 = tpu.vector_load %arg4[%get3A_269, %get3A_270] {strides = array<i32>} : memref<16x128xf32, #tpu.memory_space<vmem>>, vector<16xf32>,
        %add3A_272 = arith.constant 515 : i32
        %add3A_273 = vector.broadcast %add3A_272 : i32 to vector<16xi32>
        %add3A_274 = arith.addi %mul3A_11, %add3A_273 : vector<16xi32>
        tpu.vector_store_idx %arg6[%add3A_274], %get3A_271 : memref<2048xf32, #tpu.memory_space<vmem>>[vector<16xi32>], vector<16xf32>,
        %get3A_275 = arith.constant 3 : i32
        %get3A_276 = arith.index_cast %get3A_275 : i32 to index
        %get3A_277 = arith.constant 48 : index
        %get3A_278 = tpu.vector_load %arg4[%get3A_276, %get3A_277] {strides = array<i32>} : memref<16x128xf32, #tpu.memory_space<vmem>>, vector<16xf32>,
        %add3A_279 = arith.constant 771 : i32
        %add3A_280 = vector.broadcast %add3A_279 : i32 to vector<16xi32>
        %add3A_281 = arith.addi %mul3A_11, %add3A_280 : vector<16xi32>
        tpu.vector_store_idx %arg6[%add3A_281], %get3A_278 : memref<2048xf32, #tpu.memory_space<vmem>>[vector<16xi32>], vector<16xf32>,
        %get3A_282 = arith.constant 3 : i32
        %get3A_283 = arith.index_cast %get3A_282 : i32 to index
        %get3A_284 = arith.constant 64 : index
        %get3A_285 = tpu.vector_load %arg4[%get3A_283, %get3A_284] {strides = array<i32>} : memref<16x128xf32, #tpu.memory_space<vmem>>, vector<16xf32>,
        %add3A_286 = arith.constant 1027 : i32
        %add3A_287 = vector.broadcast %add3A_286 : i32 to vector<16xi32>
        %add3A_288 = arith.addi %mul3A_11, %add3A_287 : vector<16xi32>
        tpu.vector_store_idx %arg6[%add3A_288], %get3A_285 : memref<2048xf32, #tpu.memory_space<vmem>>[vector<16xi32>], vector<16xf32>,
        %get3A_289 = arith.constant 3 : i32
        %get3A_290 = arith.index_cast %get3A_289 : i32 to index
        %get3A_291 = arith.constant 80 : index
        %get3A_292 = tpu.vector_load %arg4[%get3A_290, %get3A_291] {strides = array<i32>} : memref<16x128xf32, #tpu.memory_space<vmem>>, vector<16xf32>,
        %add3A_293 = arith.constant 1283 : i32
        %add3A_294 = vector.broadcast %add3A_293 : i32 to vector<16xi32>
        %add3A_295 = arith.addi %mul3A_11, %add3A_294 : vector<16xi32>
        tpu.vector_store_idx %arg6[%add3A_295], %get3A_292 : memref<2048xf32, #tpu.memory_space<vmem>>[vector<16xi32>], vector<16xf32>,
        %get3A_296 = arith.constant 3 : i32
        %get3A_297 = arith.index_cast %get3A_296 : i32 to index
        %get3A_298 = arith.constant 96 : index
        %get3A_299 = tpu.vector_load %arg4[%get3A_297, %get3A_298] {strides = array<i32>} : memref<16x128xf32, #tpu.memory_space<vmem>>, vector<16xf32>,
        %add3A_300 = arith.constant 1539 : i32
        %add3A_301 = vector.broadcast %add3A_300 : i32 to vector<16xi32>
        %add3A_302 = arith.addi %mul3A_11, %add3A_301 : vector<16xi32>
        tpu.vector_store_idx %arg6[%add3A_302], %get3A_299 : memref<2048xf32, #tpu.memory_space<vmem>>[vector<16xi32>], vector<16xf32>,
        %get3A_303 = arith.constant 3 : i32
        %get3A_304 = arith.index_cast %get3A_303 : i32 to index
        %get3A_305 = arith.constant 112 : index
        %get3A_306 = tpu.vector_load %arg4[%get3A_304, %get3A_305] {strides = array<i32>} : memref<16x128xf32, #tpu.memory_space<vmem>>, vector<16xf32>,
        %add3A_307 = arith.constant 1795 : i32
        %add3A_308 = vector.broadcast %add3A_307 : i32 to vector<16xi32>
        %add3A_309 = arith.addi %mul3A_11, %add3A_308 : vector<16xi32>
        tpu.vector_store_idx %arg6[%add3A_309], %get3A_306 : memref<2048xf32, #tpu.memory_space<vmem>>[vector<16xi32>], vector<16xf32>,
        %get3A_310 = arith.constant 4 : i32
        %get3A_311 = arith.index_cast %get3A_310 : i32 to index
        %get3A_312 = arith.constant 0 : index
        %get3A_313 = tpu.vector_load %arg4[%get3A_311, %get3A_312] {strides = array<i32>} : memref<16x128xf32, #tpu.memory_space<vmem>>, vector<16xf32>,
        %add3A_314 = arith.constant 4 : i32
        %add3A_315 = vector.broadcast %add3A_314 : i32 to vector<16xi32>
        %add3A_316 = arith.addi %mul3A_11, %add3A_315 : vector<16xi32>
        tpu.vector_store_idx %arg6[%add3A_316], %get3A_313 : memref<2048xf32, #tpu.memory_space<vmem>>[vector<16xi32>], vector<16xf32>,
        %get3A_317 = arith.constant 4 : i32
        %get3A_318 = arith.index_cast %get3A_317 : i32 to index
        %get3A_319 = arith.constant 16 : index
        %get3A_320 = tpu.vector_load %arg4[%get3A_318, %get3A_319] {strides = array<i32>} : memref<16x128xf32, #tpu.memory_space<vmem>>, vector<16xf32>,
        %add3A_321 = arith.constant 260 : i32
        %add3A_322 = vector.broadcast %add3A_321 : i32 to vector<16xi32>
        %add3A_323 = arith.addi %mul3A_11, %add3A_322 : vector<16xi32>
        tpu.vector_store_idx %arg6[%add3A_323], %get3A_320 : memref<2048xf32, #tpu.memory_space<vmem>>[vector<16xi32>], vector<16xf32>,
        %get3A_324 = arith.constant 4 : i32
        %get3A_325 = arith.index_cast %get3A_324 : i32 to index
        %get3A_326 = arith.constant 32 : index
        %get3A_327 = tpu.vector_load %arg4[%get3A_325, %get3A_326] {strides = array<i32>} : memref<16x128xf32, #tpu.memory_space<vmem>>, vector<16xf32>,
        %add3A_328 = arith.constant 516 : i32
        %add3A_329 = vector.broadcast %add3A_328 : i32 to vector<16xi32>
        %add3A_330 = arith.addi %mul3A_11, %add3A_329 : vector<16xi32>
        tpu.vector_store_idx %arg6[%add3A_330], %get3A_327 : memref<2048xf32, #tpu.memory_space<vmem>>[vector<16xi32>], vector<16xf32>,
        %get3A_331 = arith.constant 4 : i32
        %get3A_332 = arith.index_cast %get3A_331 : i32 to index
        %get3A_333 = arith.constant 48 : index
        %get3A_334 = tpu.vector_load %arg4[%get3A_332, %get3A_333] {strides = array<i32>} : memref<16x128xf32, #tpu.memory_space<vmem>>, vector<16xf32>,
        %add3A_335 = arith.constant 772 : i32
        %add3A_336 = vector.broadcast %add3A_335 : i32 to vector<16xi32>
        %add3A_337 = arith.addi %mul3A_11, %add3A_336 : vector<16xi32>
        tpu.vector_store_idx %arg6[%add3A_337], %get3A_334 : memref<2048xf32, #tpu.memory_space<vmem>>[vector<16xi32>], vector<16xf32>,
        %get3A_338 = arith.constant 4 : i32
        %get3A_339 = arith.index_cast %get3A_338 : i32 to index
        %get3A_340 = arith.constant 64 : index
        %get3A_341 = tpu.vector_load %arg4[%get3A_339, %get3A_340] {strides = array<i32>} : memref<16x128xf32, #tpu.memory_space<vmem>>, vector<16xf32>,
        %add3A_342 = arith.constant 1028 : i32
        %add3A_343 = vector.broadcast %add3A_342 : i32 to vector<16xi32>
        %add3A_344 = arith.addi %mul3A_11, %add3A_343 : vector<16xi32>
        tpu.vector_store_idx %arg6[%add3A_344], %get3A_341 : memref<2048xf32, #tpu.memory_space<vmem>>[vector<16xi32>], vector<16xf32>,
        %get3A_345 = arith.constant 4 : i32
        %get3A_346 = arith.index_cast %get3A_345 : i32 to index
        %get3A_347 = arith.constant 80 : index
        %get3A_348 = tpu.vector_load %arg4[%get3A_346, %get3A_347] {strides = array<i32>} : memref<16x128xf32, #tpu.memory_space<vmem>>, vector<16xf32>,
        %add3A_349 = arith.constant 1284 : i32
        %add3A_350 = vector.broadcast %add3A_349 : i32 to vector<16xi32>
        %add3A_351 = arith.addi %mul3A_11, %add3A_350 : vector<16xi32>
        tpu.vector_store_idx %arg6[%add3A_351], %get3A_348 : memref<2048xf32, #tpu.memory_space<vmem>>[vector<16xi32>], vector<16xf32>,
        %get3A_352 = arith.constant 4 : i32
        %get3A_353 = arith.index_cast %get3A_352 : i32 to index
        %get3A_354 = arith.constant 96 : index
        %get3A_355 = tpu.vector_load %arg4[%get3A_353, %get3A_354] {strides = array<i32>} : memref<16x128xf32, #tpu.memory_space<vmem>>, vector<16xf32>,
        %add3A_356 = arith.constant 1540 : i32
        %add3A_357 = vector.broadcast %add3A_356 : i32 to vector<16xi32>
        %add3A_358 = arith.addi %mul3A_11, %add3A_357 : vector<16xi32>
        tpu.vector_store_idx %arg6[%add3A_358], %get3A_355 : memref<2048xf32, #tpu.memory_space<vmem>>[vector<16xi32>], vector<16xf32>,
        %get3A_359 = arith.constant 4 : i32
        %get3A_360 = arith.index_cast %get3A_359 : i32 to index
        %get3A_361 = arith.constant 112 : index
        %get3A_362 = tpu.vector_load %arg4[%get3A_360, %get3A_361] {strides = array<i32>} : memref<16x128xf32, #tpu.memory_space<vmem>>, vector<16xf32>,
        %add3A_363 = arith.constant 1796 : i32
        %add3A_364 = vector.broadcast %add3A_363 : i32 to vector<16xi32>
        %add3A_365 = arith.addi %mul3A_11, %add3A_364 : vector<16xi32>
        tpu.vector_store_idx %arg6[%add3A_365], %get3A_362 : memref<2048xf32, #tpu.memory_space<vmem>>[vector<16xi32>], vector<16xf32>,
        %get3A_366 = arith.constant 5 : i32
        %get3A_367 = arith.index_cast %get3A_366 : i32 to index
        %get3A_368 = arith.constant 0 : index
        %get3A_369 = tpu.vector_load %arg4[%get3A_367, %get3A_368] {strides = array<i32>} : memref<16x128xf32, #tpu.memory_space<vmem>>, vector<16xf32>,
        %add3A_370 = arith.constant 5 : i32
        %add3A_371 = vector.broadcast %add3A_370 : i32 to vector<16xi32>
        %add3A_372 = arith.addi %mul3A_11, %add3A_371 : vector<16xi32>
        tpu.vector_store_idx %arg6[%add3A_372], %get3A_369 : memref<2048xf32, #tpu.memory_space<vmem>>[vector<16xi32>], vector<16xf32>,
        %get3A_373 = arith.constant 5 : i32
        %get3A_374 = arith.index_cast %get3A_373 : i32 to index
        %get3A_375 = arith.constant 16 : index
        %get3A_376 = tpu.vector_load %arg4[%get3A_374, %get3A_375] {strides = array<i32>} : memref<16x128xf32, #tpu.memory_space<vmem>>, vector<16xf32>,
        %add3A_377 = arith.constant 261 : i32
        %add3A_378 = vector.broadcast %add3A_377 : i32 to vector<16xi32>
        %add3A_379 = arith.addi %mul3A_11, %add3A_378 : vector<16xi32>
        tpu.vector_store_idx %arg6[%add3A_379], %get3A_376 : memref<2048xf32, #tpu.memory_space<vmem>>[vector<16xi32>], vector<16xf32>,
        %get3A_380 = arith.constant 5 : i32
        %get3A_381 = arith.index_cast %get3A_380 : i32 to index
        %get3A_382 = arith.constant 32 : index
        %get3A_383 = tpu.vector_load %arg4[%get3A_381, %get3A_382] {strides = array<i32>} : memref<16x128xf32, #tpu.memory_space<vmem>>, vector<16xf32>,
        %add3A_384 = arith.constant 517 : i32
        %add3A_385 = vector.broadcast %add3A_384 : i32 to vector<16xi32>
        %add3A_386 = arith.addi %mul3A_11, %add3A_385 : vector<16xi32>
        tpu.vector_store_idx %arg6[%add3A_386], %get3A_383 : memref<2048xf32, #tpu.memory_space<vmem>>[vector<16xi32>], vector<16xf32>,
        %get3A_387 = arith.constant 5 : i32
        %get3A_388 = arith.index_cast %get3A_387 : i32 to index
        %get3A_389 = arith.constant 48 : index
        %get3A_390 = tpu.vector_load %arg4[%get3A_388, %get3A_389] {strides = array<i32>} : memref<16x128xf32, #tpu.memory_space<vmem>>, vector<16xf32>,
        %add3A_391 = arith.constant 773 : i32
        %add3A_392 = vector.broadcast %add3A_391 : i32 to vector<16xi32>
        %add3A_393 = arith.addi %mul3A_11, %add3A_392 : vector<16xi32>
        tpu.vector_store_idx %arg6[%add3A_393], %get3A_390 : memref<2048xf32, #tpu.memory_space<vmem>>[vector<16xi32>], vector<16xf32>,
        %get3A_394 = arith.constant 5 : i32
        %get3A_395 = arith.index_cast %get3A_394 : i32 to index
        %get3A_396 = arith.constant 64 : index
        %get3A_397 = tpu.vector_load %arg4[%get3A_395, %get3A_396] {strides = array<i32>} : memref<16x128xf32, #tpu.memory_space<vmem>>, vector<16xf32>,
        %add3A_398 = arith.constant 1029 : i32
        %add3A_399 = vector.broadcast %add3A_398 : i32 to vector<16xi32>
        %add3A_400 = arith.addi %mul3A_11, %add3A_399 : vector<16xi32>
        tpu.vector_store_idx %arg6[%add3A_400], %get3A_397 : memref<2048xf32, #tpu.memory_space<vmem>>[vector<16xi32>], vector<16xf32>,
        %get3A_401 = arith.constant 5 : i32
        %get3A_402 = arith.index_cast %get3A_401 : i32 to index
        %get3A_403 = arith.constant 80 : index
        %get3A_404 = tpu.vector_load %arg4[%get3A_402, %get3A_403] {strides = array<i32>} : memref<16x128xf32, #tpu.memory_space<vmem>>, vector<16xf32>,
        %add3A_405 = arith.constant 1285 : i32
        %add3A_406 = vector.broadcast %add3A_405 : i32 to vector<16xi32>
        %add3A_407 = arith.addi %mul3A_11, %add3A_406 : vector<16xi32>
        tpu.vector_store_idx %arg6[%add3A_407], %get3A_404 : memref<2048xf32, #tpu.memory_space<vmem>>[vector<16xi32>], vector<16xf32>,
        %get3A_408 = arith.constant 5 : i32
        %get3A_409 = arith.index_cast %get3A_408 : i32 to index
        %get3A_410 = arith.constant 96 : index
        %get3A_411 = tpu.vector_load %arg4[%get3A_409, %get3A_410] {strides = array<i32>} : memref<16x128xf32, #tpu.memory_space<vmem>>, vector<16xf32>,
        %add3A_412 = arith.constant 1541 : i32
        %add3A_413 = vector.broadcast %add3A_412 : i32 to vector<16xi32>
        %add3A_414 = arith.addi %mul3A_11, %add3A_413 : vector<16xi32>
        tpu.vector_store_idx %arg6[%add3A_414], %get3A_411 : memref<2048xf32, #tpu.memory_space<vmem>>[vector<16xi32>], vector<16xf32>,
        %get3A_415 = arith.constant 5 : i32
        %get3A_416 = arith.index_cast %get3A_415 : i32 to index
        %get3A_417 = arith.constant 112 : index
        %get3A_418 = tpu.vector_load %arg4[%get3A_416, %get3A_417] {strides = array<i32>} : memref<16x128xf32, #tpu.memory_space<vmem>>, vector<16xf32>,
        %add3A_419 = arith.constant 1797 : i32
        %add3A_420 = vector.broadcast %add3A_419 : i32 to vector<16xi32>
        %add3A_421 = arith.addi %mul3A_11, %add3A_420 : vector<16xi32>
        tpu.vector_store_idx %arg6[%add3A_421], %get3A_418 : memref<2048xf32, #tpu.memory_space<vmem>>[vector<16xi32>], vector<16xf32>,
        %get3A_422 = arith.constant 6 : i32
        %get3A_423 = arith.index_cast %get3A_422 : i32 to index
        %get3A_424 = arith.constant 0 : index
        %get3A_425 = tpu.vector_load %arg4[%get3A_423, %get3A_424] {strides = array<i32>} : memref<16x128xf32, #tpu.memory_space<vmem>>, vector<16xf32>,
        %add3A_426 = arith.constant 6 : i32
        %add3A_427 = vector.broadcast %add3A_426 : i32 to vector<16xi32>
        %add3A_428 = arith.addi %mul3A_11, %add3A_427 : vector<16xi32>
        tpu.vector_store_idx %arg6[%add3A_428], %get3A_425 : memref<2048xf32, #tpu.memory_space<vmem>>[vector<16xi32>], vector<16xf32>,
        %get3A_429 = arith.constant 6 : i32
        %get3A_430 = arith.index_cast %get3A_429 : i32 to index
        %get3A_431 = arith.constant 16 : index
        %get3A_432 = tpu.vector_load %arg4[%get3A_430, %get3A_431] {strides = array<i32>} : memref<16x128xf32, #tpu.memory_space<vmem>>, vector<16xf32>,
        %add3A_433 = arith.constant 262 : i32
        %add3A_434 = vector.broadcast %add3A_433 : i32 to vector<16xi32>
        %add3A_435 = arith.addi %mul3A_11, %add3A_434 : vector<16xi32>
        tpu.vector_store_idx %arg6[%add3A_435], %get3A_432 : memref<2048xf32, #tpu.memory_space<vmem>>[vector<16xi32>], vector<16xf32>,
        %get3A_436 = arith.constant 6 : i32
        %get3A_437 = arith.index_cast %get3A_436 : i32 to index
        %get3A_438 = arith.constant 32 : index
        %get3A_439 = tpu.vector_load %arg4[%get3A_437, %get3A_438] {strides = array<i32>} : memref<16x128xf32, #tpu.memory_space<vmem>>, vector<16xf32>,
        %add3A_440 = arith.constant 518 : i32
        %add3A_441 = vector.broadcast %add3A_440 : i32 to vector<16xi32>
        %add3A_442 = arith.addi %mul3A_11, %add3A_441 : vector<16xi32>
        tpu.vector_store_idx %arg6[%add3A_442], %get3A_439 : memref<2048xf32, #tpu.memory_space<vmem>>[vector<16xi32>], vector<16xf32>,
        %get3A_443 = arith.constant 6 : i32
        %get3A_444 = arith.index_cast %get3A_443 : i32 to index
        %get3A_445 = arith.constant 48 : index
        %get3A_446 = tpu.vector_load %arg4[%get3A_444, %get3A_445] {strides = array<i32>} : memref<16x128xf32, #tpu.memory_space<vmem>>, vector<16xf32>,
        %add3A_447 = arith.constant 774 : i32
        %add3A_448 = vector.broadcast %add3A_447 : i32 to vector<16xi32>
        %add3A_449 = arith.addi %mul3A_11, %add3A_448 : vector<16xi32>
        tpu.vector_store_idx %arg6[%add3A_449], %get3A_446 : memref<2048xf32, #tpu.memory_space<vmem>>[vector<16xi32>], vector<16xf32>,
        %get3A_450 = arith.constant 6 : i32
        %get3A_451 = arith.index_cast %get3A_450 : i32 to index
        %get3A_452 = arith.constant 64 : index
        %get3A_453 = tpu.vector_load %arg4[%get3A_451, %get3A_452] {strides = array<i32>} : memref<16x128xf32, #tpu.memory_space<vmem>>, vector<16xf32>,
        %add3A_454 = arith.constant 1030 : i32
        %add3A_455 = vector.broadcast %add3A_454 : i32 to vector<16xi32>
        %add3A_456 = arith.addi %mul3A_11, %add3A_455 : vector<16xi32>
        tpu.vector_store_idx %arg6[%add3A_456], %get3A_453 : memref<2048xf32, #tpu.memory_space<vmem>>[vector<16xi32>], vector<16xf32>,
        %get3A_457 = arith.constant 6 : i32
        %get3A_458 = arith.index_cast %get3A_457 : i32 to index
        %get3A_459 = arith.constant 80 : index
        %get3A_460 = tpu.vector_load %arg4[%get3A_458, %get3A_459] {strides = array<i32>} : memref<16x128xf32, #tpu.memory_space<vmem>>, vector<16xf32>,
        %add3A_461 = arith.constant 1286 : i32
        %add3A_462 = vector.broadcast %add3A_461 : i32 to vector<16xi32>
        %add3A_463 = arith.addi %mul3A_11, %add3A_462 : vector<16xi32>
        tpu.vector_store_idx %arg6[%add3A_463], %get3A_460 : memref<2048xf32, #tpu.memory_space<vmem>>[vector<16xi32>], vector<16xf32>,
        %get3A_464 = arith.constant 6 : i32
        %get3A_465 = arith.index_cast %get3A_464 : i32 to index
        %get3A_466 = arith.constant 96 : index
        %get3A_467 = tpu.vector_load %arg4[%get3A_465, %get3A_466] {strides = array<i32>} : memref<16x128xf32, #tpu.memory_space<vmem>>, vector<16xf32>,
        %add3A_468 = arith.constant 1542 : i32
        %add3A_469 = vector.broadcast %add3A_468 : i32 to vector<16xi32>
        %add3A_470 = arith.addi %mul3A_11, %add3A_469 : vector<16xi32>
        tpu.vector_store_idx %arg6[%add3A_470], %get3A_467 : memref<2048xf32, #tpu.memory_space<vmem>>[vector<16xi32>], vector<16xf32>,
        %get3A_471 = arith.constant 6 : i32
        %get3A_472 = arith.index_cast %get3A_471 : i32 to index
        %get3A_473 = arith.constant 112 : index
        %get3A_474 = tpu.vector_load %arg4[%get3A_472, %get3A_473] {strides = array<i32>} : memref<16x128xf32, #tpu.memory_space<vmem>>, vector<16xf32>,
        %add3A_475 = arith.constant 1798 : i32
        %add3A_476 = vector.broadcast %add3A_475 : i32 to vector<16xi32>
        %add3A_477 = arith.addi %mul3A_11, %add3A_476 : vector<16xi32>
        tpu.vector_store_idx %arg6[%add3A_477], %get3A_474 : memref<2048xf32, #tpu.memory_space<vmem>>[vector<16xi32>], vector<16xf32>,
        %get3A_478 = arith.constant 7 : i32
        %get3A_479 = arith.index_cast %get3A_478 : i32 to index
        %get3A_480 = arith.constant 0 : index
        %get3A_481 = tpu.vector_load %arg4[%get3A_479, %get3A_480] {strides = array<i32>} : memref<16x128xf32, #tpu.memory_space<vmem>>, vector<16xf32>,
        %add3A_482 = arith.constant 7 : i32
        %add3A_483 = vector.broadcast %add3A_482 : i32 to vector<16xi32>
        %add3A_484 = arith.addi %mul3A_11, %add3A_483 : vector<16xi32>
        tpu.vector_store_idx %arg6[%add3A_484], %get3A_481 : memref<2048xf32, #tpu.memory_space<vmem>>[vector<16xi32>], vector<16xf32>,
        %get3A_485 = arith.constant 7 : i32
        %get3A_486 = arith.index_cast %get3A_485 : i32 to index
        %get3A_487 = arith.constant 16 : index
        %get3A_488 = tpu.vector_load %arg4[%get3A_486, %get3A_487] {strides = array<i32>} : memref<16x128xf32, #tpu.memory_space<vmem>>, vector<16xf32>,
        %add3A_489 = arith.constant 263 : i32
        %add3A_490 = vector.broadcast %add3A_489 : i32 to vector<16xi32>
        %add3A_491 = arith.addi %mul3A_11, %add3A_490 : vector<16xi32>
        tpu.vector_store_idx %arg6[%add3A_491], %get3A_488 : memref<2048xf32, #tpu.memory_space<vmem>>[vector<16xi32>], vector<16xf32>,
        %get3A_492 = arith.constant 7 : i32
        %get3A_493 = arith.index_cast %get3A_492 : i32 to index
        %get3A_494 = arith.constant 32 : index
        %get3A_495 = tpu.vector_load %arg4[%get3A_493, %get3A_494] {strides = array<i32>} : memref<16x128xf32, #tpu.memory_space<vmem>>, vector<16xf32>,
        %add3A_496 = arith.constant 519 : i32
        %add3A_497 = vector.broadcast %add3A_496 : i32 to vector<16xi32>
        %add3A_498 = arith.addi %mul3A_11, %add3A_497 : vector<16xi32>
        tpu.vector_store_idx %arg6[%add3A_498], %get3A_495 : memref<2048xf32, #tpu.memory_space<vmem>>[vector<16xi32>], vector<16xf32>,
        %get3A_499 = arith.constant 7 : i32
        %get3A_500 = arith.index_cast %get3A_499 : i32 to index
        %get3A_501 = arith.constant 48 : index
        %get3A_502 = tpu.vector_load %arg4[%get3A_500, %get3A_501] {strides = array<i32>} : memref<16x128xf32, #tpu.memory_space<vmem>>, vector<16xf32>,
        %add3A_503 = arith.constant 775 : i32
        %add3A_504 = vector.broadcast %add3A_503 : i32 to vector<16xi32>
        %add3A_505 = arith.addi %mul3A_11, %add3A_504 : vector<16xi32>
        tpu.vector_store_idx %arg6[%add3A_505], %get3A_502 : memref<2048xf32, #tpu.memory_space<vmem>>[vector<16xi32>], vector<16xf32>,
        %get3A_506 = arith.constant 7 : i32
        %get3A_507 = arith.index_cast %get3A_506 : i32 to index
        %get3A_508 = arith.constant 64 : index
        %get3A_509 = tpu.vector_load %arg4[%get3A_507, %get3A_508] {strides = array<i32>} : memref<16x128xf32, #tpu.memory_space<vmem>>, vector<16xf32>,
        %add3A_510 = arith.constant 1031 : i32
        %add3A_511 = vector.broadcast %add3A_510 : i32 to vector<16xi32>
        %add3A_512 = arith.addi %mul3A_11, %add3A_511 : vector<16xi32>
        tpu.vector_store_idx %arg6[%add3A_512], %get3A_509 : memref<2048xf32, #tpu.memory_space<vmem>>[vector<16xi32>], vector<16xf32>,
        %get3A_513 = arith.constant 7 : i32
        %get3A_514 = arith.index_cast %get3A_513 : i32 to index
        %get3A_515 = arith.constant 80 : index
        %get3A_516 = tpu.vector_load %arg4[%get3A_514, %get3A_515] {strides = array<i32>} : memref<16x128xf32, #tpu.memory_space<vmem>>, vector<16xf32>,
        %add3A_517 = arith.constant 1287 : i32
        %add3A_518 = vector.broadcast %add3A_517 : i32 to vector<16xi32>
        %add3A_519 = arith.addi %mul3A_11, %add3A_518 : vector<16xi32>
        tpu.vector_store_idx %arg6[%add3A_519], %get3A_516 : memref<2048xf32, #tpu.memory_space<vmem>>[vector<16xi32>], vector<16xf32>,
        %get3A_520 = arith.constant 7 : i32
        %get3A_521 = arith.index_cast %get3A_520 : i32 to index
        %get3A_522 = arith.constant 96 : index
        %get3A_523 = tpu.vector_load %arg4[%get3A_521, %get3A_522] {strides = array<i32>} : memref<16x128xf32, #tpu.memory_space<vmem>>, vector<16xf32>,
        %add3A_524 = arith.constant 1543 : i32
        %add3A_525 = vector.broadcast %add3A_524 : i32 to vector<16xi32>
        %add3A_526 = arith.addi %mul3A_11, %add3A_525 : vector<16xi32>
        tpu.vector_store_idx %arg6[%add3A_526], %get3A_523 : memref<2048xf32, #tpu.memory_space<vmem>>[vector<16xi32>], vector<16xf32>,
        %get3A_527 = arith.constant 7 : i32
        %get3A_528 = arith.index_cast %get3A_527 : i32 to index
        %get3A_529 = arith.constant 112 : index
        %get3A_530 = tpu.vector_load %arg4[%get3A_528, %get3A_529] {strides = array<i32>} : memref<16x128xf32, #tpu.memory_space<vmem>>, vector<16xf32>,
        %add3A_531 = arith.constant 1799 : i32
        %add3A_532 = vector.broadcast %add3A_531 : i32 to vector<16xi32>
        %add3A_533 = arith.addi %mul3A_11, %add3A_532 : vector<16xi32>
        tpu.vector_store_idx %arg6[%add3A_533], %get3A_530 : memref<2048xf32, #tpu.memory_space<vmem>>[vector<16xi32>], vector<16xf32>,
        %get3A_534 = arith.constant 8 : i32
        %get3A_535 = arith.index_cast %get3A_534 : i32 to index
        %get3A_536 = arith.constant 0 : index
        %get3A_537 = tpu.vector_load %arg4[%get3A_535, %get3A_536] {strides = array<i32>} : memref<16x128xf32, #tpu.memory_space<vmem>>, vector<16xf32>,
        %add3A_538 = arith.constant 8 : i32
        %add3A_539 = vector.broadcast %add3A_538 : i32 to vector<16xi32>
        %add3A_540 = arith.addi %mul3A_11, %add3A_539 : vector<16xi32>
        tpu.vector_store_idx %arg6[%add3A_540], %get3A_537 : memref<2048xf32, #tpu.memory_space<vmem>>[vector<16xi32>], vector<16xf32>,
        %get3A_541 = arith.constant 8 : i32
        %get3A_542 = arith.index_cast %get3A_541 : i32 to index
        %get3A_543 = arith.constant 16 : index
        %get3A_544 = tpu.vector_load %arg4[%get3A_542, %get3A_543] {strides = array<i32>} : memref<16x128xf32, #tpu.memory_space<vmem>>, vector<16xf32>,
        %add3A_545 = arith.constant 264 : i32
        %add3A_546 = vector.broadcast %add3A_545 : i32 to vector<16xi32>
        %add3A_547 = arith.addi %mul3A_11, %add3A_546 : vector<16xi32>
        tpu.vector_store_idx %arg6[%add3A_547], %get3A_544 : memref<2048xf32, #tpu.memory_space<vmem>>[vector<16xi32>], vector<16xf32>,
        %get3A_548 = arith.constant 8 : i32
        %get3A_549 = arith.index_cast %get3A_548 : i32 to index
        %get3A_550 = arith.constant 32 : index
        %get3A_551 = tpu.vector_load %arg4[%get3A_549, %get3A_550] {strides = array<i32>} : memref<16x128xf32, #tpu.memory_space<vmem>>, vector<16xf32>,
        %add3A_552 = arith.constant 520 : i32
        %add3A_553 = vector.broadcast %add3A_552 : i32 to vector<16xi32>
        %add3A_554 = arith.addi %mul3A_11, %add3A_553 : vector<16xi32>
        tpu.vector_store_idx %arg6[%add3A_554], %get3A_551 : memref<2048xf32, #tpu.memory_space<vmem>>[vector<16xi32>], vector<16xf32>,
        %get3A_555 = arith.constant 8 : i32
        %get3A_556 = arith.index_cast %get3A_555 : i32 to index
        %get3A_557 = arith.constant 48 : index
        %get3A_558 = tpu.vector_load %arg4[%get3A_556, %get3A_557] {strides = array<i32>} : memref<16x128xf32, #tpu.memory_space<vmem>>, vector<16xf32>,
        %add3A_559 = arith.constant 776 : i32
        %add3A_560 = vector.broadcast %add3A_559 : i32 to vector<16xi32>
        %add3A_561 = arith.addi %mul3A_11, %add3A_560 : vector<16xi32>
        tpu.vector_store_idx %arg6[%add3A_561], %get3A_558 : memref<2048xf32, #tpu.memory_space<vmem>>[vector<16xi32>], vector<16xf32>,
        %get3A_562 = arith.constant 8 : i32
        %get3A_563 = arith.index_cast %get3A_562 : i32 to index
        %get3A_564 = arith.constant 64 : index
        %get3A_565 = tpu.vector_load %arg4[%get3A_563, %get3A_564] {strides = array<i32>} : memref<16x128xf32, #tpu.memory_space<vmem>>, vector<16xf32>,
        %add3A_566 = arith.constant 1032 : i32
        %add3A_567 = vector.broadcast %add3A_566 : i32 to vector<16xi32>
        %add3A_568 = arith.addi %mul3A_11, %add3A_567 : vector<16xi32>
        tpu.vector_store_idx %arg6[%add3A_568], %get3A_565 : memref<2048xf32, #tpu.memory_space<vmem>>[vector<16xi32>], vector<16xf32>,
        %get3A_569 = arith.constant 8 : i32
        %get3A_570 = arith.index_cast %get3A_569 : i32 to index
        %get3A_571 = arith.constant 80 : index
        %get3A_572 = tpu.vector_load %arg4[%get3A_570, %get3A_571] {strides = array<i32>} : memref<16x128xf32, #tpu.memory_space<vmem>>, vector<16xf32>,
        %add3A_573 = arith.constant 1288 : i32
        %add3A_574 = vector.broadcast %add3A_573 : i32 to vector<16xi32>
        %add3A_575 = arith.addi %mul3A_11, %add3A_574 : vector<16xi32>
        tpu.vector_store_idx %arg6[%add3A_575], %get3A_572 : memref<2048xf32, #tpu.memory_space<vmem>>[vector<16xi32>], vector<16xf32>,
        %get3A_576 = arith.constant 8 : i32
        %get3A_577 = arith.index_cast %get3A_576 : i32 to index
        %get3A_578 = arith.constant 96 : index
        %get3A_579 = tpu.vector_load %arg4[%get3A_577, %get3A_578] {strides = array<i32>} : memref<16x128xf32, #tpu.memory_space<vmem>>, vector<16xf32>,
        %add3A_580 = arith.constant 1544 : i32
        %add3A_581 = vector.broadcast %add3A_580 : i32 to vector<16xi32>
        %add3A_582 = arith.addi %mul3A_11, %add3A_581 : vector<16xi32>
        tpu.vector_store_idx %arg6[%add3A_582], %get3A_579 : memref<2048xf32, #tpu.memory_space<vmem>>[vector<16xi32>], vector<16xf32>,
        %get3A_583 = arith.constant 8 : i32
        %get3A_584 = arith.index_cast %get3A_583 : i32 to index
        %get3A_585 = arith.constant 112 : index
        %get3A_586 = tpu.vector_load %arg4[%get3A_584, %get3A_585] {strides = array<i32>} : memref<16x128xf32, #tpu.memory_space<vmem>>, vector<16xf32>,
        %add3A_587 = arith.constant 1800 : i32
        %add3A_588 = vector.broadcast %add3A_587 : i32 to vector<16xi32>
        %add3A_589 = arith.addi %mul3A_11, %add3A_588 : vector<16xi32>
        tpu.vector_store_idx %arg6[%add3A_589], %get3A_586 : memref<2048xf32, #tpu.memory_space<vmem>>[vector<16xi32>], vector<16xf32>,
        %get3A_590 = arith.constant 9 : i32
        %get3A_591 = arith.index_cast %get3A_590 : i32 to index
        %get3A_592 = arith.constant 0 : index
        %get3A_593 = tpu.vector_load %arg4[%get3A_591, %get3A_592] {strides = array<i32>} : memref<16x128xf32, #tpu.memory_space<vmem>>, vector<16xf32>,
        %add3A_594 = arith.constant 9 : i32
        %add3A_595 = vector.broadcast %add3A_594 : i32 to vector<16xi32>
        %add3A_596 = arith.addi %mul3A_11, %add3A_595 : vector<16xi32>
        tpu.vector_store_idx %arg6[%add3A_596], %get3A_593 : memref<2048xf32, #tpu.memory_space<vmem>>[vector<16xi32>], vector<16xf32>,
        %get3A_597 = arith.constant 9 : i32
        %get3A_598 = arith.index_cast %get3A_597 : i32 to index
        %get3A_599 = arith.constant 16 : index
        %get3A_600 = tpu.vector_load %arg4[%get3A_598, %get3A_599] {strides = array<i32>} : memref<16x128xf32, #tpu.memory_space<vmem>>, vector<16xf32>,
        %add3A_601 = arith.constant 265 : i32
        %add3A_602 = vector.broadcast %add3A_601 : i32 to vector<16xi32>
        %add3A_603 = arith.addi %mul3A_11, %add3A_602 : vector<16xi32>
        tpu.vector_store_idx %arg6[%add3A_603], %get3A_600 : memref<2048xf32, #tpu.memory_space<vmem>>[vector<16xi32>], vector<16xf32>,
        %get3A_604 = arith.constant 9 : i32
        %get3A_605 = arith.index_cast %get3A_604 : i32 to index
        %get3A_606 = arith.constant 32 : index
        %get3A_607 = tpu.vector_load %arg4[%get3A_605, %get3A_606] {strides = array<i32>} : memref<16x128xf32, #tpu.memory_space<vmem>>, vector<16xf32>,
        %add3A_608 = arith.constant 521 : i32
        %add3A_609 = vector.broadcast %add3A_608 : i32 to vector<16xi32>
        %add3A_610 = arith.addi %mul3A_11, %add3A_609 : vector<16xi32>
        tpu.vector_store_idx %arg6[%add3A_610], %get3A_607 : memref<2048xf32, #tpu.memory_space<vmem>>[vector<16xi32>], vector<16xf32>,
        %get3A_611 = arith.constant 9 : i32
        %get3A_612 = arith.index_cast %get3A_611 : i32 to index
        %get3A_613 = arith.constant 48 : index
        %get3A_614 = tpu.vector_load %arg4[%get3A_612, %get3A_613] {strides = array<i32>} : memref<16x128xf32, #tpu.memory_space<vmem>>, vector<16xf32>,
        %add3A_615 = arith.constant 777 : i32
        %add3A_616 = vector.broadcast %add3A_615 : i32 to vector<16xi32>
        %add3A_617 = arith.addi %mul3A_11, %add3A_616 : vector<16xi32>
        tpu.vector_store_idx %arg6[%add3A_617], %get3A_614 : memref<2048xf32, #tpu.memory_space<vmem>>[vector<16xi32>], vector<16xf32>,
        %get3A_618 = arith.constant 9 : i32
        %get3A_619 = arith.index_cast %get3A_618 : i32 to index
        %get3A_620 = arith.constant 64 : index
        %get3A_621 = tpu.vector_load %arg4[%get3A_619, %get3A_620] {strides = array<i32>} : memref<16x128xf32, #tpu.memory_space<vmem>>, vector<16xf32>,
        %add3A_622 = arith.constant 1033 : i32
        %add3A_623 = vector.broadcast %add3A_622 : i32 to vector<16xi32>
        %add3A_624 = arith.addi %mul3A_11, %add3A_623 : vector<16xi32>
        tpu.vector_store_idx %arg6[%add3A_624], %get3A_621 : memref<2048xf32, #tpu.memory_space<vmem>>[vector<16xi32>], vector<16xf32>,
        %get3A_625 = arith.constant 9 : i32
        %get3A_626 = arith.index_cast %get3A_625 : i32 to index
        %get3A_627 = arith.constant 80 : index
        %get3A_628 = tpu.vector_load %arg4[%get3A_626, %get3A_627] {strides = array<i32>} : memref<16x128xf32, #tpu.memory_space<vmem>>, vector<16xf32>,
        %add3A_629 = arith.constant 1289 : i32
        %add3A_630 = vector.broadcast %add3A_629 : i32 to vector<16xi32>
        %add3A_631 = arith.addi %mul3A_11, %add3A_630 : vector<16xi32>
        tpu.vector_store_idx %arg6[%add3A_631], %get3A_628 : memref<2048xf32, #tpu.memory_space<vmem>>[vector<16xi32>], vector<16xf32>,
        %get3A_632 = arith.constant 9 : i32
        %get3A_633 = arith.index_cast %get3A_632 : i32 to index
        %get3A_634 = arith.constant 96 : index
        %get3A_635 = tpu.vector_load %arg4[%get3A_633, %get3A_634] {strides = array<i32>} : memref<16x128xf32, #tpu.memory_space<vmem>>, vector<16xf32>,
        %add3A_636 = arith.constant 1545 : i32
        %add3A_637 = vector.broadcast %add3A_636 : i32 to vector<16xi32>
        %add3A_638 = arith.addi %mul3A_11, %add3A_637 : vector<16xi32>
        tpu.vector_store_idx %arg6[%add3A_638], %get3A_635 : memref<2048xf32, #tpu.memory_space<vmem>>[vector<16xi32>], vector<16xf32>,
        %get3A_639 = arith.constant 9 : i32
        %get3A_640 = arith.index_cast %get3A_639 : i32 to index
        %get3A_641 = arith.constant 112 : index
        %get3A_642 = tpu.vector_load %arg4[%get3A_640, %get3A_641] {strides = array<i32>} : memref<16x128xf32, #tpu.memory_space<vmem>>, vector<16xf32>,
        %add3A_643 = arith.constant 1801 : i32
        %add3A_644 = vector.broadcast %add3A_643 : i32 to vector<16xi32>
        %add3A_645 = arith.addi %mul3A_11, %add3A_644 : vector<16xi32>
        tpu.vector_store_idx %arg6[%add3A_645], %get3A_642 : memref<2048xf32, #tpu.memory_space<vmem>>[vector<16xi32>], vector<16xf32>,
        %get3A_646 = arith.constant 10 : i32
        %get3A_647 = arith.index_cast %get3A_646 : i32 to index
        %get3A_648 = arith.constant 0 : index
        %get3A_649 = tpu.vector_load %arg4[%get3A_647, %get3A_648] {strides = array<i32>} : memref<16x128xf32, #tpu.memory_space<vmem>>, vector<16xf32>,
        %add3A_650 = arith.constant 10 : i32
        %add3A_651 = vector.broadcast %add3A_650 : i32 to vector<16xi32>
        %add3A_652 = arith.addi %mul3A_11, %add3A_651 : vector<16xi32>
        tpu.vector_store_idx %arg6[%add3A_652], %get3A_649 : memref<2048xf32, #tpu.memory_space<vmem>>[vector<16xi32>], vector<16xf32>,
        %get3A_653 = arith.constant 10 : i32
        %get3A_654 = arith.index_cast %get3A_653 : i32 to index
        %get3A_655 = arith.constant 16 : index
        %get3A_656 = tpu.vector_load %arg4[%get3A_654, %get3A_655] {strides = array<i32>} : memref<16x128xf32, #tpu.memory_space<vmem>>, vector<16xf32>,
        %add3A_657 = arith.constant 266 : i32
        %add3A_658 = vector.broadcast %add3A_657 : i32 to vector<16xi32>
        %add3A_659 = arith.addi %mul3A_11, %add3A_658 : vector<16xi32>
        tpu.vector_store_idx %arg6[%add3A_659], %get3A_656 : memref<2048xf32, #tpu.memory_space<vmem>>[vector<16xi32>], vector<16xf32>,
        %get3A_660 = arith.constant 10 : i32
        %get3A_661 = arith.index_cast %get3A_660 : i32 to index
        %get3A_662 = arith.constant 32 : index
        %get3A_663 = tpu.vector_load %arg4[%get3A_661, %get3A_662] {strides = array<i32>} : memref<16x128xf32, #tpu.memory_space<vmem>>, vector<16xf32>,
        %add3A_664 = arith.constant 522 : i32
        %add3A_665 = vector.broadcast %add3A_664 : i32 to vector<16xi32>
        %add3A_666 = arith.addi %mul3A_11, %add3A_665 : vector<16xi32>
        tpu.vector_store_idx %arg6[%add3A_666], %get3A_663 : memref<2048xf32, #tpu.memory_space<vmem>>[vector<16xi32>], vector<16xf32>,
        %get3A_667 = arith.constant 10 : i32
        %get3A_668 = arith.index_cast %get3A_667 : i32 to index
        %get3A_669 = arith.constant 48 : index
        %get3A_670 = tpu.vector_load %arg4[%get3A_668, %get3A_669] {strides = array<i32>} : memref<16x128xf32, #tpu.memory_space<vmem>>, vector<16xf32>,
        %add3A_671 = arith.constant 778 : i32
        %add3A_672 = vector.broadcast %add3A_671 : i32 to vector<16xi32>
        %add3A_673 = arith.addi %mul3A_11, %add3A_672 : vector<16xi32>
        tpu.vector_store_idx %arg6[%add3A_673], %get3A_670 : memref<2048xf32, #tpu.memory_space<vmem>>[vector<16xi32>], vector<16xf32>,
        %get3A_674 = arith.constant 10 : i32
        %get3A_675 = arith.index_cast %get3A_674 : i32 to index
        %get3A_676 = arith.constant 64 : index
        %get3A_677 = tpu.vector_load %arg4[%get3A_675, %get3A_676] {strides = array<i32>} : memref<16x128xf32, #tpu.memory_space<vmem>>, vector<16xf32>,
        %add3A_678 = arith.constant 1034 : i32
        %add3A_679 = vector.broadcast %add3A_678 : i32 to vector<16xi32>
        %add3A_680 = arith.addi %mul3A_11, %add3A_679 : vector<16xi32>
        tpu.vector_store_idx %arg6[%add3A_680], %get3A_677 : memref<2048xf32, #tpu.memory_space<vmem>>[vector<16xi32>], vector<16xf32>,
        %get3A_681 = arith.constant 10 : i32
        %get3A_682 = arith.index_cast %get3A_681 : i32 to index
        %get3A_683 = arith.constant 80 : index
        %get3A_684 = tpu.vector_load %arg4[%get3A_682, %get3A_683] {strides = array<i32>} : memref<16x128xf32, #tpu.memory_space<vmem>>, vector<16xf32>,
        %add3A_685 = arith.constant 1290 : i32
        %add3A_686 = vector.broadcast %add3A_685 : i32 to vector<16xi32>
        %add3A_687 = arith.addi %mul3A_11, %add3A_686 : vector<16xi32>
        tpu.vector_store_idx %arg6[%add3A_687], %get3A_684 : memref<2048xf32, #tpu.memory_space<vmem>>[vector<16xi32>], vector<16xf32>,
        %get3A_688 = arith.constant 10 : i32
        %get3A_689 = arith.index_cast %get3A_688 : i32 to index
        %get3A_690 = arith.constant 96 : index
        %get3A_691 = tpu.vector_load %arg4[%get3A_689, %get3A_690] {strides = array<i32>} : memref<16x128xf32, #tpu.memory_space<vmem>>, vector<16xf32>,
        %add3A_692 = arith.constant 1546 : i32
        %add3A_693 = vector.broadcast %add3A_692 : i32 to vector<16xi32>
        %add3A_694 = arith.addi %mul3A_11, %add3A_693 : vector<16xi32>
        tpu.vector_store_idx %arg6[%add3A_694], %get3A_691 : memref<2048xf32, #tpu.memory_space<vmem>>[vector<16xi32>], vector<16xf32>,
        %get3A_695 = arith.constant 10 : i32
        %get3A_696 = arith.index_cast %get3A_695 : i32 to index
        %get3A_697 = arith.constant 112 : index
        %get3A_698 = tpu.vector_load %arg4[%get3A_696, %get3A_697] {strides = array<i32>} : memref<16x128xf32, #tpu.memory_space<vmem>>, vector<16xf32>,
        %add3A_699 = arith.constant 1802 : i32
        %add3A_700 = vector.broadcast %add3A_699 : i32 to vector<16xi32>
        %add3A_701 = arith.addi %mul3A_11, %add3A_700 : vector<16xi32>
        tpu.vector_store_idx %arg6[%add3A_701], %get3A_698 : memref<2048xf32, #tpu.memory_space<vmem>>[vector<16xi32>], vector<16xf32>,
        %get3A_702 = arith.constant 11 : i32
        %get3A_703 = arith.index_cast %get3A_702 : i32 to index
        %get3A_704 = arith.constant 0 : index
        %get3A_705 = tpu.vector_load %arg4[%get3A_703, %get3A_704] {strides = array<i32>} : memref<16x128xf32, #tpu.memory_space<vmem>>, vector<16xf32>,
        %add3A_706 = arith.constant 11 : i32
        %add3A_707 = vector.broadcast %add3A_706 : i32 to vector<16xi32>
        %add3A_708 = arith.addi %mul3A_11, %add3A_707 : vector<16xi32>
        tpu.vector_store_idx %arg6[%add3A_708], %get3A_705 : memref<2048xf32, #tpu.memory_space<vmem>>[vector<16xi32>], vector<16xf32>,
        %get3A_709 = arith.constant 11 : i32
        %get3A_710 = arith.index_cast %get3A_709 : i32 to index
        %get3A_711 = arith.constant 16 : index
        %get3A_712 = tpu.vector_load %arg4[%get3A_710, %get3A_711] {strides = array<i32>} : memref<16x128xf32, #tpu.memory_space<vmem>>, vector<16xf32>,
        %add3A_713 = arith.constant 267 : i32
        %add3A_714 = vector.broadcast %add3A_713 : i32 to vector<16xi32>
        %add3A_715 = arith.addi %mul3A_11, %add3A_714 : vector<16xi32>
        tpu.vector_store_idx %arg6[%add3A_715], %get3A_712 : memref<2048xf32, #tpu.memory_space<vmem>>[vector<16xi32>], vector<16xf32>,
        %get3A_716 = arith.constant 11 : i32
        %get3A_717 = arith.index_cast %get3A_716 : i32 to index
        %get3A_718 = arith.constant 32 : index
        %get3A_719 = tpu.vector_load %arg4[%get3A_717, %get3A_718] {strides = array<i32>} : memref<16x128xf32, #tpu.memory_space<vmem>>, vector<16xf32>,
        %add3A_720 = arith.constant 523 : i32
        %add3A_721 = vector.broadcast %add3A_720 : i32 to vector<16xi32>
        %add3A_722 = arith.addi %mul3A_11, %add3A_721 : vector<16xi32>
        tpu.vector_store_idx %arg6[%add3A_722], %get3A_719 : memref<2048xf32, #tpu.memory_space<vmem>>[vector<16xi32>], vector<16xf32>,
        %get3A_723 = arith.constant 11 : i32
        %get3A_724 = arith.index_cast %get3A_723 : i32 to index
        %get3A_725 = arith.constant 48 : index
        %get3A_726 = tpu.vector_load %arg4[%get3A_724, %get3A_725] {strides = array<i32>} : memref<16x128xf32, #tpu.memory_space<vmem>>, vector<16xf32>,
        %add3A_727 = arith.constant 779 : i32
        %add3A_728 = vector.broadcast %add3A_727 : i32 to vector<16xi32>
        %add3A_729 = arith.addi %mul3A_11, %add3A_728 : vector<16xi32>
        tpu.vector_store_idx %arg6[%add3A_729], %get3A_726 : memref<2048xf32, #tpu.memory_space<vmem>>[vector<16xi32>], vector<16xf32>,
        %get3A_730 = arith.constant 11 : i32
        %get3A_731 = arith.index_cast %get3A_730 : i32 to index
        %get3A_732 = arith.constant 64 : index
        %get3A_733 = tpu.vector_load %arg4[%get3A_731, %get3A_732] {strides = array<i32>} : memref<16x128xf32, #tpu.memory_space<vmem>>, vector<16xf32>,
        %add3A_734 = arith.constant 1035 : i32
        %add3A_735 = vector.broadcast %add3A_734 : i32 to vector<16xi32>
        %add3A_736 = arith.addi %mul3A_11, %add3A_735 : vector<16xi32>
        tpu.vector_store_idx %arg6[%add3A_736], %get3A_733 : memref<2048xf32, #tpu.memory_space<vmem>>[vector<16xi32>], vector<16xf32>,
        %get3A_737 = arith.constant 11 : i32
        %get3A_738 = arith.index_cast %get3A_737 : i32 to index
        %get3A_739 = arith.constant 80 : index
        %get3A_740 = tpu.vector_load %arg4[%get3A_738, %get3A_739] {strides = array<i32>} : memref<16x128xf32, #tpu.memory_space<vmem>>, vector<16xf32>,
        %add3A_741 = arith.constant 1291 : i32
        %add3A_742 = vector.broadcast %add3A_741 : i32 to vector<16xi32>
        %add3A_743 = arith.addi %mul3A_11, %add3A_742 : vector<16xi32>
        tpu.vector_store_idx %arg6[%add3A_743], %get3A_740 : memref<2048xf32, #tpu.memory_space<vmem>>[vector<16xi32>], vector<16xf32>,
        %get3A_744 = arith.constant 11 : i32
        %get3A_745 = arith.index_cast %get3A_744 : i32 to index
        %get3A_746 = arith.constant 96 : index
        %get3A_747 = tpu.vector_load %arg4[%get3A_745, %get3A_746] {strides = array<i32>} : memref<16x128xf32, #tpu.memory_space<vmem>>, vector<16xf32>,
        %add3A_748 = arith.constant 1547 : i32
        %add3A_749 = vector.broadcast %add3A_748 : i32 to vector<16xi32>
        %add3A_750 = arith.addi %mul3A_11, %add3A_749 : vector<16xi32>
        tpu.vector_store_idx %arg6[%add3A_750], %get3A_747 : memref<2048xf32, #tpu.memory_space<vmem>>[vector<16xi32>], vector<16xf32>,
        %get3A_751 = arith.constant 11 : i32
        %get3A_752 = arith.index_cast %get3A_751 : i32 to index
        %get3A_753 = arith.constant 112 : index
        %get3A_754 = tpu.vector_load %arg4[%get3A_752, %get3A_753] {strides = array<i32>} : memref<16x128xf32, #tpu.memory_space<vmem>>, vector<16xf32>,
        %add3A_755 = arith.constant 1803 : i32
        %add3A_756 = vector.broadcast %add3A_755 : i32 to vector<16xi32>
        %add3A_757 = arith.addi %mul3A_11, %add3A_756 : vector<16xi32>
        tpu.vector_store_idx %arg6[%add3A_757], %get3A_754 : memref<2048xf32, #tpu.memory_space<vmem>>[vector<16xi32>], vector<16xf32>,
        %get3A_758 = arith.constant 12 : i32
        %get3A_759 = arith.index_cast %get3A_758 : i32 to index
        %get3A_760 = arith.constant 0 : index
        %get3A_761 = tpu.vector_load %arg4[%get3A_759, %get3A_760] {strides = array<i32>} : memref<16x128xf32, #tpu.memory_space<vmem>>, vector<16xf32>,
        %add3A_762 = arith.constant 12 : i32
        %add3A_763 = vector.broadcast %add3A_762 : i32 to vector<16xi32>
        %add3A_764 = arith.addi %mul3A_11, %add3A_763 : vector<16xi32>
        tpu.vector_store_idx %arg6[%add3A_764], %get3A_761 : memref<2048xf32, #tpu.memory_space<vmem>>[vector<16xi32>], vector<16xf32>,
        %get3A_765 = arith.constant 12 : i32
        %get3A_766 = arith.index_cast %get3A_765 : i32 to index
        %get3A_767 = arith.constant 16 : index
        %get3A_768 = tpu.vector_load %arg4[%get3A_766, %get3A_767] {strides = array<i32>} : memref<16x128xf32, #tpu.memory_space<vmem>>, vector<16xf32>,
        %add3A_769 = arith.constant 268 : i32
        %add3A_770 = vector.broadcast %add3A_769 : i32 to vector<16xi32>
        %add3A_771 = arith.addi %mul3A_11, %add3A_770 : vector<16xi32>
        tpu.vector_store_idx %arg6[%add3A_771], %get3A_768 : memref<2048xf32, #tpu.memory_space<vmem>>[vector<16xi32>], vector<16xf32>,
        %get3A_772 = arith.constant 12 : i32
        %get3A_773 = arith.index_cast %get3A_772 : i32 to index
        %get3A_774 = arith.constant 32 : index
        %get3A_775 = tpu.vector_load %arg4[%get3A_773, %get3A_774] {strides = array<i32>} : memref<16x128xf32, #tpu.memory_space<vmem>>, vector<16xf32>,
        %add3A_776 = arith.constant 524 : i32
        %add3A_777 = vector.broadcast %add3A_776 : i32 to vector<16xi32>
        %add3A_778 = arith.addi %mul3A_11, %add3A_777 : vector<16xi32>
        tpu.vector_store_idx %arg6[%add3A_778], %get3A_775 : memref<2048xf32, #tpu.memory_space<vmem>>[vector<16xi32>], vector<16xf32>,
        %get3A_779 = arith.constant 12 : i32
        %get3A_780 = arith.index_cast %get3A_779 : i32 to index
        %get3A_781 = arith.constant 48 : index
        %get3A_782 = tpu.vector_load %arg4[%get3A_780, %get3A_781] {strides = array<i32>} : memref<16x128xf32, #tpu.memory_space<vmem>>, vector<16xf32>,
        %add3A_783 = arith.constant 780 : i32
        %add3A_784 = vector.broadcast %add3A_783 : i32 to vector<16xi32>
        %add3A_785 = arith.addi %mul3A_11, %add3A_784 : vector<16xi32>
        tpu.vector_store_idx %arg6[%add3A_785], %get3A_782 : memref<2048xf32, #tpu.memory_space<vmem>>[vector<16xi32>], vector<16xf32>,
        %get3A_786 = arith.constant 12 : i32
        %get3A_787 = arith.index_cast %get3A_786 : i32 to index
        %get3A_788 = arith.constant 64 : index
        %get3A_789 = tpu.vector_load %arg4[%get3A_787, %get3A_788] {strides = array<i32>} : memref<16x128xf32, #tpu.memory_space<vmem>>, vector<16xf32>,
        %add3A_790 = arith.constant 1036 : i32
        %add3A_791 = vector.broadcast %add3A_790 : i32 to vector<16xi32>
        %add3A_792 = arith.addi %mul3A_11, %add3A_791 : vector<16xi32>
        tpu.vector_store_idx %arg6[%add3A_792], %get3A_789 : memref<2048xf32, #tpu.memory_space<vmem>>[vector<16xi32>], vector<16xf32>,
        %get3A_793 = arith.constant 12 : i32
        %get3A_794 = arith.index_cast %get3A_793 : i32 to index
        %get3A_795 = arith.constant 80 : index
        %get3A_796 = tpu.vector_load %arg4[%get3A_794, %get3A_795] {strides = array<i32>} : memref<16x128xf32, #tpu.memory_space<vmem>>, vector<16xf32>,
        %add3A_797 = arith.constant 1292 : i32
        %add3A_798 = vector.broadcast %add3A_797 : i32 to vector<16xi32>
        %add3A_799 = arith.addi %mul3A_11, %add3A_798 : vector<16xi32>
        tpu.vector_store_idx %arg6[%add3A_799], %get3A_796 : memref<2048xf32, #tpu.memory_space<vmem>>[vector<16xi32>], vector<16xf32>,
        %get3A_800 = arith.constant 12 : i32
        %get3A_801 = arith.index_cast %get3A_800 : i32 to index
        %get3A_802 = arith.constant 96 : index
        %get3A_803 = tpu.vector_load %arg4[%get3A_801, %get3A_802] {strides = array<i32>} : memref<16x128xf32, #tpu.memory_space<vmem>>, vector<16xf32>,
        %add3A_804 = arith.constant 1548 : i32
        %add3A_805 = vector.broadcast %add3A_804 : i32 to vector<16xi32>
        %add3A_806 = arith.addi %mul3A_11, %add3A_805 : vector<16xi32>
        tpu.vector_store_idx %arg6[%add3A_806], %get3A_803 : memref<2048xf32, #tpu.memory_space<vmem>>[vector<16xi32>], vector<16xf32>,
        %get3A_807 = arith.constant 12 : i32
        %get3A_808 = arith.index_cast %get3A_807 : i32 to index
        %get3A_809 = arith.constant 112 : index
        %get3A_810 = tpu.vector_load %arg4[%get3A_808, %get3A_809] {strides = array<i32>} : memref<16x128xf32, #tpu.memory_space<vmem>>, vector<16xf32>,
        %add3A_811 = arith.constant 1804 : i32
        %add3A_812 = vector.broadcast %add3A_811 : i32 to vector<16xi32>
        %add3A_813 = arith.addi %mul3A_11, %add3A_812 : vector<16xi32>
        tpu.vector_store_idx %arg6[%add3A_813], %get3A_810 : memref<2048xf32, #tpu.memory_space<vmem>>[vector<16xi32>], vector<16xf32>,
        %get3A_814 = arith.constant 13 : i32
        %get3A_815 = arith.index_cast %get3A_814 : i32 to index
        %get3A_816 = arith.constant 0 : index
        %get3A_817 = tpu.vector_load %arg4[%get3A_815, %get3A_816] {strides = array<i32>} : memref<16x128xf32, #tpu.memory_space<vmem>>, vector<16xf32>,
        %add3A_818 = arith.constant 13 : i32
        %add3A_819 = vector.broadcast %add3A_818 : i32 to vector<16xi32>
        %add3A_820 = arith.addi %mul3A_11, %add3A_819 : vector<16xi32>
        tpu.vector_store_idx %arg6[%add3A_820], %get3A_817 : memref<2048xf32, #tpu.memory_space<vmem>>[vector<16xi32>], vector<16xf32>,
        %get3A_821 = arith.constant 13 : i32
        %get3A_822 = arith.index_cast %get3A_821 : i32 to index
        %get3A_823 = arith.constant 16 : index
        %get3A_824 = tpu.vector_load %arg4[%get3A_822, %get3A_823] {strides = array<i32>} : memref<16x128xf32, #tpu.memory_space<vmem>>, vector<16xf32>,
        %add3A_825 = arith.constant 269 : i32
        %add3A_826 = vector.broadcast %add3A_825 : i32 to vector<16xi32>
        %add3A_827 = arith.addi %mul3A_11, %add3A_826 : vector<16xi32>
        tpu.vector_store_idx %arg6[%add3A_827], %get3A_824 : memref<2048xf32, #tpu.memory_space<vmem>>[vector<16xi32>], vector<16xf32>,
        %get3A_828 = arith.constant 13 : i32
        %get3A_829 = arith.index_cast %get3A_828 : i32 to index
        %get3A_830 = arith.constant 32 : index
        %get3A_831 = tpu.vector_load %arg4[%get3A_829, %get3A_830] {strides = array<i32>} : memref<16x128xf32, #tpu.memory_space<vmem>>, vector<16xf32>,
        %add3A_832 = arith.constant 525 : i32
        %add3A_833 = vector.broadcast %add3A_832 : i32 to vector<16xi32>
        %add3A_834 = arith.addi %mul3A_11, %add3A_833 : vector<16xi32>
        tpu.vector_store_idx %arg6[%add3A_834], %get3A_831 : memref<2048xf32, #tpu.memory_space<vmem>>[vector<16xi32>], vector<16xf32>,
        %get3A_835 = arith.constant 13 : i32
        %get3A_836 = arith.index_cast %get3A_835 : i32 to index
        %get3A_837 = arith.constant 48 : index
        %get3A_838 = tpu.vector_load %arg4[%get3A_836, %get3A_837] {strides = array<i32>} : memref<16x128xf32, #tpu.memory_space<vmem>>, vector<16xf32>,
        %add3A_839 = arith.constant 781 : i32
        %add3A_840 = vector.broadcast %add3A_839 : i32 to vector<16xi32>
        %add3A_841 = arith.addi %mul3A_11, %add3A_840 : vector<16xi32>
        tpu.vector_store_idx %arg6[%add3A_841], %get3A_838 : memref<2048xf32, #tpu.memory_space<vmem>>[vector<16xi32>], vector<16xf32>,
        %get3A_842 = arith.constant 13 : i32
        %get3A_843 = arith.index_cast %get3A_842 : i32 to index
        %get3A_844 = arith.constant 64 : index
        %get3A_845 = tpu.vector_load %arg4[%get3A_843, %get3A_844] {strides = array<i32>} : memref<16x128xf32, #tpu.memory_space<vmem>>, vector<16xf32>,
        %add3A_846 = arith.constant 1037 : i32
        %add3A_847 = vector.broadcast %add3A_846 : i32 to vector<16xi32>
        %add3A_848 = arith.addi %mul3A_11, %add3A_847 : vector<16xi32>
        tpu.vector_store_idx %arg6[%add3A_848], %get3A_845 : memref<2048xf32, #tpu.memory_space<vmem>>[vector<16xi32>], vector<16xf32>,
        %get3A_849 = arith.constant 13 : i32
        %get3A_850 = arith.index_cast %get3A_849 : i32 to index
        %get3A_851 = arith.constant 80 : index
        %get3A_852 = tpu.vector_load %arg4[%get3A_850, %get3A_851] {strides = array<i32>} : memref<16x128xf32, #tpu.memory_space<vmem>>, vector<16xf32>,
        %add3A_853 = arith.constant 1293 : i32
        %add3A_854 = vector.broadcast %add3A_853 : i32 to vector<16xi32>
        %add3A_855 = arith.addi %mul3A_11, %add3A_854 : vector<16xi32>
        tpu.vector_store_idx %arg6[%add3A_855], %get3A_852 : memref<2048xf32, #tpu.memory_space<vmem>>[vector<16xi32>], vector<16xf32>,
        %get3A_856 = arith.constant 13 : i32
        %get3A_857 = arith.index_cast %get3A_856 : i32 to index
        %get3A_858 = arith.constant 96 : index
        %get3A_859 = tpu.vector_load %arg4[%get3A_857, %get3A_858] {strides = array<i32>} : memref<16x128xf32, #tpu.memory_space<vmem>>, vector<16xf32>,
        %add3A_860 = arith.constant 1549 : i32
        %add3A_861 = vector.broadcast %add3A_860 : i32 to vector<16xi32>
        %add3A_862 = arith.addi %mul3A_11, %add3A_861 : vector<16xi32>
        tpu.vector_store_idx %arg6[%add3A_862], %get3A_859 : memref<2048xf32, #tpu.memory_space<vmem>>[vector<16xi32>], vector<16xf32>,
        %get3A_863 = arith.constant 13 : i32
        %get3A_864 = arith.index_cast %get3A_863 : i32 to index
        %get3A_865 = arith.constant 112 : index
        %get3A_866 = tpu.vector_load %arg4[%get3A_864, %get3A_865] {strides = array<i32>} : memref<16x128xf32, #tpu.memory_space<vmem>>, vector<16xf32>,
        %add3A_867 = arith.constant 1805 : i32
        %add3A_868 = vector.broadcast %add3A_867 : i32 to vector<16xi32>
        %add3A_869 = arith.addi %mul3A_11, %add3A_868 : vector<16xi32>
        tpu.vector_store_idx %arg6[%add3A_869], %get3A_866 : memref<2048xf32, #tpu.memory_space<vmem>>[vector<16xi32>], vector<16xf32>,
        %get3A_870 = arith.constant 14 : i32
        %get3A_871 = arith.index_cast %get3A_870 : i32 to index
        %get3A_872 = arith.constant 0 : index
        %get3A_873 = tpu.vector_load %arg4[%get3A_871, %get3A_872] {strides = array<i32>} : memref<16x128xf32, #tpu.memory_space<vmem>>, vector<16xf32>,
        %add3A_874 = arith.constant 14 : i32
        %add3A_875 = vector.broadcast %add3A_874 : i32 to vector<16xi32>
        %add3A_876 = arith.addi %mul3A_11, %add3A_875 : vector<16xi32>
        tpu.vector_store_idx %arg6[%add3A_876], %get3A_873 : memref<2048xf32, #tpu.memory_space<vmem>>[vector<16xi32>], vector<16xf32>,
        %get3A_877 = arith.constant 14 : i32
        %get3A_878 = arith.index_cast %get3A_877 : i32 to index
        %get3A_879 = arith.constant 16 : index
        %get3A_880 = tpu.vector_load %arg4[%get3A_878, %get3A_879] {strides = array<i32>} : memref<16x128xf32, #tpu.memory_space<vmem>>, vector<16xf32>,
        %add3A_881 = arith.constant 270 : i32
        %add3A_882 = vector.broadcast %add3A_881 : i32 to vector<16xi32>
        %add3A_883 = arith.addi %mul3A_11, %add3A_882 : vector<16xi32>
        tpu.vector_store_idx %arg6[%add3A_883], %get3A_880 : memref<2048xf32, #tpu.memory_space<vmem>>[vector<16xi32>], vector<16xf32>,
        %get3A_884 = arith.constant 14 : i32
        %get3A_885 = arith.index_cast %get3A_884 : i32 to index
        %get3A_886 = arith.constant 32 : index
        %get3A_887 = tpu.vector_load %arg4[%get3A_885, %get3A_886] {strides = array<i32>} : memref<16x128xf32, #tpu.memory_space<vmem>>, vector<16xf32>,
        %add3A_888 = arith.constant 526 : i32
        %add3A_889 = vector.broadcast %add3A_888 : i32 to vector<16xi32>
        %add3A_890 = arith.addi %mul3A_11, %add3A_889 : vector<16xi32>
        tpu.vector_store_idx %arg6[%add3A_890], %get3A_887 : memref<2048xf32, #tpu.memory_space<vmem>>[vector<16xi32>], vector<16xf32>,
        %get3A_891 = arith.constant 14 : i32
        %get3A_892 = arith.index_cast %get3A_891 : i32 to index
        %get3A_893 = arith.constant 48 : index
        %get3A_894 = tpu.vector_load %arg4[%get3A_892, %get3A_893] {strides = array<i32>} : memref<16x128xf32, #tpu.memory_space<vmem>>, vector<16xf32>,
        %add3A_895 = arith.constant 782 : i32
        %add3A_896 = vector.broadcast %add3A_895 : i32 to vector<16xi32>
        %add3A_897 = arith.addi %mul3A_11, %add3A_896 : vector<16xi32>
        tpu.vector_store_idx %arg6[%add3A_897], %get3A_894 : memref<2048xf32, #tpu.memory_space<vmem>>[vector<16xi32>], vector<16xf32>,
        %get3A_898 = arith.constant 14 : i32
        %get3A_899 = arith.index_cast %get3A_898 : i32 to index
        %get3A_900 = arith.constant 64 : index
        %get3A_901 = tpu.vector_load %arg4[%get3A_899, %get3A_900] {strides = array<i32>} : memref<16x128xf32, #tpu.memory_space<vmem>>, vector<16xf32>,
        %add3A_902 = arith.constant 1038 : i32
        %add3A_903 = vector.broadcast %add3A_902 : i32 to vector<16xi32>
        %add3A_904 = arith.addi %mul3A_11, %add3A_903 : vector<16xi32>
        tpu.vector_store_idx %arg6[%add3A_904], %get3A_901 : memref<2048xf32, #tpu.memory_space<vmem>>[vector<16xi32>], vector<16xf32>,
        %get3A_905 = arith.constant 14 : i32
        %get3A_906 = arith.index_cast %get3A_905 : i32 to index
        %get3A_907 = arith.constant 80 : index
        %get3A_908 = tpu.vector_load %arg4[%get3A_906, %get3A_907] {strides = array<i32>} : memref<16x128xf32, #tpu.memory_space<vmem>>, vector<16xf32>,
        %add3A_909 = arith.constant 1294 : i32
        %add3A_910 = vector.broadcast %add3A_909 : i32 to vector<16xi32>
        %add3A_911 = arith.addi %mul3A_11, %add3A_910 : vector<16xi32>
        tpu.vector_store_idx %arg6[%add3A_911], %get3A_908 : memref<2048xf32, #tpu.memory_space<vmem>>[vector<16xi32>], vector<16xf32>,
        %get3A_912 = arith.constant 14 : i32
        %get3A_913 = arith.index_cast %get3A_912 : i32 to index
        %get3A_914 = arith.constant 96 : index
        %get3A_915 = tpu.vector_load %arg4[%get3A_913, %get3A_914] {strides = array<i32>} : memref<16x128xf32, #tpu.memory_space<vmem>>, vector<16xf32>,
        %add3A_916 = arith.constant 1550 : i32
        %add3A_917 = vector.broadcast %add3A_916 : i32 to vector<16xi32>
        %add3A_918 = arith.addi %mul3A_11, %add3A_917 : vector<16xi32>
        tpu.vector_store_idx %arg6[%add3A_918], %get3A_915 : memref<2048xf32, #tpu.memory_space<vmem>>[vector<16xi32>], vector<16xf32>,
        %get3A_919 = arith.constant 14 : i32
        %get3A_920 = arith.index_cast %get3A_919 : i32 to index
        %get3A_921 = arith.constant 112 : index
        %get3A_922 = tpu.vector_load %arg4[%get3A_920, %get3A_921] {strides = array<i32>} : memref<16x128xf32, #tpu.memory_space<vmem>>, vector<16xf32>,
        %add3A_923 = arith.constant 1806 : i32
        %add3A_924 = vector.broadcast %add3A_923 : i32 to vector<16xi32>
        %add3A_925 = arith.addi %mul3A_11, %add3A_924 : vector<16xi32>
        tpu.vector_store_idx %arg6[%add3A_925], %get3A_922 : memref<2048xf32, #tpu.memory_space<vmem>>[vector<16xi32>], vector<16xf32>,
        %get3A_926 = arith.constant 15 : i32
        %get3A_927 = arith.index_cast %get3A_926 : i32 to index
        %get3A_928 = arith.constant 0 : index
        %get3A_929 = tpu.vector_load %arg4[%get3A_927, %get3A_928] {strides = array<i32>} : memref<16x128xf32, #tpu.memory_space<vmem>>, vector<16xf32>,
        %add3A_930 = arith.constant 15 : i32
        %add3A_931 = vector.broadcast %add3A_930 : i32 to vector<16xi32>
        %add3A_932 = arith.addi %mul3A_11, %add3A_931 : vector<16xi32>
        tpu.vector_store_idx %arg6[%add3A_932], %get3A_929 : memref<2048xf32, #tpu.memory_space<vmem>>[vector<16xi32>], vector<16xf32>,
        %get3A_933 = arith.constant 15 : i32
        %get3A_934 = arith.index_cast %get3A_933 : i32 to index
        %get3A_935 = arith.constant 16 : index
        %get3A_936 = tpu.vector_load %arg4[%get3A_934, %get3A_935] {strides = array<i32>} : memref<16x128xf32, #tpu.memory_space<vmem>>, vector<16xf32>,
        %add3A_937 = arith.constant 271 : i32
        %add3A_938 = vector.broadcast %add3A_937 : i32 to vector<16xi32>
        %add3A_939 = arith.addi %mul3A_11, %add3A_938 : vector<16xi32>
        tpu.vector_store_idx %arg6[%add3A_939], %get3A_936 : memref<2048xf32, #tpu.memory_space<vmem>>[vector<16xi32>], vector<16xf32>,
        %get3A_940 = arith.constant 15 : i32
        %get3A_941 = arith.index_cast %get3A_940 : i32 to index
        %get3A_942 = arith.constant 32 : index
        %get3A_943 = tpu.vector_load %arg4[%get3A_941, %get3A_942] {strides = array<i32>} : memref<16x128xf32, #tpu.memory_space<vmem>>, vector<16xf32>,
        %add3A_944 = arith.constant 527 : i32
        %add3A_945 = vector.broadcast %add3A_944 : i32 to vector<16xi32>
        %add3A_946 = arith.addi %mul3A_11, %add3A_945 : vector<16xi32>
        tpu.vector_store_idx %arg6[%add3A_946], %get3A_943 : memref<2048xf32, #tpu.memory_space<vmem>>[vector<16xi32>], vector<16xf32>,
        %get3A_947 = arith.constant 15 : i32
        %get3A_948 = arith.index_cast %get3A_947 : i32 to index
        %get3A_949 = arith.constant 48 : index
        %get3A_950 = tpu.vector_load %arg4[%get3A_948, %get3A_949] {strides = array<i32>} : memref<16x128xf32, #tpu.memory_space<vmem>>, vector<16xf32>,
        %add3A_951 = arith.constant 783 : i32
        %add3A_952 = vector.broadcast %add3A_951 : i32 to vector<16xi32>
        %add3A_953 = arith.addi %mul3A_11, %add3A_952 : vector<16xi32>
        tpu.vector_store_idx %arg6[%add3A_953], %get3A_950 : memref<2048xf32, #tpu.memory_space<vmem>>[vector<16xi32>], vector<16xf32>,
        %get3A_954 = arith.constant 15 : i32
        %get3A_955 = arith.index_cast %get3A_954 : i32 to index
        %get3A_956 = arith.constant 64 : index
        %get3A_957 = tpu.vector_load %arg4[%get3A_955, %get3A_956] {strides = array<i32>} : memref<16x128xf32, #tpu.memory_space<vmem>>, vector<16xf32>,
        %add3A_958 = arith.constant 1039 : i32
        %add3A_959 = vector.broadcast %add3A_958 : i32 to vector<16xi32>
        %add3A_960 = arith.addi %mul3A_11, %add3A_959 : vector<16xi32>
        tpu.vector_store_idx %arg6[%add3A_960], %get3A_957 : memref<2048xf32, #tpu.memory_space<vmem>>[vector<16xi32>], vector<16xf32>,
        %get3A_961 = arith.constant 15 : i32
        %get3A_962 = arith.index_cast %get3A_961 : i32 to index
        %get3A_963 = arith.constant 80 : index
        %get3A_964 = tpu.vector_load %arg4[%get3A_962, %get3A_963] {strides = array<i32>} : memref<16x128xf32, #tpu.memory_space<vmem>>, vector<16xf32>,
        %add3A_965 = arith.constant 1295 : i32
        %add3A_966 = vector.broadcast %add3A_965 : i32 to vector<16xi32>
        %add3A_967 = arith.addi %mul3A_11, %add3A_966 : vector<16xi32>
        tpu.vector_store_idx %arg6[%add3A_967], %get3A_964 : memref<2048xf32, #tpu.memory_space<vmem>>[vector<16xi32>], vector<16xf32>,
        %get3A_968 = arith.constant 15 : i32
        %get3A_969 = arith.index_cast %get3A_968 : i32 to index
        %get3A_970 = arith.constant 96 : index
        %get3A_971 = tpu.vector_load %arg4[%get3A_969, %get3A_970] {strides = array<i32>} : memref<16x128xf32, #tpu.memory_space<vmem>>, vector<16xf32>,
        %add3A_972 = arith.constant 1551 : i32
        %add3A_973 = vector.broadcast %add3A_972 : i32 to vector<16xi32>
        %add3A_974 = arith.addi %mul3A_11, %add3A_973 : vector<16xi32>
        tpu.vector_store_idx %arg6[%add3A_974], %get3A_971 : memref<2048xf32, #tpu.memory_space<vmem>>[vector<16xi32>], vector<16xf32>,
        %get3A_975 = arith.constant 15 : i32
        %get3A_976 = arith.index_cast %get3A_975 : i32 to index
        %get3A_977 = arith.constant 112 : index
        %get3A_978 = tpu.vector_load %arg4[%get3A_976, %get3A_977] {strides = array<i32>} : memref<16x128xf32, #tpu.memory_space<vmem>>, vector<16xf32>,
        %add3A_979 = arith.constant 1807 : i32
        %add3A_980 = vector.broadcast %add3A_979 : i32 to vector<16xi32>
        %add3A_981 = arith.addi %mul3A_11, %add3A_980 : vector<16xi32>
        tpu.vector_store_idx %arg6[%add3A_981], %get3A_978 : memref<2048xf32, #tpu.memory_space<vmem>>[vector<16xi32>], vector<16xf32>,
        %add3A_982 = arith.addi %add3A_4, %while3A_65 : i32
        %mul3A_983 = arith.constant 2048 : i32
        %mul3A_984 = arith.muli %add3A_982, %mul3A_983 : i32
        %dma_start3A_985 = tpu.memref_slice %arg3[%mul3A_984] : memref<32000000xf32, #tpu.memory_space<hbm>> -> memref<2048xf32, #tpu.memory_space<hbm>>
        %dma_start3A_986 = tpu.memref_slice %arg3[%mul3A_984] : memref<32000000xf32, #tpu.memory_space<hbm>> -> memref<2048xf32, #tpu.memory_space<hbm>>
        tpu.enqueue_dma source(%arg6 : memref<2048xf32, #tpu.memory_space<vmem>>) target(%dma_start3A_986 : memref<2048xf32, #tpu.memory_space<hbm>>) target_semaphore(%arg10 : memref<!tpu.dma_semaphore, #tpu.memory_space<semaphore_mem>>)
        %add3A_987 = arith.constant 2 : i32
        %add3A_988 = arith.addi %while3A_65, %add3A_987 : i32
        %lt3A_989 = arith.cmpi slt, %add3A_988, %add3A_8 : i32
        %convert_element_type3A_990 = arith.extui %lt3A_989 : i1 to i32
        %cond3A_991 = arith.constant 0 : i32
        %cond3A_992 = arith.cmpi ne, %convert_element_type3A_990, %cond3A_991 : i32
        scf.if %cond3A_992 {
          %add3A_993 = arith.constant 2 : i32
          %add3A_994 = arith.addi %while3A_65, %add3A_993 : i32
          %add3A_995 = arith.constant 9375 : i32
          %add3A_996 = arith.addi %add3A_995, %add3A_4 : i32
          %add3A_997 = arith.addi %add3A_996, %add3A_994 : i32
          %mul3A_998 = arith.constant 128 : i32
          %mul3A_999 = arith.muli %add3A_997, %mul3A_998 : i32
          %dma_start3A_1000 = arith.constant 0 : i32
          %dma_start3A_1001 = tpu.memref_slice %arg2[%dma_start3A_1000, %mul3A_999] : memref<16x3200000xf32, #tpu.memory_space<hbm>> -> memref<16x128xf32, #tpu.memory_space<hbm>>
          %dma_start3A_1002 = arith.constant 0 : i32
          %dma_start3A_1003 = tpu.memref_slice %arg2[%dma_start3A_1002, %mul3A_999] : memref<16x3200000xf32, #tpu.memory_space<hbm>> -> memref<16x128xf32, #tpu.memory_space<hbm>>
          tpu.enqueue_dma source(%dma_start3A_1003 : memref<16x128xf32, #tpu.memory_space<hbm>>) target(%arg4 : memref<16x128xf32, #tpu.memory_space<vmem>>) target_semaphore(%arg8 : memref<!tpu.dma_semaphore, #tpu.memory_space<semaphore_mem>>)
        } else {
        }
      } else {
      }
      %eq3A_73 = arith.constant 1 : i32
      %eq3A_74 = arith.cmpi eq, %rem3A_67, %eq3A_73 : i32
      %convert_element_type3A_75 = arith.extui %eq3A_74 : i1 to i32
      %cond3A_76 = arith.constant 0 : i32
      %cond3A_77 = arith.cmpi ne, %convert_element_type3A_75, %cond3A_76 : i32
      scf.if %cond3A_77 {
        %dma_wait3A = arith.constant 0 : i32
        %dma_wait3A_78 = arith.constant 0 : i32
        %dma_wait3A_79 = tpu.memref_slice %arg2[%dma_wait3A, %dma_wait3A_78] : memref<16x3200000xf32, #tpu.memory_space<hbm>> -> memref<16x128xf32, #tpu.memory_space<hbm>>
        %dma_wait3A_80 = arith.constant 0 : i32
        %dma_wait3A_81 = arith.constant 0 : i32
        %dma_wait3A_82 = tpu.memref_slice %arg2[%dma_wait3A_80, %dma_wait3A_81] : memref<16x3200000xf32, #tpu.memory_space<hbm>> -> memref<16x128xf32, #tpu.memory_space<hbm>>
        tpu.wait_dma2 semaphore(%arg9 : memref<!tpu.dma_semaphore, #tpu.memory_space<semaphore_mem>>) src(%dma_wait3A_82 : memref<16x128xf32, #tpu.memory_space<hbm>>) dst(%arg5 : memref<16x128xf32, #tpu.memory_space<vmem>>)
        %ge3A = arith.constant 2 : i32
        %ge3A_83 = arith.cmpi sge, %while3A_65, %ge3A : i32
        %convert_element_type3A_84 = arith.extui %ge3A_83 : i1 to i32
        %cond3A_85 = arith.constant 0 : i32
        %cond3A_86 = arith.cmpi ne, %convert_element_type3A_84, %cond3A_85 : i32
        scf.if %cond3A_86 {
          %dma_wait3A_993 = arith.constant 0 : i32
          %dma_wait3A_994 = tpu.memref_slice %arg3[%dma_wait3A_993] : memref<32000000xf32, #tpu.memory_space<hbm>> -> memref<2048xf32, #tpu.memory_space<hbm>>
          %dma_wait3A_995 = arith.constant 0 : i32
          %dma_wait3A_996 = tpu.memref_slice %arg3[%dma_wait3A_995] : memref<32000000xf32, #tpu.memory_space<hbm>> -> memref<2048xf32, #tpu.memory_space<hbm>>
          tpu.wait_dma2 semaphore(%arg11 : memref<!tpu.dma_semaphore, #tpu.memory_space<semaphore_mem>>) src(%arg7 : memref<2048xf32, #tpu.memory_space<vmem>>) dst(%dma_wait3A_996 : memref<2048xf32, #tpu.memory_space<hbm>>)
        } else {
        }
        %get3A = arith.constant 0 : i32
        %get3A_87 = arith.index_cast %get3A : i32 to index
        %get3A_88 = arith.constant 0 : index
        %get3A_89 = tpu.vector_load %arg5[%get3A_87, %get3A_88] {strides = array<i32>} : memref<16x128xf32, #tpu.memory_space<vmem>>, vector<16xf32>,
        %add3A_90 = arith.constant 0 : i32
        %add3A_91 = vector.broadcast %add3A_90 : i32 to vector<16xi32>
        %add3A_92 = arith.addi %mul3A_11, %add3A_91 : vector<16xi32>
        tpu.vector_store_idx %arg7[%add3A_92], %get3A_89 : memref<2048xf32, #tpu.memory_space<vmem>>[vector<16xi32>], vector<16xf32>,
        %get3A_93 = arith.constant 0 : i32
        %get3A_94 = arith.index_cast %get3A_93 : i32 to index
        %get3A_95 = arith.constant 16 : index
        %get3A_96 = tpu.vector_load %arg5[%get3A_94, %get3A_95] {strides = array<i32>} : memref<16x128xf32, #tpu.memory_space<vmem>>, vector<16xf32>,
        %add3A_97 = arith.constant 256 : i32
        %add3A_98 = vector.broadcast %add3A_97 : i32 to vector<16xi32>
        %add3A_99 = arith.addi %mul3A_11, %add3A_98 : vector<16xi32>
        tpu.vector_store_idx %arg7[%add3A_99], %get3A_96 : memref<2048xf32, #tpu.memory_space<vmem>>[vector<16xi32>], vector<16xf32>,
        %get3A_100 = arith.constant 0 : i32
        %get3A_101 = arith.index_cast %get3A_100 : i32 to index
        %get3A_102 = arith.constant 32 : index
        %get3A_103 = tpu.vector_load %arg5[%get3A_101, %get3A_102] {strides = array<i32>} : memref<16x128xf32, #tpu.memory_space<vmem>>, vector<16xf32>,
        %add3A_104 = arith.constant 512 : i32
        %add3A_105 = vector.broadcast %add3A_104 : i32 to vector<16xi32>
        %add3A_106 = arith.addi %mul3A_11, %add3A_105 : vector<16xi32>
        tpu.vector_store_idx %arg7[%add3A_106], %get3A_103 : memref<2048xf32, #tpu.memory_space<vmem>>[vector<16xi32>], vector<16xf32>,
        %get3A_107 = arith.constant 0 : i32
        %get3A_108 = arith.index_cast %get3A_107 : i32 to index
        %get3A_109 = arith.constant 48 : index
        %get3A_110 = tpu.vector_load %arg5[%get3A_108, %get3A_109] {strides = array<i32>} : memref<16x128xf32, #tpu.memory_space<vmem>>, vector<16xf32>,
        %add3A_111 = arith.constant 768 : i32
        %add3A_112 = vector.broadcast %add3A_111 : i32 to vector<16xi32>
        %add3A_113 = arith.addi %mul3A_11, %add3A_112 : vector<16xi32>
        tpu.vector_store_idx %arg7[%add3A_113], %get3A_110 : memref<2048xf32, #tpu.memory_space<vmem>>[vector<16xi32>], vector<16xf32>,
        %get3A_114 = arith.constant 0 : i32
        %get3A_115 = arith.index_cast %get3A_114 : i32 to index
        %get3A_116 = arith.constant 64 : index
        %get3A_117 = tpu.vector_load %arg5[%get3A_115, %get3A_116] {strides = array<i32>} : memref<16x128xf32, #tpu.memory_space<vmem>>, vector<16xf32>,
        %add3A_118 = arith.constant 1024 : i32
        %add3A_119 = vector.broadcast %add3A_118 : i32 to vector<16xi32>
        %add3A_120 = arith.addi %mul3A_11, %add3A_119 : vector<16xi32>
        tpu.vector_store_idx %arg7[%add3A_120], %get3A_117 : memref<2048xf32, #tpu.memory_space<vmem>>[vector<16xi32>], vector<16xf32>,
        %get3A_121 = arith.constant 0 : i32
        %get3A_122 = arith.index_cast %get3A_121 : i32 to index
        %get3A_123 = arith.constant 80 : index
        %get3A_124 = tpu.vector_load %arg5[%get3A_122, %get3A_123] {strides = array<i32>} : memref<16x128xf32, #tpu.memory_space<vmem>>, vector<16xf32>,
        %add3A_125 = arith.constant 1280 : i32
        %add3A_126 = vector.broadcast %add3A_125 : i32 to vector<16xi32>
        %add3A_127 = arith.addi %mul3A_11, %add3A_126 : vector<16xi32>
        tpu.vector_store_idx %arg7[%add3A_127], %get3A_124 : memref<2048xf32, #tpu.memory_space<vmem>>[vector<16xi32>], vector<16xf32>,
        %get3A_128 = arith.constant 0 : i32
        %get3A_129 = arith.index_cast %get3A_128 : i32 to index
        %get3A_130 = arith.constant 96 : index
        %get3A_131 = tpu.vector_load %arg5[%get3A_129, %get3A_130] {strides = array<i32>} : memref<16x128xf32, #tpu.memory_space<vmem>>, vector<16xf32>,
        %add3A_132 = arith.constant 1536 : i32
        %add3A_133 = vector.broadcast %add3A_132 : i32 to vector<16xi32>
        %add3A_134 = arith.addi %mul3A_11, %add3A_133 : vector<16xi32>
        tpu.vector_store_idx %arg7[%add3A_134], %get3A_131 : memref<2048xf32, #tpu.memory_space<vmem>>[vector<16xi32>], vector<16xf32>,
        %get3A_135 = arith.constant 0 : i32
        %get3A_136 = arith.index_cast %get3A_135 : i32 to index
        %get3A_137 = arith.constant 112 : index
        %get3A_138 = tpu.vector_load %arg5[%get3A_136, %get3A_137] {strides = array<i32>} : memref<16x128xf32, #tpu.memory_space<vmem>>, vector<16xf32>,
        %add3A_139 = arith.constant 1792 : i32
        %add3A_140 = vector.broadcast %add3A_139 : i32 to vector<16xi32>
        %add3A_141 = arith.addi %mul3A_11, %add3A_140 : vector<16xi32>
        tpu.vector_store_idx %arg7[%add3A_141], %get3A_138 : memref<2048xf32, #tpu.memory_space<vmem>>[vector<16xi32>], vector<16xf32>,
        %get3A_142 = arith.constant 1 : i32
        %get3A_143 = arith.index_cast %get3A_142 : i32 to index
        %get3A_144 = arith.constant 0 : index
        %get3A_145 = tpu.vector_load %arg5[%get3A_143, %get3A_144] {strides = array<i32>} : memref<16x128xf32, #tpu.memory_space<vmem>>, vector<16xf32>,
        %add3A_146 = arith.constant 1 : i32
        %add3A_147 = vector.broadcast %add3A_146 : i32 to vector<16xi32>
        %add3A_148 = arith.addi %mul3A_11, %add3A_147 : vector<16xi32>
        tpu.vector_store_idx %arg7[%add3A_148], %get3A_145 : memref<2048xf32, #tpu.memory_space<vmem>>[vector<16xi32>], vector<16xf32>,
        %get3A_149 = arith.constant 1 : i32
        %get3A_150 = arith.index_cast %get3A_149 : i32 to index
        %get3A_151 = arith.constant 16 : index
        %get3A_152 = tpu.vector_load %arg5[%get3A_150, %get3A_151] {strides = array<i32>} : memref<16x128xf32, #tpu.memory_space<vmem>>, vector<16xf32>,
        %add3A_153 = arith.constant 257 : i32
        %add3A_154 = vector.broadcast %add3A_153 : i32 to vector<16xi32>
        %add3A_155 = arith.addi %mul3A_11, %add3A_154 : vector<16xi32>
        tpu.vector_store_idx %arg7[%add3A_155], %get3A_152 : memref<2048xf32, #tpu.memory_space<vmem>>[vector<16xi32>], vector<16xf32>,
        %get3A_156 = arith.constant 1 : i32
        %get3A_157 = arith.index_cast %get3A_156 : i32 to index
        %get3A_158 = arith.constant 32 : index
        %get3A_159 = tpu.vector_load %arg5[%get3A_157, %get3A_158] {strides = array<i32>} : memref<16x128xf32, #tpu.memory_space<vmem>>, vector<16xf32>,
        %add3A_160 = arith.constant 513 : i32
        %add3A_161 = vector.broadcast %add3A_160 : i32 to vector<16xi32>
        %add3A_162 = arith.addi %mul3A_11, %add3A_161 : vector<16xi32>
        tpu.vector_store_idx %arg7[%add3A_162], %get3A_159 : memref<2048xf32, #tpu.memory_space<vmem>>[vector<16xi32>], vector<16xf32>,
        %get3A_163 = arith.constant 1 : i32
        %get3A_164 = arith.index_cast %get3A_163 : i32 to index
        %get3A_165 = arith.constant 48 : index
        %get3A_166 = tpu.vector_load %arg5[%get3A_164, %get3A_165] {strides = array<i32>} : memref<16x128xf32, #tpu.memory_space<vmem>>, vector<16xf32>,
        %add3A_167 = arith.constant 769 : i32
        %add3A_168 = vector.broadcast %add3A_167 : i32 to vector<16xi32>
        %add3A_169 = arith.addi %mul3A_11, %add3A_168 : vector<16xi32>
        tpu.vector_store_idx %arg7[%add3A_169], %get3A_166 : memref<2048xf32, #tpu.memory_space<vmem>>[vector<16xi32>], vector<16xf32>,
        %get3A_170 = arith.constant 1 : i32
        %get3A_171 = arith.index_cast %get3A_170 : i32 to index
        %get3A_172 = arith.constant 64 : index
        %get3A_173 = tpu.vector_load %arg5[%get3A_171, %get3A_172] {strides = array<i32>} : memref<16x128xf32, #tpu.memory_space<vmem>>, vector<16xf32>,
        %add3A_174 = arith.constant 1025 : i32
        %add3A_175 = vector.broadcast %add3A_174 : i32 to vector<16xi32>
        %add3A_176 = arith.addi %mul3A_11, %add3A_175 : vector<16xi32>
        tpu.vector_store_idx %arg7[%add3A_176], %get3A_173 : memref<2048xf32, #tpu.memory_space<vmem>>[vector<16xi32>], vector<16xf32>,
        %get3A_177 = arith.constant 1 : i32
        %get3A_178 = arith.index_cast %get3A_177 : i32 to index
        %get3A_179 = arith.constant 80 : index
        %get3A_180 = tpu.vector_load %arg5[%get3A_178, %get3A_179] {strides = array<i32>} : memref<16x128xf32, #tpu.memory_space<vmem>>, vector<16xf32>,
        %add3A_181 = arith.constant 1281 : i32
        %add3A_182 = vector.broadcast %add3A_181 : i32 to vector<16xi32>
        %add3A_183 = arith.addi %mul3A_11, %add3A_182 : vector<16xi32>
        tpu.vector_store_idx %arg7[%add3A_183], %get3A_180 : memref<2048xf32, #tpu.memory_space<vmem>>[vector<16xi32>], vector<16xf32>,
        %get3A_184 = arith.constant 1 : i32
        %get3A_185 = arith.index_cast %get3A_184 : i32 to index
        %get3A_186 = arith.constant 96 : index
        %get3A_187 = tpu.vector_load %arg5[%get3A_185, %get3A_186] {strides = array<i32>} : memref<16x128xf32, #tpu.memory_space<vmem>>, vector<16xf32>,
        %add3A_188 = arith.constant 1537 : i32
        %add3A_189 = vector.broadcast %add3A_188 : i32 to vector<16xi32>
        %add3A_190 = arith.addi %mul3A_11, %add3A_189 : vector<16xi32>
        tpu.vector_store_idx %arg7[%add3A_190], %get3A_187 : memref<2048xf32, #tpu.memory_space<vmem>>[vector<16xi32>], vector<16xf32>,
        %get3A_191 = arith.constant 1 : i32
        %get3A_192 = arith.index_cast %get3A_191 : i32 to index
        %get3A_193 = arith.constant 112 : index
        %get3A_194 = tpu.vector_load %arg5[%get3A_192, %get3A_193] {strides = array<i32>} : memref<16x128xf32, #tpu.memory_space<vmem>>, vector<16xf32>,
        %add3A_195 = arith.constant 1793 : i32
        %add3A_196 = vector.broadcast %add3A_195 : i32 to vector<16xi32>
        %add3A_197 = arith.addi %mul3A_11, %add3A_196 : vector<16xi32>
        tpu.vector_store_idx %arg7[%add3A_197], %get3A_194 : memref<2048xf32, #tpu.memory_space<vmem>>[vector<16xi32>], vector<16xf32>,
        %get3A_198 = arith.constant 2 : i32
        %get3A_199 = arith.index_cast %get3A_198 : i32 to index
        %get3A_200 = arith.constant 0 : index
        %get3A_201 = tpu.vector_load %arg5[%get3A_199, %get3A_200] {strides = array<i32>} : memref<16x128xf32, #tpu.memory_space<vmem>>, vector<16xf32>,
        %add3A_202 = arith.constant 2 : i32
        %add3A_203 = vector.broadcast %add3A_202 : i32 to vector<16xi32>
        %add3A_204 = arith.addi %mul3A_11, %add3A_203 : vector<16xi32>
        tpu.vector_store_idx %arg7[%add3A_204], %get3A_201 : memref<2048xf32, #tpu.memory_space<vmem>>[vector<16xi32>], vector<16xf32>,
        %get3A_205 = arith.constant 2 : i32
        %get3A_206 = arith.index_cast %get3A_205 : i32 to index
        %get3A_207 = arith.constant 16 : index
        %get3A_208 = tpu.vector_load %arg5[%get3A_206, %get3A_207] {strides = array<i32>} : memref<16x128xf32, #tpu.memory_space<vmem>>, vector<16xf32>,
        %add3A_209 = arith.constant 258 : i32
        %add3A_210 = vector.broadcast %add3A_209 : i32 to vector<16xi32>
        %add3A_211 = arith.addi %mul3A_11, %add3A_210 : vector<16xi32>
        tpu.vector_store_idx %arg7[%add3A_211], %get3A_208 : memref<2048xf32, #tpu.memory_space<vmem>>[vector<16xi32>], vector<16xf32>,
        %get3A_212 = arith.constant 2 : i32
        %get3A_213 = arith.index_cast %get3A_212 : i32 to index
        %get3A_214 = arith.constant 32 : index
        %get3A_215 = tpu.vector_load %arg5[%get3A_213, %get3A_214] {strides = array<i32>} : memref<16x128xf32, #tpu.memory_space<vmem>>, vector<16xf32>,
        %add3A_216 = arith.constant 514 : i32
        %add3A_217 = vector.broadcast %add3A_216 : i32 to vector<16xi32>
        %add3A_218 = arith.addi %mul3A_11, %add3A_217 : vector<16xi32>
        tpu.vector_store_idx %arg7[%add3A_218], %get3A_215 : memref<2048xf32, #tpu.memory_space<vmem>>[vector<16xi32>], vector<16xf32>,
        %get3A_219 = arith.constant 2 : i32
        %get3A_220 = arith.index_cast %get3A_219 : i32 to index
        %get3A_221 = arith.constant 48 : index
        %get3A_222 = tpu.vector_load %arg5[%get3A_220, %get3A_221] {strides = array<i32>} : memref<16x128xf32, #tpu.memory_space<vmem>>, vector<16xf32>,
        %add3A_223 = arith.constant 770 : i32
        %add3A_224 = vector.broadcast %add3A_223 : i32 to vector<16xi32>
        %add3A_225 = arith.addi %mul3A_11, %add3A_224 : vector<16xi32>
        tpu.vector_store_idx %arg7[%add3A_225], %get3A_222 : memref<2048xf32, #tpu.memory_space<vmem>>[vector<16xi32>], vector<16xf32>,
        %get3A_226 = arith.constant 2 : i32
        %get3A_227 = arith.index_cast %get3A_226 : i32 to index
        %get3A_228 = arith.constant 64 : index
        %get3A_229 = tpu.vector_load %arg5[%get3A_227, %get3A_228] {strides = array<i32>} : memref<16x128xf32, #tpu.memory_space<vmem>>, vector<16xf32>,
        %add3A_230 = arith.constant 1026 : i32
        %add3A_231 = vector.broadcast %add3A_230 : i32 to vector<16xi32>
        %add3A_232 = arith.addi %mul3A_11, %add3A_231 : vector<16xi32>
        tpu.vector_store_idx %arg7[%add3A_232], %get3A_229 : memref<2048xf32, #tpu.memory_space<vmem>>[vector<16xi32>], vector<16xf32>,
        %get3A_233 = arith.constant 2 : i32
        %get3A_234 = arith.index_cast %get3A_233 : i32 to index
        %get3A_235 = arith.constant 80 : index
        %get3A_236 = tpu.vector_load %arg5[%get3A_234, %get3A_235] {strides = array<i32>} : memref<16x128xf32, #tpu.memory_space<vmem>>, vector<16xf32>,
        %add3A_237 = arith.constant 1282 : i32
        %add3A_238 = vector.broadcast %add3A_237 : i32 to vector<16xi32>
        %add3A_239 = arith.addi %mul3A_11, %add3A_238 : vector<16xi32>
        tpu.vector_store_idx %arg7[%add3A_239], %get3A_236 : memref<2048xf32, #tpu.memory_space<vmem>>[vector<16xi32>], vector<16xf32>,
        %get3A_240 = arith.constant 2 : i32
        %get3A_241 = arith.index_cast %get3A_240 : i32 to index
        %get3A_242 = arith.constant 96 : index
        %get3A_243 = tpu.vector_load %arg5[%get3A_241, %get3A_242] {strides = array<i32>} : memref<16x128xf32, #tpu.memory_space<vmem>>, vector<16xf32>,
        %add3A_244 = arith.constant 1538 : i32
        %add3A_245 = vector.broadcast %add3A_244 : i32 to vector<16xi32>
        %add3A_246 = arith.addi %mul3A_11, %add3A_245 : vector<16xi32>
        tpu.vector_store_idx %arg7[%add3A_246], %get3A_243 : memref<2048xf32, #tpu.memory_space<vmem>>[vector<16xi32>], vector<16xf32>,
        %get3A_247 = arith.constant 2 : i32
        %get3A_248 = arith.index_cast %get3A_247 : i32 to index
        %get3A_249 = arith.constant 112 : index
        %get3A_250 = tpu.vector_load %arg5[%get3A_248, %get3A_249] {strides = array<i32>} : memref<16x128xf32, #tpu.memory_space<vmem>>, vector<16xf32>,
        %add3A_251 = arith.constant 1794 : i32
        %add3A_252 = vector.broadcast %add3A_251 : i32 to vector<16xi32>
        %add3A_253 = arith.addi %mul3A_11, %add3A_252 : vector<16xi32>
        tpu.vector_store_idx %arg7[%add3A_253], %get3A_250 : memref<2048xf32, #tpu.memory_space<vmem>>[vector<16xi32>], vector<16xf32>,
        %get3A_254 = arith.constant 3 : i32
        %get3A_255 = arith.index_cast %get3A_254 : i32 to index
        %get3A_256 = arith.constant 0 : index
        %get3A_257 = tpu.vector_load %arg5[%get3A_255, %get3A_256] {strides = array<i32>} : memref<16x128xf32, #tpu.memory_space<vmem>>, vector<16xf32>,
        %add3A_258 = arith.constant 3 : i32
        %add3A_259 = vector.broadcast %add3A_258 : i32 to vector<16xi32>
        %add3A_260 = arith.addi %mul3A_11, %add3A_259 : vector<16xi32>
        tpu.vector_store_idx %arg7[%add3A_260], %get3A_257 : memref<2048xf32, #tpu.memory_space<vmem>>[vector<16xi32>], vector<16xf32>,
        %get3A_261 = arith.constant 3 : i32
        %get3A_262 = arith.index_cast %get3A_261 : i32 to index
        %get3A_263 = arith.constant 16 : index
        %get3A_264 = tpu.vector_load %arg5[%get3A_262, %get3A_263] {strides = array<i32>} : memref<16x128xf32, #tpu.memory_space<vmem>>, vector<16xf32>,
        %add3A_265 = arith.constant 259 : i32
        %add3A_266 = vector.broadcast %add3A_265 : i32 to vector<16xi32>
        %add3A_267 = arith.addi %mul3A_11, %add3A_266 : vector<16xi32>
        tpu.vector_store_idx %arg7[%add3A_267], %get3A_264 : memref<2048xf32, #tpu.memory_space<vmem>>[vector<16xi32>], vector<16xf32>,
        %get3A_268 = arith.constant 3 : i32
        %get3A_269 = arith.index_cast %get3A_268 : i32 to index
        %get3A_270 = arith.constant 32 : index
        %get3A_271 = tpu.vector_load %arg5[%get3A_269, %get3A_270] {strides = array<i32>} : memref<16x128xf32, #tpu.memory_space<vmem>>, vector<16xf32>,
        %add3A_272 = arith.constant 515 : i32
        %add3A_273 = vector.broadcast %add3A_272 : i32 to vector<16xi32>
        %add3A_274 = arith.addi %mul3A_11, %add3A_273 : vector<16xi32>
        tpu.vector_store_idx %arg7[%add3A_274], %get3A_271 : memref<2048xf32, #tpu.memory_space<vmem>>[vector<16xi32>], vector<16xf32>,
        %get3A_275 = arith.constant 3 : i32
        %get3A_276 = arith.index_cast %get3A_275 : i32 to index
        %get3A_277 = arith.constant 48 : index
        %get3A_278 = tpu.vector_load %arg5[%get3A_276, %get3A_277] {strides = array<i32>} : memref<16x128xf32, #tpu.memory_space<vmem>>, vector<16xf32>,
        %add3A_279 = arith.constant 771 : i32
        %add3A_280 = vector.broadcast %add3A_279 : i32 to vector<16xi32>
        %add3A_281 = arith.addi %mul3A_11, %add3A_280 : vector<16xi32>
        tpu.vector_store_idx %arg7[%add3A_281], %get3A_278 : memref<2048xf32, #tpu.memory_space<vmem>>[vector<16xi32>], vector<16xf32>,
        %get3A_282 = arith.constant 3 : i32
        %get3A_283 = arith.index_cast %get3A_282 : i32 to index
        %get3A_284 = arith.constant 64 : index
        %get3A_285 = tpu.vector_load %arg5[%get3A_283, %get3A_284] {strides = array<i32>} : memref<16x128xf32, #tpu.memory_space<vmem>>, vector<16xf32>,
        %add3A_286 = arith.constant 1027 : i32
        %add3A_287 = vector.broadcast %add3A_286 : i32 to vector<16xi32>
        %add3A_288 = arith.addi %mul3A_11, %add3A_287 : vector<16xi32>
        tpu.vector_store_idx %arg7[%add3A_288], %get3A_285 : memref<2048xf32, #tpu.memory_space<vmem>>[vector<16xi32>], vector<16xf32>,
        %get3A_289 = arith.constant 3 : i32
        %get3A_290 = arith.index_cast %get3A_289 : i32 to index
        %get3A_291 = arith.constant 80 : index
        %get3A_292 = tpu.vector_load %arg5[%get3A_290, %get3A_291] {strides = array<i32>} : memref<16x128xf32, #tpu.memory_space<vmem>>, vector<16xf32>,
        %add3A_293 = arith.constant 1283 : i32
        %add3A_294 = vector.broadcast %add3A_293 : i32 to vector<16xi32>
        %add3A_295 = arith.addi %mul3A_11, %add3A_294 : vector<16xi32>
        tpu.vector_store_idx %arg7[%add3A_295], %get3A_292 : memref<2048xf32, #tpu.memory_space<vmem>>[vector<16xi32>], vector<16xf32>,
        %get3A_296 = arith.constant 3 : i32
        %get3A_297 = arith.index_cast %get3A_296 : i32 to index
        %get3A_298 = arith.constant 96 : index
        %get3A_299 = tpu.vector_load %arg5[%get3A_297, %get3A_298] {strides = array<i32>} : memref<16x128xf32, #tpu.memory_space<vmem>>, vector<16xf32>,
        %add3A_300 = arith.constant 1539 : i32
        %add3A_301 = vector.broadcast %add3A_300 : i32 to vector<16xi32>
        %add3A_302 = arith.addi %mul3A_11, %add3A_301 : vector<16xi32>
        tpu.vector_store_idx %arg7[%add3A_302], %get3A_299 : memref<2048xf32, #tpu.memory_space<vmem>>[vector<16xi32>], vector<16xf32>,
        %get3A_303 = arith.constant 3 : i32
        %get3A_304 = arith.index_cast %get3A_303 : i32 to index
        %get3A_305 = arith.constant 112 : index
        %get3A_306 = tpu.vector_load %arg5[%get3A_304, %get3A_305] {strides = array<i32>} : memref<16x128xf32, #tpu.memory_space<vmem>>, vector<16xf32>,
        %add3A_307 = arith.constant 1795 : i32
        %add3A_308 = vector.broadcast %add3A_307 : i32 to vector<16xi32>
        %add3A_309 = arith.addi %mul3A_11, %add3A_308 : vector<16xi32>
        tpu.vector_store_idx %arg7[%add3A_309], %get3A_306 : memref<2048xf32, #tpu.memory_space<vmem>>[vector<16xi32>], vector<16xf32>,
        %get3A_310 = arith.constant 4 : i32
        %get3A_311 = arith.index_cast %get3A_310 : i32 to index
        %get3A_312 = arith.constant 0 : index
        %get3A_313 = tpu.vector_load %arg5[%get3A_311, %get3A_312] {strides = array<i32>} : memref<16x128xf32, #tpu.memory_space<vmem>>, vector<16xf32>,
        %add3A_314 = arith.constant 4 : i32
        %add3A_315 = vector.broadcast %add3A_314 : i32 to vector<16xi32>
        %add3A_316 = arith.addi %mul3A_11, %add3A_315 : vector<16xi32>
        tpu.vector_store_idx %arg7[%add3A_316], %get3A_313 : memref<2048xf32, #tpu.memory_space<vmem>>[vector<16xi32>], vector<16xf32>,
        %get3A_317 = arith.constant 4 : i32
        %get3A_318 = arith.index_cast %get3A_317 : i32 to index
        %get3A_319 = arith.constant 16 : index
        %get3A_320 = tpu.vector_load %arg5[%get3A_318, %get3A_319] {strides = array<i32>} : memref<16x128xf32, #tpu.memory_space<vmem>>, vector<16xf32>,
        %add3A_321 = arith.constant 260 : i32
        %add3A_322 = vector.broadcast %add3A_321 : i32 to vector<16xi32>
        %add3A_323 = arith.addi %mul3A_11, %add3A_322 : vector<16xi32>
        tpu.vector_store_idx %arg7[%add3A_323], %get3A_320 : memref<2048xf32, #tpu.memory_space<vmem>>[vector<16xi32>], vector<16xf32>,
        %get3A_324 = arith.constant 4 : i32
        %get3A_325 = arith.index_cast %get3A_324 : i32 to index
        %get3A_326 = arith.constant 32 : index
        %get3A_327 = tpu.vector_load %arg5[%get3A_325, %get3A_326] {strides = array<i32>} : memref<16x128xf32, #tpu.memory_space<vmem>>, vector<16xf32>,
        %add3A_328 = arith.constant 516 : i32
        %add3A_329 = vector.broadcast %add3A_328 : i32 to vector<16xi32>
        %add3A_330 = arith.addi %mul3A_11, %add3A_329 : vector<16xi32>
        tpu.vector_store_idx %arg7[%add3A_330], %get3A_327 : memref<2048xf32, #tpu.memory_space<vmem>>[vector<16xi32>], vector<16xf32>,
        %get3A_331 = arith.constant 4 : i32
        %get3A_332 = arith.index_cast %get3A_331 : i32 to index
        %get3A_333 = arith.constant 48 : index
        %get3A_334 = tpu.vector_load %arg5[%get3A_332, %get3A_333] {strides = array<i32>} : memref<16x128xf32, #tpu.memory_space<vmem>>, vector<16xf32>,
        %add3A_335 = arith.constant 772 : i32
        %add3A_336 = vector.broadcast %add3A_335 : i32 to vector<16xi32>
        %add3A_337 = arith.addi %mul3A_11, %add3A_336 : vector<16xi32>
        tpu.vector_store_idx %arg7[%add3A_337], %get3A_334 : memref<2048xf32, #tpu.memory_space<vmem>>[vector<16xi32>], vector<16xf32>,
        %get3A_338 = arith.constant 4 : i32
        %get3A_339 = arith.index_cast %get3A_338 : i32 to index
        %get3A_340 = arith.constant 64 : index
        %get3A_341 = tpu.vector_load %arg5[%get3A_339, %get3A_340] {strides = array<i32>} : memref<16x128xf32, #tpu.memory_space<vmem>>, vector<16xf32>,
        %add3A_342 = arith.constant 1028 : i32
        %add3A_343 = vector.broadcast %add3A_342 : i32 to vector<16xi32>
        %add3A_344 = arith.addi %mul3A_11, %add3A_343 : vector<16xi32>
        tpu.vector_store_idx %arg7[%add3A_344], %get3A_341 : memref<2048xf32, #tpu.memory_space<vmem>>[vector<16xi32>], vector<16xf32>,
        %get3A_345 = arith.constant 4 : i32
        %get3A_346 = arith.index_cast %get3A_345 : i32 to index
        %get3A_347 = arith.constant 80 : index
        %get3A_348 = tpu.vector_load %arg5[%get3A_346, %get3A_347] {strides = array<i32>} : memref<16x128xf32, #tpu.memory_space<vmem>>, vector<16xf32>,
        %add3A_349 = arith.constant 1284 : i32
        %add3A_350 = vector.broadcast %add3A_349 : i32 to vector<16xi32>
        %add3A_351 = arith.addi %mul3A_11, %add3A_350 : vector<16xi32>
        tpu.vector_store_idx %arg7[%add3A_351], %get3A_348 : memref<2048xf32, #tpu.memory_space<vmem>>[vector<16xi32>], vector<16xf32>,
        %get3A_352 = arith.constant 4 : i32
        %get3A_353 = arith.index_cast %get3A_352 : i32 to index
        %get3A_354 = arith.constant 96 : index
        %get3A_355 = tpu.vector_load %arg5[%get3A_353, %get3A_354] {strides = array<i32>} : memref<16x128xf32, #tpu.memory_space<vmem>>, vector<16xf32>,
        %add3A_356 = arith.constant 1540 : i32
        %add3A_357 = vector.broadcast %add3A_356 : i32 to vector<16xi32>
        %add3A_358 = arith.addi %mul3A_11, %add3A_357 : vector<16xi32>
        tpu.vector_store_idx %arg7[%add3A_358], %get3A_355 : memref<2048xf32, #tpu.memory_space<vmem>>[vector<16xi32>], vector<16xf32>,
        %get3A_359 = arith.constant 4 : i32
        %get3A_360 = arith.index_cast %get3A_359 : i32 to index
        %get3A_361 = arith.constant 112 : index
        %get3A_362 = tpu.vector_load %arg5[%get3A_360, %get3A_361] {strides = array<i32>} : memref<16x128xf32, #tpu.memory_space<vmem>>, vector<16xf32>,
        %add3A_363 = arith.constant 1796 : i32
        %add3A_364 = vector.broadcast %add3A_363 : i32 to vector<16xi32>
        %add3A_365 = arith.addi %mul3A_11, %add3A_364 : vector<16xi32>
        tpu.vector_store_idx %arg7[%add3A_365], %get3A_362 : memref<2048xf32, #tpu.memory_space<vmem>>[vector<16xi32>], vector<16xf32>,
        %get3A_366 = arith.constant 5 : i32
        %get3A_367 = arith.index_cast %get3A_366 : i32 to index
        %get3A_368 = arith.constant 0 : index
        %get3A_369 = tpu.vector_load %arg5[%get3A_367, %get3A_368] {strides = array<i32>} : memref<16x128xf32, #tpu.memory_space<vmem>>, vector<16xf32>,
        %add3A_370 = arith.constant 5 : i32
        %add3A_371 = vector.broadcast %add3A_370 : i32 to vector<16xi32>
        %add3A_372 = arith.addi %mul3A_11, %add3A_371 : vector<16xi32>
        tpu.vector_store_idx %arg7[%add3A_372], %get3A_369 : memref<2048xf32, #tpu.memory_space<vmem>>[vector<16xi32>], vector<16xf32>,
        %get3A_373 = arith.constant 5 : i32
        %get3A_374 = arith.index_cast %get3A_373 : i32 to index
        %get3A_375 = arith.constant 16 : index
        %get3A_376 = tpu.vector_load %arg5[%get3A_374, %get3A_375] {strides = array<i32>} : memref<16x128xf32, #tpu.memory_space<vmem>>, vector<16xf32>,
        %add3A_377 = arith.constant 261 : i32
        %add3A_378 = vector.broadcast %add3A_377 : i32 to vector<16xi32>
        %add3A_379 = arith.addi %mul3A_11, %add3A_378 : vector<16xi32>
        tpu.vector_store_idx %arg7[%add3A_379], %get3A_376 : memref<2048xf32, #tpu.memory_space<vmem>>[vector<16xi32>], vector<16xf32>,
        %get3A_380 = arith.constant 5 : i32
        %get3A_381 = arith.index_cast %get3A_380 : i32 to index
        %get3A_382 = arith.constant 32 : index
        %get3A_383 = tpu.vector_load %arg5[%get3A_381, %get3A_382] {strides = array<i32>} : memref<16x128xf32, #tpu.memory_space<vmem>>, vector<16xf32>,
        %add3A_384 = arith.constant 517 : i32
        %add3A_385 = vector.broadcast %add3A_384 : i32 to vector<16xi32>
        %add3A_386 = arith.addi %mul3A_11, %add3A_385 : vector<16xi32>
        tpu.vector_store_idx %arg7[%add3A_386], %get3A_383 : memref<2048xf32, #tpu.memory_space<vmem>>[vector<16xi32>], vector<16xf32>,
        %get3A_387 = arith.constant 5 : i32
        %get3A_388 = arith.index_cast %get3A_387 : i32 to index
        %get3A_389 = arith.constant 48 : index
        %get3A_390 = tpu.vector_load %arg5[%get3A_388, %get3A_389] {strides = array<i32>} : memref<16x128xf32, #tpu.memory_space<vmem>>, vector<16xf32>,
        %add3A_391 = arith.constant 773 : i32
        %add3A_392 = vector.broadcast %add3A_391 : i32 to vector<16xi32>
        %add3A_393 = arith.addi %mul3A_11, %add3A_392 : vector<16xi32>
        tpu.vector_store_idx %arg7[%add3A_393], %get3A_390 : memref<2048xf32, #tpu.memory_space<vmem>>[vector<16xi32>], vector<16xf32>,
        %get3A_394 = arith.constant 5 : i32
        %get3A_395 = arith.index_cast %get3A_394 : i32 to index
        %get3A_396 = arith.constant 64 : index
        %get3A_397 = tpu.vector_load %arg5[%get3A_395, %get3A_396] {strides = array<i32>} : memref<16x128xf32, #tpu.memory_space<vmem>>, vector<16xf32>,
        %add3A_398 = arith.constant 1029 : i32
        %add3A_399 = vector.broadcast %add3A_398 : i32 to vector<16xi32>
        %add3A_400 = arith.addi %mul3A_11, %add3A_399 : vector<16xi32>
        tpu.vector_store_idx %arg7[%add3A_400], %get3A_397 : memref<2048xf32, #tpu.memory_space<vmem>>[vector<16xi32>], vector<16xf32>,
        %get3A_401 = arith.constant 5 : i32
        %get3A_402 = arith.index_cast %get3A_401 : i32 to index
        %get3A_403 = arith.constant 80 : index
        %get3A_404 = tpu.vector_load %arg5[%get3A_402, %get3A_403] {strides = array<i32>} : memref<16x128xf32, #tpu.memory_space<vmem>>, vector<16xf32>,
        %add3A_405 = arith.constant 1285 : i32
        %add3A_406 = vector.broadcast %add3A_405 : i32 to vector<16xi32>
        %add3A_407 = arith.addi %mul3A_11, %add3A_406 : vector<16xi32>
        tpu.vector_store_idx %arg7[%add3A_407], %get3A_404 : memref<2048xf32, #tpu.memory_space<vmem>>[vector<16xi32>], vector<16xf32>,
        %get3A_408 = arith.constant 5 : i32
        %get3A_409 = arith.index_cast %get3A_408 : i32 to index
        %get3A_410 = arith.constant 96 : index
        %get3A_411 = tpu.vector_load %arg5[%get3A_409, %get3A_410] {strides = array<i32>} : memref<16x128xf32, #tpu.memory_space<vmem>>, vector<16xf32>,
        %add3A_412 = arith.constant 1541 : i32
        %add3A_413 = vector.broadcast %add3A_412 : i32 to vector<16xi32>
        %add3A_414 = arith.addi %mul3A_11, %add3A_413 : vector<16xi32>
        tpu.vector_store_idx %arg7[%add3A_414], %get3A_411 : memref<2048xf32, #tpu.memory_space<vmem>>[vector<16xi32>], vector<16xf32>,
        %get3A_415 = arith.constant 5 : i32
        %get3A_416 = arith.index_cast %get3A_415 : i32 to index
        %get3A_417 = arith.constant 112 : index
        %get3A_418 = tpu.vector_load %arg5[%get3A_416, %get3A_417] {strides = array<i32>} : memref<16x128xf32, #tpu.memory_space<vmem>>, vector<16xf32>,
        %add3A_419 = arith.constant 1797 : i32
        %add3A_420 = vector.broadcast %add3A_419 : i32 to vector<16xi32>
        %add3A_421 = arith.addi %mul3A_11, %add3A_420 : vector<16xi32>
        tpu.vector_store_idx %arg7[%add3A_421], %get3A_418 : memref<2048xf32, #tpu.memory_space<vmem>>[vector<16xi32>], vector<16xf32>,
        %get3A_422 = arith.constant 6 : i32
        %get3A_423 = arith.index_cast %get3A_422 : i32 to index
        %get3A_424 = arith.constant 0 : index
        %get3A_425 = tpu.vector_load %arg5[%get3A_423, %get3A_424] {strides = array<i32>} : memref<16x128xf32, #tpu.memory_space<vmem>>, vector<16xf32>,
        %add3A_426 = arith.constant 6 : i32
        %add3A_427 = vector.broadcast %add3A_426 : i32 to vector<16xi32>
        %add3A_428 = arith.addi %mul3A_11, %add3A_427 : vector<16xi32>
        tpu.vector_store_idx %arg7[%add3A_428], %get3A_425 : memref<2048xf32, #tpu.memory_space<vmem>>[vector<16xi32>], vector<16xf32>,
        %get3A_429 = arith.constant 6 : i32
        %get3A_430 = arith.index_cast %get3A_429 : i32 to index
        %get3A_431 = arith.constant 16 : index
        %get3A_432 = tpu.vector_load %arg5[%get3A_430, %get3A_431] {strides = array<i32>} : memref<16x128xf32, #tpu.memory_space<vmem>>, vector<16xf32>,
        %add3A_433 = arith.constant 262 : i32
        %add3A_434 = vector.broadcast %add3A_433 : i32 to vector<16xi32>
        %add3A_435 = arith.addi %mul3A_11, %add3A_434 : vector<16xi32>
        tpu.vector_store_idx %arg7[%add3A_435], %get3A_432 : memref<2048xf32, #tpu.memory_space<vmem>>[vector<16xi32>], vector<16xf32>,
        %get3A_436 = arith.constant 6 : i32
        %get3A_437 = arith.index_cast %get3A_436 : i32 to index
        %get3A_438 = arith.constant 32 : index
        %get3A_439 = tpu.vector_load %arg5[%get3A_437, %get3A_438] {strides = array<i32>} : memref<16x128xf32, #tpu.memory_space<vmem>>, vector<16xf32>,
        %add3A_440 = arith.constant 518 : i32
        %add3A_441 = vector.broadcast %add3A_440 : i32 to vector<16xi32>
        %add3A_442 = arith.addi %mul3A_11, %add3A_441 : vector<16xi32>
        tpu.vector_store_idx %arg7[%add3A_442], %get3A_439 : memref<2048xf32, #tpu.memory_space<vmem>>[vector<16xi32>], vector<16xf32>,
        %get3A_443 = arith.constant 6 : i32
        %get3A_444 = arith.index_cast %get3A_443 : i32 to index
        %get3A_445 = arith.constant 48 : index
        %get3A_446 = tpu.vector_load %arg5[%get3A_444, %get3A_445] {strides = array<i32>} : memref<16x128xf32, #tpu.memory_space<vmem>>, vector<16xf32>,
        %add3A_447 = arith.constant 774 : i32
        %add3A_448 = vector.broadcast %add3A_447 : i32 to vector<16xi32>
        %add3A_449 = arith.addi %mul3A_11, %add3A_448 : vector<16xi32>
        tpu.vector_store_idx %arg7[%add3A_449], %get3A_446 : memref<2048xf32, #tpu.memory_space<vmem>>[vector<16xi32>], vector<16xf32>,
        %get3A_450 = arith.constant 6 : i32
        %get3A_451 = arith.index_cast %get3A_450 : i32 to index
        %get3A_452 = arith.constant 64 : index
        %get3A_453 = tpu.vector_load %arg5[%get3A_451, %get3A_452] {strides = array<i32>} : memref<16x128xf32, #tpu.memory_space<vmem>>, vector<16xf32>,
        %add3A_454 = arith.constant 1030 : i32
        %add3A_455 = vector.broadcast %add3A_454 : i32 to vector<16xi32>
        %add3A_456 = arith.addi %mul3A_11, %add3A_455 : vector<16xi32>
        tpu.vector_store_idx %arg7[%add3A_456], %get3A_453 : memref<2048xf32, #tpu.memory_space<vmem>>[vector<16xi32>], vector<16xf32>,
        %get3A_457 = arith.constant 6 : i32
        %get3A_458 = arith.index_cast %get3A_457 : i32 to index
        %get3A_459 = arith.constant 80 : index
        %get3A_460 = tpu.vector_load %arg5[%get3A_458, %get3A_459] {strides = array<i32>} : memref<16x128xf32, #tpu.memory_space<vmem>>, vector<16xf32>,
        %add3A_461 = arith.constant 1286 : i32
        %add3A_462 = vector.broadcast %add3A_461 : i32 to vector<16xi32>
        %add3A_463 = arith.addi %mul3A_11, %add3A_462 : vector<16xi32>
        tpu.vector_store_idx %arg7[%add3A_463], %get3A_460 : memref<2048xf32, #tpu.memory_space<vmem>>[vector<16xi32>], vector<16xf32>,
        %get3A_464 = arith.constant 6 : i32
        %get3A_465 = arith.index_cast %get3A_464 : i32 to index
        %get3A_466 = arith.constant 96 : index
        %get3A_467 = tpu.vector_load %arg5[%get3A_465, %get3A_466] {strides = array<i32>} : memref<16x128xf32, #tpu.memory_space<vmem>>, vector<16xf32>,
        %add3A_468 = arith.constant 1542 : i32
        %add3A_469 = vector.broadcast %add3A_468 : i32 to vector<16xi32>
        %add3A_470 = arith.addi %mul3A_11, %add3A_469 : vector<16xi32>
        tpu.vector_store_idx %arg7[%add3A_470], %get3A_467 : memref<2048xf32, #tpu.memory_space<vmem>>[vector<16xi32>], vector<16xf32>,
        %get3A_471 = arith.constant 6 : i32
        %get3A_472 = arith.index_cast %get3A_471 : i32 to index
        %get3A_473 = arith.constant 112 : index
        %get3A_474 = tpu.vector_load %arg5[%get3A_472, %get3A_473] {strides = array<i32>} : memref<16x128xf32, #tpu.memory_space<vmem>>, vector<16xf32>,
        %add3A_475 = arith.constant 1798 : i32
        %add3A_476 = vector.broadcast %add3A_475 : i32 to vector<16xi32>
        %add3A_477 = arith.addi %mul3A_11, %add3A_476 : vector<16xi32>
        tpu.vector_store_idx %arg7[%add3A_477], %get3A_474 : memref<2048xf32, #tpu.memory_space<vmem>>[vector<16xi32>], vector<16xf32>,
        %get3A_478 = arith.constant 7 : i32
        %get3A_479 = arith.index_cast %get3A_478 : i32 to index
        %get3A_480 = arith.constant 0 : index
        %get3A_481 = tpu.vector_load %arg5[%get3A_479, %get3A_480] {strides = array<i32>} : memref<16x128xf32, #tpu.memory_space<vmem>>, vector<16xf32>,
        %add3A_482 = arith.constant 7 : i32
        %add3A_483 = vector.broadcast %add3A_482 : i32 to vector<16xi32>
        %add3A_484 = arith.addi %mul3A_11, %add3A_483 : vector<16xi32>
        tpu.vector_store_idx %arg7[%add3A_484], %get3A_481 : memref<2048xf32, #tpu.memory_space<vmem>>[vector<16xi32>], vector<16xf32>,
        %get3A_485 = arith.constant 7 : i32
        %get3A_486 = arith.index_cast %get3A_485 : i32 to index
        %get3A_487 = arith.constant 16 : index
        %get3A_488 = tpu.vector_load %arg5[%get3A_486, %get3A_487] {strides = array<i32>} : memref<16x128xf32, #tpu.memory_space<vmem>>, vector<16xf32>,
        %add3A_489 = arith.constant 263 : i32
        %add3A_490 = vector.broadcast %add3A_489 : i32 to vector<16xi32>
        %add3A_491 = arith.addi %mul3A_11, %add3A_490 : vector<16xi32>
        tpu.vector_store_idx %arg7[%add3A_491], %get3A_488 : memref<2048xf32, #tpu.memory_space<vmem>>[vector<16xi32>], vector<16xf32>,
        %get3A_492 = arith.constant 7 : i32
        %get3A_493 = arith.index_cast %get3A_492 : i32 to index
        %get3A_494 = arith.constant 32 : index
        %get3A_495 = tpu.vector_load %arg5[%get3A_493, %get3A_494] {strides = array<i32>} : memref<16x128xf32, #tpu.memory_space<vmem>>, vector<16xf32>,
        %add3A_496 = arith.constant 519 : i32
        %add3A_497 = vector.broadcast %add3A_496 : i32 to vector<16xi32>
        %add3A_498 = arith.addi %mul3A_11, %add3A_497 : vector<16xi32>
        tpu.vector_store_idx %arg7[%add3A_498], %get3A_495 : memref<2048xf32, #tpu.memory_space<vmem>>[vector<16xi32>], vector<16xf32>,
        %get3A_499 = arith.constant 7 : i32
        %get3A_500 = arith.index_cast %get3A_499 : i32 to index
        %get3A_501 = arith.constant 48 : index
        %get3A_502 = tpu.vector_load %arg5[%get3A_500, %get3A_501] {strides = array<i32>} : memref<16x128xf32, #tpu.memory_space<vmem>>, vector<16xf32>,
        %add3A_503 = arith.constant 775 : i32
        %add3A_504 = vector.broadcast %add3A_503 : i32 to vector<16xi32>
        %add3A_505 = arith.addi %mul3A_11, %add3A_504 : vector<16xi32>
        tpu.vector_store_idx %arg7[%add3A_505], %get3A_502 : memref<2048xf32, #tpu.memory_space<vmem>>[vector<16xi32>], vector<16xf32>,
        %get3A_506 = arith.constant 7 : i32
        %get3A_507 = arith.index_cast %get3A_506 : i32 to index
        %get3A_508 = arith.constant 64 : index
        %get3A_509 = tpu.vector_load %arg5[%get3A_507, %get3A_508] {strides = array<i32>} : memref<16x128xf32, #tpu.memory_space<vmem>>, vector<16xf32>,
        %add3A_510 = arith.constant 1031 : i32
        %add3A_511 = vector.broadcast %add3A_510 : i32 to vector<16xi32>
        %add3A_512 = arith.addi %mul3A_11, %add3A_511 : vector<16xi32>
        tpu.vector_store_idx %arg7[%add3A_512], %get3A_509 : memref<2048xf32, #tpu.memory_space<vmem>>[vector<16xi32>], vector<16xf32>,
        %get3A_513 = arith.constant 7 : i32
        %get3A_514 = arith.index_cast %get3A_513 : i32 to index
        %get3A_515 = arith.constant 80 : index
        %get3A_516 = tpu.vector_load %arg5[%get3A_514, %get3A_515] {strides = array<i32>} : memref<16x128xf32, #tpu.memory_space<vmem>>, vector<16xf32>,
        %add3A_517 = arith.constant 1287 : i32
        %add3A_518 = vector.broadcast %add3A_517 : i32 to vector<16xi32>
        %add3A_519 = arith.addi %mul3A_11, %add3A_518 : vector<16xi32>
        tpu.vector_store_idx %arg7[%add3A_519], %get3A_516 : memref<2048xf32, #tpu.memory_space<vmem>>[vector<16xi32>], vector<16xf32>,
        %get3A_520 = arith.constant 7 : i32
        %get3A_521 = arith.index_cast %get3A_520 : i32 to index
        %get3A_522 = arith.constant 96 : index
        %get3A_523 = tpu.vector_load %arg5[%get3A_521, %get3A_522] {strides = array<i32>} : memref<16x128xf32, #tpu.memory_space<vmem>>, vector<16xf32>,
        %add3A_524 = arith.constant 1543 : i32
        %add3A_525 = vector.broadcast %add3A_524 : i32 to vector<16xi32>
        %add3A_526 = arith.addi %mul3A_11, %add3A_525 : vector<16xi32>
        tpu.vector_store_idx %arg7[%add3A_526], %get3A_523 : memref<2048xf32, #tpu.memory_space<vmem>>[vector<16xi32>], vector<16xf32>,
        %get3A_527 = arith.constant 7 : i32
        %get3A_528 = arith.index_cast %get3A_527 : i32 to index
        %get3A_529 = arith.constant 112 : index
        %get3A_530 = tpu.vector_load %arg5[%get3A_528, %get3A_529] {strides = array<i32>} : memref<16x128xf32, #tpu.memory_space<vmem>>, vector<16xf32>,
        %add3A_531 = arith.constant 1799 : i32
        %add3A_532 = vector.broadcast %add3A_531 : i32 to vector<16xi32>
        %add3A_533 = arith.addi %mul3A_11, %add3A_532 : vector<16xi32>
        tpu.vector_store_idx %arg7[%add3A_533], %get3A_530 : memref<2048xf32, #tpu.memory_space<vmem>>[vector<16xi32>], vector<16xf32>,
        %get3A_534 = arith.constant 8 : i32
        %get3A_535 = arith.index_cast %get3A_534 : i32 to index
        %get3A_536 = arith.constant 0 : index
        %get3A_537 = tpu.vector_load %arg5[%get3A_535, %get3A_536] {strides = array<i32>} : memref<16x128xf32, #tpu.memory_space<vmem>>, vector<16xf32>,
        %add3A_538 = arith.constant 8 : i32
        %add3A_539 = vector.broadcast %add3A_538 : i32 to vector<16xi32>
        %add3A_540 = arith.addi %mul3A_11, %add3A_539 : vector<16xi32>
        tpu.vector_store_idx %arg7[%add3A_540], %get3A_537 : memref<2048xf32, #tpu.memory_space<vmem>>[vector<16xi32>], vector<16xf32>,
        %get3A_541 = arith.constant 8 : i32
        %get3A_542 = arith.index_cast %get3A_541 : i32 to index
        %get3A_543 = arith.constant 16 : index
        %get3A_544 = tpu.vector_load %arg5[%get3A_542, %get3A_543] {strides = array<i32>} : memref<16x128xf32, #tpu.memory_space<vmem>>, vector<16xf32>,
        %add3A_545 = arith.constant 264 : i32
        %add3A_546 = vector.broadcast %add3A_545 : i32 to vector<16xi32>
        %add3A_547 = arith.addi %mul3A_11, %add3A_546 : vector<16xi32>
        tpu.vector_store_idx %arg7[%add3A_547], %get3A_544 : memref<2048xf32, #tpu.memory_space<vmem>>[vector<16xi32>], vector<16xf32>,
        %get3A_548 = arith.constant 8 : i32
        %get3A_549 = arith.index_cast %get3A_548 : i32 to index
        %get3A_550 = arith.constant 32 : index
        %get3A_551 = tpu.vector_load %arg5[%get3A_549, %get3A_550] {strides = array<i32>} : memref<16x128xf32, #tpu.memory_space<vmem>>, vector<16xf32>,
        %add3A_552 = arith.constant 520 : i32
        %add3A_553 = vector.broadcast %add3A_552 : i32 to vector<16xi32>
        %add3A_554 = arith.addi %mul3A_11, %add3A_553 : vector<16xi32>
        tpu.vector_store_idx %arg7[%add3A_554], %get3A_551 : memref<2048xf32, #tpu.memory_space<vmem>>[vector<16xi32>], vector<16xf32>,
        %get3A_555 = arith.constant 8 : i32
        %get3A_556 = arith.index_cast %get3A_555 : i32 to index
        %get3A_557 = arith.constant 48 : index
        %get3A_558 = tpu.vector_load %arg5[%get3A_556, %get3A_557] {strides = array<i32>} : memref<16x128xf32, #tpu.memory_space<vmem>>, vector<16xf32>,
        %add3A_559 = arith.constant 776 : i32
        %add3A_560 = vector.broadcast %add3A_559 : i32 to vector<16xi32>
        %add3A_561 = arith.addi %mul3A_11, %add3A_560 : vector<16xi32>
        tpu.vector_store_idx %arg7[%add3A_561], %get3A_558 : memref<2048xf32, #tpu.memory_space<vmem>>[vector<16xi32>], vector<16xf32>,
        %get3A_562 = arith.constant 8 : i32
        %get3A_563 = arith.index_cast %get3A_562 : i32 to index
        %get3A_564 = arith.constant 64 : index
        %get3A_565 = tpu.vector_load %arg5[%get3A_563, %get3A_564] {strides = array<i32>} : memref<16x128xf32, #tpu.memory_space<vmem>>, vector<16xf32>,
        %add3A_566 = arith.constant 1032 : i32
        %add3A_567 = vector.broadcast %add3A_566 : i32 to vector<16xi32>
        %add3A_568 = arith.addi %mul3A_11, %add3A_567 : vector<16xi32>
        tpu.vector_store_idx %arg7[%add3A_568], %get3A_565 : memref<2048xf32, #tpu.memory_space<vmem>>[vector<16xi32>], vector<16xf32>,
        %get3A_569 = arith.constant 8 : i32
        %get3A_570 = arith.index_cast %get3A_569 : i32 to index
        %get3A_571 = arith.constant 80 : index
        %get3A_572 = tpu.vector_load %arg5[%get3A_570, %get3A_571] {strides = array<i32>} : memref<16x128xf32, #tpu.memory_space<vmem>>, vector<16xf32>,
        %add3A_573 = arith.constant 1288 : i32
        %add3A_574 = vector.broadcast %add3A_573 : i32 to vector<16xi32>
        %add3A_575 = arith.addi %mul3A_11, %add3A_574 : vector<16xi32>
        tpu.vector_store_idx %arg7[%add3A_575], %get3A_572 : memref<2048xf32, #tpu.memory_space<vmem>>[vector<16xi32>], vector<16xf32>,
        %get3A_576 = arith.constant 8 : i32
        %get3A_577 = arith.index_cast %get3A_576 : i32 to index
        %get3A_578 = arith.constant 96 : index
        %get3A_579 = tpu.vector_load %arg5[%get3A_577, %get3A_578] {strides = array<i32>} : memref<16x128xf32, #tpu.memory_space<vmem>>, vector<16xf32>,
        %add3A_580 = arith.constant 1544 : i32
        %add3A_581 = vector.broadcast %add3A_580 : i32 to vector<16xi32>
        %add3A_582 = arith.addi %mul3A_11, %add3A_581 : vector<16xi32>
        tpu.vector_store_idx %arg7[%add3A_582], %get3A_579 : memref<2048xf32, #tpu.memory_space<vmem>>[vector<16xi32>], vector<16xf32>,
        %get3A_583 = arith.constant 8 : i32
        %get3A_584 = arith.index_cast %get3A_583 : i32 to index
        %get3A_585 = arith.constant 112 : index
        %get3A_586 = tpu.vector_load %arg5[%get3A_584, %get3A_585] {strides = array<i32>} : memref<16x128xf32, #tpu.memory_space<vmem>>, vector<16xf32>,
        %add3A_587 = arith.constant 1800 : i32
        %add3A_588 = vector.broadcast %add3A_587 : i32 to vector<16xi32>
        %add3A_589 = arith.addi %mul3A_11, %add3A_588 : vector<16xi32>
        tpu.vector_store_idx %arg7[%add3A_589], %get3A_586 : memref<2048xf32, #tpu.memory_space<vmem>>[vector<16xi32>], vector<16xf32>,
        %get3A_590 = arith.constant 9 : i32
        %get3A_591 = arith.index_cast %get3A_590 : i32 to index
        %get3A_592 = arith.constant 0 : index
        %get3A_593 = tpu.vector_load %arg5[%get3A_591, %get3A_592] {strides = array<i32>} : memref<16x128xf32, #tpu.memory_space<vmem>>, vector<16xf32>,
        %add3A_594 = arith.constant 9 : i32
        %add3A_595 = vector.broadcast %add3A_594 : i32 to vector<16xi32>
        %add3A_596 = arith.addi %mul3A_11, %add3A_595 : vector<16xi32>
        tpu.vector_store_idx %arg7[%add3A_596], %get3A_593 : memref<2048xf32, #tpu.memory_space<vmem>>[vector<16xi32>], vector<16xf32>,
        %get3A_597 = arith.constant 9 : i32
        %get3A_598 = arith.index_cast %get3A_597 : i32 to index
        %get3A_599 = arith.constant 16 : index
        %get3A_600 = tpu.vector_load %arg5[%get3A_598, %get3A_599] {strides = array<i32>} : memref<16x128xf32, #tpu.memory_space<vmem>>, vector<16xf32>,
        %add3A_601 = arith.constant 265 : i32
        %add3A_602 = vector.broadcast %add3A_601 : i32 to vector<16xi32>
        %add3A_603 = arith.addi %mul3A_11, %add3A_602 : vector<16xi32>
        tpu.vector_store_idx %arg7[%add3A_603], %get3A_600 : memref<2048xf32, #tpu.memory_space<vmem>>[vector<16xi32>], vector<16xf32>,
        %get3A_604 = arith.constant 9 : i32
        %get3A_605 = arith.index_cast %get3A_604 : i32 to index
        %get3A_606 = arith.constant 32 : index
        %get3A_607 = tpu.vector_load %arg5[%get3A_605, %get3A_606] {strides = array<i32>} : memref<16x128xf32, #tpu.memory_space<vmem>>, vector<16xf32>,
        %add3A_608 = arith.constant 521 : i32
        %add3A_609 = vector.broadcast %add3A_608 : i32 to vector<16xi32>
        %add3A_610 = arith.addi %mul3A_11, %add3A_609 : vector<16xi32>
        tpu.vector_store_idx %arg7[%add3A_610], %get3A_607 : memref<2048xf32, #tpu.memory_space<vmem>>[vector<16xi32>], vector<16xf32>,
        %get3A_611 = arith.constant 9 : i32
        %get3A_612 = arith.index_cast %get3A_611 : i32 to index
        %get3A_613 = arith.constant 48 : index
        %get3A_614 = tpu.vector_load %arg5[%get3A_612, %get3A_613] {strides = array<i32>} : memref<16x128xf32, #tpu.memory_space<vmem>>, vector<16xf32>,
        %add3A_615 = arith.constant 777 : i32
        %add3A_616 = vector.broadcast %add3A_615 : i32 to vector<16xi32>
        %add3A_617 = arith.addi %mul3A_11, %add3A_616 : vector<16xi32>
        tpu.vector_store_idx %arg7[%add3A_617], %get3A_614 : memref<2048xf32, #tpu.memory_space<vmem>>[vector<16xi32>], vector<16xf32>,
        %get3A_618 = arith.constant 9 : i32
        %get3A_619 = arith.index_cast %get3A_618 : i32 to index
        %get3A_620 = arith.constant 64 : index
        %get3A_621 = tpu.vector_load %arg5[%get3A_619, %get3A_620] {strides = array<i32>} : memref<16x128xf32, #tpu.memory_space<vmem>>, vector<16xf32>,
        %add3A_622 = arith.constant 1033 : i32
        %add3A_623 = vector.broadcast %add3A_622 : i32 to vector<16xi32>
        %add3A_624 = arith.addi %mul3A_11, %add3A_623 : vector<16xi32>
        tpu.vector_store_idx %arg7[%add3A_624], %get3A_621 : memref<2048xf32, #tpu.memory_space<vmem>>[vector<16xi32>], vector<16xf32>,
        %get3A_625 = arith.constant 9 : i32
        %get3A_626 = arith.index_cast %get3A_625 : i32 to index
        %get3A_627 = arith.constant 80 : index
        %get3A_628 = tpu.vector_load %arg5[%get3A_626, %get3A_627] {strides = array<i32>} : memref<16x128xf32, #tpu.memory_space<vmem>>, vector<16xf32>,
        %add3A_629 = arith.constant 1289 : i32
        %add3A_630 = vector.broadcast %add3A_629 : i32 to vector<16xi32>
        %add3A_631 = arith.addi %mul3A_11, %add3A_630 : vector<16xi32>
        tpu.vector_store_idx %arg7[%add3A_631], %get3A_628 : memref<2048xf32, #tpu.memory_space<vmem>>[vector<16xi32>], vector<16xf32>,
        %get3A_632 = arith.constant 9 : i32
        %get3A_633 = arith.index_cast %get3A_632 : i32 to index
        %get3A_634 = arith.constant 96 : index
        %get3A_635 = tpu.vector_load %arg5[%get3A_633, %get3A_634] {strides = array<i32>} : memref<16x128xf32, #tpu.memory_space<vmem>>, vector<16xf32>,
        %add3A_636 = arith.constant 1545 : i32
        %add3A_637 = vector.broadcast %add3A_636 : i32 to vector<16xi32>
        %add3A_638 = arith.addi %mul3A_11, %add3A_637 : vector<16xi32>
        tpu.vector_store_idx %arg7[%add3A_638], %get3A_635 : memref<2048xf32, #tpu.memory_space<vmem>>[vector<16xi32>], vector<16xf32>,
        %get3A_639 = arith.constant 9 : i32
        %get3A_640 = arith.index_cast %get3A_639 : i32 to index
        %get3A_641 = arith.constant 112 : index
        %get3A_642 = tpu.vector_load %arg5[%get3A_640, %get3A_641] {strides = array<i32>} : memref<16x128xf32, #tpu.memory_space<vmem>>, vector<16xf32>,
        %add3A_643 = arith.constant 1801 : i32
        %add3A_644 = vector.broadcast %add3A_643 : i32 to vector<16xi32>
        %add3A_645 = arith.addi %mul3A_11, %add3A_644 : vector<16xi32>
        tpu.vector_store_idx %arg7[%add3A_645], %get3A_642 : memref<2048xf32, #tpu.memory_space<vmem>>[vector<16xi32>], vector<16xf32>,
        %get3A_646 = arith.constant 10 : i32
        %get3A_647 = arith.index_cast %get3A_646 : i32 to index
        %get3A_648 = arith.constant 0 : index
        %get3A_649 = tpu.vector_load %arg5[%get3A_647, %get3A_648] {strides = array<i32>} : memref<16x128xf32, #tpu.memory_space<vmem>>, vector<16xf32>,
        %add3A_650 = arith.constant 10 : i32
        %add3A_651 = vector.broadcast %add3A_650 : i32 to vector<16xi32>
        %add3A_652 = arith.addi %mul3A_11, %add3A_651 : vector<16xi32>
        tpu.vector_store_idx %arg7[%add3A_652], %get3A_649 : memref<2048xf32, #tpu.memory_space<vmem>>[vector<16xi32>], vector<16xf32>,
        %get3A_653 = arith.constant 10 : i32
        %get3A_654 = arith.index_cast %get3A_653 : i32 to index
        %get3A_655 = arith.constant 16 : index
        %get3A_656 = tpu.vector_load %arg5[%get3A_654, %get3A_655] {strides = array<i32>} : memref<16x128xf32, #tpu.memory_space<vmem>>, vector<16xf32>,
        %add3A_657 = arith.constant 266 : i32
        %add3A_658 = vector.broadcast %add3A_657 : i32 to vector<16xi32>
        %add3A_659 = arith.addi %mul3A_11, %add3A_658 : vector<16xi32>
        tpu.vector_store_idx %arg7[%add3A_659], %get3A_656 : memref<2048xf32, #tpu.memory_space<vmem>>[vector<16xi32>], vector<16xf32>,
        %get3A_660 = arith.constant 10 : i32
        %get3A_661 = arith.index_cast %get3A_660 : i32 to index
        %get3A_662 = arith.constant 32 : index
        %get3A_663 = tpu.vector_load %arg5[%get3A_661, %get3A_662] {strides = array<i32>} : memref<16x128xf32, #tpu.memory_space<vmem>>, vector<16xf32>,
        %add3A_664 = arith.constant 522 : i32
        %add3A_665 = vector.broadcast %add3A_664 : i32 to vector<16xi32>
        %add3A_666 = arith.addi %mul3A_11, %add3A_665 : vector<16xi32>
        tpu.vector_store_idx %arg7[%add3A_666], %get3A_663 : memref<2048xf32, #tpu.memory_space<vmem>>[vector<16xi32>], vector<16xf32>,
        %get3A_667 = arith.constant 10 : i32
        %get3A_668 = arith.index_cast %get3A_667 : i32 to index
        %get3A_669 = arith.constant 48 : index
        %get3A_670 = tpu.vector_load %arg5[%get3A_668, %get3A_669] {strides = array<i32>} : memref<16x128xf32, #tpu.memory_space<vmem>>, vector<16xf32>,
        %add3A_671 = arith.constant 778 : i32
        %add3A_672 = vector.broadcast %add3A_671 : i32 to vector<16xi32>
        %add3A_673 = arith.addi %mul3A_11, %add3A_672 : vector<16xi32>
        tpu.vector_store_idx %arg7[%add3A_673], %get3A_670 : memref<2048xf32, #tpu.memory_space<vmem>>[vector<16xi32>], vector<16xf32>,
        %get3A_674 = arith.constant 10 : i32
        %get3A_675 = arith.index_cast %get3A_674 : i32 to index
        %get3A_676 = arith.constant 64 : index
        %get3A_677 = tpu.vector_load %arg5[%get3A_675, %get3A_676] {strides = array<i32>} : memref<16x128xf32, #tpu.memory_space<vmem>>, vector<16xf32>,
        %add3A_678 = arith.constant 1034 : i32
        %add3A_679 = vector.broadcast %add3A_678 : i32 to vector<16xi32>
        %add3A_680 = arith.addi %mul3A_11, %add3A_679 : vector<16xi32>
        tpu.vector_store_idx %arg7[%add3A_680], %get3A_677 : memref<2048xf32, #tpu.memory_space<vmem>>[vector<16xi32>], vector<16xf32>,
        %get3A_681 = arith.constant 10 : i32
        %get3A_682 = arith.index_cast %get3A_681 : i32 to index
        %get3A_683 = arith.constant 80 : index
        %get3A_684 = tpu.vector_load %arg5[%get3A_682, %get3A_683] {strides = array<i32>} : memref<16x128xf32, #tpu.memory_space<vmem>>, vector<16xf32>,
        %add3A_685 = arith.constant 1290 : i32
        %add3A_686 = vector.broadcast %add3A_685 : i32 to vector<16xi32>
        %add3A_687 = arith.addi %mul3A_11, %add3A_686 : vector<16xi32>
        tpu.vector_store_idx %arg7[%add3A_687], %get3A_684 : memref<2048xf32, #tpu.memory_space<vmem>>[vector<16xi32>], vector<16xf32>,
        %get3A_688 = arith.constant 10 : i32
        %get3A_689 = arith.index_cast %get3A_688 : i32 to index
        %get3A_690 = arith.constant 96 : index
        %get3A_691 = tpu.vector_load %arg5[%get3A_689, %get3A_690] {strides = array<i32>} : memref<16x128xf32, #tpu.memory_space<vmem>>, vector<16xf32>,
        %add3A_692 = arith.constant 1546 : i32
        %add3A_693 = vector.broadcast %add3A_692 : i32 to vector<16xi32>
        %add3A_694 = arith.addi %mul3A_11, %add3A_693 : vector<16xi32>
        tpu.vector_store_idx %arg7[%add3A_694], %get3A_691 : memref<2048xf32, #tpu.memory_space<vmem>>[vector<16xi32>], vector<16xf32>,
        %get3A_695 = arith.constant 10 : i32
        %get3A_696 = arith.index_cast %get3A_695 : i32 to index
        %get3A_697 = arith.constant 112 : index
        %get3A_698 = tpu.vector_load %arg5[%get3A_696, %get3A_697] {strides = array<i32>} : memref<16x128xf32, #tpu.memory_space<vmem>>, vector<16xf32>,
        %add3A_699 = arith.constant 1802 : i32
        %add3A_700 = vector.broadcast %add3A_699 : i32 to vector<16xi32>
        %add3A_701 = arith.addi %mul3A_11, %add3A_700 : vector<16xi32>
        tpu.vector_store_idx %arg7[%add3A_701], %get3A_698 : memref<2048xf32, #tpu.memory_space<vmem>>[vector<16xi32>], vector<16xf32>,
        %get3A_702 = arith.constant 11 : i32
        %get3A_703 = arith.index_cast %get3A_702 : i32 to index
        %get3A_704 = arith.constant 0 : index
        %get3A_705 = tpu.vector_load %arg5[%get3A_703, %get3A_704] {strides = array<i32>} : memref<16x128xf32, #tpu.memory_space<vmem>>, vector<16xf32>,
        %add3A_706 = arith.constant 11 : i32
        %add3A_707 = vector.broadcast %add3A_706 : i32 to vector<16xi32>
        %add3A_708 = arith.addi %mul3A_11, %add3A_707 : vector<16xi32>
        tpu.vector_store_idx %arg7[%add3A_708], %get3A_705 : memref<2048xf32, #tpu.memory_space<vmem>>[vector<16xi32>], vector<16xf32>,
        %get3A_709 = arith.constant 11 : i32
        %get3A_710 = arith.index_cast %get3A_709 : i32 to index
        %get3A_711 = arith.constant 16 : index
        %get3A_712 = tpu.vector_load %arg5[%get3A_710, %get3A_711] {strides = array<i32>} : memref<16x128xf32, #tpu.memory_space<vmem>>, vector<16xf32>,
        %add3A_713 = arith.constant 267 : i32
        %add3A_714 = vector.broadcast %add3A_713 : i32 to vector<16xi32>
        %add3A_715 = arith.addi %mul3A_11, %add3A_714 : vector<16xi32>
        tpu.vector_store_idx %arg7[%add3A_715], %get3A_712 : memref<2048xf32, #tpu.memory_space<vmem>>[vector<16xi32>], vector<16xf32>,
        %get3A_716 = arith.constant 11 : i32
        %get3A_717 = arith.index_cast %get3A_716 : i32 to index
        %get3A_718 = arith.constant 32 : index
        %get3A_719 = tpu.vector_load %arg5[%get3A_717, %get3A_718] {strides = array<i32>} : memref<16x128xf32, #tpu.memory_space<vmem>>, vector<16xf32>,
        %add3A_720 = arith.constant 523 : i32
        %add3A_721 = vector.broadcast %add3A_720 : i32 to vector<16xi32>
        %add3A_722 = arith.addi %mul3A_11, %add3A_721 : vector<16xi32>
        tpu.vector_store_idx %arg7[%add3A_722], %get3A_719 : memref<2048xf32, #tpu.memory_space<vmem>>[vector<16xi32>], vector<16xf32>,
        %get3A_723 = arith.constant 11 : i32
        %get3A_724 = arith.index_cast %get3A_723 : i32 to index
        %get3A_725 = arith.constant 48 : index
        %get3A_726 = tpu.vector_load %arg5[%get3A_724, %get3A_725] {strides = array<i32>} : memref<16x128xf32, #tpu.memory_space<vmem>>, vector<16xf32>,
        %add3A_727 = arith.constant 779 : i32
        %add3A_728 = vector.broadcast %add3A_727 : i32 to vector<16xi32>
        %add3A_729 = arith.addi %mul3A_11, %add3A_728 : vector<16xi32>
        tpu.vector_store_idx %arg7[%add3A_729], %get3A_726 : memref<2048xf32, #tpu.memory_space<vmem>>[vector<16xi32>], vector<16xf32>,
        %get3A_730 = arith.constant 11 : i32
        %get3A_731 = arith.index_cast %get3A_730 : i32 to index
        %get3A_732 = arith.constant 64 : index
        %get3A_733 = tpu.vector_load %arg5[%get3A_731, %get3A_732] {strides = array<i32>} : memref<16x128xf32, #tpu.memory_space<vmem>>, vector<16xf32>,
        %add3A_734 = arith.constant 1035 : i32
        %add3A_735 = vector.broadcast %add3A_734 : i32 to vector<16xi32>
        %add3A_736 = arith.addi %mul3A_11, %add3A_735 : vector<16xi32>
        tpu.vector_store_idx %arg7[%add3A_736], %get3A_733 : memref<2048xf32, #tpu.memory_space<vmem>>[vector<16xi32>], vector<16xf32>,
        %get3A_737 = arith.constant 11 : i32
        %get3A_738 = arith.index_cast %get3A_737 : i32 to index
        %get3A_739 = arith.constant 80 : index
        %get3A_740 = tpu.vector_load %arg5[%get3A_738, %get3A_739] {strides = array<i32>} : memref<16x128xf32, #tpu.memory_space<vmem>>, vector<16xf32>,
        %add3A_741 = arith.constant 1291 : i32
        %add3A_742 = vector.broadcast %add3A_741 : i32 to vector<16xi32>
        %add3A_743 = arith.addi %mul3A_11, %add3A_742 : vector<16xi32>
        tpu.vector_store_idx %arg7[%add3A_743], %get3A_740 : memref<2048xf32, #tpu.memory_space<vmem>>[vector<16xi32>], vector<16xf32>,
        %get3A_744 = arith.constant 11 : i32
        %get3A_745 = arith.index_cast %get3A_744 : i32 to index
        %get3A_746 = arith.constant 96 : index
        %get3A_747 = tpu.vector_load %arg5[%get3A_745, %get3A_746] {strides = array<i32>} : memref<16x128xf32, #tpu.memory_space<vmem>>, vector<16xf32>,
        %add3A_748 = arith.constant 1547 : i32
        %add3A_749 = vector.broadcast %add3A_748 : i32 to vector<16xi32>
        %add3A_750 = arith.addi %mul3A_11, %add3A_749 : vector<16xi32>
        tpu.vector_store_idx %arg7[%add3A_750], %get3A_747 : memref<2048xf32, #tpu.memory_space<vmem>>[vector<16xi32>], vector<16xf32>,
        %get3A_751 = arith.constant 11 : i32
        %get3A_752 = arith.index_cast %get3A_751 : i32 to index
        %get3A_753 = arith.constant 112 : index
        %get3A_754 = tpu.vector_load %arg5[%get3A_752, %get3A_753] {strides = array<i32>} : memref<16x128xf32, #tpu.memory_space<vmem>>, vector<16xf32>,
        %add3A_755 = arith.constant 1803 : i32
        %add3A_756 = vector.broadcast %add3A_755 : i32 to vector<16xi32>
        %add3A_757 = arith.addi %mul3A_11, %add3A_756 : vector<16xi32>
        tpu.vector_store_idx %arg7[%add3A_757], %get3A_754 : memref<2048xf32, #tpu.memory_space<vmem>>[vector<16xi32>], vector<16xf32>,
        %get3A_758 = arith.constant 12 : i32
        %get3A_759 = arith.index_cast %get3A_758 : i32 to index
        %get3A_760 = arith.constant 0 : index
        %get3A_761 = tpu.vector_load %arg5[%get3A_759, %get3A_760] {strides = array<i32>} : memref<16x128xf32, #tpu.memory_space<vmem>>, vector<16xf32>,
        %add3A_762 = arith.constant 12 : i32
        %add3A_763 = vector.broadcast %add3A_762 : i32 to vector<16xi32>
        %add3A_764 = arith.addi %mul3A_11, %add3A_763 : vector<16xi32>
        tpu.vector_store_idx %arg7[%add3A_764], %get3A_761 : memref<2048xf32, #tpu.memory_space<vmem>>[vector<16xi32>], vector<16xf32>,
        %get3A_765 = arith.constant 12 : i32
        %get3A_766 = arith.index_cast %get3A_765 : i32 to index
        %get3A_767 = arith.constant 16 : index
        %get3A_768 = tpu.vector_load %arg5[%get3A_766, %get3A_767] {strides = array<i32>} : memref<16x128xf32, #tpu.memory_space<vmem>>, vector<16xf32>,
        %add3A_769 = arith.constant 268 : i32
        %add3A_770 = vector.broadcast %add3A_769 : i32 to vector<16xi32>
        %add3A_771 = arith.addi %mul3A_11, %add3A_770 : vector<16xi32>
        tpu.vector_store_idx %arg7[%add3A_771], %get3A_768 : memref<2048xf32, #tpu.memory_space<vmem>>[vector<16xi32>], vector<16xf32>,
        %get3A_772 = arith.constant 12 : i32
        %get3A_773 = arith.index_cast %get3A_772 : i32 to index
        %get3A_774 = arith.constant 32 : index
        %get3A_775 = tpu.vector_load %arg5[%get3A_773, %get3A_774] {strides = array<i32>} : memref<16x128xf32, #tpu.memory_space<vmem>>, vector<16xf32>,
        %add3A_776 = arith.constant 524 : i32
        %add3A_777 = vector.broadcast %add3A_776 : i32 to vector<16xi32>
        %add3A_778 = arith.addi %mul3A_11, %add3A_777 : vector<16xi32>
        tpu.vector_store_idx %arg7[%add3A_778], %get3A_775 : memref<2048xf32, #tpu.memory_space<vmem>>[vector<16xi32>], vector<16xf32>,
        %get3A_779 = arith.constant 12 : i32
        %get3A_780 = arith.index_cast %get3A_779 : i32 to index
        %get3A_781 = arith.constant 48 : index
        %get3A_782 = tpu.vector_load %arg5[%get3A_780, %get3A_781] {strides = array<i32>} : memref<16x128xf32, #tpu.memory_space<vmem>>, vector<16xf32>,
        %add3A_783 = arith.constant 780 : i32
        %add3A_784 = vector.broadcast %add3A_783 : i32 to vector<16xi32>
        %add3A_785 = arith.addi %mul3A_11, %add3A_784 : vector<16xi32>
        tpu.vector_store_idx %arg7[%add3A_785], %get3A_782 : memref<2048xf32, #tpu.memory_space<vmem>>[vector<16xi32>], vector<16xf32>,
        %get3A_786 = arith.constant 12 : i32
        %get3A_787 = arith.index_cast %get3A_786 : i32 to index
        %get3A_788 = arith.constant 64 : index
        %get3A_789 = tpu.vector_load %arg5[%get3A_787, %get3A_788] {strides = array<i32>} : memref<16x128xf32, #tpu.memory_space<vmem>>, vector<16xf32>,
        %add3A_790 = arith.constant 1036 : i32
        %add3A_791 = vector.broadcast %add3A_790 : i32 to vector<16xi32>
        %add3A_792 = arith.addi %mul3A_11, %add3A_791 : vector<16xi32>
        tpu.vector_store_idx %arg7[%add3A_792], %get3A_789 : memref<2048xf32, #tpu.memory_space<vmem>>[vector<16xi32>], vector<16xf32>,
        %get3A_793 = arith.constant 12 : i32
        %get3A_794 = arith.index_cast %get3A_793 : i32 to index
        %get3A_795 = arith.constant 80 : index
        %get3A_796 = tpu.vector_load %arg5[%get3A_794, %get3A_795] {strides = array<i32>} : memref<16x128xf32, #tpu.memory_space<vmem>>, vector<16xf32>,
        %add3A_797 = arith.constant 1292 : i32
        %add3A_798 = vector.broadcast %add3A_797 : i32 to vector<16xi32>
        %add3A_799 = arith.addi %mul3A_11, %add3A_798 : vector<16xi32>
        tpu.vector_store_idx %arg7[%add3A_799], %get3A_796 : memref<2048xf32, #tpu.memory_space<vmem>>[vector<16xi32>], vector<16xf32>,
        %get3A_800 = arith.constant 12 : i32
        %get3A_801 = arith.index_cast %get3A_800 : i32 to index
        %get3A_802 = arith.constant 96 : index
        %get3A_803 = tpu.vector_load %arg5[%get3A_801, %get3A_802] {strides = array<i32>} : memref<16x128xf32, #tpu.memory_space<vmem>>, vector<16xf32>,
        %add3A_804 = arith.constant 1548 : i32
        %add3A_805 = vector.broadcast %add3A_804 : i32 to vector<16xi32>
        %add3A_806 = arith.addi %mul3A_11, %add3A_805 : vector<16xi32>
        tpu.vector_store_idx %arg7[%add3A_806], %get3A_803 : memref<2048xf32, #tpu.memory_space<vmem>>[vector<16xi32>], vector<16xf32>,
        %get3A_807 = arith.constant 12 : i32
        %get3A_808 = arith.index_cast %get3A_807 : i32 to index
        %get3A_809 = arith.constant 112 : index
        %get3A_810 = tpu.vector_load %arg5[%get3A_808, %get3A_809] {strides = array<i32>} : memref<16x128xf32, #tpu.memory_space<vmem>>, vector<16xf32>,
        %add3A_811 = arith.constant 1804 : i32
        %add3A_812 = vector.broadcast %add3A_811 : i32 to vector<16xi32>
        %add3A_813 = arith.addi %mul3A_11, %add3A_812 : vector<16xi32>
        tpu.vector_store_idx %arg7[%add3A_813], %get3A_810 : memref<2048xf32, #tpu.memory_space<vmem>>[vector<16xi32>], vector<16xf32>,
        %get3A_814 = arith.constant 13 : i32
        %get3A_815 = arith.index_cast %get3A_814 : i32 to index
        %get3A_816 = arith.constant 0 : index
        %get3A_817 = tpu.vector_load %arg5[%get3A_815, %get3A_816] {strides = array<i32>} : memref<16x128xf32, #tpu.memory_space<vmem>>, vector<16xf32>,
        %add3A_818 = arith.constant 13 : i32
        %add3A_819 = vector.broadcast %add3A_818 : i32 to vector<16xi32>
        %add3A_820 = arith.addi %mul3A_11, %add3A_819 : vector<16xi32>
        tpu.vector_store_idx %arg7[%add3A_820], %get3A_817 : memref<2048xf32, #tpu.memory_space<vmem>>[vector<16xi32>], vector<16xf32>,
        %get3A_821 = arith.constant 13 : i32
        %get3A_822 = arith.index_cast %get3A_821 : i32 to index
        %get3A_823 = arith.constant 16 : index
        %get3A_824 = tpu.vector_load %arg5[%get3A_822, %get3A_823] {strides = array<i32>} : memref<16x128xf32, #tpu.memory_space<vmem>>, vector<16xf32>,
        %add3A_825 = arith.constant 269 : i32
        %add3A_826 = vector.broadcast %add3A_825 : i32 to vector<16xi32>
        %add3A_827 = arith.addi %mul3A_11, %add3A_826 : vector<16xi32>
        tpu.vector_store_idx %arg7[%add3A_827], %get3A_824 : memref<2048xf32, #tpu.memory_space<vmem>>[vector<16xi32>], vector<16xf32>,
        %get3A_828 = arith.constant 13 : i32
        %get3A_829 = arith.index_cast %get3A_828 : i32 to index
        %get3A_830 = arith.constant 32 : index
        %get3A_831 = tpu.vector_load %arg5[%get3A_829, %get3A_830] {strides = array<i32>} : memref<16x128xf32, #tpu.memory_space<vmem>>, vector<16xf32>,
        %add3A_832 = arith.constant 525 : i32
        %add3A_833 = vector.broadcast %add3A_832 : i32 to vector<16xi32>
        %add3A_834 = arith.addi %mul3A_11, %add3A_833 : vector<16xi32>
        tpu.vector_store_idx %arg7[%add3A_834], %get3A_831 : memref<2048xf32, #tpu.memory_space<vmem>>[vector<16xi32>], vector<16xf32>,
        %get3A_835 = arith.constant 13 : i32
        %get3A_836 = arith.index_cast %get3A_835 : i32 to index
        %get3A_837 = arith.constant 48 : index
        %get3A_838 = tpu.vector_load %arg5[%get3A_836, %get3A_837] {strides = array<i32>} : memref<16x128xf32, #tpu.memory_space<vmem>>, vector<16xf32>,
        %add3A_839 = arith.constant 781 : i32
        %add3A_840 = vector.broadcast %add3A_839 : i32 to vector<16xi32>
        %add3A_841 = arith.addi %mul3A_11, %add3A_840 : vector<16xi32>
        tpu.vector_store_idx %arg7[%add3A_841], %get3A_838 : memref<2048xf32, #tpu.memory_space<vmem>>[vector<16xi32>], vector<16xf32>,
        %get3A_842 = arith.constant 13 : i32
        %get3A_843 = arith.index_cast %get3A_842 : i32 to index
        %get3A_844 = arith.constant 64 : index
        %get3A_845 = tpu.vector_load %arg5[%get3A_843, %get3A_844] {strides = array<i32>} : memref<16x128xf32, #tpu.memory_space<vmem>>, vector<16xf32>,
        %add3A_846 = arith.constant 1037 : i32
        %add3A_847 = vector.broadcast %add3A_846 : i32 to vector<16xi32>
        %add3A_848 = arith.addi %mul3A_11, %add3A_847 : vector<16xi32>
        tpu.vector_store_idx %arg7[%add3A_848], %get3A_845 : memref<2048xf32, #tpu.memory_space<vmem>>[vector<16xi32>], vector<16xf32>,
        %get3A_849 = arith.constant 13 : i32
        %get3A_850 = arith.index_cast %get3A_849 : i32 to index
        %get3A_851 = arith.constant 80 : index
        %get3A_852 = tpu.vector_load %arg5[%get3A_850, %get3A_851] {strides = array<i32>} : memref<16x128xf32, #tpu.memory_space<vmem>>, vector<16xf32>,
        %add3A_853 = arith.constant 1293 : i32
        %add3A_854 = vector.broadcast %add3A_853 : i32 to vector<16xi32>
        %add3A_855 = arith.addi %mul3A_11, %add3A_854 : vector<16xi32>
        tpu.vector_store_idx %arg7[%add3A_855], %get3A_852 : memref<2048xf32, #tpu.memory_space<vmem>>[vector<16xi32>], vector<16xf32>,
        %get3A_856 = arith.constant 13 : i32
        %get3A_857 = arith.index_cast %get3A_856 : i32 to index
        %get3A_858 = arith.constant 96 : index
        %get3A_859 = tpu.vector_load %arg5[%get3A_857, %get3A_858] {strides = array<i32>} : memref<16x128xf32, #tpu.memory_space<vmem>>, vector<16xf32>,
        %add3A_860 = arith.constant 1549 : i32
        %add3A_861 = vector.broadcast %add3A_860 : i32 to vector<16xi32>
        %add3A_862 = arith.addi %mul3A_11, %add3A_861 : vector<16xi32>
        tpu.vector_store_idx %arg7[%add3A_862], %get3A_859 : memref<2048xf32, #tpu.memory_space<vmem>>[vector<16xi32>], vector<16xf32>,
        %get3A_863 = arith.constant 13 : i32
        %get3A_864 = arith.index_cast %get3A_863 : i32 to index
        %get3A_865 = arith.constant 112 : index
        %get3A_866 = tpu.vector_load %arg5[%get3A_864, %get3A_865] {strides = array<i32>} : memref<16x128xf32, #tpu.memory_space<vmem>>, vector<16xf32>,
        %add3A_867 = arith.constant 1805 : i32
        %add3A_868 = vector.broadcast %add3A_867 : i32 to vector<16xi32>
        %add3A_869 = arith.addi %mul3A_11, %add3A_868 : vector<16xi32>
        tpu.vector_store_idx %arg7[%add3A_869], %get3A_866 : memref<2048xf32, #tpu.memory_space<vmem>>[vector<16xi32>], vector<16xf32>,
        %get3A_870 = arith.constant 14 : i32
        %get3A_871 = arith.index_cast %get3A_870 : i32 to index
        %get3A_872 = arith.constant 0 : index
        %get3A_873 = tpu.vector_load %arg5[%get3A_871, %get3A_872] {strides = array<i32>} : memref<16x128xf32, #tpu.memory_space<vmem>>, vector<16xf32>,
        %add3A_874 = arith.constant 14 : i32
        %add3A_875 = vector.broadcast %add3A_874 : i32 to vector<16xi32>
        %add3A_876 = arith.addi %mul3A_11, %add3A_875 : vector<16xi32>
        tpu.vector_store_idx %arg7[%add3A_876], %get3A_873 : memref<2048xf32, #tpu.memory_space<vmem>>[vector<16xi32>], vector<16xf32>,
        %get3A_877 = arith.constant 14 : i32
        %get3A_878 = arith.index_cast %get3A_877 : i32 to index
        %get3A_879 = arith.constant 16 : index
        %get3A_880 = tpu.vector_load %arg5[%get3A_878, %get3A_879] {strides = array<i32>} : memref<16x128xf32, #tpu.memory_space<vmem>>, vector<16xf32>,
        %add3A_881 = arith.constant 270 : i32
        %add3A_882 = vector.broadcast %add3A_881 : i32 to vector<16xi32>
        %add3A_883 = arith.addi %mul3A_11, %add3A_882 : vector<16xi32>
        tpu.vector_store_idx %arg7[%add3A_883], %get3A_880 : memref<2048xf32, #tpu.memory_space<vmem>>[vector<16xi32>], vector<16xf32>,
        %get3A_884 = arith.constant 14 : i32
        %get3A_885 = arith.index_cast %get3A_884 : i32 to index
        %get3A_886 = arith.constant 32 : index
        %get3A_887 = tpu.vector_load %arg5[%get3A_885, %get3A_886] {strides = array<i32>} : memref<16x128xf32, #tpu.memory_space<vmem>>, vector<16xf32>,
        %add3A_888 = arith.constant 526 : i32
        %add3A_889 = vector.broadcast %add3A_888 : i32 to vector<16xi32>
        %add3A_890 = arith.addi %mul3A_11, %add3A_889 : vector<16xi32>
        tpu.vector_store_idx %arg7[%add3A_890], %get3A_887 : memref<2048xf32, #tpu.memory_space<vmem>>[vector<16xi32>], vector<16xf32>,
        %get3A_891 = arith.constant 14 : i32
        %get3A_892 = arith.index_cast %get3A_891 : i32 to index
        %get3A_893 = arith.constant 48 : index
        %get3A_894 = tpu.vector_load %arg5[%get3A_892, %get3A_893] {strides = array<i32>} : memref<16x128xf32, #tpu.memory_space<vmem>>, vector<16xf32>,
        %add3A_895 = arith.constant 782 : i32
        %add3A_896 = vector.broadcast %add3A_895 : i32 to vector<16xi32>
        %add3A_897 = arith.addi %mul3A_11, %add3A_896 : vector<16xi32>
        tpu.vector_store_idx %arg7[%add3A_897], %get3A_894 : memref<2048xf32, #tpu.memory_space<vmem>>[vector<16xi32>], vector<16xf32>,
        %get3A_898 = arith.constant 14 : i32
        %get3A_899 = arith.index_cast %get3A_898 : i32 to index
        %get3A_900 = arith.constant 64 : index
        %get3A_901 = tpu.vector_load %arg5[%get3A_899, %get3A_900] {strides = array<i32>} : memref<16x128xf32, #tpu.memory_space<vmem>>, vector<16xf32>,
        %add3A_902 = arith.constant 1038 : i32
        %add3A_903 = vector.broadcast %add3A_902 : i32 to vector<16xi32>
        %add3A_904 = arith.addi %mul3A_11, %add3A_903 : vector<16xi32>
        tpu.vector_store_idx %arg7[%add3A_904], %get3A_901 : memref<2048xf32, #tpu.memory_space<vmem>>[vector<16xi32>], vector<16xf32>,
        %get3A_905 = arith.constant 14 : i32
        %get3A_906 = arith.index_cast %get3A_905 : i32 to index
        %get3A_907 = arith.constant 80 : index
        %get3A_908 = tpu.vector_load %arg5[%get3A_906, %get3A_907] {strides = array<i32>} : memref<16x128xf32, #tpu.memory_space<vmem>>, vector<16xf32>,
        %add3A_909 = arith.constant 1294 : i32
        %add3A_910 = vector.broadcast %add3A_909 : i32 to vector<16xi32>
        %add3A_911 = arith.addi %mul3A_11, %add3A_910 : vector<16xi32>
        tpu.vector_store_idx %arg7[%add3A_911], %get3A_908 : memref<2048xf32, #tpu.memory_space<vmem>>[vector<16xi32>], vector<16xf32>,
        %get3A_912 = arith.constant 14 : i32
        %get3A_913 = arith.index_cast %get3A_912 : i32 to index
        %get3A_914 = arith.constant 96 : index
        %get3A_915 = tpu.vector_load %arg5[%get3A_913, %get3A_914] {strides = array<i32>} : memref<16x128xf32, #tpu.memory_space<vmem>>, vector<16xf32>,
        %add3A_916 = arith.constant 1550 : i32
        %add3A_917 = vector.broadcast %add3A_916 : i32 to vector<16xi32>
        %add3A_918 = arith.addi %mul3A_11, %add3A_917 : vector<16xi32>
        tpu.vector_store_idx %arg7[%add3A_918], %get3A_915 : memref<2048xf32, #tpu.memory_space<vmem>>[vector<16xi32>], vector<16xf32>,
        %get3A_919 = arith.constant 14 : i32
        %get3A_920 = arith.index_cast %get3A_919 : i32 to index
        %get3A_921 = arith.constant 112 : index
        %get3A_922 = tpu.vector_load %arg5[%get3A_920, %get3A_921] {strides = array<i32>} : memref<16x128xf32, #tpu.memory_space<vmem>>, vector<16xf32>,
        %add3A_923 = arith.constant 1806 : i32
        %add3A_924 = vector.broadcast %add3A_923 : i32 to vector<16xi32>
        %add3A_925 = arith.addi %mul3A_11, %add3A_924 : vector<16xi32>
        tpu.vector_store_idx %arg7[%add3A_925], %get3A_922 : memref<2048xf32, #tpu.memory_space<vmem>>[vector<16xi32>], vector<16xf32>,
        %get3A_926 = arith.constant 15 : i32
        %get3A_927 = arith.index_cast %get3A_926 : i32 to index
        %get3A_928 = arith.constant 0 : index
        %get3A_929 = tpu.vector_load %arg5[%get3A_927, %get3A_928] {strides = array<i32>} : memref<16x128xf32, #tpu.memory_space<vmem>>, vector<16xf32>,
        %add3A_930 = arith.constant 15 : i32
        %add3A_931 = vector.broadcast %add3A_930 : i32 to vector<16xi32>
        %add3A_932 = arith.addi %mul3A_11, %add3A_931 : vector<16xi32>
        tpu.vector_store_idx %arg7[%add3A_932], %get3A_929 : memref<2048xf32, #tpu.memory_space<vmem>>[vector<16xi32>], vector<16xf32>,
        %get3A_933 = arith.constant 15 : i32
        %get3A_934 = arith.index_cast %get3A_933 : i32 to index
        %get3A_935 = arith.constant 16 : index
        %get3A_936 = tpu.vector_load %arg5[%get3A_934, %get3A_935] {strides = array<i32>} : memref<16x128xf32, #tpu.memory_space<vmem>>, vector<16xf32>,
        %add3A_937 = arith.constant 271 : i32
        %add3A_938 = vector.broadcast %add3A_937 : i32 to vector<16xi32>
        %add3A_939 = arith.addi %mul3A_11, %add3A_938 : vector<16xi32>
        tpu.vector_store_idx %arg7[%add3A_939], %get3A_936 : memref<2048xf32, #tpu.memory_space<vmem>>[vector<16xi32>], vector<16xf32>,
        %get3A_940 = arith.constant 15 : i32
        %get3A_941 = arith.index_cast %get3A_940 : i32 to index
        %get3A_942 = arith.constant 32 : index
        %get3A_943 = tpu.vector_load %arg5[%get3A_941, %get3A_942] {strides = array<i32>} : memref<16x128xf32, #tpu.memory_space<vmem>>, vector<16xf32>,
        %add3A_944 = arith.constant 527 : i32
        %add3A_945 = vector.broadcast %add3A_944 : i32 to vector<16xi32>
        %add3A_946 = arith.addi %mul3A_11, %add3A_945 : vector<16xi32>
        tpu.vector_store_idx %arg7[%add3A_946], %get3A_943 : memref<2048xf32, #tpu.memory_space<vmem>>[vector<16xi32>], vector<16xf32>,
        %get3A_947 = arith.constant 15 : i32
        %get3A_948 = arith.index_cast %get3A_947 : i32 to index
        %get3A_949 = arith.constant 48 : index
        %get3A_950 = tpu.vector_load %arg5[%get3A_948, %get3A_949] {strides = array<i32>} : memref<16x128xf32, #tpu.memory_space<vmem>>, vector<16xf32>,
        %add3A_951 = arith.constant 783 : i32
        %add3A_952 = vector.broadcast %add3A_951 : i32 to vector<16xi32>
        %add3A_953 = arith.addi %mul3A_11, %add3A_952 : vector<16xi32>
        tpu.vector_store_idx %arg7[%add3A_953], %get3A_950 : memref<2048xf32, #tpu.memory_space<vmem>>[vector<16xi32>], vector<16xf32>,
        %get3A_954 = arith.constant 15 : i32
        %get3A_955 = arith.index_cast %get3A_954 : i32 to index
        %get3A_956 = arith.constant 64 : index
        %get3A_957 = tpu.vector_load %arg5[%get3A_955, %get3A_956] {strides = array<i32>} : memref<16x128xf32, #tpu.memory_space<vmem>>, vector<16xf32>,
        %add3A_958 = arith.constant 1039 : i32
        %add3A_959 = vector.broadcast %add3A_958 : i32 to vector<16xi32>
        %add3A_960 = arith.addi %mul3A_11, %add3A_959 : vector<16xi32>
        tpu.vector_store_idx %arg7[%add3A_960], %get3A_957 : memref<2048xf32, #tpu.memory_space<vmem>>[vector<16xi32>], vector<16xf32>,
        %get3A_961 = arith.constant 15 : i32
        %get3A_962 = arith.index_cast %get3A_961 : i32 to index
        %get3A_963 = arith.constant 80 : index
        %get3A_964 = tpu.vector_load %arg5[%get3A_962, %get3A_963] {strides = array<i32>} : memref<16x128xf32, #tpu.memory_space<vmem>>, vector<16xf32>,
        %add3A_965 = arith.constant 1295 : i32
        %add3A_966 = vector.broadcast %add3A_965 : i32 to vector<16xi32>
        %add3A_967 = arith.addi %mul3A_11, %add3A_966 : vector<16xi32>
        tpu.vector_store_idx %arg7[%add3A_967], %get3A_964 : memref<2048xf32, #tpu.memory_space<vmem>>[vector<16xi32>], vector<16xf32>,
        %get3A_968 = arith.constant 15 : i32
        %get3A_969 = arith.index_cast %get3A_968 : i32 to index
        %get3A_970 = arith.constant 96 : index
        %get3A_971 = tpu.vector_load %arg5[%get3A_969, %get3A_970] {strides = array<i32>} : memref<16x128xf32, #tpu.memory_space<vmem>>, vector<16xf32>,
        %add3A_972 = arith.constant 1551 : i32
        %add3A_973 = vector.broadcast %add3A_972 : i32 to vector<16xi32>
        %add3A_974 = arith.addi %mul3A_11, %add3A_973 : vector<16xi32>
        tpu.vector_store_idx %arg7[%add3A_974], %get3A_971 : memref<2048xf32, #tpu.memory_space<vmem>>[vector<16xi32>], vector<16xf32>,
        %get3A_975 = arith.constant 15 : i32
        %get3A_976 = arith.index_cast %get3A_975 : i32 to index
        %get3A_977 = arith.constant 112 : index
        %get3A_978 = tpu.vector_load %arg5[%get3A_976, %get3A_977] {strides = array<i32>} : memref<16x128xf32, #tpu.memory_space<vmem>>, vector<16xf32>,
        %add3A_979 = arith.constant 1807 : i32
        %add3A_980 = vector.broadcast %add3A_979 : i32 to vector<16xi32>
        %add3A_981 = arith.addi %mul3A_11, %add3A_980 : vector<16xi32>
        tpu.vector_store_idx %arg7[%add3A_981], %get3A_978 : memref<2048xf32, #tpu.memory_space<vmem>>[vector<16xi32>], vector<16xf32>,
        %add3A_982 = arith.addi %add3A_4, %while3A_65 : i32
        %mul3A_983 = arith.constant 2048 : i32
        %mul3A_984 = arith.muli %add3A_982, %mul3A_983 : i32
        %dma_start3A_985 = tpu.memref_slice %arg3[%mul3A_984] : memref<32000000xf32, #tpu.memory_space<hbm>> -> memref<2048xf32, #tpu.memory_space<hbm>>
        %dma_start3A_986 = tpu.memref_slice %arg3[%mul3A_984] : memref<32000000xf32, #tpu.memory_space<hbm>> -> memref<2048xf32, #tpu.memory_space<hbm>>
        tpu.enqueue_dma source(%arg7 : memref<2048xf32, #tpu.memory_space<vmem>>) target(%dma_start3A_986 : memref<2048xf32, #tpu.memory_space<hbm>>) target_semaphore(%arg11 : memref<!tpu.dma_semaphore, #tpu.memory_space<semaphore_mem>>)
        %add3A_987 = arith.constant 2 : i32
        %add3A_988 = arith.addi %while3A_65, %add3A_987 : i32
        %lt3A_989 = arith.cmpi slt, %add3A_988, %add3A_8 : i32
        %convert_element_type3A_990 = arith.extui %lt3A_989 : i1 to i32
        %cond3A_991 = arith.constant 0 : i32
        %cond3A_992 = arith.cmpi ne, %convert_element_type3A_990, %cond3A_991 : i32
        scf.if %cond3A_992 {
          %add3A_993 = arith.constant 2 : i32
          %add3A_994 = arith.addi %while3A_65, %add3A_993 : i32
          %add3A_995 = arith.constant 9375 : i32
          %add3A_996 = arith.addi %add3A_995, %add3A_4 : i32
          %add3A_997 = arith.addi %add3A_996, %add3A_994 : i32
          %mul3A_998 = arith.constant 128 : i32
          %mul3A_999 = arith.muli %add3A_997, %mul3A_998 : i32
          %dma_start3A_1000 = arith.constant 0 : i32
          %dma_start3A_1001 = tpu.memref_slice %arg2[%dma_start3A_1000, %mul3A_999] : memref<16x3200000xf32, #tpu.memory_space<hbm>> -> memref<16x128xf32, #tpu.memory_space<hbm>>
          %dma_start3A_1002 = arith.constant 0 : i32
          %dma_start3A_1003 = tpu.memref_slice %arg2[%dma_start3A_1002, %mul3A_999] : memref<16x3200000xf32, #tpu.memory_space<hbm>> -> memref<16x128xf32, #tpu.memory_space<hbm>>
          tpu.enqueue_dma source(%dma_start3A_1003 : memref<16x128xf32, #tpu.memory_space<hbm>>) target(%arg5 : memref<16x128xf32, #tpu.memory_space<vmem>>) target_semaphore(%arg9 : memref<!tpu.dma_semaphore, #tpu.memory_space<semaphore_mem>>)
        } else {
        }
      } else {
      }
    }
    %sub3A = arith.constant 1 : i32
    %sub3A_32 = arith.subi %add3A_8, %sub3A : i32
    %rem3A = arith.constant 2 : i32
    %rem3A_33 = arith.remsi %sub3A_32, %rem3A : i32
    %eq3A = arith.constant 0 : i32
    %eq3A_34 = arith.cmpi eq, %rem3A_33, %eq3A : i32
    %convert_element_type3A_35 = arith.extui %eq3A_34 : i1 to i32
    %cond3A_36 = arith.constant 0 : i32
    %cond3A_37 = arith.cmpi ne, %convert_element_type3A_35, %cond3A_36 : i32
    scf.if %cond3A_37 {
      %dma_wait3A = arith.constant 0 : i32
      %dma_wait3A_65 = tpu.memref_slice %arg3[%dma_wait3A] : memref<32000000xf32, #tpu.memory_space<hbm>> -> memref<2048xf32, #tpu.memory_space<hbm>>
      %dma_wait3A_66 = arith.constant 0 : i32
      %dma_wait3A_67 = tpu.memref_slice %arg3[%dma_wait3A_66] : memref<32000000xf32, #tpu.memory_space<hbm>> -> memref<2048xf32, #tpu.memory_space<hbm>>
      tpu.wait_dma2 semaphore(%arg10 : memref<!tpu.dma_semaphore, #tpu.memory_space<semaphore_mem>>) src(%arg6 : memref<2048xf32, #tpu.memory_space<vmem>>) dst(%dma_wait3A_67 : memref<2048xf32, #tpu.memory_space<hbm>>)
    } else {
    }
    %sub3A_38 = arith.constant 2 : i32
    %sub3A_39 = arith.subi %add3A_8, %sub3A_38 : i32
    %rem3A_40 = arith.constant 2 : i32
    %rem3A_41 = arith.remsi %sub3A_39, %rem3A_40 : i32
    %eq3A_42 = arith.constant 0 : i32
    %eq3A_43 = arith.cmpi eq, %rem3A_41, %eq3A_42 : i32
    %convert_element_type3A_44 = arith.extui %eq3A_43 : i1 to i32
    %cond3A_45 = arith.constant 0 : i32
    %cond3A_46 = arith.cmpi ne, %convert_element_type3A_44, %cond3A_45 : i32
    scf.if %cond3A_46 {
      %dma_wait3A = arith.constant 0 : i32
      %dma_wait3A_65 = tpu.memref_slice %arg3[%dma_wait3A] : memref<32000000xf32, #tpu.memory_space<hbm>> -> memref<2048xf32, #tpu.memory_space<hbm>>
      %dma_wait3A_66 = arith.constant 0 : i32
      %dma_wait3A_67 = tpu.memref_slice %arg3[%dma_wait3A_66] : memref<32000000xf32, #tpu.memory_space<hbm>> -> memref<2048xf32, #tpu.memory_space<hbm>>
      tpu.wait_dma2 semaphore(%arg10 : memref<!tpu.dma_semaphore, #tpu.memory_space<semaphore_mem>>) src(%arg6 : memref<2048xf32, #tpu.memory_space<vmem>>) dst(%dma_wait3A_67 : memref<2048xf32, #tpu.memory_space<hbm>>)
    } else {
    }
    %sub3A_47 = arith.constant 1 : i32
    %sub3A_48 = arith.subi %add3A_8, %sub3A_47 : i32
    %rem3A_49 = arith.constant 2 : i32
    %rem3A_50 = arith.remsi %sub3A_48, %rem3A_49 : i32
    %eq3A_51 = arith.constant 1 : i32
    %eq3A_52 = arith.cmpi eq, %rem3A_50, %eq3A_51 : i32
    %convert_element_type3A_53 = arith.extui %eq3A_52 : i1 to i32
    %cond3A_54 = arith.constant 0 : i32
    %cond3A_55 = arith.cmpi ne, %convert_element_type3A_53, %cond3A_54 : i32
    scf.if %cond3A_55 {
      %dma_wait3A = arith.constant 0 : i32
      %dma_wait3A_65 = tpu.memref_slice %arg3[%dma_wait3A] : memref<32000000xf32, #tpu.memory_space<hbm>> -> memref<2048xf32, #tpu.memory_space<hbm>>
      %dma_wait3A_66 = arith.constant 0 : i32
      %dma_wait3A_67 = tpu.memref_slice %arg3[%dma_wait3A_66] : memref<32000000xf32, #tpu.memory_space<hbm>> -> memref<2048xf32, #tpu.memory_space<hbm>>
      tpu.wait_dma2 semaphore(%arg11 : memref<!tpu.dma_semaphore, #tpu.memory_space<semaphore_mem>>) src(%arg7 : memref<2048xf32, #tpu.memory_space<vmem>>) dst(%dma_wait3A_67 : memref<2048xf32, #tpu.memory_space<hbm>>)
    } else {
    }
    %sub3A_56 = arith.constant 2 : i32
    %sub3A_57 = arith.subi %add3A_8, %sub3A_56 : i32
    %rem3A_58 = arith.constant 2 : i32
    %rem3A_59 = arith.remsi %sub3A_57, %rem3A_58 : i32
    %eq3A_60 = arith.constant 1 : i32
    %eq3A_61 = arith.cmpi eq, %rem3A_59, %eq3A_60 : i32
    %convert_element_type3A_62 = arith.extui %eq3A_61 : i1 to i32
    %cond3A_63 = arith.constant 0 : i32
    %cond3A_64 = arith.cmpi ne, %convert_element_type3A_62, %cond3A_63 : i32
    scf.if %cond3A_64 {
      %dma_wait3A = arith.constant 0 : i32
      %dma_wait3A_65 = tpu.memref_slice %arg3[%dma_wait3A] : memref<32000000xf32, #tpu.memory_space<hbm>> -> memref<2048xf32, #tpu.memory_space<hbm>>
      %dma_wait3A_66 = arith.constant 0 : i32
      %dma_wait3A_67 = tpu.memref_slice %arg3[%dma_wait3A_66] : memref<32000000xf32, #tpu.memory_space<hbm>> -> memref<2048xf32, #tpu.memory_space<hbm>>
      tpu.wait_dma2 semaphore(%arg11 : memref<!tpu.dma_semaphore, #tpu.memory_space<semaphore_mem>>) src(%arg7 : memref<2048xf32, #tpu.memory_space<vmem>>) dst(%dma_wait3A_67 : memref<2048xf32, #tpu.memory_space<hbm>>)
    } else {
    }
    return
  }
}

module attributes {stable_mosaic.version = 14 : i64} {
  func.func @tr(%arg0: i32, %arg1: memref<16x9600xf32, #tpu.memory_space<vmem>>, %arg2: memref<1200x128xf32, #tpu.memory_space<vmem>>) attributes {dimension_semantics = [#tpu.dimension_semantics<arbitrary>], iteration_bounds = array<i64: 125>, scalar_prefetch = 0 : i64, scratch_operands = 0 : i64, tpu.core_type = #tpu.core_type<tc>, window_params = [{transform_indices = @transform_0, window_bounds = array<i64: 16, 9600>}, {transform_indices = @transform_1, window_bounds = array<i64: 1200, 128>}]} {
    %get3A = arith.constant 0 : index
    %get3A_0 = arith.constant 0 : index
    %get3A_1 = vector.load %arg1[%get3A, %get3A_0] : memref<16x9600xf32, #tpu.memory_space<vmem>>, vector<16x9600xf32>
    %transpose3A = tpu.transpose %get3A_1, [1, 0] : vector<16x9600xf32> -> vector<9600x16xf32>
    %reshape3A = vector.shape_cast %transpose3A : vector<9600x16xf32> to vector<1200x8x16xf32>
    %slice3A = vector.extract_strided_slice %reshape3A {offsets = [0, 0, 0], sizes = [1200, 1, 16], strides = [1, 1, 1]} : vector<1200x8x16xf32> to vector<1200x1x16xf32>
    %squeeze3A = vector.shape_cast %slice3A : vector<1200x1x16xf32> to vector<1200x16xf32>
    %slice3A_2 = vector.extract_strided_slice %reshape3A {offsets = [0, 1, 0], sizes = [1200, 1, 16], strides = [1, 1, 1]} : vector<1200x8x16xf32> to vector<1200x1x16xf32>
    %squeeze3A_3 = vector.shape_cast %slice3A_2 : vector<1200x1x16xf32> to vector<1200x16xf32>
    %slice3A_4 = vector.extract_strided_slice %reshape3A {offsets = [0, 2, 0], sizes = [1200, 1, 16], strides = [1, 1, 1]} : vector<1200x8x16xf32> to vector<1200x1x16xf32>
    %squeeze3A_5 = vector.shape_cast %slice3A_4 : vector<1200x1x16xf32> to vector<1200x16xf32>
    %slice3A_6 = vector.extract_strided_slice %reshape3A {offsets = [0, 3, 0], sizes = [1200, 1, 16], strides = [1, 1, 1]} : vector<1200x8x16xf32> to vector<1200x1x16xf32>
    %squeeze3A_7 = vector.shape_cast %slice3A_6 : vector<1200x1x16xf32> to vector<1200x16xf32>
    %slice3A_8 = vector.extract_strided_slice %reshape3A {offsets = [0, 4, 0], sizes = [1200, 1, 16], strides = [1, 1, 1]} : vector<1200x8x16xf32> to vector<1200x1x16xf32>
    %squeeze3A_9 = vector.shape_cast %slice3A_8 : vector<1200x1x16xf32> to vector<1200x16xf32>
    %slice3A_10 = vector.extract_strided_slice %reshape3A {offsets = [0, 5, 0], sizes = [1200, 1, 16], strides = [1, 1, 1]} : vector<1200x8x16xf32> to vector<1200x1x16xf32>
    %squeeze3A_11 = vector.shape_cast %slice3A_10 : vector<1200x1x16xf32> to vector<1200x16xf32>
    %slice3A_12 = vector.extract_strided_slice %reshape3A {offsets = [0, 6, 0], sizes = [1200, 1, 16], strides = [1, 1, 1]} : vector<1200x8x16xf32> to vector<1200x1x16xf32>
    %squeeze3A_13 = vector.shape_cast %slice3A_12 : vector<1200x1x16xf32> to vector<1200x16xf32>
    %slice3A_14 = vector.extract_strided_slice %reshape3A {offsets = [0, 7, 0], sizes = [1200, 1, 16], strides = [1, 1, 1]} : vector<1200x8x16xf32> to vector<1200x1x16xf32>
    %squeeze3A_15 = vector.shape_cast %slice3A_14 : vector<1200x1x16xf32> to vector<1200x16xf32>
    %concatenate3A = tpu.concatenate %squeeze3A, %squeeze3A_3, %squeeze3A_5, %squeeze3A_7, %squeeze3A_9, %squeeze3A_11, %squeeze3A_13, %squeeze3A_15 in 1 : vector<1200x16xf32>, vector<1200x16xf32>, vector<1200x16xf32>, vector<1200x16xf32>, vector<1200x16xf32>, vector<1200x16xf32>, vector<1200x16xf32>, vector<1200x16xf32> -> vector<1200x128xf32>
    %swap3A = arith.constant 0 : index
    %swap3A_16 = arith.constant 0 : index
    %swap3A_17 = vector.load %arg2[%swap3A, %swap3A_16] : memref<1200x128xf32, #tpu.memory_space<vmem>>, vector<1200x128xf32>
    tpu.vector_store %arg2[%swap3A, %swap3A_16], %concatenate3A {strides = array<i32>} : memref<1200x128xf32, #tpu.memory_space<vmem>>, vector<1200x128xf32>,
    return
  }
  func.func @transform_0(%arg0: i32) -> (i32, i32) {
    %c0_i32 = arith.constant 0 : i32
    %c0_i32_0 = arith.constant 0 : i32
    return %c0_i32, %arg0 : i32, i32
  }
  func.func @transform_1(%arg0: i32) -> (i32, i32) {
    %c0_i32 = arith.constant 0 : i32
    %c0_i32_0 = arith.constant 0 : i32
    return %arg0, %c0_i32 : i32, i32
  }
}

module attributes {stable_mosaic.version = 14 : i64} {
  func.func @mm(%arg0: i32, %arg1: memref<1x4000x16xf32, #tpu.memory_space<vmem>>, %arg2: memref<1x4000x16xf32, #tpu.memory_space<vmem>>, %arg3: memref<4000x128xf32, #tpu.memory_space<vmem>>, %arg4: memref<1x32xf32, #tpu.memory_space<vmem>>, %arg5: memref<16x128xf32, #tpu.memory_space<vmem>>, %arg6: memref<16x128xf32, #tpu.memory_space<vmem>>, %arg7: memref<128x128xf32, #tpu.memory_space<vmem>>, %arg8: memref<32x128xf32, #tpu.memory_space<vmem>>, %arg9: memref<1x128xf32, #tpu.memory_space<vmem>>, %arg10: memref<4000x128xf32, #tpu.memory_space<vmem>>) attributes {dimension_semantics = [#tpu.dimension_semantics<arbitrary>], iteration_bounds = array<i64: 25>, scalar_prefetch = 0 : i64, scratch_operands = 0 : i64, tpu.core_type = #tpu.core_type<tc>, window_params = [{transform_indices = @transform_0, window_bounds = array<i64: 1, 4000, 16>}, {transform_indices = @transform_1, window_bounds = array<i64: 1, 4000, 16>}, {transform_indices = @transform_2, window_bounds = array<i64: 4000, 128>}, {pipeline_mode = #tpu.pipeline_mode<synchronous>, transform_indices = @transform_3, window_bounds = array<i64: 1, 32>}, {pipeline_mode = #tpu.pipeline_mode<synchronous>, transform_indices = @transform_4, window_bounds = array<i64: 16, 128>}, {pipeline_mode = #tpu.pipeline_mode<synchronous>, transform_indices = @transform_5, window_bounds = array<i64: 16, 128>}, {pipeline_mode = #tpu.pipeline_mode<synchronous>, transform_indices = @transform_6, window_bounds = array<i64: 128, 128>}, {pipeline_mode = #tpu.pipeline_mode<synchronous>, transform_indices = @transform_7, window_bounds = array<i64: 32, 128>}, {pipeline_mode = #tpu.pipeline_mode<synchronous>, transform_indices = @transform_8, window_bounds = array<i64: 1, 128>}, {transform_indices = @transform_9, window_bounds = array<i64: 4000, 128>}]} {
    %get3A = arith.constant 0 : index
    %get3A_0 = arith.constant 0 : index
    %get3A_1 = vector.load %arg4[%get3A, %get3A_0] : memref<1x32xf32, #tpu.memory_space<vmem>>, vector<1x32xf32>
    %get3A_2 = arith.constant 0 : index
    %get3A_3 = arith.constant 0 : index
    %get3A_4 = vector.load %arg8[%get3A_2, %get3A_3] : memref<32x128xf32, #tpu.memory_space<vmem>>, vector<32x128xf32>
    %dot_general3A = arith.constant dense<0.000000e+00> : vector<1x128xf32>
    %dot_general3A_5 = tpu.matmul %get3A_1, %get3A_4, %dot_general3A {dimension_numbers = #tpu.dot_dimension_numbers<[1], [0], [0], [1], [0, 0, 1, 1], [], []>, transpose_lhs_hint = false} : vector<1x32xf32>, vector<32x128xf32>, vector<1x128xf32> -> vector<1x128xf32>
    %get3A_6 = arith.constant 0 : index
    %get3A_7 = arith.constant 0 : index
    %get3A_8 = vector.load %arg9[%get3A_6, %get3A_7] : memref<1x128xf32, #tpu.memory_space<vmem>>, vector<1x128xf32>
    %add3A = arith.addf %dot_general3A_5, %get3A_8 : vector<1x128xf32>
    %get3A_9 = arith.constant 0 : index
    %get3A_10 = arith.constant 0 : index
    %get3A_11 = vector.load %arg3[%get3A_9, %get3A_10] : memref<4000x128xf32, #tpu.memory_space<vmem>>, vector<4000x128xf32>
    %get3A_12 = arith.constant 0 : index
    %get3A_13 = arith.constant 0 : index
    %get3A_14 = vector.load %arg7[%get3A_12, %get3A_13] : memref<128x128xf32, #tpu.memory_space<vmem>>, vector<128x128xf32>
    %dot_general3A_15 = arith.constant dense<0.000000e+00> : vector<4000x128xf32>
    %dot_general3A_16 = tpu.matmul %get3A_11, %get3A_14, %dot_general3A_15 {dimension_numbers = #tpu.dot_dimension_numbers<[1], [0], [0], [1], [0, 0, 1, 1], [], []>, transpose_lhs_hint = false} : vector<4000x128xf32>, vector<128x128xf32>, vector<4000x128xf32> -> vector<4000x128xf32>
    %get3A_17 = arith.constant 0 : index
    %get3A_18 = arith.constant 0 : index
    %get3A_19 = arith.constant 0 : index
    %get3A_20 = vector.load %arg1[%get3A_17, %get3A_18, %get3A_19] : memref<1x4000x16xf32, #tpu.memory_space<vmem>>, vector<1x4000x16xf32>
    %get3A_21 = vector.shape_cast %get3A_20 : vector<1x4000x16xf32> to vector<4000x16xf32>
    %get3A_22 = arith.constant 0 : index
    %get3A_23 = arith.constant 0 : index
    %get3A_24 = vector.load %arg5[%get3A_22, %get3A_23] : memref<16x128xf32, #tpu.memory_space<vmem>>, vector<16x128xf32>
    %dot_general3A_25 = arith.constant dense<0.000000e+00> : vector<4000x128xf32>
    %dot_general3A_26 = tpu.matmul %get3A_21, %get3A_24, %dot_general3A_25 {dimension_numbers = #tpu.dot_dimension_numbers<[1], [0], [0], [1], [0, 0, 1, 1], [], []>, transpose_lhs_hint = false} : vector<4000x16xf32>, vector<16x128xf32>, vector<4000x128xf32> -> vector<4000x128xf32>
    %add3A_27 = arith.addf %dot_general3A_16, %dot_general3A_26 : vector<4000x128xf32>
    %get3A_28 = arith.constant 0 : index
    %get3A_29 = arith.constant 0 : index
    %get3A_30 = arith.constant 0 : index
    %get3A_31 = vector.load %arg2[%get3A_28, %get3A_29, %get3A_30] : memref<1x4000x16xf32, #tpu.memory_space<vmem>>, vector<1x4000x16xf32>
    %get3A_32 = vector.shape_cast %get3A_31 : vector<1x4000x16xf32> to vector<4000x16xf32>
    %get3A_33 = arith.constant 0 : index
    %get3A_34 = arith.constant 0 : index
    %get3A_35 = vector.load %arg6[%get3A_33, %get3A_34] : memref<16x128xf32, #tpu.memory_space<vmem>>, vector<16x128xf32>
    %dot_general3A_36 = arith.constant dense<0.000000e+00> : vector<4000x128xf32>
    %dot_general3A_37 = tpu.matmul %get3A_32, %get3A_35, %dot_general3A_36 {dimension_numbers = #tpu.dot_dimension_numbers<[1], [0], [0], [1], [0, 0, 1, 1], [], []>, transpose_lhs_hint = false} : vector<4000x16xf32>, vector<16x128xf32>, vector<4000x128xf32> -> vector<4000x128xf32>
    %add3A_38 = arith.addf %add3A_27, %dot_general3A_37 : vector<4000x128xf32>
    %add3A_39 = vector.broadcast %add3A : vector<1x128xf32> to vector<4000x128xf32>
    %add3A_40 = arith.addf %add3A_38, %add3A_39 : vector<4000x128xf32>
    %swap3A = arith.constant 0 : index
    %swap3A_41 = arith.constant 0 : index
    %swap3A_42 = vector.load %arg10[%swap3A, %swap3A_41] : memref<4000x128xf32, #tpu.memory_space<vmem>>, vector<4000x128xf32>
    tpu.vector_store %arg10[%swap3A, %swap3A_41], %add3A_40 {strides = array<i32>} : memref<4000x128xf32, #tpu.memory_space<vmem>>, vector<4000x128xf32>,
    return
  }
  func.func @transform_0(%arg0: i32) -> (i32, i32, i32) {
    %c0_i32 = arith.constant 0 : i32
    %c0_i32_0 = arith.constant 0 : i32
    %c0_i32_1 = arith.constant 0 : i32
    return %c0_i32, %arg0, %c0_i32_0 : i32, i32, i32
  }
  func.func @transform_1(%arg0: i32) -> (i32, i32, i32) {
    %c1_i32 = arith.constant 1 : i32
    %c0_i32 = arith.constant 0 : i32
    %c0_i32_0 = arith.constant 0 : i32
    return %c1_i32, %arg0, %c0_i32 : i32, i32, i32
  }
  func.func @transform_2(%arg0: i32) -> (i32, i32) {
    %c0_i32 = arith.constant 0 : i32
    %c0_i32_0 = arith.constant 0 : i32
    return %arg0, %c0_i32 : i32, i32
  }
  func.func @transform_3(%arg0: i32) -> (i32, i32) {
    %c0_i32 = arith.constant 0 : i32
    %c0_i32_0 = arith.constant 0 : i32
    %c0_i32_1 = arith.constant 0 : i32
    return %c0_i32, %c0_i32_0 : i32, i32
  }
  func.func @transform_4(%arg0: i32) -> (i32, i32) {
    %c0_i32 = arith.constant 0 : i32
    %c0_i32_0 = arith.constant 0 : i32
    %c0_i32_1 = arith.constant 0 : i32
    return %c0_i32, %c0_i32_0 : i32, i32
  }
  func.func @transform_5(%arg0: i32) -> (i32, i32) {
    %c0_i32 = arith.constant 0 : i32
    %c0_i32_0 = arith.constant 0 : i32
    %c0_i32_1 = arith.constant 0 : i32
    return %c0_i32, %c0_i32_0 : i32, i32
  }
  func.func @transform_6(%arg0: i32) -> (i32, i32) {
    %c0_i32 = arith.constant 0 : i32
    %c0_i32_0 = arith.constant 0 : i32
    %c0_i32_1 = arith.constant 0 : i32
    return %c0_i32, %c0_i32_0 : i32, i32
  }
  func.func @transform_7(%arg0: i32) -> (i32, i32) {
    %c0_i32 = arith.constant 0 : i32
    %c0_i32_0 = arith.constant 0 : i32
    %c0_i32_1 = arith.constant 0 : i32
    return %c0_i32, %c0_i32_0 : i32, i32
  }
  func.func @transform_8(%arg0: i32) -> (i32, i32) {
    %c0_i32 = arith.constant 0 : i32
    %c0_i32_0 = arith.constant 0 : i32
    %c0_i32_1 = arith.constant 0 : i32
    return %c0_i32, %c0_i32_0 : i32, i32
  }
  func.func @transform_9(%arg0: i32) -> (i32, i32) {
    %c0_i32 = arith.constant 0 : i32
    %c0_i32_0 = arith.constant 0 : i32
    return %arg0, %c0_i32 : i32, i32
  }
}

</mosaic_0001>

<sc_bundles>
// kernel: kernel.6.cloned.1.call-start
scs
__scs_entry_jumppad:
0x0: {  	(pc) =	sbr.rel $0x88, $3  }
0x1: {  	(tag) =	ssettag $0x0;
	lr =	simm.s32 $0x1  }
0x2: {  	[smem:$0x3F9B] =	sst lr;
	_ =	strace $0xD0000000  }
0x3: {  	_ = 	snop  }
0x4: {  	_ = 	snop  }
0x5: {  	_ = 	snop  }
0x6: {  	_ = 	snop  }
0x7: {  	_ = 	snop  }
__scs_overlays_trampoline_lowered:
0x8: {  	[smem:$0x3FAA] =	sst s0  }
0x9: {  	[smem:$0x3FAB] =	sst s1  }
0xa: {  	[smem:$0x3FAC] =	sst s2  }
0xb: {  	[smem:$0x3FAD] =	sst s3  }
0xc: {  	[smem:$0x3FAE] =	sst s4  }
0xd: {  	[smem:$0x3FAF] =	sst s5  }
0xe: {  	[smem:$0x3FB0] =	sst s6  }
0xf: {  	[smem:$0x3FB1] =	sst s7  }
0x10: {  	[smem:$0x3FB2] =	sst s8  }
0x11: {  	[smem:$0x3FB3] =	sst s9;
	s0 =	simm.s32 @!p0 $0x0  }
0x12: {  	s1 =	sld [smem:$0x3F99];
	s0 =	simm.s32 @p0 $0x1  }
0x13: {  	[smem:$0x3FB4] =	sst s0;
	s0 =	simm.s32 @!p1 $0x0  }
0x14: {  	s2 =	sld [smem:$0x3F98];
	s0 =	simm.s32 @p1 $0x1  }
0x15: {  	[smem:$0x3FB5] =	sst s0;
	s0 =	simm.s32 @!p2 $0x0  }
0x16: {  	s3 =	sld [smem:$0x3FDB];
	s0 =	simm.s32 @p2 $0x1  }
0x17: {  	s4 =	simm.s32 $0x1BF5;
	[smem:$0x3FB7] =	sst s0  }
0x18: {  	s0 =	sld [smem:$0x3F9A];
	_ =	swait.ge [sflag:s4], $0x0  }
0x19: {  	s7 =	sld [smem:$0x3F9B]  }
0x1a: {  	s8 =	sadd.s32 $0xFFFFE003, lr  }
0x1b: {  	s9 =	sadd.s32 $0xFFFFFEF7, lr;
	s5 =	simm.s32 $0xFFFFFFFF;
	p2 =	slt.u32 s8, $0xFFFFF086  }
0x1c: {  	p1 =	slt.u32 s9, $0xF7A;
	s5 =	simm.s32 @!p2 $0x0  }
0x1d: {  	s5 =	simm.s32 @p1 $0x1;
	p0 =	seq.s32 s7, s2  }
0x1e: {  	s7 =	smul.u32 @!p0 $0xF7A, s2;
	p2 =	seq.s32 @!p0 s5, $0x0  }
0x1f: {  	s9 =	smul.u32 $0xF7A, s1;
	s8 =	simm.s32 @!p0 $0x1BF5;
	p2 =	por !p2, p0  }
0x20: {  	[sflag:s8] =	ssyncset.s32 @!p0 $0xFFFFF086;
	s6 =	sadd.s32 @!p0 s3, s7;
	s7 =	simm.s32 @!p0 $0x108  }
0x21: {  	s3 =	sadd.s32 s3, s9;
	s6 =	sadd.s32 @!p0 $0x88, s6;
	s7 =	simm.s32 @p2 $0x1082  }
0x22: {  	[simem:s7], [sflag:s8] =	dma.local @!p0 [hbm:s6], $0xF7A  }
0x23: {  	s9 =	sor.u32 $0xD0000000, s2;
	s6 =	simm.s32 $0x108;
	_ =	swait.ge @!p0 [sflag:s8], $0x0  }
0x24: {  	s3 =	sadd.s32 $0x88, s3;
	s6 =	simm.s32 @!p1 $0x1082;
	[sflag:s4] =	ssyncset.s32 $0xFFFFF086  }
0x25: {  	[simem:s6], [sflag:s4] =	dma.local [hbm:s3], $0xF7A  }
0x26: {  	[smem:$0x3F9B] =	sst s1;
	(tag) =	ssettag s2;
	_ =	strace s9  }
0x27: {  	s1 =	sld [smem:$0x3FAB]  }
0x28: {  	s2 =	sld [smem:$0x3FAC]  }
0x29: {  	s4 =	sld [smem:$0x3FAE]  }
0x2a: {  	p0 =	seq.s32 s5, $0x0;
	s5 =	sld [smem:$0x3FAF]  }
0x2b: {  	s6 =	sld [smem:$0x3FB0]  }
0x2c: {  	s7 =	sld [smem:$0x3FB1]  }
0x2d: {  	s3 =	simm.s32 $0x108;
	s8 =	sld [smem:$0x3FB2]  }
0x2e: {  	s3 =	simm.s32 @!p0 $0x1082;
	s9 =	sld [smem:$0x3FB3]  }
0x2f: {  	lr =	sadd.s32 s0, s3;
	s0 =	sld [smem:$0x3FAA]  }
0x30: {  	s3 =	sld [smem:$0x3FAD]  }
0x31: {  	[smem:$0x3FB6] =	sst s10  }
0x32: {  	s10 =	sld [smem:$0x3FB4];
	_ =	sdelay $0x3  }
0x33: {  	p0 =	seq.s32 s10, $0x1;
	s10 =	sld [smem:$0x3FB6];
	_ =	sdelay $0x3  }
0x34: {  	[smem:$0x3FB6] =	sst s10  }
0x35: {  	s10 =	sld [smem:$0x3FB5];
	_ =	sdelay $0x3  }
0x36: {  	p1 =	seq.s32 s10, $0x1;
	s10 =	sld [smem:$0x3FB6];
	_ =	sdelay $0x3  }
0x37: {  	[smem:$0x3FB6] =	sst s10  }
0x38: {  	s10 =	sld [smem:$0x3FB7]  }
0x39: {  	_ = 	snop;
	(pc) =	sbr.ind lr, $3  }
0x3a: {  	_ = 	snop  }
0x3b: {  	_ = 	snop  }
0x3c: {  	p2 =	seq.s32 s10, $0x1;
	s10 =	sld [smem:$0x3FB6]  }
0x3d: {  	_ =	shalt  }
0x3e: {  	_ =	shalt  }
0x3f: {  	_ =	shalt  }
0x40: {  	_ =	shalt  }
0x41: {  	_ =	shalt  }
0x42: {  	_ =	shalt  }
0x43: {  	_ =	shalt  }
0x44: {  	_ =	shalt  }
0x45: {  	_ =	shalt  }
0x46: {  	_ =	shalt  }
0x47: {  	_ =	shalt  }
0x48: {  	_ =	shalt  }
0x49: {  	_ =	shalt  }
0x4a: {  	_ =	shalt  }
0x4b: {  	_ =	shalt  }
0x4c: {  	_ =	shalt  }
0x4d: {  	_ =	shalt  }
0x4e: {  	_ =	shalt  }
0x4f: {  	_ =	shalt  }
0x50: {  	_ =	shalt  }
0x51: {  	_ =	shalt  }
0x52: {  	_ =	shalt  }
0x53: {  	_ =	shalt  }
0x54: {  	_ =	shalt  }
0x55: {  	_ =	shalt  }
0x56: {  	_ =	shalt  }
0x57: {  	_ =	shalt  }
0x58: {  	_ =	shalt  }
0x59: {  	_ =	shalt  }
0x5a: {  	_ =	shalt  }
0x5b: {  	_ =	shalt  }
0x5c: {  	_ =	shalt  }
0x5d: {  	_ =	shalt  }
0x5e: {  	_ =	shalt  }
0x5f: {  	_ =	shalt  }
0x60: {  	_ =	shalt  }
0x61: {  	_ =	shalt  }
0x62: {  	_ =	shalt  }
0x63: {  	_ =	shalt  }
0x64: {  	_ =	shalt  }
0x65: {  	_ =	shalt  }
0x66: {  	_ =	shalt  }
0x67: {  	_ =	shalt  }
0x68: {  	_ =	shalt  }
0x69: {  	_ =	shalt  }
0x6a: {  	_ =	shalt  }
0x6b: {  	_ =	shalt  }
0x6c: {  	_ =	shalt  }
0x6d: {  	_ =	shalt  }
0x6e: {  	_ =	shalt  }
0x6f: {  	_ =	shalt  }
0x70: {  	_ =	shalt  }
0x71: {  	_ =	shalt  }
0x72: {  	_ =	shalt  }
0x73: {  	_ =	shalt  }
0x74: {  	_ =	shalt  }
0x75: {  	_ =	shalt  }
0x76: {  	_ =	shalt  }
0x77: {  	_ =	shalt  }
0x78: {  	_ =	shalt  }
0x79: {  	_ =	shalt  }
0x7a: {  	_ =	shalt  }
0x7b: {  	_ =	shalt  }
0x7c: {  	_ =	shalt  }
0x7d: {  	_ =	shalt  }
0x7e: {  	_ =	shalt  }
0x7f: {  	_ =	shalt  }
0x80: {  	_ =	shalt  }
0x81: {  	_ =	shalt  }
0x82: {  	_ =	shalt  }
0x83: {  	_ =	shalt  }
0x84: {  	_ =	shalt  }
0x85: {  	_ =	shalt  }
0x86: {  	_ =	shalt  }
0x87: {  	_ =	shalt  }
.Lfunc_end0:
.L_simem_size_0:
called_computation_lowered:
.L_overlay_start_0:
0x88: {  	s2 =	sld [smem:$0x3FD9]  }
0x89: {  	s3 =	sld [smem:$0x3FFE];
	_ =	sdelay $0x1  }
0x8a: {  	s1 =	srdreg.scid  }
0x8b: {  	s0 =	sand.u32 $0x1, s1  }
0x8c: {  	s17 =	sshll.u32 s0, $0xA;
	s2 =	sadd.s32 s3, s2  }
0x8d: {  	s2 =	sadd.s32 s2, s17  }
0x8e: {  	[smem:$0x3FC2] =	sst s2  }
0x8f: {  	_ = 	snop  }
0x90: {  	s2 =	sld [smem:$0x3FC8];
	(tm) =	ssettm $0x1  }
0x91: {  	s18 =	sld [smem:$0x3FFB];
	_ =	sdelay $0x3  }
0x92: {  	_ =	strace s18  }
0x93: {  	s3 =	sld [smem:$0x3FFC];
	_ =	sdelay $0x3  }
0x94: {  	_ =	strace s3  }
0x95: {  	s3 =	sld [smem:$0x3FFD];
	_ =	sdelay $0x3  }
0x96: {  	_ =	strace s3  }
0x97: {  	_ =	strace $0x8FFFFFFF  }
0x98: {  	s19 =	sld [smem:$0x3FDB];
	_ =	sdelay $0x1  }
0x99: {  	s4 =	simm.s32 $_scs_section_size  }
0x9a: {  	s5 =	simm.s32 $_size__tile_overlayer_lowered;
	s6 =	simm.s32 $_tile_overlayer_lowered  }
0x9b: {  	s22 =	simm.s32 $0x1BFF;
	s21 =	sshll.u32 s6, $0x1;
	s3 =	sadd.s32 s4, s19  }
0x9c: {  	s7 =	simm.s32 $0x0;
	s20 =	sshll.u32 s5, $0x1;
	s5 =	sadd.s32 s21, s3  }
0x9d: {  	[timem:s7], [sflag:s22] =	dma.local [hbm:s5], s20  }
0x9e: {  	_ =	swait.ge [sflag:s22], s20  }
0x9f: {  	s4 =	ssub.s32 $0x0, s20;
	[sflag:s22] =	ssyncset.done $0x0  }
0xa0: {  	[sflag:s22] =	ssyncadd.s32 s4;
	_ =	sdelay $0x1  }
0xa1: {  	s23 =	simm.s32 $0x1B8B  }
0xa2: {  	_ =	swait.ge [sflag:s23], $0x1  }
0xa3: {  	[sflag:s23] =	ssyncset.done $0x0  }
0xa4: {  	s25 =	simm.s32 $0x1B8E;
	s24 =	sld [smem:$0x3FFE];
	[sflag:s23] =	ssyncadd.s32 $0xFFFFFFFF  }
0xa5: {  	s26 =	simm.s32 $execute0_lowered;
	[smem:$0x3FD2] =	sst s25  }
0xa6: {  	s5 =	sshll.u32 s26, $0x1;
	_ =	strace $0x80000046;
	[dreg:$0x1] =	wrdreg $0xFFFFFFFF  }
0xa7: {  	s28 =	simm.s32 $_size_execute0_lowered;
	s3 =	sadd.s32 s3, s5;
	[dreg:$0x0] =	wrdreg $0x0  }
0xa8: {  	s5 =	sshll.u32 s28, $0x1;
	[dreg:$0x2] =	wrdreg s3  }
0xa9: {  	[dreg:$0x3] =	wrdreg s5  }
0xaa: {  	[dreg:$0x4] =	wrdreg $0xC0  }
0xab: {  	_ =	task [dreg:s7], $0x5FFFF  }
0xac: {  	[dreg:$0x1] =	wrdreg $0xFFFFFFFF  }
0xad: {  	[dreg:$0x0] =	wrdreg $0x60  }
0xae: {  	[dreg:$0x2] =	wrdreg s2  }
0xaf: {  	[dreg:$0x3] =	wrdreg s24  }
0xb0: {  	[dreg:$0x4] =	wrdreg $0x9  }
0xb1: {  	_ =	task.clear_ibuf [dreg:s7], $0x5FFFF;
	_ =	strace $0x90000046  }
0xb2: {  	s29 =	simm.s32 $0x9;
	_ =	strace $0x80000048  }
0xb3: {  	_ =	swait.ge [sflag:s29], $0x1  }
0xb4: {  	[sflag:s29] =	ssyncadd.s32 $0xFFFFFFFF  }
0xb5: {  	_ =	strace $0x90000048  }
0xb6: {  	_ =	sfence  }
0xb7: {  	s30 =	sld [smem:$0x0];
	_ =	sdelay $0x2  }
0xb8: {  	s31 =	sshll.u32 s1, $0xD;
	s1 =	sshrl.u32 s1, $0x2  }
0xb9: {  	s3 =	sand.u32 $0x4000, s31;
	s1 =	sadd.s32 s1, s30  }
0xba: {  	s0 =	sor.u32 s3, s0;
	s1 =	sshll.u32 s1, $0x11  }
0xbb: {  	s0 =	sor.u32 s1, s0  }
0xbc: {  	s0 =	sadd.s32 $0x8F2B, s0  }
0xbd: {  	[sflag:s0] =	ssyncadd.remote.s32 $0x1  }
0xbe: {  	_ =	sfence.sel $0xFFFF  }
0xbf: {  	[dreg:$0x0] =	wrdreg $0xFFFFFFFF;
	(pc) =	sbr.abs _section_cstart, $3  }
0xc0: {  	[dreg:$0x1] =	wrdreg $0xFFFFFFFF  }
0xc1: {  	_ =	task.clear_ibuf [dreg:s7], $0x2FFFF;
	_ =	strace $0x9FFFFFFF  }
0xc2: {  	(tm) =	ssettm $0x7FFFFFFF  }
0xc3: {  	_ =	shalt  }
tec
execute0_lowered:
.L_overlay_start_1:
0x0: {  	(tag) =	ssettag $0x1  }
0x1: {  	v0 =	vlaneseq.u32  }
0x2: {  	v0 =	vmul.u32 $0x10, v0;
	_ =	sdelay $0x1  }
0x3: {  	v1 =	vor.u32 $0x100, v0;
	v3 =	vor.u32 $0x300, v0;
	v4 =	vor.u32 $0x400, v0  }
0x4: {  	v5 =	vor.u32 $0x500, v0;
	v6 =	vor.u32 $0x600, v0;
	v7 =	vor.u32 $0x700, v0  }
0x5: {  	v8 =	vor.u32 $0x1, v0;
	v9 =	vor.u32 $0x101, v0;
	v10 =	vor.u32 $0x201, v0  }
0x6: {  	s7 =	rddreg [dreg:$0x0];
	v11 =	vor.u32 $0x301, v0;
	v12 =	vor.u32 $0x401, v0;
	v13 =	vor.u32 $0x501, v0  }
0x7: {  	s3 =	rddreg [dreg:$0x1];
	v14 =	vor.u32 $0x601, v0;
	v15 =	vor.u32 $0x701, v0;
	v16 =	vor.u32 $0x2, v0  }
0x8: {  	s2 =	srdreg.scid;
	s0 =	stileid.u32;
	v17 =	vor.u32 $0x102, v0;
	v18 =	vor.u32 $0x202, v0;
	v19 =	vor.u32 $0x302, v0  }
0x9: {  	s1 =	rddreg [dreg:$0x2];
	s12 =	simm.s32 $0x2;
	s13 =	simm.s32 $0x1800;
	v20 =	vor.u32 $0x402, v0;
	v21 =	vor.u32 $0x502, v0;
	v22 =	vor.u32 $0x602, v0  }
0xa: {  	s14 =	simm.s32 $0x3;
	s15 =	simm.s32 $0x4;
	s16 =	simm.s32 $0x1;
	v23 =	vor.u32 $0x702, v0;
	v24 =	vor.u32 $0x3, v0;
	v25 =	vor.u32 $0x103, v0  }
0xb: {  	s17 =	simm.s32 $0x1000;
	s18 =	simm.s32 $0x0;
	s4 =	sand.u32 $0x1, s2;
	v26 =	vor.u32 $0x203, v0;
	v27 =	vor.u32 $0x303, v0;
	v28 =	vor.u32 $0x403, v0  }
0xc: {  	s5 =	smul.u32 $0x3D0, s0;
	s2 =	simm.s32 $0x0;
	s6 =	sshll.u32 s0, $0x1;
	v29 =	vor.u32 $0x503, v0;
	v30 =	vor.u32 $0x603, v0;
	v31 =	vor.u32 $0x703, v0  }
0xd: {  	s8 =	smul.u32 $0x1E8, s4;
	[smem:$0x7FF] =	sst s2;
	s6 =	sor.u32 s4, s6;
	v32 =	vor.u32 $0x4, v0;
	v33 =	vor.u32 $0x104, v0;
	v34 =	vor.u32 $0x204, v0  }
0xe: {  	s4 =	ssub.s32 $0x2, s4;
	s9 =	smin.u32 s6, $0x9;
	s25 =	smul.u32 $0x1E8, s6;
	v35 =	vor.u32 $0x304, v0;
	v36 =	vor.u32 $0x404, v0;
	v37 =	vor.u32 $0x504, v0  }
0xf: {  	s11 =	sshrl.u32 s4, $0x1;
	v38 =	vor.u32 $0x604, v0;
	v39 =	vor.u32 $0x704, v0;
	p0 =	slt.u32 s6, $0x9;
	[tilespmem:$0x1FFE0] =	vst v1;
	v1 =	vor.u32 $0x200, v0;
	s5 =	sadd.s32 s8, s5  }
0x10: {  	v40 =	vor.u32 $0x5, v0;
	v41 =	vor.u32 $0x105, v0;
	v42 =	vor.u32 $0x205, v0;
	s28 =	ssub.s32 s4, s11;
	s11 =	simm.s32 $0x800;
	[tilespmem:$0x1FFF0] =	vst v1;
	s5 =	sadd.s32 s9, s5  }
0x11: {  	v43 =	vor.u32 $0x305, v0;
	v44 =	vor.u32 $0x405, v0;
	v45 =	vor.u32 $0x505, v0;
	s8 =	sadd.s32 s9, s25;
	s9 =	simm.s32 $0x400;
	_ =	strace $0x80000047  }
0x12: {  	v46 =	vor.u32 $0x605, v0;
	v47 =	vor.u32 $0x705, v0;
	v49 =	vor.u32 $0x106, v0;
	s10 =	sshll.u32 s5, $0x8;
	s8 =	sshll.u32 s8, $0x7;
	s5 =	sshll.u32 s5, $0x7  }
.Ltmp0:
0x13: {  	v50 =	vor.u32 $0x206, v0;
	v51 =	vor.u32 $0x306, v0;
	v52 =	vor.u32 $0x406, v0;
	s26 =	sadd.s32 s10, s3;
	s3 =	simm.s32 $0x1E9;
	(pc) =	sbr.rel .LBB2_1-.Ltmp0, $4  }
0x14: {  	v48 =	vor.u32 $0x6, v0;
	v53 =	vor.u32 $0x506, v0;
	v54 =	vor.u32 $0x606, v0;
	s6 =	smax.u32 s28, $0x1;
	s29 =	sadd.s32 $0x124F80, s8;
	s31 =	sadd.s32 $0x125080, s5  }
0x15: {  	v55 =	vor.u32 $0x706, v0;
	v57 =	vor.u32 $0x107, v0;
	v58 =	vor.u32 $0x207, v0;
	s30 =	sadd.s32 s8, s7;
	s10 =	simm.s32 $0x186A000;
	s4 =	sand.u32 $0x1FFFFF80, s29  }
0x16: {  	v56 =	vor.u32 $0x7, v0;
	v59 =	vor.u32 $0x307, v0;
	v60 =	vor.u32 $0x407, v0;
	s3 =	simm.s32 @!p0 $0x1E8;
	s5 =	sadd.s32 $0x125000, s30;
	s8 =	sand.u32 $0x3FFF80, s31  }
0x17: {  	v61 =	vor.u32 $0x507, v0;
	v62 =	vor.u32 $0x607, v0;
	v63 =	vor.u32 $0x707, v0;
	s4 =	sadd.s32 s7, s4;
	s7 =	sadd.s32 s8, s7;
	s8 =	sadd.s32 $0x1400, s26  }
.LBB2_6:
0x18: {  	s18 =	sadd.s32 $0x1, s18  }
0x19: {  	_ =	swait.ge [sflag:s14], $0x800;
	p0 =	sne.s32 s18, s6  }
.Ltmp1:
0x1a: {  	[sflag:s14] =	ssyncset.done $0x0;
	(pc) =	sbr.rel @!p0 .LBB2_7-.Ltmp1, $4  }
0x1b: {  	[sflag:s14] =	ssyncadd.s32 $0xFFFFF800  }
0x1c: {  	_ =	swait.ge [sflag:s15], $0x800  }
0x1d: {  	[sflag:s15] =	ssyncset.done $0x0  }
0x1e: {  	[sflag:s15] =	ssyncadd.s32 $0xFFFFF800  }
.LBB2_1:
.Ltmp2:
0x1f: {  	(pc) =	sbr.rel .LBB2_2-.Ltmp2, $4  }
0x20: {  	_ = 	snop  }
0x21: {  	[tilespmem:s2], [sflag:$0x1] =	stream.strided.gather [hbm4b:s4+s9], $0x800, s10, s9, $0x38;
	[tilespmem:$0x2000] =	vst v63  }
0x22: {  	s19 =	smov.u32 s8;
	s20 =	smov.u32 s7;
	s21 =	simm.s32 $0x0  }
0x23: {  	[tilespmem:s11], [sflag:$0x2] =	stream.strided.gather [hbm4b:s5+s9], $0x800, s10, s9, $0x38;
	[tilespmem:$0x2000] =	vst v63  }
.LBB2_4:
0x24: {  	_ =	swait.ge [sflag:s12], $0x800  }
0x25: {  	[sflag:s12] =	ssyncset.done $0x0  }
0x26: {  	s22 =	simm.s32 @!p0 $0x4;
	[sflag:s12] =	ssyncadd.s32 $0xFFFFF800  }
0x27: {  	_ =	swait.ge @!p0 [sflag:s22], $0x800  }
0x28: {  	[sflag:s22] =	ssyncset.done @!p0 $0x0  }
0x29: {  	[sflag:s22] =	ssyncadd.s32 @!p0 $0xFFFFF800  }
0x2a: {  	v1 =	vld [tilespmem:$0x800];
	_ =	sdelay $0x2  }
0x2b: {  	v2 =	vld [tilespmem:$0x1FFE0];
	_ =	sdelay $0x1  }
0x2c: {  	[tilespmem:v0+s13+$0x0] =	vst.idx.msk $0xffff, v1  }
0x2d: {  	v1 =	vld [tilespmem:$0x810];
	_ =	sdelay $0x4  }
0x2e: {  	[tilespmem:v2+s13+$0x0] =	vst.idx.msk $0xffff, v1;
	v2 =	vld [tilespmem:$0x1FFF0];
	_ =	sdelay $0x2  }
0x2f: {  	v1 =	vld [tilespmem:$0x820];
	_ =	sdelay $0x4  }
0x30: {  	[tilespmem:v2+s13+$0x0] =	vst.idx.msk $0xffff, v1  }
0x31: {  	v1 =	vld [tilespmem:$0x830];
	_ =	sdelay $0x4  }
0x32: {  	[tilespmem:v3+s13+$0x0] =	vst.idx.msk $0xffff, v1  }
0x33: {  	v1 =	vld [tilespmem:$0x840];
	_ =	sdelay $0x4  }
0x34: {  	[tilespmem:v4+s13+$0x0] =	vst.idx.msk $0xffff, v1  }
0x35: {  	v1 =	vld [tilespmem:$0x850];
	_ =	sdelay $0x4  }
0x36: {  	[tilespmem:v5+s13+$0x0] =	vst.idx.msk $0xffff, v1  }
0x37: {  	v1 =	vld [tilespmem:$0x860];
	_ =	sdelay $0x4  }
0x38: {  	[tilespmem:v6+s13+$0x0] =	vst.idx.msk $0xffff, v1  }
0x39: {  	v1 =	vld [tilespmem:$0x870];
	_ =	sdelay $0x4  }
0x3a: {  	[tilespmem:v7+s13+$0x0] =	vst.idx.msk $0xffff, v1  }
0x3b: {  	v1 =	vld [tilespmem:$0x880];
	_ =	sdelay $0x4  }
0x3c: {  	[tilespmem:v8+s13+$0x0] =	vst.idx.msk $0xffff, v1  }
0x3d: {  	v1 =	vld [tilespmem:$0x890];
	_ =	sdelay $0x4  }
0x3e: {  	[tilespmem:v9+s13+$0x0] =	vst.idx.msk $0xffff, v1  }
0x3f: {  	v1 =	vld [tilespmem:$0x8A0];
	_ =	sdelay $0x4  }
0x40: {  	[tilespmem:v10+s13+$0x0] =	vst.idx.msk $0xffff, v1  }
0x41: {  	v1 =	vld [tilespmem:$0x8B0];
	_ =	sdelay $0x4  }
0x42: {  	[tilespmem:v11+s13+$0x0] =	vst.idx.msk $0xffff, v1  }
0x43: {  	v1 =	vld [tilespmem:$0x8C0];
	_ =	sdelay $0x4  }
0x44: {  	[tilespmem:v12+s13+$0x0] =	vst.idx.msk $0xffff, v1  }
0x45: {  	v1 =	vld [tilespmem:$0x8D0];
	_ =	sdelay $0x4  }
0x46: {  	[tilespmem:v13+s13+$0x0] =	vst.idx.msk $0xffff, v1  }
0x47: {  	v1 =	vld [tilespmem:$0x8E0];
	_ =	sdelay $0x4  }
0x48: {  	[tilespmem:v14+s13+$0x0] =	vst.idx.msk $0xffff, v1  }
0x49: {  	v1 =	vld [tilespmem:$0x8F0];
	_ =	sdelay $0x4  }
0x4a: {  	[tilespmem:v15+s13+$0x0] =	vst.idx.msk $0xffff, v1  }
0x4b: {  	v1 =	vld [tilespmem:$0x900];
	_ =	sdelay $0x4  }
0x4c: {  	[tilespmem:v16+s13+$0x0] =	vst.idx.msk $0xffff, v1  }
0x4d: {  	v1 =	vld [tilespmem:$0x910];
	_ =	sdelay $0x4  }
0x4e: {  	[tilespmem:v17+s13+$0x0] =	vst.idx.msk $0xffff, v1  }
0x4f: {  	v1 =	vld [tilespmem:$0x920];
	_ =	sdelay $0x4  }
0x50: {  	[tilespmem:v18+s13+$0x0] =	vst.idx.msk $0xffff, v1  }
0x51: {  	v1 =	vld [tilespmem:$0x930];
	_ =	sdelay $0x4  }
0x52: {  	[tilespmem:v19+s13+$0x0] =	vst.idx.msk $0xffff, v1  }
0x53: {  	v1 =	vld [tilespmem:$0x940];
	_ =	sdelay $0x4  }
0x54: {  	[tilespmem:v20+s13+$0x0] =	vst.idx.msk $0xffff, v1  }
0x55: {  	v1 =	vld [tilespmem:$0x950];
	_ =	sdelay $0x4  }
0x56: {  	[tilespmem:v21+s13+$0x0] =	vst.idx.msk $0xffff, v1  }
0x57: {  	v1 =	vld [tilespmem:$0x960];
	_ =	sdelay $0x4  }
0x58: {  	[tilespmem:v22+s13+$0x0] =	vst.idx.msk $0xffff, v1  }
0x59: {  	v1 =	vld [tilespmem:$0x970];
	_ =	sdelay $0x4  }
0x5a: {  	[tilespmem:v23+s13+$0x0] =	vst.idx.msk $0xffff, v1  }
0x5b: {  	v1 =	vld [tilespmem:$0x980];
	_ =	sdelay $0x4  }
0x5c: {  	[tilespmem:v24+s13+$0x0] =	vst.idx.msk $0xffff, v1  }
0x5d: {  	v1 =	vld [tilespmem:$0x990];
	_ =	sdelay $0x4  }
0x5e: {  	[tilespmem:v25+s13+$0x0] =	vst.idx.msk $0xffff, v1  }
0x5f: {  	v1 =	vld [tilespmem:$0x9A0];
	_ =	sdelay $0x4  }
0x60: {  	[tilespmem:v26+s13+$0x0] =	vst.idx.msk $0xffff, v1  }
0x61: {  	v1 =	vld [tilespmem:$0x9B0];
	_ =	sdelay $0x4  }
0x62: {  	[tilespmem:v27+s13+$0x0] =	vst.idx.msk $0xffff, v1  }
0x63: {  	v1 =	vld [tilespmem:$0x9C0];
	_ =	sdelay $0x4  }
0x64: {  	[tilespmem:v28+s13+$0x0] =	vst.idx.msk $0xffff, v1  }
0x65: {  	v1 =	vld [tilespmem:$0x9D0];
	_ =	sdelay $0x4  }
0x66: {  	[tilespmem:v29+s13+$0x0] =	vst.idx.msk $0xffff, v1  }
0x67: {  	v1 =	vld [tilespmem:$0x9E0];
	_ =	sdelay $0x4  }
0x68: {  	[tilespmem:v30+s13+$0x0] =	vst.idx.msk $0xffff, v1  }
0x69: {  	v1 =	vld [tilespmem:$0x9F0];
	_ =	sdelay $0x4  }
0x6a: {  	[tilespmem:v31+s13+$0x0] =	vst.idx.msk $0xffff, v1  }
0x6b: {  	v1 =	vld [tilespmem:$0xA00];
	_ =	sdelay $0x4  }
0x6c: {  	[tilespmem:v32+s13+$0x0] =	vst.idx.msk $0xffff, v1  }
0x6d: {  	v1 =	vld [tilespmem:$0xA10];
	_ =	sdelay $0x4  }
0x6e: {  	[tilespmem:v33+s13+$0x0] =	vst.idx.msk $0xffff, v1  }
0x6f: {  	v1 =	vld [tilespmem:$0xA20];
	_ =	sdelay $0x4  }
0x70: {  	[tilespmem:v34+s13+$0x0] =	vst.idx.msk $0xffff, v1  }
0x71: {  	v1 =	vld [tilespmem:$0xA30];
	_ =	sdelay $0x4  }
0x72: {  	[tilespmem:v35+s13+$0x0] =	vst.idx.msk $0xffff, v1  }
0x73: {  	v1 =	vld [tilespmem:$0xA40];
	_ =	sdelay $0x4  }
0x74: {  	[tilespmem:v36+s13+$0x0] =	vst.idx.msk $0xffff, v1  }
0x75: {  	v1 =	vld [tilespmem:$0xA50];
	_ =	sdelay $0x4  }
0x76: {  	[tilespmem:v37+s13+$0x0] =	vst.idx.msk $0xffff, v1  }
0x77: {  	v1 =	vld [tilespmem:$0xA60];
	_ =	sdelay $0x4  }
0x78: {  	[tilespmem:v38+s13+$0x0] =	vst.idx.msk $0xffff, v1  }
0x79: {  	v1 =	vld [tilespmem:$0xA70];
	_ =	sdelay $0x4  }
0x7a: {  	[tilespmem:v39+s13+$0x0] =	vst.idx.msk $0xffff, v1  }
0x7b: {  	v1 =	vld [tilespmem:$0xA80];
	_ =	sdelay $0x4  }
0x7c: {  	[tilespmem:v40+s13+$0x0] =	vst.idx.msk $0xffff, v1  }
0x7d: {  	v1 =	vld [tilespmem:$0xA90];
	_ =	sdelay $0x4  }
0x7e: {  	[tilespmem:v41+s13+$0x0] =	vst.idx.msk $0xffff, v1  }
0x7f: {  	v1 =	vld [tilespmem:$0xAA0];
	_ =	sdelay $0x4  }
0x80: {  	[tilespmem:v42+s13+$0x0] =	vst.idx.msk $0xffff, v1  }
0x81: {  	v1 =	vld [tilespmem:$0xAB0];
	_ =	sdelay $0x4  }
0x82: {  	[tilespmem:v43+s13+$0x0] =	vst.idx.msk $0xffff, v1  }
0x83: {  	v1 =	vld [tilespmem:$0xAC0];
	_ =	sdelay $0x4  }
0x84: {  	[tilespmem:v44+s13+$0x0] =	vst.idx.msk $0xffff, v1  }
0x85: {  	v1 =	vld [tilespmem:$0xAD0];
	_ =	sdelay $0x4  }
0x86: {  	[tilespmem:v45+s13+$0x0] =	vst.idx.msk $0xffff, v1  }
0x87: {  	v1 =	vld [tilespmem:$0xAE0];
	_ =	sdelay $0x4  }
0x88: {  	[tilespmem:v46+s13+$0x0] =	vst.idx.msk $0xffff, v1  }
0x89: {  	v1 =	vld [tilespmem:$0xAF0];
	_ =	sdelay $0x4  }
0x8a: {  	[tilespmem:v47+s13+$0x0] =	vst.idx.msk $0xffff, v1  }
0x8b: {  	v1 =	vld [tilespmem:$0xB00];
	_ =	sdelay $0x4  }
0x8c: {  	[tilespmem:v48+s13+$0x0] =	vst.idx.msk $0xffff, v1  }
0x8d: {  	v1 =	vld [tilespmem:$0xB10];
	_ =	sdelay $0x4  }
0x8e: {  	[tilespmem:v49+s13+$0x0] =	vst.idx.msk $0xffff, v1  }
0x8f: {  	v1 =	vld [tilespmem:$0xB20];
	_ =	sdelay $0x4  }
0x90: {  	[tilespmem:v50+s13+$0x0] =	vst.idx.msk $0xffff, v1  }
0x91: {  	v1 =	vld [tilespmem:$0xB30];
	_ =	sdelay $0x4  }
0x92: {  	[tilespmem:v51+s13+$0x0] =	vst.idx.msk $0xffff, v1  }
0x93: {  	v1 =	vld [tilespmem:$0xB40];
	_ =	sdelay $0x4  }
0x94: {  	[tilespmem:v52+s13+$0x0] =	vst.idx.msk $0xffff, v1  }
0x95: {  	v1 =	vld [tilespmem:$0xB50];
	_ =	sdelay $0x4  }
0x96: {  	[tilespmem:v53+s13+$0x0] =	vst.idx.msk $0xffff, v1  }
0x97: {  	v1 =	vld [tilespmem:$0xB60];
	_ =	sdelay $0x4  }
0x98: {  	[tilespmem:v54+s13+$0x0] =	vst.idx.msk $0xffff, v1  }
0x99: {  	v1 =	vld [tilespmem:$0xB70];
	_ =	sdelay $0x4  }
0x9a: {  	[tilespmem:v55+s13+$0x0] =	vst.idx.msk $0xffff, v1  }
0x9b: {  	v1 =	vld [tilespmem:$0xB80];
	_ =	sdelay $0x4  }
0x9c: {  	[tilespmem:v56+s13+$0x0] =	vst.idx.msk $0xffff, v1  }
0x9d: {  	v1 =	vld [tilespmem:$0xB90];
	_ =	sdelay $0x4  }
0x9e: {  	[tilespmem:v57+s13+$0x0] =	vst.idx.msk $0xffff, v1  }
0x9f: {  	v1 =	vld [tilespmem:$0xBA0];
	_ =	sdelay $0x4  }
0xa0: {  	[tilespmem:v58+s13+$0x0] =	vst.idx.msk $0xffff, v1  }
0xa1: {  	v1 =	vld [tilespmem:$0xBB0];
	_ =	sdelay $0x4  }
0xa2: {  	[tilespmem:v59+s13+$0x0] =	vst.idx.msk $0xffff, v1  }
0xa3: {  	v1 =	vld [tilespmem:$0xBC0];
	_ =	sdelay $0x4  }
0xa4: {  	[tilespmem:v60+s13+$0x0] =	vst.idx.msk $0xffff, v1  }
0xa5: {  	v1 =	vld [tilespmem:$0xBD0];
	_ =	sdelay $0x4  }
0xa6: {  	[tilespmem:v61+s13+$0x0] =	vst.idx.msk $0xffff, v1  }
0xa7: {  	v1 =	vld [tilespmem:$0xBE0];
	_ =	sdelay $0x4  }
0xa8: {  	[tilespmem:v62+s13+$0x0] =	vst.idx.msk $0xffff, v1  }
0xa9: {  	v1 =	vld [tilespmem:$0xBF0];
	_ =	sdelay $0x4  }
0xaa: {  	[tilespmem:v63+s13+$0x0] =	vst.idx.msk $0xffff, v1  }
0xab: {  	v2 =	vor.u32 $0x8, v0;
	v1 =	vld [tilespmem:$0xC00];
	_ =	sdelay $0x4  }
0xac: {  	[tilespmem:v2+s13+$0x0] =	vst.idx.msk $0xffff, v1  }
0xad: {  	v2 =	vor.u32 $0x108, v0;
	v1 =	vld [tilespmem:$0xC10];
	_ =	sdelay $0x4  }
0xae: {  	[tilespmem:v2+s13+$0x0] =	vst.idx.msk $0xffff, v1  }
0xaf: {  	v2 =	vor.u32 $0x208, v0;
	v1 =	vld [tilespmem:$0xC20];
	_ =	sdelay $0x4  }
0xb0: {  	[tilespmem:v2+s13+$0x0] =	vst.idx.msk $0xffff, v1  }
0xb1: {  	v2 =	vor.u32 $0x308, v0;
	v1 =	vld [tilespmem:$0xC30];
	_ =	sdelay $0x4  }
0xb2: {  	[tilespmem:v2+s13+$0x0] =	vst.idx.msk $0xffff, v1  }
0xb3: {  	v2 =	vor.u32 $0x408, v0;
	v1 =	vld [tilespmem:$0xC40];
	_ =	sdelay $0x4  }
0xb4: {  	[tilespmem:v2+s13+$0x0] =	vst.idx.msk $0xffff, v1  }
0xb5: {  	v2 =	vor.u32 $0x508, v0;
	v1 =	vld [tilespmem:$0xC50];
	_ =	sdelay $0x4  }
0xb6: {  	[tilespmem:v2+s13+$0x0] =	vst.idx.msk $0xffff, v1  }
0xb7: {  	v2 =	vor.u32 $0x608, v0;
	v1 =	vld [tilespmem:$0xC60];
	_ =	sdelay $0x4  }
0xb8: {  	[tilespmem:v2+s13+$0x0] =	vst.idx.msk $0xffff, v1  }
0xb9: {  	v2 =	vor.u32 $0x708, v0;
	v1 =	vld [tilespmem:$0xC70];
	_ =	sdelay $0x4  }
0xba: {  	[tilespmem:v2+s13+$0x0] =	vst.idx.msk $0xffff, v1  }
0xbb: {  	v2 =	vor.u32 $0x9, v0;
	v1 =	vld [tilespmem:$0xC80];
	_ =	sdelay $0x4  }
0xbc: {  	[tilespmem:v2+s13+$0x0] =	vst.idx.msk $0xffff, v1  }
0xbd: {  	v2 =	vor.u32 $0x109, v0;
	v1 =	vld [tilespmem:$0xC90];
	_ =	sdelay $0x4  }
0xbe: {  	[tilespmem:v2+s13+$0x0] =	vst.idx.msk $0xffff, v1  }
0xbf: {  	v2 =	vor.u32 $0x209, v0;
	v1 =	vld [tilespmem:$0xCA0];
	_ =	sdelay $0x4  }
0xc0: {  	[tilespmem:v2+s13+$0x0] =	vst.idx.msk $0xffff, v1  }
0xc1: {  	v2 =	vor.u32 $0x309, v0;
	v1 =	vld [tilespmem:$0xCB0];
	_ =	sdelay $0x4  }
0xc2: {  	[tilespmem:v2+s13+$0x0] =	vst.idx.msk $0xffff, v1  }
0xc3: {  	v2 =	vor.u32 $0x409, v0;
	v1 =	vld [tilespmem:$0xCC0];
	_ =	sdelay $0x4  }
0xc4: {  	[tilespmem:v2+s13+$0x0] =	vst.idx.msk $0xffff, v1  }
0xc5: {  	v2 =	vor.u32 $0x509, v0;
	v1 =	vld [tilespmem:$0xCD0];
	_ =	sdelay $0x4  }
0xc6: {  	[tilespmem:v2+s13+$0x0] =	vst.idx.msk $0xffff, v1  }
0xc7: {  	v2 =	vor.u32 $0x609, v0;
	v1 =	vld [tilespmem:$0xCE0];
	_ =	sdelay $0x4  }
0xc8: {  	[tilespmem:v2+s13+$0x0] =	vst.idx.msk $0xffff, v1  }
0xc9: {  	v2 =	vor.u32 $0x709, v0;
	v1 =	vld [tilespmem:$0xCF0];
	_ =	sdelay $0x4  }
0xca: {  	[tilespmem:v2+s13+$0x0] =	vst.idx.msk $0xffff, v1  }
0xcb: {  	v2 =	vor.u32 $0xA, v0;
	v1 =	vld [tilespmem:$0xD00];
	_ =	sdelay $0x4  }
0xcc: {  	[tilespmem:v2+s13+$0x0] =	vst.idx.msk $0xffff, v1  }
0xcd: {  	v2 =	vor.u32 $0x10A, v0;
	v1 =	vld [tilespmem:$0xD10];
	_ =	sdelay $0x4  }
0xce: {  	[tilespmem:v2+s13+$0x0] =	vst.idx.msk $0xffff, v1  }
0xcf: {  	v2 =	vor.u32 $0x20A, v0;
	v1 =	vld [tilespmem:$0xD20];
	_ =	sdelay $0x4  }
0xd0: {  	[tilespmem:v2+s13+$0x0] =	vst.idx.msk $0xffff, v1  }
0xd1: {  	v2 =	vor.u32 $0x30A, v0;
	v1 =	vld [tilespmem:$0xD30];
	_ =	sdelay $0x4  }
0xd2: {  	[tilespmem:v2+s13+$0x0] =	vst.idx.msk $0xffff, v1  }
0xd3: {  	v2 =	vor.u32 $0x40A, v0;
	v1 =	vld [tilespmem:$0xD40];
	_ =	sdelay $0x4  }
0xd4: {  	[tilespmem:v2+s13+$0x0] =	vst.idx.msk $0xffff, v1  }
0xd5: {  	v2 =	vor.u32 $0x50A, v0;
	v1 =	vld [tilespmem:$0xD50];
	_ =	sdelay $0x4  }
0xd6: {  	[tilespmem:v2+s13+$0x0] =	vst.idx.msk $0xffff, v1  }
0xd7: {  	v2 =	vor.u32 $0x60A, v0;
	v1 =	vld [tilespmem:$0xD60];
	_ =	sdelay $0x4  }
0xd8: {  	[tilespmem:v2+s13+$0x0] =	vst.idx.msk $0xffff, v1  }
0xd9: {  	v2 =	vor.u32 $0x70A, v0;
	v1 =	vld [tilespmem:$0xD70];
	_ =	sdelay $0x4  }
0xda: {  	[tilespmem:v2+s13+$0x0] =	vst.idx.msk $0xffff, v1  }
0xdb: {  	v2 =	vor.u32 $0xB, v0;
	v1 =	vld [tilespmem:$0xD80];
	_ =	sdelay $0x4  }
0xdc: {  	[tilespmem:v2+s13+$0x0] =	vst.idx.msk $0xffff, v1  }
0xdd: {  	v2 =	vor.u32 $0x10B, v0;
	v1 =	vld [tilespmem:$0xD90];
	_ =	sdelay $0x4  }
0xde: {  	[tilespmem:v2+s13+$0x0] =	vst.idx.msk $0xffff, v1  }
0xdf: {  	v2 =	vor.u32 $0x20B, v0;
	v1 =	vld [tilespmem:$0xDA0];
	_ =	sdelay $0x4  }
0xe0: {  	[tilespmem:v2+s13+$0x0] =	vst.idx.msk $0xffff, v1  }
0xe1: {  	v2 =	vor.u32 $0x30B, v0;
	v1 =	vld [tilespmem:$0xDB0];
	_ =	sdelay $0x4  }
0xe2: {  	[tilespmem:v2+s13+$0x0] =	vst.idx.msk $0xffff, v1  }
0xe3: {  	v2 =	vor.u32 $0x40B, v0;
	v1 =	vld [tilespmem:$0xDC0];
	_ =	sdelay $0x4  }
0xe4: {  	[tilespmem:v2+s13+$0x0] =	vst.idx.msk $0xffff, v1  }
0xe5: {  	v2 =	vor.u32 $0x50B, v0;
	v1 =	vld [tilespmem:$0xDD0];
	_ =	sdelay $0x4  }
0xe6: {  	[tilespmem:v2+s13+$0x0] =	vst.idx.msk $0xffff, v1  }
0xe7: {  	v2 =	vor.u32 $0x60B, v0;
	v1 =	vld [tilespmem:$0xDE0];
	_ =	sdelay $0x4  }
0xe8: {  	[tilespmem:v2+s13+$0x0] =	vst.idx.msk $0xffff, v1  }
0xe9: {  	v2 =	vor.u32 $0x70B, v0;
	v1 =	vld [tilespmem:$0xDF0];
	_ =	sdelay $0x4  }
0xea: {  	[tilespmem:v2+s13+$0x0] =	vst.idx.msk $0xffff, v1  }
0xeb: {  	v2 =	vor.u32 $0xC, v0;
	v1 =	vld [tilespmem:$0xE00];
	_ =	sdelay $0x4  }
0xec: {  	[tilespmem:v2+s13+$0x0] =	vst.idx.msk $0xffff, v1  }
0xed: {  	v2 =	vor.u32 $0x10C, v0;
	v1 =	vld [tilespmem:$0xE10];
	_ =	sdelay $0x4  }
0xee: {  	[tilespmem:v2+s13+$0x0] =	vst.idx.msk $0xffff, v1  }
0xef: {  	v2 =	vor.u32 $0x20C, v0;
	v1 =	vld [tilespmem:$0xE20];
	_ =	sdelay $0x4  }
0xf0: {  	[tilespmem:v2+s13+$0x0] =	vst.idx.msk $0xffff, v1  }
0xf1: {  	v2 =	vor.u32 $0x30C, v0;
	v1 =	vld [tilespmem:$0xE30];
	_ =	sdelay $0x4  }
0xf2: {  	[tilespmem:v2+s13+$0x0] =	vst.idx.msk $0xffff, v1  }
0xf3: {  	v2 =	vor.u32 $0x40C, v0;
	v1 =	vld [tilespmem:$0xE40];
	_ =	sdelay $0x4  }
0xf4: {  	[tilespmem:v2+s13+$0x0] =	vst.idx.msk $0xffff, v1  }
0xf5: {  	v2 =	vor.u32 $0x50C, v0;
	v1 =	vld [tilespmem:$0xE50];
	_ =	sdelay $0x4  }
0xf6: {  	[tilespmem:v2+s13+$0x0] =	vst.idx.msk $0xffff, v1  }
0xf7: {  	v2 =	vor.u32 $0x60C, v0;
	v1 =	vld [tilespmem:$0xE60];
	_ =	sdelay $0x4  }
0xf8: {  	[tilespmem:v2+s13+$0x0] =	vst.idx.msk $0xffff, v1  }
0xf9: {  	v2 =	vor.u32 $0x70C, v0;
	v1 =	vld [tilespmem:$0xE70];
	_ =	sdelay $0x4  }
0xfa: {  	[tilespmem:v2+s13+$0x0] =	vst.idx.msk $0xffff, v1  }
0xfb: {  	v2 =	vor.u32 $0xD, v0;
	v1 =	vld [tilespmem:$0xE80];
	_ =	sdelay $0x4  }
0xfc: {  	[tilespmem:v2+s13+$0x0] =	vst.idx.msk $0xffff, v1  }
0xfd: {  	v2 =	vor.u32 $0x10D, v0;
	v1 =	vld [tilespmem:$0xE90];
	_ =	sdelay $0x4  }
0xfe: {  	[tilespmem:v2+s13+$0x0] =	vst.idx.msk $0xffff, v1  }
0xff: {  	v2 =	vor.u32 $0x20D, v0;
	v1 =	vld [tilespmem:$0xEA0];
	_ =	sdelay $0x4  }
0x100: {  	[tilespmem:v2+s13+$0x0] =	vst.idx.msk $0xffff, v1  }
0x101: {  	v2 =	vor.u32 $0x30D, v0;
	v1 =	vld [tilespmem:$0xEB0];
	_ =	sdelay $0x4  }
0x102: {  	[tilespmem:v2+s13+$0x0] =	vst.idx.msk $0xffff, v1  }
0x103: {  	v2 =	vor.u32 $0x40D, v0;
	v1 =	vld [tilespmem:$0xEC0];
	_ =	sdelay $0x4  }
0x104: {  	[tilespmem:v2+s13+$0x0] =	vst.idx.msk $0xffff, v1  }
0x105: {  	v2 =	vor.u32 $0x50D, v0;
	v1 =	vld [tilespmem:$0xED0];
	_ =	sdelay $0x4  }
0x106: {  	[tilespmem:v2+s13+$0x0] =	vst.idx.msk $0xffff, v1  }
0x107: {  	v2 =	vor.u32 $0x60D, v0;
	v1 =	vld [tilespmem:$0xEE0];
	_ =	sdelay $0x4  }
0x108: {  	[tilespmem:v2+s13+$0x0] =	vst.idx.msk $0xffff, v1  }
0x109: {  	v2 =	vor.u32 $0x70D, v0;
	v1 =	vld [tilespmem:$0xEF0];
	_ =	sdelay $0x4  }
0x10a: {  	[tilespmem:v2+s13+$0x0] =	vst.idx.msk $0xffff, v1  }
0x10b: {  	v2 =	vor.u32 $0xE, v0;
	v1 =	vld [tilespmem:$0xF00];
	_ =	sdelay $0x4  }
0x10c: {  	[tilespmem:v2+s13+$0x0] =	vst.idx.msk $0xffff, v1  }
0x10d: {  	v2 =	vor.u32 $0x10E, v0;
	v1 =	vld [tilespmem:$0xF10];
	_ =	sdelay $0x4  }
0x10e: {  	[tilespmem:v2+s13+$0x0] =	vst.idx.msk $0xffff, v1  }
0x10f: {  	v2 =	vor.u32 $0x20E, v0;
	v1 =	vld [tilespmem:$0xF20];
	_ =	sdelay $0x4  }
0x110: {  	[tilespmem:v2+s13+$0x0] =	vst.idx.msk $0xffff, v1  }
0x111: {  	v2 =	vor.u32 $0x30E, v0;
	v1 =	vld [tilespmem:$0xF30];
	_ =	sdelay $0x4  }
0x112: {  	[tilespmem:v2+s13+$0x0] =	vst.idx.msk $0xffff, v1  }
0x113: {  	v2 =	vor.u32 $0x40E, v0;
	v1 =	vld [tilespmem:$0xF40];
	_ =	sdelay $0x4  }
0x114: {  	[tilespmem:v2+s13+$0x0] =	vst.idx.msk $0xffff, v1  }
0x115: {  	v2 =	vor.u32 $0x50E, v0;
	v1 =	vld [tilespmem:$0xF50];
	_ =	sdelay $0x4  }
0x116: {  	[tilespmem:v2+s13+$0x0] =	vst.idx.msk $0xffff, v1  }
0x117: {  	v2 =	vor.u32 $0x60E, v0;
	v1 =	vld [tilespmem:$0xF60];
	_ =	sdelay $0x4  }
0x118: {  	[tilespmem:v2+s13+$0x0] =	vst.idx.msk $0xffff, v1  }
0x119: {  	v2 =	vor.u32 $0x70E, v0;
	v1 =	vld [tilespmem:$0xF70];
	_ =	sdelay $0x4  }
0x11a: {  	[tilespmem:v2+s13+$0x0] =	vst.idx.msk $0xffff, v1  }
0x11b: {  	v2 =	vor.u32 $0xF, v0;
	v1 =	vld [tilespmem:$0xF80];
	_ =	sdelay $0x4  }
0x11c: {  	[tilespmem:v2+s13+$0x0] =	vst.idx.msk $0xffff, v1  }
0x11d: {  	v2 =	vor.u32 $0x10F, v0;
	v1 =	vld [tilespmem:$0xF90];
	_ =	sdelay $0x4  }
0x11e: {  	[tilespmem:v2+s13+$0x0] =	vst.idx.msk $0xffff, v1  }
0x11f: {  	v2 =	vor.u32 $0x20F, v0;
	v1 =	vld [tilespmem:$0xFA0];
	_ =	sdelay $0x4  }
0x120: {  	[tilespmem:v2+s13+$0x0] =	vst.idx.msk $0xffff, v1  }
0x121: {  	v2 =	vor.u32 $0x30F, v0;
	v1 =	vld [tilespmem:$0xFB0];
	_ =	sdelay $0x4  }
0x122: {  	[tilespmem:v2+s13+$0x0] =	vst.idx.msk $0xffff, v1  }
0x123: {  	v2 =	vor.u32 $0x40F, v0;
	v1 =	vld [tilespmem:$0xFC0];
	_ =	sdelay $0x4  }
0x124: {  	[tilespmem:v2+s13+$0x0] =	vst.idx.msk $0xffff, v1  }
0x125: {  	v2 =	vor.u32 $0x50F, v0;
	v1 =	vld [tilespmem:$0xFD0];
	_ =	sdelay $0x4  }
0x126: {  	[tilespmem:v2+s13+$0x0] =	vst.idx.msk $0xffff, v1  }
0x127: {  	v2 =	vor.u32 $0x60F, v0;
	v1 =	vld [tilespmem:$0xFE0];
	_ =	sdelay $0x4  }
0x128: {  	[tilespmem:v2+s13+$0x0] =	vst.idx.msk $0xffff, v1  }
0x129: {  	v2 =	vor.u32 $0x70F, v0;
	v1 =	vld [tilespmem:$0xFF0];
	_ =	sdelay $0x3  }
0x12a: {  	s31 =	sadd.s32 $0x2, s21  }
0x12b: {  	p0 =	sge.u32 s31, s3;
	[tilespmem:v2+s13+$0x0] =	vst.idx.msk $0xffff, v1  }
0x12c: {  	[hbm4b:s19+s2] =	stream.linear.scatter [tilespmem:s13], [sflag:$0x4], $0x800, $0x38;
	[tilespmem:$0x2000] =	vst v63  }
0x12d: {  	s22 =	simm.s32 @!p0 $0x400;
	s23 =	simm.s32 @!p0 $0x186A000;
	s24 =	simm.s32 @!p0 $0x800  }
0x12e: {  	[tilespmem:s24], [sflag:$0x2] =	stream.strided.gather @!p0 [hbm4b:s20+s22], $0x800, s23, s22, $0x38;
	[tilespmem:$0x2000] =	vst v63  }
.LBB2_5:
0x12f: {  	s21 =	sadd.s32 $0x1, s21  }
0x130: {  	p0 =	sne.s32 s3, s21  }
.Ltmp3:
0x131: {  	_ = 	snop;
	(pc) =	sbr.rel @!p0 .LBB2_6-.Ltmp3, $2  }
0x132: {  	_ =	sdelay $0x2  }
0x133: {  	s20 =	sadd.s32 $0x80, s20;
	s19 =	sadd.s32 $0x100, s19  }
.LBB2_2:
0x134: {  	s22 =	sand.u32 $0x1, s21  }
0x135: {  	p1 =	seq.s32 s22, $0x1  }
.Ltmp4:
0x136: {  	_ = 	snop;
	(pc) =	sbr.rel @p1 .LBB2_4-.Ltmp4, $2  }
0x137: {  	_ =	sdelay $0x2  }
0x138: {  	p0 =	slt.u32 s21, $0x2  }
0x139: {  	_ =	swait.ge [sflag:s16], $0x800  }
0x13a: {  	[sflag:s16] =	ssyncset.done $0x0  }
0x13b: {  	s22 =	simm.s32 @!p0 $0x3;
	[sflag:s16] =	ssyncadd.s32 $0xFFFFF800  }
0x13c: {  	_ =	swait.ge @!p0 [sflag:s22], $0x800  }
0x13d: {  	[sflag:s22] =	ssyncset.done @!p0 $0x0  }
0x13e: {  	[sflag:s22] =	ssyncadd.s32 @!p0 $0xFFFFF800  }
0x13f: {  	v1 =	vld [tilespmem:$0x0];
	_ =	sdelay $0x2  }
0x140: {  	v2 =	vld [tilespmem:$0x1FFE0];
	_ =	sdelay $0x1  }
0x141: {  	[tilespmem:v0+s17+$0x0] =	vst.idx.msk $0xffff, v1  }
0x142: {  	v1 =	vld [tilespmem:$0x10];
	_ =	sdelay $0x4  }
0x143: {  	[tilespmem:v2+s17+$0x0] =	vst.idx.msk $0xffff, v1;
	v2 =	vld [tilespmem:$0x1FFF0];
	_ =	sdelay $0x2  }
0x144: {  	v1 =	vld [tilespmem:$0x20];
	_ =	sdelay $0x4  }
0x145: {  	[tilespmem:v2+s17+$0x0] =	vst.idx.msk $0xffff, v1  }
0x146: {  	v1 =	vld [tilespmem:$0x30];
	_ =	sdelay $0x4  }
0x147: {  	[tilespmem:v3+s17+$0x0] =	vst.idx.msk $0xffff, v1  }
0x148: {  	v1 =	vld [tilespmem:$0x40];
	_ =	sdelay $0x4  }
0x149: {  	[tilespmem:v4+s17+$0x0] =	vst.idx.msk $0xffff, v1  }
0x14a: {  	v1 =	vld [tilespmem:$0x50];
	_ =	sdelay $0x4  }
0x14b: {  	[tilespmem:v5+s17+$0x0] =	vst.idx.msk $0xffff, v1  }
0x14c: {  	v1 =	vld [tilespmem:$0x60];
	_ =	sdelay $0x4  }
0x14d: {  	[tilespmem:v6+s17+$0x0] =	vst.idx.msk $0xffff, v1  }
0x14e: {  	v1 =	vld [tilespmem:$0x70];
	_ =	sdelay $0x4  }
0x14f: {  	[tilespmem:v7+s17+$0x0] =	vst.idx.msk $0xffff, v1  }
0x150: {  	v1 =	vld [tilespmem:$0x80];
	_ =	sdelay $0x4  }
0x151: {  	[tilespmem:v8+s17+$0x0] =	vst.idx.msk $0xffff, v1  }
0x152: {  	v1 =	vld [tilespmem:$0x90];
	_ =	sdelay $0x4  }
0x153: {  	[tilespmem:v9+s17+$0x0] =	vst.idx.msk $0xffff, v1  }
0x154: {  	v1 =	vld [tilespmem:$0xA0];
	_ =	sdelay $0x4  }
0x155: {  	[tilespmem:v10+s17+$0x0] =	vst.idx.msk $0xffff, v1  }
0x156: {  	v1 =	vld [tilespmem:$0xB0];
	_ =	sdelay $0x4  }
0x157: {  	[tilespmem:v11+s17+$0x0] =	vst.idx.msk $0xffff, v1  }
0x158: {  	v1 =	vld [tilespmem:$0xC0];
	_ =	sdelay $0x4  }
0x159: {  	[tilespmem:v12+s17+$0x0] =	vst.idx.msk $0xffff, v1  }
0x15a: {  	v1 =	vld [tilespmem:$0xD0];
	_ =	sdelay $0x4  }
0x15b: {  	[tilespmem:v13+s17+$0x0] =	vst.idx.msk $0xffff, v1  }
0x15c: {  	v1 =	vld [tilespmem:$0xE0];
	_ =	sdelay $0x4  }
0x15d: {  	[tilespmem:v14+s17+$0x0] =	vst.idx.msk $0xffff, v1  }
0x15e: {  	v1 =	vld [tilespmem:$0xF0];
	_ =	sdelay $0x4  }
0x15f: {  	[tilespmem:v15+s17+$0x0] =	vst.idx.msk $0xffff, v1  }
0x160: {  	v1 =	vld [tilespmem:$0x100];
	_ =	sdelay $0x4  }
0x161: {  	[tilespmem:v16+s17+$0x0] =	vst.idx.msk $0xffff, v1  }
0x162: {  	v1 =	vld [tilespmem:$0x110];
	_ =	sdelay $0x4  }
0x163: {  	[tilespmem:v17+s17+$0x0] =	vst.idx.msk $0xffff, v1  }
0x164: {  	v1 =	vld [tilespmem:$0x120];
	_ =	sdelay $0x4  }
0x165: {  	[tilespmem:v18+s17+$0x0] =	vst.idx.msk $0xffff, v1  }
0x166: {  	v1 =	vld [tilespmem:$0x130];
	_ =	sdelay $0x4  }
0x167: {  	[tilespmem:v19+s17+$0x0] =	vst.idx.msk $0xffff, v1  }
0x168: {  	v1 =	vld [tilespmem:$0x140];
	_ =	sdelay $0x4  }
0x169: {  	[tilespmem:v20+s17+$0x0] =	vst.idx.msk $0xffff, v1  }
0x16a: {  	v1 =	vld [tilespmem:$0x150];
	_ =	sdelay $0x4  }
0x16b: {  	[tilespmem:v21+s17+$0x0] =	vst.idx.msk $0xffff, v1  }
0x16c: {  	v1 =	vld [tilespmem:$0x160];
	_ =	sdelay $0x4  }
0x16d: {  	[tilespmem:v22+s17+$0x0] =	vst.idx.msk $0xffff, v1  }
0x16e: {  	v1 =	vld [tilespmem:$0x170];
	_ =	sdelay $0x4  }
0x16f: {  	[tilespmem:v23+s17+$0x0] =	vst.idx.msk $0xffff, v1  }
0x170: {  	v1 =	vld [tilespmem:$0x180];
	_ =	sdelay $0x4  }
0x171: {  	[tilespmem:v24+s17+$0x0] =	vst.idx.msk $0xffff, v1  }
0x172: {  	v1 =	vld [tilespmem:$0x190];
	_ =	sdelay $0x4  }
0x173: {  	[tilespmem:v25+s17+$0x0] =	vst.idx.msk $0xffff, v1  }
0x174: {  	v1 =	vld [tilespmem:$0x1A0];
	_ =	sdelay $0x4  }
0x175: {  	[tilespmem:v26+s17+$0x0] =	vst.idx.msk $0xffff, v1  }
0x176: {  	v1 =	vld [tilespmem:$0x1B0];
	_ =	sdelay $0x4  }
0x177: {  	[tilespmem:v27+s17+$0x0] =	vst.idx.msk $0xffff, v1  }
0x178: {  	v1 =	vld [tilespmem:$0x1C0];
	_ =	sdelay $0x4  }
0x179: {  	[tilespmem:v28+s17+$0x0] =	vst.idx.msk $0xffff, v1  }
0x17a: {  	v1 =	vld [tilespmem:$0x1D0];
	_ =	sdelay $0x4  }
0x17b: {  	[tilespmem:v29+s17+$0x0] =	vst.idx.msk $0xffff, v1  }
0x17c: {  	v1 =	vld [tilespmem:$0x1E0];
	_ =	sdelay $0x4  }
0x17d: {  	[tilespmem:v30+s17+$0x0] =	vst.idx.msk $0xffff, v1  }
0x17e: {  	v1 =	vld [tilespmem:$0x1F0];
	_ =	sdelay $0x4  }
0x17f: {  	[tilespmem:v31+s17+$0x0] =	vst.idx.msk $0xffff, v1  }
0x180: {  	v1 =	vld [tilespmem:$0x200];
	_ =	sdelay $0x4  }
0x181: {  	[tilespmem:v32+s17+$0x0] =	vst.idx.msk $0xffff, v1  }
0x182: {  	v1 =	vld [tilespmem:$0x210];
	_ =	sdelay $0x4  }
0x183: {  	[tilespmem:v33+s17+$0x0] =	vst.idx.msk $0xffff, v1  }
0x184: {  	v1 =	vld [tilespmem:$0x220];
	_ =	sdelay $0x4  }
0x185: {  	[tilespmem:v34+s17+$0x0] =	vst.idx.msk $0xffff, v1  }
0x186: {  	v1 =	vld [tilespmem:$0x230];
	_ =	sdelay $0x4  }
0x187: {  	[tilespmem:v35+s17+$0x0] =	vst.idx.msk $0xffff, v1  }
0x188: {  	v1 =	vld [tilespmem:$0x240];
	_ =	sdelay $0x4  }
0x189: {  	[tilespmem:v36+s17+$0x0] =	vst.idx.msk $0xffff, v1  }
0x18a: {  	v1 =	vld [tilespmem:$0x250];
	_ =	sdelay $0x4  }
0x18b: {  	[tilespmem:v37+s17+$0x0] =	vst.idx.msk $0xffff, v1  }
0x18c: {  	v1 =	vld [tilespmem:$0x260];
	_ =	sdelay $0x4  }
0x18d: {  	[tilespmem:v38+s17+$0x0] =	vst.idx.msk $0xffff, v1  }
0x18e: {  	v1 =	vld [tilespmem:$0x270];
	_ =	sdelay $0x4  }
0x18f: {  	[tilespmem:v39+s17+$0x0] =	vst.idx.msk $0xffff, v1  }
0x190: {  	v1 =	vld [tilespmem:$0x280];
	_ =	sdelay $0x4  }
0x191: {  	[tilespmem:v40+s17+$0x0] =	vst.idx.msk $0xffff, v1  }
0x192: {  	v1 =	vld [tilespmem:$0x290];
	_ =	sdelay $0x4  }
0x193: {  	[tilespmem:v41+s17+$0x0] =	vst.idx.msk $0xffff, v1  }
0x194: {  	v1 =	vld [tilespmem:$0x2A0];
	_ =	sdelay $0x4  }
0x195: {  	[tilespmem:v42+s17+$0x0] =	vst.idx.msk $0xffff, v1  }
0x196: {  	v1 =	vld [tilespmem:$0x2B0];
	_ =	sdelay $0x4  }
0x197: {  	[tilespmem:v43+s17+$0x0] =	vst.idx.msk $0xffff, v1  }
0x198: {  	v1 =	vld [tilespmem:$0x2C0];
	_ =	sdelay $0x4  }
0x199: {  	[tilespmem:v44+s17+$0x0] =	vst.idx.msk $0xffff, v1  }
0x19a: {  	v1 =	vld [tilespmem:$0x2D0];
	_ =	sdelay $0x4  }
0x19b: {  	[tilespmem:v45+s17+$0x0] =	vst.idx.msk $0xffff, v1  }
0x19c: {  	v1 =	vld [tilespmem:$0x2E0];
	_ =	sdelay $0x4  }
0x19d: {  	[tilespmem:v46+s17+$0x0] =	vst.idx.msk $0xffff, v1  }
0x19e: {  	v1 =	vld [tilespmem:$0x2F0];
	_ =	sdelay $0x4  }
0x19f: {  	[tilespmem:v47+s17+$0x0] =	vst.idx.msk $0xffff, v1  }
0x1a0: {  	v1 =	vld [tilespmem:$0x300];
	_ =	sdelay $0x4  }
0x1a1: {  	[tilespmem:v48+s17+$0x0] =	vst.idx.msk $0xffff, v1  }
0x1a2: {  	v1 =	vld [tilespmem:$0x310];
	_ =	sdelay $0x4  }
0x1a3: {  	[tilespmem:v49+s17+$0x0] =	vst.idx.msk $0xffff, v1  }
0x1a4: {  	v1 =	vld [tilespmem:$0x320];
	_ =	sdelay $0x4  }
0x1a5: {  	[tilespmem:v50+s17+$0x0] =	vst.idx.msk $0xffff, v1  }
0x1a6: {  	v1 =	vld [tilespmem:$0x330];
	_ =	sdelay $0x4  }
0x1a7: {  	[tilespmem:v51+s17+$0x0] =	vst.idx.msk $0xffff, v1  }
0x1a8: {  	v1 =	vld [tilespmem:$0x340];
	_ =	sdelay $0x4  }
0x1a9: {  	[tilespmem:v52+s17+$0x0] =	vst.idx.msk $0xffff, v1  }
0x1aa: {  	v1 =	vld [tilespmem:$0x350];
	_ =	sdelay $0x4  }
0x1ab: {  	[tilespmem:v53+s17+$0x0] =	vst.idx.msk $0xffff, v1  }
0x1ac: {  	v1 =	vld [tilespmem:$0x360];
	_ =	sdelay $0x4  }
0x1ad: {  	[tilespmem:v54+s17+$0x0] =	vst.idx.msk $0xffff, v1  }
0x1ae: {  	v1 =	vld [tilespmem:$0x370];
	_ =	sdelay $0x4  }
0x1af: {  	[tilespmem:v55+s17+$0x0] =	vst.idx.msk $0xffff, v1  }
0x1b0: {  	v1 =	vld [tilespmem:$0x380];
	_ =	sdelay $0x4  }
0x1b1: {  	[tilespmem:v56+s17+$0x0] =	vst.idx.msk $0xffff, v1  }
0x1b2: {  	v1 =	vld [tilespmem:$0x390];
	_ =	sdelay $0x4  }
0x1b3: {  	[tilespmem:v57+s17+$0x0] =	vst.idx.msk $0xffff, v1  }
0x1b4: {  	v1 =	vld [tilespmem:$0x3A0];
	_ =	sdelay $0x4  }
0x1b5: {  	[tilespmem:v58+s17+$0x0] =	vst.idx.msk $0xffff, v1  }
0x1b6: {  	v1 =	vld [tilespmem:$0x3B0];
	_ =	sdelay $0x4  }
0x1b7: {  	[tilespmem:v59+s17+$0x0] =	vst.idx.msk $0xffff, v1  }
0x1b8: {  	v1 =	vld [tilespmem:$0x3C0];
	_ =	sdelay $0x4  }
0x1b9: {  	[tilespmem:v60+s17+$0x0] =	vst.idx.msk $0xffff, v1  }
0x1ba: {  	v1 =	vld [tilespmem:$0x3D0];
	_ =	sdelay $0x4  }
0x1bb: {  	[tilespmem:v61+s17+$0x0] =	vst.idx.msk $0xffff, v1  }
0x1bc: {  	v1 =	vld [tilespmem:$0x3E0];
	_ =	sdelay $0x4  }
0x1bd: {  	[tilespmem:v62+s17+$0x0] =	vst.idx.msk $0xffff, v1  }
0x1be: {  	v1 =	vld [tilespmem:$0x3F0];
	_ =	sdelay $0x4  }
0x1bf: {  	[tilespmem:v63+s17+$0x0] =	vst.idx.msk $0xffff, v1  }
0x1c0: {  	v2 =	vor.u32 $0x8, v0;
	v1 =	vld [tilespmem:$0x400];
	_ =	sdelay $0x4  }
0x1c1: {  	[tilespmem:v2+s17+$0x0] =	vst.idx.msk $0xffff, v1  }
0x1c2: {  	v2 =	vor.u32 $0x108, v0;
	v1 =	vld [tilespmem:$0x410];
	_ =	sdelay $0x4  }
0x1c3: {  	[tilespmem:v2+s17+$0x0] =	vst.idx.msk $0xffff, v1  }
0x1c4: {  	v2 =	vor.u32 $0x208, v0;
	v1 =	vld [tilespmem:$0x420];
	_ =	sdelay $0x4  }
0x1c5: {  	[tilespmem:v2+s17+$0x0] =	vst.idx.msk $0xffff, v1  }
0x1c6: {  	v2 =	vor.u32 $0x308, v0;
	v1 =	vld [tilespmem:$0x430];
	_ =	sdelay $0x4  }
0x1c7: {  	[tilespmem:v2+s17+$0x0] =	vst.idx.msk $0xffff, v1  }
0x1c8: {  	v2 =	vor.u32 $0x408, v0;
	v1 =	vld [tilespmem:$0x440];
	_ =	sdelay $0x4  }
0x1c9: {  	[tilespmem:v2+s17+$0x0] =	vst.idx.msk $0xffff, v1  }
0x1ca: {  	v2 =	vor.u32 $0x508, v0;
	v1 =	vld [tilespmem:$0x450];
	_ =	sdelay $0x4  }
0x1cb: {  	[tilespmem:v2+s17+$0x0] =	vst.idx.msk $0xffff, v1  }
0x1cc: {  	v2 =	vor.u32 $0x608, v0;
	v1 =	vld [tilespmem:$0x460];
	_ =	sdelay $0x4  }
0x1cd: {  	[tilespmem:v2+s17+$0x0] =	vst.idx.msk $0xffff, v1  }
0x1ce: {  	v2 =	vor.u32 $0x708, v0;
	v1 =	vld [tilespmem:$0x470];
	_ =	sdelay $0x4  }
0x1cf: {  	[tilespmem:v2+s17+$0x0] =	vst.idx.msk $0xffff, v1  }
0x1d0: {  	v2 =	vor.u32 $0x9, v0;
	v1 =	vld [tilespmem:$0x480];
	_ =	sdelay $0x4  }
0x1d1: {  	[tilespmem:v2+s17+$0x0] =	vst.idx.msk $0xffff, v1  }
0x1d2: {  	v2 =	vor.u32 $0x109, v0;
	v1 =	vld [tilespmem:$0x490];
	_ =	sdelay $0x4  }
0x1d3: {  	[tilespmem:v2+s17+$0x0] =	vst.idx.msk $0xffff, v1  }
0x1d4: {  	v2 =	vor.u32 $0x209, v0;
	v1 =	vld [tilespmem:$0x4A0];
	_ =	sdelay $0x4  }
0x1d5: {  	[tilespmem:v2+s17+$0x0] =	vst.idx.msk $0xffff, v1  }
0x1d6: {  	v2 =	vor.u32 $0x309, v0;
	v1 =	vld [tilespmem:$0x4B0];
	_ =	sdelay $0x4  }
0x1d7: {  	[tilespmem:v2+s17+$0x0] =	vst.idx.msk $0xffff, v1  }
0x1d8: {  	v2 =	vor.u32 $0x409, v0;
	v1 =	vld [tilespmem:$0x4C0];
	_ =	sdelay $0x4  }
0x1d9: {  	[tilespmem:v2+s17+$0x0] =	vst.idx.msk $0xffff, v1  }
0x1da: {  	v2 =	vor.u32 $0x509, v0;
	v1 =	vld [tilespmem:$0x4D0];
	_ =	sdelay $0x4  }
0x1db: {  	[tilespmem:v2+s17+$0x0] =	vst.idx.msk $0xffff, v1  }
0x1dc: {  	v2 =	vor.u32 $0x609, v0;
	v1 =	vld [tilespmem:$0x4E0];
	_ =	sdelay $0x4  }
0x1dd: {  	[tilespmem:v2+s17+$0x0] =	vst.idx.msk $0xffff, v1  }
0x1de: {  	v2 =	vor.u32 $0x709, v0;
	v1 =	vld [tilespmem:$0x4F0];
	_ =	sdelay $0x4  }
0x1df: {  	[tilespmem:v2+s17+$0x0] =	vst.idx.msk $0xffff, v1  }
0x1e0: {  	v2 =	vor.u32 $0xA, v0;
	v1 =	vld [tilespmem:$0x500];
	_ =	sdelay $0x4  }
0x1e1: {  	[tilespmem:v2+s17+$0x0] =	vst.idx.msk $0xffff, v1  }
0x1e2: {  	v2 =	vor.u32 $0x10A, v0;
	v1 =	vld [tilespmem:$0x510];
	_ =	sdelay $0x4  }
0x1e3: {  	[tilespmem:v2+s17+$0x0] =	vst.idx.msk $0xffff, v1  }
0x1e4: {  	v2 =	vor.u32 $0x20A, v0;
	v1 =	vld [tilespmem:$0x520];
	_ =	sdelay $0x4  }
0x1e5: {  	[tilespmem:v2+s17+$0x0] =	vst.idx.msk $0xffff, v1  }
0x1e6: {  	v2 =	vor.u32 $0x30A, v0;
	v1 =	vld [tilespmem:$0x530];
	_ =	sdelay $0x4  }
0x1e7: {  	[tilespmem:v2+s17+$0x0] =	vst.idx.msk $0xffff, v1  }
0x1e8: {  	v2 =	vor.u32 $0x40A, v0;
	v1 =	vld [tilespmem:$0x540];
	_ =	sdelay $0x4  }
0x1e9: {  	[tilespmem:v2+s17+$0x0] =	vst.idx.msk $0xffff, v1  }
0x1ea: {  	v2 =	vor.u32 $0x50A, v0;
	v1 =	vld [tilespmem:$0x550];
	_ =	sdelay $0x4  }
0x1eb: {  	[tilespmem:v2+s17+$0x0] =	vst.idx.msk $0xffff, v1  }
0x1ec: {  	v2 =	vor.u32 $0x60A, v0;
	v1 =	vld [tilespmem:$0x560];
	_ =	sdelay $0x4  }
0x1ed: {  	[tilespmem:v2+s17+$0x0] =	vst.idx.msk $0xffff, v1  }
0x1ee: {  	v2 =	vor.u32 $0x70A, v0;
	v1 =	vld [tilespmem:$0x570];
	_ =	sdelay $0x4  }
0x1ef: {  	[tilespmem:v2+s17+$0x0] =	vst.idx.msk $0xffff, v1  }
0x1f0: {  	v2 =	vor.u32 $0xB, v0;
	v1 =	vld [tilespmem:$0x580];
	_ =	sdelay $0x4  }
0x1f1: {  	[tilespmem:v2+s17+$0x0] =	vst.idx.msk $0xffff, v1  }
0x1f2: {  	v2 =	vor.u32 $0x10B, v0;
	v1 =	vld [tilespmem:$0x590];
	_ =	sdelay $0x4  }
0x1f3: {  	[tilespmem:v2+s17+$0x0] =	vst.idx.msk $0xffff, v1  }
0x1f4: {  	v2 =	vor.u32 $0x20B, v0;
	v1 =	vld [tilespmem:$0x5A0];
	_ =	sdelay $0x4  }
0x1f5: {  	[tilespmem:v2+s17+$0x0] =	vst.idx.msk $0xffff, v1  }
0x1f6: {  	v2 =	vor.u32 $0x30B, v0;
	v1 =	vld [tilespmem:$0x5B0];
	_ =	sdelay $0x4  }
0x1f7: {  	[tilespmem:v2+s17+$0x0] =	vst.idx.msk $0xffff, v1  }
0x1f8: {  	v2 =	vor.u32 $0x40B, v0;
	v1 =	vld [tilespmem:$0x5C0];
	_ =	sdelay $0x4  }
0x1f9: {  	[tilespmem:v2+s17+$0x0] =	vst.idx.msk $0xffff, v1  }
0x1fa: {  	v2 =	vor.u32 $0x50B, v0;
	v1 =	vld [tilespmem:$0x5D0];
	_ =	sdelay $0x4  }
0x1fb: {  	[tilespmem:v2+s17+$0x0] =	vst.idx.msk $0xffff, v1  }
0x1fc: {  	v2 =	vor.u32 $0x60B, v0;
	v1 =	vld [tilespmem:$0x5E0];
	_ =	sdelay $0x4  }
0x1fd: {  	[tilespmem:v2+s17+$0x0] =	vst.idx.msk $0xffff, v1  }
0x1fe: {  	v2 =	vor.u32 $0x70B, v0;
	v1 =	vld [tilespmem:$0x5F0];
	_ =	sdelay $0x4  }
0x1ff: {  	[tilespmem:v2+s17+$0x0] =	vst.idx.msk $0xffff, v1  }
0x200: {  	v2 =	vor.u32 $0xC, v0;
	v1 =	vld [tilespmem:$0x600];
	_ =	sdelay $0x4  }
0x201: {  	[tilespmem:v2+s17+$0x0] =	vst.idx.msk $0xffff, v1  }
0x202: {  	v2 =	vor.u32 $0x10C, v0;
	v1 =	vld [tilespmem:$0x610];
	_ =	sdelay $0x4  }
0x203: {  	[tilespmem:v2+s17+$0x0] =	vst.idx.msk $0xffff, v1  }
0x204: {  	v2 =	vor.u32 $0x20C, v0;
	v1 =	vld [tilespmem:$0x620];
	_ =	sdelay $0x4  }
0x205: {  	[tilespmem:v2+s17+$0x0] =	vst.idx.msk $0xffff, v1  }
0x206: {  	v2 =	vor.u32 $0x30C, v0;
	v1 =	vld [tilespmem:$0x630];
	_ =	sdelay $0x4  }
0x207: {  	[tilespmem:v2+s17+$0x0] =	vst.idx.msk $0xffff, v1  }
0x208: {  	v2 =	vor.u32 $0x40C, v0;
	v1 =	vld [tilespmem:$0x640];
	_ =	sdelay $0x4  }
0x209: {  	[tilespmem:v2+s17+$0x0] =	vst.idx.msk $0xffff, v1  }
0x20a: {  	v2 =	vor.u32 $0x50C, v0;
	v1 =	vld [tilespmem:$0x650];
	_ =	sdelay $0x4  }
0x20b: {  	[tilespmem:v2+s17+$0x0] =	vst.idx.msk $0xffff, v1  }
0x20c: {  	v2 =	vor.u32 $0x60C, v0;
	v1 =	vld [tilespmem:$0x660];
	_ =	sdelay $0x4  }
0x20d: {  	[tilespmem:v2+s17+$0x0] =	vst.idx.msk $0xffff, v1  }
0x20e: {  	v2 =	vor.u32 $0x70C, v0;
	v1 =	vld [tilespmem:$0x670];
	_ =	sdelay $0x4  }
0x20f: {  	[tilespmem:v2+s17+$0x0] =	vst.idx.msk $0xffff, v1  }
0x210: {  	v2 =	vor.u32 $0xD, v0;
	v1 =	vld [tilespmem:$0x680];
	_ =	sdelay $0x4  }
0x211: {  	[tilespmem:v2+s17+$0x0] =	vst.idx.msk $0xffff, v1  }
0x212: {  	v2 =	vor.u32 $0x10D, v0;
	v1 =	vld [tilespmem:$0x690];
	_ =	sdelay $0x4  }
0x213: {  	[tilespmem:v2+s17+$0x0] =	vst.idx.msk $0xffff, v1  }
0x214: {  	v2 =	vor.u32 $0x20D, v0;
	v1 =	vld [tilespmem:$0x6A0];
	_ =	sdelay $0x4  }
0x215: {  	[tilespmem:v2+s17+$0x0] =	vst.idx.msk $0xffff, v1  }
0x216: {  	v2 =	vor.u32 $0x30D, v0;
	v1 =	vld [tilespmem:$0x6B0];
	_ =	sdelay $0x4  }
0x217: {  	[tilespmem:v2+s17+$0x0] =	vst.idx.msk $0xffff, v1  }
0x218: {  	v2 =	vor.u32 $0x40D, v0;
	v1 =	vld [tilespmem:$0x6C0];
	_ =	sdelay $0x4  }
0x219: {  	[tilespmem:v2+s17+$0x0] =	vst.idx.msk $0xffff, v1  }
0x21a: {  	v2 =	vor.u32 $0x50D, v0;
	v1 =	vld [tilespmem:$0x6D0];
	_ =	sdelay $0x4  }
0x21b: {  	[tilespmem:v2+s17+$0x0] =	vst.idx.msk $0xffff, v1  }
0x21c: {  	v2 =	vor.u32 $0x60D, v0;
	v1 =	vld [tilespmem:$0x6E0];
	_ =	sdelay $0x4  }
0x21d: {  	[tilespmem:v2+s17+$0x0] =	vst.idx.msk $0xffff, v1  }
0x21e: {  	v2 =	vor.u32 $0x70D, v0;
	v1 =	vld [tilespmem:$0x6F0];
	_ =	sdelay $0x4  }
0x21f: {  	[tilespmem:v2+s17+$0x0] =	vst.idx.msk $0xffff, v1  }
0x220: {  	v2 =	vor.u32 $0xE, v0;
	v1 =	vld [tilespmem:$0x700];
	_ =	sdelay $0x4  }
0x221: {  	[tilespmem:v2+s17+$0x0] =	vst.idx.msk $0xffff, v1  }
0x222: {  	v2 =	vor.u32 $0x10E, v0;
	v1 =	vld [tilespmem:$0x710];
	_ =	sdelay $0x4  }
0x223: {  	[tilespmem:v2+s17+$0x0] =	vst.idx.msk $0xffff, v1  }
0x224: {  	v2 =	vor.u32 $0x20E, v0;
	v1 =	vld [tilespmem:$0x720];
	_ =	sdelay $0x4  }
0x225: {  	[tilespmem:v2+s17+$0x0] =	vst.idx.msk $0xffff, v1  }
0x226: {  	v2 =	vor.u32 $0x30E, v0;
	v1 =	vld [tilespmem:$0x730];
	_ =	sdelay $0x4  }
0x227: {  	[tilespmem:v2+s17+$0x0] =	vst.idx.msk $0xffff, v1  }
0x228: {  	v2 =	vor.u32 $0x40E, v0;
	v1 =	vld [tilespmem:$0x740];
	_ =	sdelay $0x4  }
0x229: {  	[tilespmem:v2+s17+$0x0] =	vst.idx.msk $0xffff, v1  }
0x22a: {  	v2 =	vor.u32 $0x50E, v0;
	v1 =	vld [tilespmem:$0x750];
	_ =	sdelay $0x4  }
0x22b: {  	[tilespmem:v2+s17+$0x0] =	vst.idx.msk $0xffff, v1  }
0x22c: {  	v2 =	vor.u32 $0x60E, v0;
	v1 =	vld [tilespmem:$0x760];
	_ =	sdelay $0x4  }
0x22d: {  	[tilespmem:v2+s17+$0x0] =	vst.idx.msk $0xffff, v1  }
0x22e: {  	v2 =	vor.u32 $0x70E, v0;
	v1 =	vld [tilespmem:$0x770];
	_ =	sdelay $0x4  }
0x22f: {  	[tilespmem:v2+s17+$0x0] =	vst.idx.msk $0xffff, v1  }
0x230: {  	v2 =	vor.u32 $0xF, v0;
	v1 =	vld [tilespmem:$0x780];
	_ =	sdelay $0x4  }
0x231: {  	[tilespmem:v2+s17+$0x0] =	vst.idx.msk $0xffff, v1  }
0x232: {  	v2 =	vor.u32 $0x10F, v0;
	v1 =	vld [tilespmem:$0x790];
	_ =	sdelay $0x4  }
0x233: {  	[tilespmem:v2+s17+$0x0] =	vst.idx.msk $0xffff, v1  }
0x234: {  	v2 =	vor.u32 $0x20F, v0;
	v1 =	vld [tilespmem:$0x7A0];
	_ =	sdelay $0x4  }
0x235: {  	[tilespmem:v2+s17+$0x0] =	vst.idx.msk $0xffff, v1  }
0x236: {  	v2 =	vor.u32 $0x30F, v0;
	v1 =	vld [tilespmem:$0x7B0];
	_ =	sdelay $0x4  }
0x237: {  	[tilespmem:v2+s17+$0x0] =	vst.idx.msk $0xffff, v1  }
0x238: {  	v2 =	vor.u32 $0x40F, v0;
	v1 =	vld [tilespmem:$0x7C0];
	_ =	sdelay $0x4  }
0x239: {  	[tilespmem:v2+s17+$0x0] =	vst.idx.msk $0xffff, v1  }
0x23a: {  	v2 =	vor.u32 $0x50F, v0;
	v1 =	vld [tilespmem:$0x7D0];
	_ =	sdelay $0x4  }
0x23b: {  	[tilespmem:v2+s17+$0x0] =	vst.idx.msk $0xffff, v1  }
0x23c: {  	v2 =	vor.u32 $0x60F, v0;
	v1 =	vld [tilespmem:$0x7E0];
	_ =	sdelay $0x4  }
0x23d: {  	[tilespmem:v2+s17+$0x0] =	vst.idx.msk $0xffff, v1  }
0x23e: {  	v2 =	vor.u32 $0x70F, v0;
	v1 =	vld [tilespmem:$0x7F0];
	_ =	sdelay $0x3  }
.Ltmp5:
0x23f: {  	s31 =	sadd.s32 $0x2, s21;
	(pc) =	sbr.rel .LBB2_5-.Ltmp5, $4  }
0x240: {  	p0 =	sge.u32 s31, s3;
	[tilespmem:v2+s17+$0x0] =	vst.idx.msk $0xffff, v1  }
0x241: {  	[hbm4b:s19+s2] =	stream.linear.scatter [tilespmem:s17], [sflag:$0x3], $0x800, $0x38;
	[tilespmem:$0x2000] =	vst v63  }
0x242: {  	s22 =	simm.s32 @!p0 $0x400;
	s23 =	simm.s32 @!p0 $0x186A000;
	s24 =	simm.s32 @!p0 $0x0  }
0x243: {  	[tilespmem:s24], [sflag:$0x1] =	stream.strided.gather @!p0 [hbm4b:s20+s22], $0x800, s23, s22, $0x38;
	[tilespmem:$0x2000] =	vst v63  }
.LBB2_7:
0x244: {  	_ =	sfence.sel $0x180000  }
0x245: {  	[bflag:$0x0] =	sbarrier.arrive $0xFFFF  }
0x246: {  	p0 =	sne.s32 s0, $0x0;
	_ =	strace $0x90000047  }
0x247: {  	s0 =	sadd.s32 @!p0 $0x100000, s1;
	[bflag:$0x2] =	sbarrier.arrive $0xFFFF  }
0x248: {  	[sflag:s0] =	ssyncadd.tile.s32 @!p0 $0x1;
	_ =	shalt  }
.Lfunc_end2:
_tile_overlayer_lowered:
.L_overlay_start_2:
0x249: {  	(tag) =	ssettag $0x2  }
0x24a: {  	s0 =	rddreg [dreg:$0x0];
	s2 =	stileid.u32  }
0x24b: {  	s1 =	rddreg [dreg:$0x1];
	p0 =	sne.s32 s2, $0x0  }
0x24c: {  	s3 =	rddreg [dreg:$0x2];
	[bflag:$0x3] =	sbarrier.arrive $0xFFFF;
	s2 =	simm.s32 @!p0 $0x1C05  }
0x24d: {  	[timem:s3], [sflag:s2] =	dma.local @!p0 [hbm:s0], s1  }
0x24e: {  	s0 =	simm.s32 @!p0 $0x5  }
0x24f: {  	_ =	swait.ge @!p0 [sflag:s0], s1  }
0x250: {  	s1 =	ssub.s32 @!p0 $0x0, s1;
	[sflag:s0] =	ssyncset.done @!p0 $0x0  }
0x251: {  	[sflag:s0] =	ssyncadd.s32 @!p0 s1  }
0x252: {  	[bflag:$0x3] =	sbarrier.arrive $0xFFFF  }
0x253: {  	_ =	shalt  }

// kernel: kernel.9.cloned.1.call-start
scs
__scs_entry_jumppad:
0x0: {  	(pc) =	sbr.rel $0x88, $3  }
0x1: {  	(tag) =	ssettag $0x0;
	lr =	simm.s32 $0x1  }
0x2: {  	[smem:$0x3F9B] =	sst lr;
	_ =	strace $0xD0000000  }
0x3: {  	_ = 	snop  }
0x4: {  	_ = 	snop  }
0x5: {  	_ = 	snop  }
0x6: {  	_ = 	snop  }
0x7: {  	_ = 	snop  }
__scs_overlays_trampoline_lowered:
0x8: {  	[smem:$0x3FAA] =	sst s0  }
0x9: {  	[smem:$0x3FAB] =	sst s1  }
0xa: {  	[smem:$0x3FAC] =	sst s2  }
0xb: {  	[smem:$0x3FAD] =	sst s3  }
0xc: {  	[smem:$0x3FAE] =	sst s4  }
0xd: {  	[smem:$0x3FAF] =	sst s5  }
0xe: {  	[smem:$0x3FB0] =	sst s6  }
0xf: {  	[smem:$0x3FB1] =	sst s7  }
0x10: {  	[smem:$0x3FB2] =	sst s8  }
0x11: {  	[smem:$0x3FB3] =	sst s9;
	s0 =	simm.s32 @!p0 $0x0  }
0x12: {  	s1 =	sld [smem:$0x3F99];
	s0 =	simm.s32 @p0 $0x1  }
0x13: {  	[smem:$0x3FB4] =	sst s0;
	s0 =	simm.s32 @!p1 $0x0  }
0x14: {  	s2 =	sld [smem:$0x3F98];
	s0 =	simm.s32 @p1 $0x1  }
0x15: {  	[smem:$0x3FB5] =	sst s0;
	s0 =	simm.s32 @!p2 $0x0  }
0x16: {  	s3 =	sld [smem:$0x3FDB];
	s0 =	simm.s32 @p2 $0x1  }
0x17: {  	s4 =	simm.s32 $0x1BF5;
	[smem:$0x3FB7] =	sst s0  }
0x18: {  	s0 =	sld [smem:$0x3F9A];
	_ =	swait.ge [sflag:s4], $0x0  }
0x19: {  	s7 =	sld [smem:$0x3F9B]  }
0x1a: {  	s8 =	sadd.s32 $0xFFFFE003, lr  }
0x1b: {  	s9 =	sadd.s32 $0xFFFFFEF7, lr;
	s5 =	simm.s32 $0xFFFFFFFF;
	p2 =	slt.u32 s8, $0xFFFFF086  }
0x1c: {  	p1 =	slt.u32 s9, $0xF7A;
	s5 =	simm.s32 @!p2 $0x0  }
0x1d: {  	s5 =	simm.s32 @p1 $0x1;
	p0 =	seq.s32 s7, s2  }
0x1e: {  	s7 =	smul.u32 @!p0 $0xF7A, s2;
	p2 =	seq.s32 @!p0 s5, $0x0  }
0x1f: {  	s9 =	smul.u32 $0xF7A, s1;
	s8 =	simm.s32 @!p0 $0x1BF5;
	p2 =	por !p2, p0  }
0x20: {  	[sflag:s8] =	ssyncset.s32 @!p0 $0xFFFFF086;
	s6 =	sadd.s32 @!p0 s3, s7;
	s7 =	simm.s32 @!p0 $0x108  }
0x21: {  	s3 =	sadd.s32 s3, s9;
	s6 =	sadd.s32 @!p0 $0x88, s6;
	s7 =	simm.s32 @p2 $0x1082  }
0x22: {  	[simem:s7], [sflag:s8] =	dma.local @!p0 [hbm:s6], $0xF7A  }
0x23: {  	s9 =	sor.u32 $0xD0000000, s2;
	s6 =	simm.s32 $0x108;
	_ =	swait.ge @!p0 [sflag:s8], $0x0  }
0x24: {  	s3 =	sadd.s32 $0x88, s3;
	s6 =	simm.s32 @!p1 $0x1082;
	[sflag:s4] =	ssyncset.s32 $0xFFFFF086  }
0x25: {  	[simem:s6], [sflag:s4] =	dma.local [hbm:s3], $0xF7A  }
0x26: {  	[smem:$0x3F9B] =	sst s1;
	(tag) =	ssettag s2;
	_ =	strace s9  }
0x27: {  	s1 =	sld [smem:$0x3FAB]  }
0x28: {  	s2 =	sld [smem:$0x3FAC]  }
0x29: {  	s4 =	sld [smem:$0x3FAE]  }
0x2a: {  	p0 =	seq.s32 s5, $0x0;
	s5 =	sld [smem:$0x3FAF]  }
0x2b: {  	s6 =	sld [smem:$0x3FB0]  }
0x2c: {  	s7 =	sld [smem:$0x3FB1]  }
0x2d: {  	s3 =	simm.s32 $0x108;
	s8 =	sld [smem:$0x3FB2]  }
0x2e: {  	s3 =	simm.s32 @!p0 $0x1082;
	s9 =	sld [smem:$0x3FB3]  }
0x2f: {  	lr =	sadd.s32 s0, s3;
	s0 =	sld [smem:$0x3FAA]  }
0x30: {  	s3 =	sld [smem:$0x3FAD]  }
0x31: {  	[smem:$0x3FB6] =	sst s10  }
0x32: {  	s10 =	sld [smem:$0x3FB4];
	_ =	sdelay $0x3  }
0x33: {  	p0 =	seq.s32 s10, $0x1;
	s10 =	sld [smem:$0x3FB6];
	_ =	sdelay $0x3  }
0x34: {  	[smem:$0x3FB6] =	sst s10  }
0x35: {  	s10 =	sld [smem:$0x3FB5];
	_ =	sdelay $0x3  }
0x36: {  	p1 =	seq.s32 s10, $0x1;
	s10 =	sld [smem:$0x3FB6];
	_ =	sdelay $0x3  }
0x37: {  	[smem:$0x3FB6] =	sst s10  }
0x38: {  	s10 =	sld [smem:$0x3FB7]  }
0x39: {  	_ = 	snop;
	(pc) =	sbr.ind lr, $3  }
0x3a: {  	_ = 	snop  }
0x3b: {  	_ = 	snop  }
0x3c: {  	p2 =	seq.s32 s10, $0x1;
	s10 =	sld [smem:$0x3FB6]  }
0x3d: {  	_ =	shalt  }
0x3e: {  	_ =	shalt  }
0x3f: {  	_ =	shalt  }
0x40: {  	_ =	shalt  }
0x41: {  	_ =	shalt  }
0x42: {  	_ =	shalt  }
0x43: {  	_ =	shalt  }
0x44: {  	_ =	shalt  }
0x45: {  	_ =	shalt  }
0x46: {  	_ =	shalt  }
0x47: {  	_ =	shalt  }
0x48: {  	_ =	shalt  }
0x49: {  	_ =	shalt  }
0x4a: {  	_ =	shalt  }
0x4b: {  	_ =	shalt  }
0x4c: {  	_ =	shalt  }
0x4d: {  	_ =	shalt  }
0x4e: {  	_ =	shalt  }
0x4f: {  	_ =	shalt  }
0x50: {  	_ =	shalt  }
0x51: {  	_ =	shalt  }
0x52: {  	_ =	shalt  }
0x53: {  	_ =	shalt  }
0x54: {  	_ =	shalt  }
0x55: {  	_ =	shalt  }
0x56: {  	_ =	shalt  }
0x57: {  	_ =	shalt  }
0x58: {  	_ =	shalt  }
0x59: {  	_ =	shalt  }
0x5a: {  	_ =	shalt  }
0x5b: {  	_ =	shalt  }
0x5c: {  	_ =	shalt  }
0x5d: {  	_ =	shalt  }
0x5e: {  	_ =	shalt  }
0x5f: {  	_ =	shalt  }
0x60: {  	_ =	shalt  }
0x61: {  	_ =	shalt  }
0x62: {  	_ =	shalt  }
0x63: {  	_ =	shalt  }
0x64: {  	_ =	shalt  }
0x65: {  	_ =	shalt  }
0x66: {  	_ =	shalt  }
0x67: {  	_ =	shalt  }
0x68: {  	_ =	shalt  }
0x69: {  	_ =	shalt  }
0x6a: {  	_ =	shalt  }
0x6b: {  	_ =	shalt  }
0x6c: {  	_ =	shalt  }
0x6d: {  	_ =	shalt  }
0x6e: {  	_ =	shalt  }
0x6f: {  	_ =	shalt  }
0x70: {  	_ =	shalt  }
0x71: {  	_ =	shalt  }
0x72: {  	_ =	shalt  }
0x73: {  	_ =	shalt  }
0x74: {  	_ =	shalt  }
0x75: {  	_ =	shalt  }
0x76: {  	_ =	shalt  }
0x77: {  	_ =	shalt  }
0x78: {  	_ =	shalt  }
0x79: {  	_ =	shalt  }
0x7a: {  	_ =	shalt  }
0x7b: {  	_ =	shalt  }
0x7c: {  	_ =	shalt  }
0x7d: {  	_ =	shalt  }
0x7e: {  	_ =	shalt  }
0x7f: {  	_ =	shalt  }
0x80: {  	_ =	shalt  }
0x81: {  	_ =	shalt  }
0x82: {  	_ =	shalt  }
0x83: {  	_ =	shalt  }
0x84: {  	_ =	shalt  }
0x85: {  	_ =	shalt  }
0x86: {  	_ =	shalt  }
0x87: {  	_ =	shalt  }
.Lfunc_end0:
.L_simem_size_0:
called_computation.1_lowered:
.L_overlay_start_0:
0x88: {  	s2 =	sld [smem:$0x3FD9]  }
0x89: {  	s3 =	sld [smem:$0x3FFE];
	_ =	sdelay $0x1  }
0x8a: {  	s1 =	srdreg.scid  }
0x8b: {  	s0 =	sand.u32 $0x1, s1  }
0x8c: {  	s17 =	sshll.u32 s0, $0xA;
	s2 =	sadd.s32 s3, s2  }
0x8d: {  	s2 =	sadd.s32 s2, s17  }
0x8e: {  	[smem:$0x3FC2] =	sst s2  }
0x8f: {  	_ = 	snop  }
0x90: {  	s2 =	sld [smem:$0x3FD0];
	(tm) =	ssettm $0x1  }
0x91: {  	s18 =	sld [smem:$0x3FFB];
	_ =	sdelay $0x3  }
0x92: {  	_ =	strace s18  }
0x93: {  	s3 =	sld [smem:$0x3FFC];
	_ =	sdelay $0x3  }
0x94: {  	_ =	strace s3  }
0x95: {  	s3 =	sld [smem:$0x3FFD];
	_ =	sdelay $0x3  }
0x96: {  	_ =	strace s3  }
0x97: {  	_ =	strace $0x8FFFFFFF  }
0x98: {  	s19 =	sld [smem:$0x3FDB];
	_ =	sdelay $0x1  }
0x99: {  	s4 =	simm.s32 $_scs_section_size  }
0x9a: {  	s5 =	simm.s32 $_size__tile_overlayer_lowered;
	s6 =	simm.s32 $_tile_overlayer_lowered  }
0x9b: {  	s22 =	simm.s32 $0x1BFF;
	s21 =	sshll.u32 s6, $0x1;
	s3 =	sadd.s32 s4, s19  }
0x9c: {  	s7 =	simm.s32 $0x0;
	s20 =	sshll.u32 s5, $0x1;
	s5 =	sadd.s32 s21, s3  }
0x9d: {  	[timem:s7], [sflag:s22] =	dma.local [hbm:s5], s20  }
0x9e: {  	_ =	swait.ge [sflag:s22], s20  }
0x9f: {  	s4 =	ssub.s32 $0x0, s20;
	[sflag:s22] =	ssyncset.done $0x0  }
0xa0: {  	[sflag:s22] =	ssyncadd.s32 s4;
	_ =	sdelay $0x1  }
0xa1: {  	s23 =	simm.s32 $0x1B8B  }
0xa2: {  	_ =	swait.ge [sflag:s23], $0x1  }
0xa3: {  	[sflag:s23] =	ssyncset.done $0x0  }
0xa4: {  	s25 =	simm.s32 $0x1B8E;
	s24 =	sld [smem:$0x3FFE];
	[sflag:s23] =	ssyncadd.s32 $0xFFFFFFFF  }
0xa5: {  	s26 =	simm.s32 $execute0_lowered;
	[smem:$0x3FD2] =	sst s25  }
0xa6: {  	s5 =	sshll.u32 s26, $0x1;
	_ =	strace $0x80000049;
	[dreg:$0x1] =	wrdreg $0xFFFFFFFF  }
0xa7: {  	s28 =	simm.s32 $_size_execute0_lowered;
	s3 =	sadd.s32 s3, s5;
	[dreg:$0x0] =	wrdreg $0x0  }
0xa8: {  	s5 =	sshll.u32 s28, $0x1;
	[dreg:$0x2] =	wrdreg s3  }
0xa9: {  	[dreg:$0x3] =	wrdreg s5  }
0xaa: {  	[dreg:$0x4] =	wrdreg $0xC0  }
0xab: {  	_ =	task [dreg:s7], $0x5FFFF  }
0xac: {  	[dreg:$0x1] =	wrdreg $0xFFFFFFFF  }
0xad: {  	[dreg:$0x0] =	wrdreg $0x60  }
0xae: {  	[dreg:$0x2] =	wrdreg s24  }
0xaf: {  	[dreg:$0x3] =	wrdreg s2  }
0xb0: {  	[dreg:$0x4] =	wrdreg $0x0  }
0xb1: {  	[dreg:$0x5] =	wrdreg $0x9  }
0xb2: {  	_ =	task.clear_ibuf [dreg:s7], $0x6FFFF;
	_ =	strace $0x90000049  }
0xb3: {  	s29 =	simm.s32 $0x9;
	_ =	strace $0x8000004B  }
0xb4: {  	_ =	swait.ge [sflag:s29], $0x1  }
0xb5: {  	[sflag:s29] =	ssyncadd.s32 $0xFFFFFFFF  }
0xb6: {  	_ =	strace $0x9000004B  }
0xb7: {  	_ =	sfence  }
0xb8: {  	s30 =	sld [smem:$0x0];
	_ =	sdelay $0x2  }
0xb9: {  	s31 =	sshll.u32 s1, $0xD;
	s1 =	sshrl.u32 s1, $0x2  }
0xba: {  	s3 =	sand.u32 $0x4000, s31;
	s1 =	sadd.s32 s1, s30  }
0xbb: {  	s0 =	sor.u32 s3, s0;
	s1 =	sshll.u32 s1, $0x11  }
0xbc: {  	s0 =	sor.u32 s1, s0  }
0xbd: {  	s0 =	sadd.s32 $0x8F2B, s0  }
0xbe: {  	[sflag:s0] =	ssyncadd.remote.s32 $0x1  }
0xbf: {  	_ =	sfence.sel $0xFFFF  }
0xc0: {  	[dreg:$0x0] =	wrdreg $0xFFFFFFFF;
	(pc) =	sbr.abs _section_cstart, $3  }
0xc1: {  	[dreg:$0x1] =	wrdreg $0xFFFFFFFF  }
0xc2: {  	_ =	task.clear_ibuf [dreg:s7], $0x2FFFF;
	_ =	strace $0x9FFFFFFF  }
0xc3: {  	(tm) =	ssettm $0x7FFFFFFF  }
tec
execute0_lowered:
.L_overlay_start_1:
0x0: {  	(tag) =	ssettag $0x1  }
0x1: {  	s0 =	rddreg [dreg:$0x0]  }
0x2: {  	s3 =	rddreg [dreg:$0x1]  }
0x3: {  	s1 =	rddreg [dreg:$0x2];
	s2 =	simm.s32 $0x0  }
0x4: {  	s4 =	srdreg.scid;
	s19 =	stileid.u32;
	s28 =	simm.s32 $0x320  }
0x5: {  	s29 =	simm.s32 $0x2;
	s30 =	simm.s32 $0x0;
	[smem:$0x7FF] =	sst s2  }
0x6: {  	s11 =	sand.u32 $0x1, s4;
	s8 =	sadd.s32 $0x3D1E00, s0;
	s17 =	sadd.s32 $0x67DA00, s0  }
0x7: {  	s4 =	sadd.s32 $0x1400, s0;
	s0 =	sadd.s32 $0x61BE00, s0;
	s7 =	smul.u32 $0x30D40, s19  }
0x8: {  	p2 =	slt.u32 s19, $0x6;
	p3 =	sgt.u32 s19, $0x5;
	s18 =	smul.u32 $0x61A80, s19  }
0x9: {  	s24 =	smul.u32 $0x61C00, s19;
	_ =	strace $0x8000004A;
	s5 =	ssub.s32 $0x2, s11  }
0xa: {  	p1 =	seq.s32 s11, $0x0;
	p4 =	seq.s32 s11, $0x1;
	s16 =	smul.u32 $0x187000, s11  }
0xb: {  	s6 =	sshrl.u32 s5, $0x1;
	p0 =	por !p1, !p2;
	s9 =	sadd.s32 $0x320, s7  }
0xc: {  	s12 =	sshrl.u32 s7, $0x3;
	p1 =	por !p1, !p3;
	p2 =	por !p4, !p2  }
0xd: {  	p3 =	por !p3, !p4;
	s26 =	sshrl.u32 s24, $0x2;
	s24 =	simm.s32 $0x1EE20  }
0xe: {  	s15 =	ssub.s32 s5, s6;
	p0 =	por !p0, !p0;
	s5 =	smul.u32 $0x30D400, s19  }
0xf: {  	s6 =	sadd.s32 s8, s18;
	s10 =	sshll.u32 s9, $0x1;
	s7 =	sadd.s32 s0, s12  }
0x10: {  	s13 =	sshrl.u32 s9, $0x3;
	p1 =	por !p1, !p1;
	s18 =	smul.u32 $0x18700, s19  }
0x11: {  	p2 =	por !p2, !p2;
	s12 =	sadd.s32 s17, s12;
	s19 =	smul.u32 $0x61A8, s19  }
0x12: {  	p3 =	por !p3, !p3;
	[dreg:$0x4] =	wrdreg s7;
	s20 =	sadd.s32 s8, s10  }
0x13: {  	s9 =	sadd.s32 s0, s13;
	s13 =	sadd.s32 s17, s13;
	s15 =	smax.u32 s15, $0x1  }
0x14: {  	[dreg:$0x5] =	wrdreg s20;
	s21 =	sadd.s32 $0xFEDB0800, s5;
	s14 =	sadd.s32 $0xFEDB3A00, s5  }
0x15: {  	s23 =	sadd.s32 s18, s16;
	s25 =	sadd.s32 s18, s1;
	s0 =	sadd.s32 s19, s0  }
0x16: {  	s16 =	sadd.s32 s26, s1;
	s31 =	sadd.s32 s19, s17;
	s19 =	simm.s32 $0x1F140  }
.Ltmp0:
0x17: {  	s20 =	simm.s32 $0x3;
	s26 =	simm.s32 $0x1;
	(pc) =	sbr.rel .LBB2_1-.Ltmp0, $4  }
0x18: {  	s10 =	sshrl.u32 s21, $0x3;
	s22 =	sshrl.u32 s14, $0x3;
	s14 =	sshrl.u32 s23, $0x3  }
0x19: {  	s18 =	sadd.s32 $0x12C, s31;
	s21 =	simm.s32 $0x18700;
	s23 =	simm.s32 $0x1B900  }
0x1a: {  	s25 =	sshrl.u32 s25, $0x3;
	s10 =	sadd.s32 s4, s10;
	s11 =	sadd.s32 s4, s22  }
0x1b: {  	v0 =	vimm.f32 $0.0e+00;
	s14 =	sadd.s32 s3, s14;
	s3 =	sadd.s32 $0x12C, s0;
	s22 =	simm.s32 $0x1EB00  }
.LBB2_20:
0x1c: {  	[tilespmem:s24], [sflag:$0x2] =	stream.linear.gather [hbm4b:s17+s2], $0x320, $0x38;
	[tilespmem:$0x1F9C0] =	vst v63  }
0x1d: {  	_ =	swait.ge [sflag:s26], $0x3200  }
0x1e: {  	[sflag:s26] =	ssyncset.done $0x0  }
0x1f: {  	[sflag:s26] =	ssyncadd.s32 $0xFFFFCE00  }
0x20: {  	_ =	swait.ge [sflag:s26], $0x320  }
0x21: {  	[sflag:s26] =	ssyncset.done $0x0  }
0x22: {  	[sflag:s26] =	ssyncadd.s32 $0xFFFFFCE0  }
0x23: {  	[spmem:s1] =	stream.indirect.scatter.add.f32 [tilespmem:s21], [sflag:$0x3], $0x10, s22, s28, $0xb8;
	[tilespmem:$0x1F9C0] =	vst v63  }
0x24: {  	_ =	swait.ge [sflag:s20], $0x3200  }
0x25: {  	[sflag:s20] =	ssyncset.done $0x0  }
0x26: {  	[sflag:s20] =	ssyncadd.s32 $0xFFFFCE00  }
0x27: {  	_ =	swait.ge [sflag:s29], $0x3200  }
0x28: {  	[sflag:s29] =	ssyncset.done $0x0  }
0x29: {  	[sflag:s29] =	ssyncadd.s32 $0xFFFFCE00  }
0x2a: {  	_ =	swait.ge [sflag:s29], $0x320  }
0x2b: {  	[sflag:s29] =	ssyncset.done $0x0  }
0x2c: {  	[sflag:s29] =	ssyncadd.s32 $0xFFFFFCE0  }
0x2d: {  	[spmem:s1] =	stream.indirect.scatter.add.f32 [tilespmem:s23], [sflag:$0x3], $0x10, s24, s28, $0xb8;
	[tilespmem:$0x1F9C0] =	vst v63  }
0x2e: {  	_ =	swait.ge [sflag:s20], $0x3200  }
0x2f: {  	[sflag:s20] =	ssyncset.done $0x0  }
0x30: {  	[sflag:s20] =	ssyncadd.s32 $0xFFFFCE00  }
.LBB2_21:
0x31: {  	s0 =	stileid.u32;
	s30 =	sadd.s32 $0x1, s30  }
0x32: {  	s0 =	sshll.u32 s0, $0x6;
	p4 =	sne.s32 s30, s15  }
.Ltmp1:
0x33: {  	[bflag:$0x0] =	sbarrier.arrive $0xFFFF;
	s0 =	sor.u32 $0x1C03, s0;
	(pc) =	sbr.rel @!p4 .LBB2_22-.Ltmp1, $4  }
0x34: {  	[hbm:s14], [sflag:s0] =	dma.local [spmem:s25], $0x30E0  }
0x35: {  	_ =	swait.ge [sflag:s20], $0x30E0  }
0x36: {  	[sflag:s20] =	ssyncset.done $0x0  }
0x37: {  	[sflag:s20] =	ssyncadd.s32 $0xFFFFCF20  }
.LBB2_1:
0x38: {  	s0 =	simm.s32 $0x0  }
.LBB2_2:
0x39: {  	p4 =	sne.s32 s0, $0x21C0  }
.Ltmp2:
0x3a: {  	_ = 	snop;
	(pc) =	sbr.rel @p4 .LBB2_2-.Ltmp2, $3  }
0x3b: {  	_ =	sdelay $0x1  }
0x3c: {  	s17 =	sshra.s32 s0, $0x2  }
0x3d: {  	s0 =	sadd.s32 $0x40, s0;
	[tilespmem:s17+$0x1F140] =	vst v0  }
0x3e: {  	s0 =	sadd.s32 $0x0, s16  }
0x3f: {  	[spmem:s0] =	stream.linear.scatter [tilespmem:s19], [sflag:$0x3], $0x880, $0x38;
	[tilespmem:$0x1F9C0] =	vst v63  }
0x40: {  	s0 =	simm.s32 $0x2200;
	_ =	swait.ge [sflag:s20], $0x880  }
.LBB2_4:
0x41: {  	s17 =	sshra.s32 s0, $0x2;
	[sflag:s20] =	ssyncset.done $0x0;
	p4 =	sne.s32 s0, $0x5FA00  }
.Ltmp3:
0x42: {  	s17 =	sadd.s32 s17, s16;
	[sflag:s20] =	ssyncadd.s32 $0xFFFFF780;
	(pc) =	sbr.rel @p4 .LBB2_4-.Ltmp3, $3  }
0x43: {  	[spmem:s17] =	stream.linear.scatter [tilespmem:s19], [sflag:$0x3], $0x880, $0x38;
	[tilespmem:$0x1F9C0] =	vst v63  }
0x44: {  	s0 =	sadd.s32 $0x2200, s0;
	_ =	sdelay $0x1  }
0x45: {  	_ =	swait.ge [sflag:s20], $0x880  }
.Ltmp4:
0x46: {  	(pc) =	sbr.rel @!p0 .LBB2_9-.Ltmp4, $3  }
0x47: {  	[sflag:s20] =	ssyncset.done $0x0  }
0x48: {  	[sflag:s20] =	ssyncadd.s32 $0xFFFFF780  }
0x49: {  	[bflag:$0x0] =	sbarrier.arrive $0xFFFF;
	_ =	sdelay $0x1  }
0x4a: {  	s0 =	simm.s32 $0x0  }
0x4b: {  	[tilespmem:s21], [sflag:$0x1] =	stream.linear.gather [hbm4b:s6+s0], $0x3200, $0x38;
	[tilespmem:$0x1F9C0] =	vst v63  }
0x4c: {  	s7 =	rddreg [dreg:$0x4]  }
0x4d: {  	[tilespmem:s22], [sflag:$0x1] =	stream.linear.gather [hbm4b:s7+s0], $0x320, $0x38;
	[tilespmem:$0x1F9C0] =	vst v63  }
0x4e: {  	s17 =	rddreg [dreg:$0x5]  }
0x4f: {  	[tilespmem:s23], [sflag:$0x2] =	stream.linear.gather [hbm4b:s17+s0], $0x3200, $0x38;
	[tilespmem:$0x1F9C0] =	vst v63  }
0x50: {  	_ = 	snop  }
0x51: {  	[tilespmem:s24], [sflag:$0x2] =	stream.linear.gather [hbm4b:s9+s0], $0x320, $0x38;
	[tilespmem:$0x1F9C0] =	vst v63  }
0x52: {  	_ =	swait.ge [sflag:s26], $0x3200  }
0x53: {  	[sflag:s26] =	ssyncset.done $0x0  }
0x54: {  	[sflag:s26] =	ssyncadd.s32 $0xFFFFCE00  }
0x55: {  	_ =	swait.ge [sflag:s26], $0x320  }
0x56: {  	[sflag:s26] =	ssyncset.done $0x0  }
0x57: {  	[sflag:s26] =	ssyncadd.s32 $0xFFFFFCE0  }
0x58: {  	[spmem:s1] =	stream.indirect.scatter.add.f32 [tilespmem:s21], [sflag:$0x3], $0x10, s22, s28, $0xb8;
	[tilespmem:$0x1F9C0] =	vst v63  }
0x59: {  	_ =	swait.ge [sflag:s20], $0x3200  }
0x5a: {  	s7 =	sadd.s32 $0x0, s6;
	[sflag:s20] =	ssyncset.done $0x0  }
0x5b: {  	s17 =	sadd.s32 $0xC80, s7;
	[sflag:s20] =	ssyncadd.s32 $0xFFFFCE00  }
0x5c: {  	[tilespmem:s21], [sflag:$0x1] =	stream.linear.gather [hbm4b:s17+s2], $0x3200, $0x38;
	[tilespmem:$0x1F9C0] =	vst v63  }
0x5d: {  	s8 =	sadd.s32 $0xFFFFFF9C, s3  }
0x5e: {  	[tilespmem:s22], [sflag:$0x1] =	stream.linear.gather [hbm4b:s8+s2], $0x320, $0x38;
	[tilespmem:$0x1F9C0] =	vst v63  }
0x5f: {  	_ =	swait.ge [sflag:s29], $0x3200  }
0x60: {  	[sflag:s29] =	ssyncset.done $0x0  }
0x61: {  	[sflag:s29] =	ssyncadd.s32 $0xFFFFCE00  }
0x62: {  	_ =	swait.ge [sflag:s29], $0x320  }
0x63: {  	[sflag:s29] =	ssyncset.done $0x0  }
0x64: {  	[sflag:s29] =	ssyncadd.s32 $0xFFFFFCE0  }
0x65: {  	[spmem:s1] =	stream.indirect.scatter.add.f32 [tilespmem:s23], [sflag:$0x3], $0x10, s24, s28, $0xb8;
	[tilespmem:$0x1F9C0] =	vst v63  }
0x66: {  	_ =	swait.ge [sflag:s20], $0x3200  }
0x67: {  	[sflag:s20] =	ssyncset.done $0x0  }
0x68: {  	s0 =	sadd.s32 $0x12C0, s7;
	[sflag:s20] =	ssyncadd.s32 $0xFFFFCE00  }
0x69: {  	[tilespmem:s23], [sflag:$0x2] =	stream.linear.gather [hbm4b:s0+s2], $0x3200, $0x38;
	[tilespmem:$0x1F9C0] =	vst v63  }
0x6a: {  	s31 =	smov.u32 s3;
	s17 =	sadd.s32 $0xC8, s3;
	s0 =	simm.s32 $0xC80  }
.LBB2_7:
0x6b: {  	[tilespmem:s24], [sflag:$0x2] =	stream.linear.gather [hbm4b:s31+s2], $0x320, $0x38;
	[tilespmem:$0x1F9C0] =	vst v63  }
0x6c: {  	s7 =	smov.u32 s0;
	s31 =	smov.u32 s17  }
0x6d: {  	p4 =	sne.s32 s0, $0x60180;
	s0 =	sadd.s32 $0xC80, s0;
	_ =	swait.ge [sflag:s26], $0x3200  }
0x6e: {  	[sflag:s26] =	ssyncset.done $0x0  }
0x6f: {  	[sflag:s26] =	ssyncadd.s32 $0xFFFFCE00  }
0x70: {  	_ =	swait.ge [sflag:s26], $0x320  }
0x71: {  	[sflag:s26] =	ssyncset.done $0x0  }
0x72: {  	[sflag:s26] =	ssyncadd.s32 $0xFFFFFCE0  }
0x73: {  	[spmem:s1] =	stream.indirect.scatter.add.f32 [tilespmem:s21], [sflag:$0x3], $0x10, s22, s28, $0xb8;
	[tilespmem:$0x1F9C0] =	vst v63  }
0x74: {  	_ =	swait.ge [sflag:s20], $0x3200  }
0x75: {  	s7 =	sadd.s32 s7, s6;
	[sflag:s20] =	ssyncset.done $0x0  }
0x76: {  	s8 =	sadd.s32 $0xC80, s7;
	[sflag:s20] =	ssyncadd.s32 $0xFFFFCE00  }
0x77: {  	[tilespmem:s21], [sflag:$0x1] =	stream.linear.gather [hbm4b:s8+s2], $0x3200, $0x38;
	[tilespmem:$0x1F9C0] =	vst v63  }
0x78: {  	s8 =	sadd.s32 $0xFFFFFF9C, s17  }
0x79: {  	[tilespmem:s22], [sflag:$0x1] =	stream.linear.gather [hbm4b:s8+s2], $0x320, $0x38;
	[tilespmem:$0x1F9C0] =	vst v63  }
0x7a: {  	_ =	swait.ge [sflag:s29], $0x3200  }
0x7b: {  	[sflag:s29] =	ssyncset.done $0x0  }
0x7c: {  	[sflag:s29] =	ssyncadd.s32 $0xFFFFCE00  }
0x7d: {  	_ =	swait.ge [sflag:s29], $0x320  }
0x7e: {  	[sflag:s29] =	ssyncset.done $0x0  }
0x7f: {  	[sflag:s29] =	ssyncadd.s32 $0xFFFFFCE0  }
0x80: {  	[spmem:s1] =	stream.indirect.scatter.add.f32 [tilespmem:s23], [sflag:$0x3], $0x10, s24, s28, $0xb8;
	[tilespmem:$0x1F9C0] =	vst v63  }
.Ltmp5:
0x81: {  	_ =	swait.ge [sflag:s20], $0x3200;
	(pc) =	sbr.rel @p4 .LBB2_7-.Ltmp5, $4  }
0x82: {  	[sflag:s20] =	ssyncset.done $0x0  }
0x83: {  	s7 =	sadd.s32 $0x12C0, s7;
	[sflag:s20] =	ssyncadd.s32 $0xFFFFCE00  }
0x84: {  	[tilespmem:s23], [sflag:$0x2] =	stream.linear.gather [hbm4b:s7+s2], $0x3200, $0x38;
	[tilespmem:$0x1F9C0] =	vst v63  }
0x85: {  	s17 =	sadd.s32 $0xC8, s17  }
0x86: {  	[tilespmem:s24], [sflag:$0x2] =	stream.linear.gather [hbm4b:s31+s2], $0x320, $0x38;
	[tilespmem:$0x1F9C0] =	vst v63  }
0x87: {  	_ =	swait.ge [sflag:s26], $0x3200  }
0x88: {  	[sflag:s26] =	ssyncset.done $0x0  }
0x89: {  	[sflag:s26] =	ssyncadd.s32 $0xFFFFCE00  }
0x8a: {  	_ =	swait.ge [sflag:s26], $0x320  }
0x8b: {  	[sflag:s26] =	ssyncset.done $0x0  }
0x8c: {  	[sflag:s26] =	ssyncadd.s32 $0xFFFFFCE0  }
0x8d: {  	[spmem:s1] =	stream.indirect.scatter.add.f32 [tilespmem:s21], [sflag:$0x3], $0x10, s22, s28, $0xb8;
	[tilespmem:$0x1F9C0] =	vst v63  }
0x8e: {  	_ =	swait.ge [sflag:s20], $0x3200  }
0x8f: {  	[sflag:s20] =	ssyncset.done $0x0  }
0x90: {  	[sflag:s20] =	ssyncadd.s32 $0xFFFFCE00  }
0x91: {  	_ =	swait.ge [sflag:s29], $0x3200  }
0x92: {  	[sflag:s29] =	ssyncset.done $0x0  }
0x93: {  	[sflag:s29] =	ssyncadd.s32 $0xFFFFCE00  }
0x94: {  	_ =	swait.ge [sflag:s29], $0x320  }
0x95: {  	[sflag:s29] =	ssyncset.done $0x0  }
0x96: {  	[sflag:s29] =	ssyncadd.s32 $0xFFFFFCE0  }
0x97: {  	[spmem:s1] =	stream.indirect.scatter.add.f32 [tilespmem:s23], [sflag:$0x3], $0x10, s24, s28, $0xb8;
	[tilespmem:$0x1F9C0] =	vst v63  }
0x98: {  	_ =	swait.ge [sflag:s20], $0x3200  }
0x99: {  	[sflag:s20] =	ssyncset.done $0x0  }
0x9a: {  	[sflag:s20] =	ssyncadd.s32 $0xFFFFCE00  }
.LBB2_9:
.Ltmp6:
0x9b: {  	(pc) =	sbr.rel @!p1 .LBB2_13-.Ltmp6, $1  }
0x9c: {  	_ =	sdelay $0x3  }
0x9d: {  	[tilespmem:s21], [sflag:$0x1] =	stream.linear.gather [hbm4b:s10+s2], $0x3200, $0x38;
	[tilespmem:$0x1F9C0] =	vst v63  }
0x9e: {  	s0 =	rddreg [dreg:$0x4]  }
0x9f: {  	[tilespmem:s22], [sflag:$0x1] =	stream.linear.gather [hbm4b:s0+s2], $0x320, $0x38;
	[tilespmem:$0x1F9C0] =	vst v63  }
0xa0: {  	_ = 	snop  }
0xa1: {  	[tilespmem:s23], [sflag:$0x2] =	stream.linear.gather [hbm4b:s11+s2], $0x3200, $0x38;
	[tilespmem:$0x1F9C0] =	vst v63  }
0xa2: {  	_ = 	snop  }
0xa3: {  	[tilespmem:s24], [sflag:$0x2] =	stream.linear.gather [hbm4b:s9+s2], $0x320, $0x38;
	[tilespmem:$0x1F9C0] =	vst v63  }
0xa4: {  	_ =	swait.ge [sflag:s26], $0x3200  }
0xa5: {  	[sflag:s26] =	ssyncset.done $0x0  }
0xa6: {  	[sflag:s26] =	ssyncadd.s32 $0xFFFFCE00  }
0xa7: {  	_ =	swait.ge [sflag:s26], $0x320  }
0xa8: {  	[sflag:s26] =	ssyncset.done $0x0  }
0xa9: {  	s8 =	sadd.s32 $0xFFCF9000, s5;
	[sflag:s26] =	ssyncadd.s32 $0xFFFFFCE0  }
0xaa: {  	[spmem:s1] =	stream.indirect.scatter.add.f32 [tilespmem:s21], [sflag:$0x3], $0x10, s22, s28, $0xb8;
	[tilespmem:$0x1F9C0] =	vst v63  }
0xab: {  	s7 =	sadd.s32 $0xFF0BDC00, s8;
	_ =	swait.ge [sflag:s20], $0x3200  }
0xac: {  	s7 =	sshrl.u32 s7, $0x3;
	[sflag:s20] =	ssyncset.done $0x0  }
0xad: {  	s7 =	sadd.s32 s4, s7;
	[sflag:s20] =	ssyncadd.s32 $0xFFFFCE00  }
0xae: {  	[tilespmem:s21], [sflag:$0x1] =	stream.linear.gather [hbm4b:s7+s2], $0x3200, $0x38;
	[tilespmem:$0x1F9C0] =	vst v63  }
0xaf: {  	s17 =	sadd.s32 $0xFFFFFF9C, s3  }
0xb0: {  	[tilespmem:s22], [sflag:$0x1] =	stream.linear.gather [hbm4b:s17+s2], $0x320, $0x38;
	[tilespmem:$0x1F9C0] =	vst v63  }
0xb1: {  	_ =	swait.ge [sflag:s29], $0x3200  }
0xb2: {  	[sflag:s29] =	ssyncset.done $0x0  }
0xb3: {  	[sflag:s29] =	ssyncadd.s32 $0xFFFFCE00  }
0xb4: {  	_ =	swait.ge [sflag:s29], $0x320  }
0xb5: {  	[sflag:s29] =	ssyncset.done $0x0  }
0xb6: {  	[sflag:s29] =	ssyncadd.s32 $0xFFFFFCE0  }
0xb7: {  	[spmem:s1] =	stream.indirect.scatter.add.f32 [tilespmem:s23], [sflag:$0x3], $0x10, s24, s28, $0xb8;
	[tilespmem:$0x1F9C0] =	vst v63  }
0xb8: {  	s0 =	sadd.s32 $0xFF0C0E00, s8;
	_ =	swait.ge [sflag:s20], $0x3200  }
0xb9: {  	s0 =	sshrl.u32 s0, $0x3;
	[sflag:s20] =	ssyncset.done $0x0  }
0xba: {  	s0 =	sadd.s32 s4, s0;
	[sflag:s20] =	ssyncadd.s32 $0xFFFFCE00  }
0xbb: {  	[tilespmem:s23], [sflag:$0x2] =	stream.linear.gather [hbm4b:s0+s2], $0x3200, $0x38;
	[tilespmem:$0x1F9C0] =	vst v63  }
0xbc: {  	s31 =	simm.s32 $0xFFCFF400;
	s17 =	smov.u32 s3;
	s0 =	sadd.s32 $0xC8, s3  }
.LBB2_11:
0xbd: {  	[tilespmem:s24], [sflag:$0x2] =	stream.linear.gather [hbm4b:s17+s2], $0x320, $0x38;
	[tilespmem:$0x1F9C0] =	vst v63  }
0xbe: {  	s7 =	smov.u32 s31;
	s17 =	smov.u32 s0  }
0xbf: {  	p4 =	sne.s32 s31, $0xFFFF9C00;
	s31 =	sadd.s32 $0x6400, s31;
	_ =	swait.ge [sflag:s26], $0x3200  }
0xc0: {  	[sflag:s26] =	ssyncset.done $0x0  }
0xc1: {  	[sflag:s26] =	ssyncadd.s32 $0xFFFFCE00  }
0xc2: {  	_ =	swait.ge [sflag:s26], $0x320  }
0xc3: {  	[sflag:s26] =	ssyncset.done $0x0  }
0xc4: {  	s7 =	sadd.s32 s7, s5;
	[sflag:s26] =	ssyncadd.s32 $0xFFFFFCE0  }
0xc5: {  	[spmem:s1] =	stream.indirect.scatter.add.f32 [tilespmem:s21], [sflag:$0x3], $0x10, s22, s28, $0xb8;
	[tilespmem:$0x1F9C0] =	vst v63  }
0xc6: {  	s8 =	sadd.s32 $0xFF0BDC00, s7;
	_ =	swait.ge [sflag:s20], $0x3200  }
0xc7: {  	s7 =	sadd.s32 $0xFF0C0E00, s7;
	s8 =	sshrl.u32 s8, $0x3;
	[sflag:s20] =	ssyncset.done $0x0  }
0xc8: {  	s7 =	sshrl.u32 s7, $0x3;
	s8 =	sadd.s32 s4, s8;
	[sflag:s20] =	ssyncadd.s32 $0xFFFFCE00  }
0xc9: {  	[tilespmem:s21], [sflag:$0x1] =	stream.linear.gather [hbm4b:s8+s2], $0x3200, $0x38;
	[tilespmem:$0x1F9C0] =	vst v63  }
0xca: {  	s8 =	sadd.s32 $0xFFFFFF9C, s0  }
0xcb: {  	[tilespmem:s22], [sflag:$0x1] =	stream.linear.gather [hbm4b:s8+s2], $0x320, $0x38;
	[tilespmem:$0x1F9C0] =	vst v63  }
0xcc: {  	_ =	swait.ge [sflag:s29], $0x3200  }
0xcd: {  	[sflag:s29] =	ssyncset.done $0x0  }
0xce: {  	[sflag:s29] =	ssyncadd.s32 $0xFFFFCE00  }
0xcf: {  	_ =	swait.ge [sflag:s29], $0x320  }
0xd0: {  	[sflag:s29] =	ssyncset.done $0x0  }
0xd1: {  	[sflag:s29] =	ssyncadd.s32 $0xFFFFFCE0  }
0xd2: {  	[spmem:s1] =	stream.indirect.scatter.add.f32 [tilespmem:s23], [sflag:$0x3], $0x10, s24, s28, $0xb8;
	[tilespmem:$0x1F9C0] =	vst v63  }
.Ltmp7:
0xd3: {  	_ =	swait.ge [sflag:s20], $0x3200;
	(pc) =	sbr.rel @p4 .LBB2_11-.Ltmp7, $4  }
0xd4: {  	[sflag:s20] =	ssyncset.done $0x0  }
0xd5: {  	s7 =	sadd.s32 s4, s7;
	[sflag:s20] =	ssyncadd.s32 $0xFFFFCE00  }
0xd6: {  	[tilespmem:s23], [sflag:$0x2] =	stream.linear.gather [hbm4b:s7+s2], $0x3200, $0x38;
	[tilespmem:$0x1F9C0] =	vst v63  }
0xd7: {  	s0 =	sadd.s32 $0xC8, s0  }
0xd8: {  	[tilespmem:s24], [sflag:$0x2] =	stream.linear.gather [hbm4b:s17+s2], $0x320, $0x38;
	[tilespmem:$0x1F9C0] =	vst v63  }
0xd9: {  	_ =	swait.ge [sflag:s26], $0x3200  }
0xda: {  	[sflag:s26] =	ssyncset.done $0x0  }
0xdb: {  	[sflag:s26] =	ssyncadd.s32 $0xFFFFCE00  }
0xdc: {  	_ =	swait.ge [sflag:s26], $0x320  }
0xdd: {  	[sflag:s26] =	ssyncset.done $0x0  }
0xde: {  	[sflag:s26] =	ssyncadd.s32 $0xFFFFFCE0  }
0xdf: {  	[spmem:s1] =	stream.indirect.scatter.add.f32 [tilespmem:s21], [sflag:$0x3], $0x10, s22, s28, $0xb8;
	[tilespmem:$0x1F9C0] =	vst v63  }
0xe0: {  	_ =	swait.ge [sflag:s20], $0x3200  }
0xe1: {  	[sflag:s20] =	ssyncset.done $0x0  }
0xe2: {  	[sflag:s20] =	ssyncadd.s32 $0xFFFFCE00  }
0xe3: {  	_ =	swait.ge [sflag:s29], $0x3200  }
0xe4: {  	[sflag:s29] =	ssyncset.done $0x0  }
0xe5: {  	[sflag:s29] =	ssyncadd.s32 $0xFFFFCE00  }
0xe6: {  	_ =	swait.ge [sflag:s29], $0x320  }
0xe7: {  	[sflag:s29] =	ssyncset.done $0x0  }
0xe8: {  	[sflag:s29] =	ssyncadd.s32 $0xFFFFFCE0  }
0xe9: {  	[spmem:s1] =	stream.indirect.scatter.add.f32 [tilespmem:s23], [sflag:$0x3], $0x10, s24, s28, $0xb8;
	[tilespmem:$0x1F9C0] =	vst v63  }
0xea: {  	_ =	swait.ge [sflag:s20], $0x3200  }
0xeb: {  	[sflag:s20] =	ssyncset.done $0x0  }
0xec: {  	[sflag:s20] =	ssyncadd.s32 $0xFFFFCE00  }
.LBB2_13:
.Ltmp8:
0xed: {  	(pc) =	sbr.rel @!p2 .LBB2_17-.Ltmp8, $1  }
0xee: {  	_ =	sdelay $0x3  }
0xef: {  	s0 =	simm.s32 $0x0  }
0xf0: {  	[tilespmem:s21], [sflag:$0x1] =	stream.linear.gather [hbm4b:s6+s0], $0x3200, $0x38;
	[tilespmem:$0x1F9C0] =	vst v63  }
0xf1: {  	_ = 	snop  }
0xf2: {  	[tilespmem:s22], [sflag:$0x1] =	stream.linear.gather [hbm4b:s12+s0], $0x320, $0x38;
	[tilespmem:$0x1F9C0] =	vst v63  }
0xf3: {  	s7 =	rddreg [dreg:$0x5]  }
0xf4: {  	[tilespmem:s23], [sflag:$0x2] =	stream.linear.gather [hbm4b:s7+s0], $0x3200, $0x38;
	[tilespmem:$0x1F9C0] =	vst v63  }
0xf5: {  	_ = 	snop  }
0xf6: {  	[tilespmem:s24], [sflag:$0x2] =	stream.linear.gather [hbm4b:s13+s0], $0x320, $0x38;
	[tilespmem:$0x1F9C0] =	vst v63  }
0xf7: {  	_ =	swait.ge [sflag:s26], $0x3200  }
0xf8: {  	[sflag:s26] =	ssyncset.done $0x0  }
0xf9: {  	[sflag:s26] =	ssyncadd.s32 $0xFFFFCE00  }
0xfa: {  	_ =	swait.ge [sflag:s26], $0x320  }
0xfb: {  	[sflag:s26] =	ssyncset.done $0x0  }
0xfc: {  	[sflag:s26] =	ssyncadd.s32 $0xFFFFFCE0  }
0xfd: {  	[spmem:s1] =	stream.indirect.scatter.add.f32 [tilespmem:s21], [sflag:$0x3], $0x10, s22, s28, $0xb8;
	[tilespmem:$0x1F9C0] =	vst v63  }
0xfe: {  	_ =	swait.ge [sflag:s20], $0x3200  }
0xff: {  	s0 =	sadd.s32 $0x0, s6;
	[sflag:s20] =	ssyncset.done $0x0  }
0x100: {  	s8 =	sadd.s32 $0xC80, s0;
	[sflag:s20] =	ssyncadd.s32 $0xFFFFCE00  }
0x101: {  	[tilespmem:s21], [sflag:$0x1] =	stream.linear.gather [hbm4b:s8+s2], $0x3200, $0x38;
	[tilespmem:$0x1F9C0] =	vst v63  }
0x102: {  	s17 =	sadd.s32 $0xFFFFFF9C, s18  }
0x103: {  	[tilespmem:s22], [sflag:$0x1] =	stream.linear.gather [hbm4b:s17+s2], $0x320, $0x38;
	[tilespmem:$0x1F9C0] =	vst v63  }
0x104: {  	_ =	swait.ge [sflag:s29], $0x3200  }
0x105: {  	[sflag:s29] =	ssyncset.done $0x0  }
0x106: {  	[sflag:s29] =	ssyncadd.s32 $0xFFFFCE00  }
0x107: {  	_ =	swait.ge [sflag:s29], $0x320  }
0x108: {  	[sflag:s29] =	ssyncset.done $0x0  }
0x109: {  	[sflag:s29] =	ssyncadd.s32 $0xFFFFFCE0  }
0x10a: {  	[spmem:s1] =	stream.indirect.scatter.add.f32 [tilespmem:s23], [sflag:$0x3], $0x10, s24, s28, $0xb8;
	[tilespmem:$0x1F9C0] =	vst v63  }
0x10b: {  	_ =	swait.ge [sflag:s20], $0x3200  }
0x10c: {  	[sflag:s20] =	ssyncset.done $0x0  }
0x10d: {  	s0 =	sadd.s32 $0x12C0, s0;
	[sflag:s20] =	ssyncadd.s32 $0xFFFFCE00  }
0x10e: {  	[tilespmem:s23], [sflag:$0x2] =	stream.linear.gather [hbm4b:s0+s2], $0x3200, $0x38;
	[tilespmem:$0x1F9C0] =	vst v63  }
0x10f: {  	s31 =	smov.u32 s18;
	s17 =	sadd.s32 $0xC8, s18;
	s0 =	simm.s32 $0xC80  }
.LBB2_15:
0x110: {  	[tilespmem:s24], [sflag:$0x2] =	stream.linear.gather [hbm4b:s31+s2], $0x320, $0x38;
	[tilespmem:$0x1F9C0] =	vst v63  }
0x111: {  	s7 =	smov.u32 s0;
	s31 =	smov.u32 s17  }
0x112: {  	p4 =	sne.s32 s0, $0x60180;
	s0 =	sadd.s32 $0xC80, s0;
	_ =	swait.ge [sflag:s26], $0x3200  }
0x113: {  	[sflag:s26] =	ssyncset.done $0x0  }
0x114: {  	[sflag:s26] =	ssyncadd.s32 $0xFFFFCE00  }
0x115: {  	_ =	swait.ge [sflag:s26], $0x320  }
0x116: {  	[sflag:s26] =	ssyncset.done $0x0  }
0x117: {  	[sflag:s26] =	ssyncadd.s32 $0xFFFFFCE0  }
0x118: {  	[spmem:s1] =	stream.indirect.scatter.add.f32 [tilespmem:s21], [sflag:$0x3], $0x10, s22, s28, $0xb8;
	[tilespmem:$0x1F9C0] =	vst v63  }
0x119: {  	_ =	swait.ge [sflag:s20], $0x3200  }
0x11a: {  	s7 =	sadd.s32 s7, s6;
	[sflag:s20] =	ssyncset.done $0x0  }
0x11b: {  	s8 =	sadd.s32 $0xC80, s7;
	[sflag:s20] =	ssyncadd.s32 $0xFFFFCE00  }
0x11c: {  	[tilespmem:s21], [sflag:$0x1] =	stream.linear.gather [hbm4b:s8+s2], $0x3200, $0x38;
	[tilespmem:$0x1F9C0] =	vst v63  }
0x11d: {  	s8 =	sadd.s32 $0xFFFFFF9C, s17  }
0x11e: {  	[tilespmem:s22], [sflag:$0x1] =	stream.linear.gather [hbm4b:s8+s2], $0x320, $0x38;
	[tilespmem:$0x1F9C0] =	vst v63  }
0x11f: {  	_ =	swait.ge [sflag:s29], $0x3200  }
0x120: {  	[sflag:s29] =	ssyncset.done $0x0  }
0x121: {  	[sflag:s29] =	ssyncadd.s32 $0xFFFFCE00  }
0x122: {  	_ =	swait.ge [sflag:s29], $0x320  }
0x123: {  	[sflag:s29] =	ssyncset.done $0x0  }
0x124: {  	[sflag:s29] =	ssyncadd.s32 $0xFFFFFCE0  }
0x125: {  	[spmem:s1] =	stream.indirect.scatter.add.f32 [tilespmem:s23], [sflag:$0x3], $0x10, s24, s28, $0xb8;
	[tilespmem:$0x1F9C0] =	vst v63  }
.Ltmp9:
0x126: {  	_ =	swait.ge [sflag:s20], $0x3200;
	(pc) =	sbr.rel @p4 .LBB2_15-.Ltmp9, $4  }
0x127: {  	[sflag:s20] =	ssyncset.done $0x0  }
0x128: {  	s7 =	sadd.s32 $0x12C0, s7;
	[sflag:s20] =	ssyncadd.s32 $0xFFFFCE00  }
0x129: {  	[tilespmem:s23], [sflag:$0x2] =	stream.linear.gather [hbm4b:s7+s2], $0x3200, $0x38;
	[tilespmem:$0x1F9C0] =	vst v63  }
0x12a: {  	s17 =	sadd.s32 $0xC8, s17  }
0x12b: {  	[tilespmem:s24], [sflag:$0x2] =	stream.linear.gather [hbm4b:s31+s2], $0x320, $0x38;
	[tilespmem:$0x1F9C0] =	vst v63  }
0x12c: {  	_ =	swait.ge [sflag:s26], $0x3200  }
0x12d: {  	[sflag:s26] =	ssyncset.done $0x0  }
0x12e: {  	[sflag:s26] =	ssyncadd.s32 $0xFFFFCE00  }
0x12f: {  	_ =	swait.ge [sflag:s26], $0x320  }
0x130: {  	[sflag:s26] =	ssyncset.done $0x0  }
0x131: {  	[sflag:s26] =	ssyncadd.s32 $0xFFFFFCE0  }
0x132: {  	[spmem:s1] =	stream.indirect.scatter.add.f32 [tilespmem:s21], [sflag:$0x3], $0x10, s22, s28, $0xb8;
	[tilespmem:$0x1F9C0] =	vst v63  }
0x133: {  	_ =	swait.ge [sflag:s20], $0x3200  }
0x134: {  	[sflag:s20] =	ssyncset.done $0x0  }
0x135: {  	[sflag:s20] =	ssyncadd.s32 $0xFFFFCE00  }
0x136: {  	_ =	swait.ge [sflag:s29], $0x3200  }
0x137: {  	[sflag:s29] =	ssyncset.done $0x0  }
0x138: {  	[sflag:s29] =	ssyncadd.s32 $0xFFFFCE00  }
0x139: {  	_ =	swait.ge [sflag:s29], $0x320  }
0x13a: {  	[sflag:s29] =	ssyncset.done $0x0  }
0x13b: {  	[sflag:s29] =	ssyncadd.s32 $0xFFFFFCE0  }
0x13c: {  	[spmem:s1] =	stream.indirect.scatter.add.f32 [tilespmem:s23], [sflag:$0x3], $0x10, s24, s28, $0xb8;
	[tilespmem:$0x1F9C0] =	vst v63  }
0x13d: {  	_ =	swait.ge [sflag:s20], $0x3200  }
0x13e: {  	[sflag:s20] =	ssyncset.done $0x0  }
0x13f: {  	[sflag:s20] =	ssyncadd.s32 $0xFFFFCE00  }
.LBB2_17:
.Ltmp10:
0x140: {  	(pc) =	sbr.rel @!p3 .LBB2_21-.Ltmp10, $1  }
0x141: {  	_ =	sdelay $0x3  }
0x142: {  	[tilespmem:s21], [sflag:$0x1] =	stream.linear.gather [hbm4b:s10+s2], $0x3200, $0x38;
	[tilespmem:$0x1F9C0] =	vst v63  }
0x143: {  	_ = 	snop  }
0x144: {  	[tilespmem:s22], [sflag:$0x1] =	stream.linear.gather [hbm4b:s12+s2], $0x320, $0x38;
	[tilespmem:$0x1F9C0] =	vst v63  }
0x145: {  	_ = 	snop  }
0x146: {  	[tilespmem:s23], [sflag:$0x2] =	stream.linear.gather [hbm4b:s11+s2], $0x3200, $0x38;
	[tilespmem:$0x1F9C0] =	vst v63  }
0x147: {  	_ = 	snop  }
0x148: {  	[tilespmem:s24], [sflag:$0x2] =	stream.linear.gather [hbm4b:s13+s2], $0x320, $0x38;
	[tilespmem:$0x1F9C0] =	vst v63  }
0x149: {  	_ =	swait.ge [sflag:s26], $0x3200  }
0x14a: {  	[sflag:s26] =	ssyncset.done $0x0  }
0x14b: {  	[sflag:s26] =	ssyncadd.s32 $0xFFFFCE00  }
0x14c: {  	_ =	swait.ge [sflag:s26], $0x320  }
0x14d: {  	[sflag:s26] =	ssyncset.done $0x0  }
0x14e: {  	s0 =	sadd.s32 $0xFFCF9000, s5;
	[sflag:s26] =	ssyncadd.s32 $0xFFFFFCE0  }
0x14f: {  	[spmem:s1] =	stream.indirect.scatter.add.f32 [tilespmem:s21], [sflag:$0x3], $0x10, s22, s28, $0xb8;
	[tilespmem:$0x1F9C0] =	vst v63  }
0x150: {  	s7 =	sadd.s32 $0xFF0BDC00, s0;
	_ =	swait.ge [sflag:s20], $0x3200  }
0x151: {  	s7 =	sshrl.u32 s7, $0x3;
	[sflag:s20] =	ssyncset.done $0x0  }
0x152: {  	s7 =	sadd.s32 s4, s7;
	[sflag:s20] =	ssyncadd.s32 $0xFFFFCE00  }
0x153: {  	[tilespmem:s21], [sflag:$0x1] =	stream.linear.gather [hbm4b:s7+s2], $0x3200, $0x38;
	[tilespmem:$0x1F9C0] =	vst v63  }
0x154: {  	s17 =	sadd.s32 $0xFFFFFF9C, s18  }
0x155: {  	[tilespmem:s22], [sflag:$0x1] =	stream.linear.gather [hbm4b:s17+s2], $0x320, $0x38;
	[tilespmem:$0x1F9C0] =	vst v63  }
0x156: {  	_ =	swait.ge [sflag:s29], $0x3200  }
0x157: {  	[sflag:s29] =	ssyncset.done $0x0  }
0x158: {  	[sflag:s29] =	ssyncadd.s32 $0xFFFFCE00  }
0x159: {  	_ =	swait.ge [sflag:s29], $0x320  }
0x15a: {  	[sflag:s29] =	ssyncset.done $0x0  }
0x15b: {  	[sflag:s29] =	ssyncadd.s32 $0xFFFFFCE0  }
0x15c: {  	[spmem:s1] =	stream.indirect.scatter.add.f32 [tilespmem:s23], [sflag:$0x3], $0x10, s24, s28, $0xb8;
	[tilespmem:$0x1F9C0] =	vst v63  }
0x15d: {  	s0 =	sadd.s32 $0xFF0C0E00, s0;
	_ =	swait.ge [sflag:s20], $0x3200  }
0x15e: {  	s0 =	sshrl.u32 s0, $0x3;
	[sflag:s20] =	ssyncset.done $0x0  }
0x15f: {  	s0 =	sadd.s32 s4, s0;
	[sflag:s20] =	ssyncadd.s32 $0xFFFFCE00  }
0x160: {  	[tilespmem:s23], [sflag:$0x2] =	stream.linear.gather [hbm4b:s0+s2], $0x3200, $0x38;
	[tilespmem:$0x1F9C0] =	vst v63  }
0x161: {  	s31 =	simm.s32 $0xFFCFF400;
	s17 =	smov.u32 s18;
	s0 =	sadd.s32 $0xC8, s18  }
.LBB2_19:
0x162: {  	[tilespmem:s24], [sflag:$0x2] =	stream.linear.gather [hbm4b:s17+s2], $0x320, $0x38;
	[tilespmem:$0x1F9C0] =	vst v63  }
0x163: {  	s7 =	smov.u32 s31;
	s17 =	smov.u32 s0  }
0x164: {  	p4 =	sne.s32 s31, $0xFFFF9C00;
	s31 =	sadd.s32 $0x6400, s31;
	_ =	swait.ge [sflag:s26], $0x3200  }
0x165: {  	[sflag:s26] =	ssyncset.done $0x0  }
0x166: {  	[sflag:s26] =	ssyncadd.s32 $0xFFFFCE00  }
0x167: {  	_ =	swait.ge [sflag:s26], $0x320  }
0x168: {  	[sflag:s26] =	ssyncset.done $0x0  }
0x169: {  	s7 =	sadd.s32 s7, s5;
	[sflag:s26] =	ssyncadd.s32 $0xFFFFFCE0  }
0x16a: {  	[spmem:s1] =	stream.indirect.scatter.add.f32 [tilespmem:s21], [sflag:$0x3], $0x10, s22, s28, $0xb8;
	[tilespmem:$0x1F9C0] =	vst v63  }
0x16b: {  	s8 =	sadd.s32 $0xFF0BDC00, s7;
	_ =	swait.ge [sflag:s20], $0x3200  }
0x16c: {  	s7 =	sadd.s32 $0xFF0C0E00, s7;
	s8 =	sshrl.u32 s8, $0x3;
	[sflag:s20] =	ssyncset.done $0x0  }
0x16d: {  	s7 =	sshrl.u32 s7, $0x3;
	s8 =	sadd.s32 s4, s8;
	[sflag:s20] =	ssyncadd.s32 $0xFFFFCE00  }
0x16e: {  	[tilespmem:s21], [sflag:$0x1] =	stream.linear.gather [hbm4b:s8+s2], $0x3200, $0x38;
	[tilespmem:$0x1F9C0] =	vst v63  }
0x16f: {  	s8 =	sadd.s32 $0xFFFFFF9C, s0  }
0x170: {  	[tilespmem:s22], [sflag:$0x1] =	stream.linear.gather [hbm4b:s8+s2], $0x320, $0x38;
	[tilespmem:$0x1F9C0] =	vst v63  }
0x171: {  	_ =	swait.ge [sflag:s29], $0x3200  }
0x172: {  	[sflag:s29] =	ssyncset.done $0x0  }
0x173: {  	[sflag:s29] =	ssyncadd.s32 $0xFFFFCE00  }
0x174: {  	_ =	swait.ge [sflag:s29], $0x320  }
0x175: {  	[sflag:s29] =	ssyncset.done $0x0  }
0x176: {  	[sflag:s29] =	ssyncadd.s32 $0xFFFFFCE0  }
0x177: {  	[spmem:s1] =	stream.indirect.scatter.add.f32 [tilespmem:s23], [sflag:$0x3], $0x10, s24, s28, $0xb8;
	[tilespmem:$0x1F9C0] =	vst v63  }
.Ltmp11:
0x178: {  	_ =	swait.ge [sflag:s20], $0x3200;
	(pc) =	sbr.rel @p4 .LBB2_19-.Ltmp11, $4  }
0x179: {  	[sflag:s20] =	ssyncset.done $0x0  }
0x17a: {  	s7 =	sadd.s32 s4, s7;
	[sflag:s20] =	ssyncadd.s32 $0xFFFFCE00  }
0x17b: {  	[tilespmem:s23], [sflag:$0x2] =	stream.linear.gather [hbm4b:s7+s2], $0x3200, $0x38;
	[tilespmem:$0x1F9C0] =	vst v63  }
0x17c: {  	s0 =	sadd.s32 $0xC8, s0  }
.Ltmp12:
0x17d: {  	_ = 	snop;
	(pc) =	sbr.rel .LBB2_20-.Ltmp12, $1  }
0x17e: {  	_ =	sdelay $0x3  }
.LBB2_22:
0x17f: {  	_ =	sfence.sel $0x180000  }
0x180: {  	[bflag:$0x0] =	sbarrier.arrive $0xFFFF  }
0x181: {  	_ =	strace $0x9000004A  }
0x182: {  	s0 =	stileid.u32;
	[bflag:$0x2] =	sbarrier.arrive $0xFFFF  }
0x183: {  	p0 =	sne.s32 s0, $0x0;
	s0 =	rddreg [dreg:$0x3]  }
0x184: {  	s0 =	sadd.s32 @!p0 $0x100000, s0  }
0x185: {  	[sflag:s0] =	ssyncadd.tile.s32 @!p0 $0x1;
	_ =	shalt  }
.Lfunc_end2:
_tile_overlayer_lowered:
.L_overlay_start_2:
0x186: {  	(tag) =	ssettag $0x2  }
0x187: {  	s0 =	rddreg [dreg:$0x0];
	s2 =	stileid.u32  }
0x188: {  	s1 =	rddreg [dreg:$0x1];
	p0 =	sne.s32 s2, $0x0  }
0x189: {  	s3 =	rddreg [dreg:$0x2];
	[bflag:$0x3] =	sbarrier.arrive $0xFFFF;
	s2 =	simm.s32 @!p0 $0x1C03  }
0x18a: {  	[timem:s3], [sflag:s2] =	dma.local @!p0 [hbm:s0], s1  }
0x18b: {  	s0 =	simm.s32 @!p0 $0x3  }
0x18c: {  	_ =	swait.ge @!p0 [sflag:s0], s1  }
0x18d: {  	s1 =	ssub.s32 @!p0 $0x0, s1;
	[sflag:s0] =	ssyncset.done @!p0 $0x0  }
0x18e: {  	[sflag:s0] =	ssyncadd.s32 @!p0 s1  }
0x18f: {  	[bflag:$0x3] =	sbarrier.arrive $0xFFFF  }
0x190: {  	_ =	shalt  }

</sc_bundles>
